<compile_context>
chip_gen: v7x
topology: tpu7x:2x2x1
jax: 0.10.2.dev20260603
libtpu: 0.0.44.dev20260713+nightly
codegen_flags: <defaults>
</compile_context>

<pallas_src>
import functools

import jax
import jax.numpy as jnp
from jax import lax
from jax.experimental import pallas as pl
from jax.experimental.pallas import tpu as pltpu
from jax.experimental.pallas import tpu_sc as plsc

NG = 10
NPG = 1000
NPAD = 1024
NTOT = NG * NPAD
K = 20
KPAD = 24
EPS = 1e-5
T = 128
NC, NS = 2, 16
NW = NC * NS
E = K * NTOT
RW = E // NW
CH = 128

_INF = float("inf")



def _pack_bf16_pairs(v):
    C2 = v.shape[-1] // 2
    bl = lax.bitcast_convert_type(v[..., :C2], jnp.int32)
    bh = lax.bitcast_convert_type(v[..., C2:], jnp.int32)
    lo = ((bl + jnp.int32(0x8000)) >> 16) & jnp.int32(0xFFFF)
    hi = (bh + jnp.int32(0x8000)) & jnp.int32(-65536)
    return hi | lo


def _unpack_bf16_pairs(p):
    lo = lax.bitcast_convert_type(p << 16, jnp.float32)
    hi = lax.bitcast_convert_type(p & jnp.int32(-65536), jnp.float32)
    return jnp.concatenate([lo, hi], axis=-1)


def _knn_node_body(x_ref, wa_ref, ba_ref, wd_ref, idx_ref, a_ref, d_ref, sc_ref):
    b = pl.program_id(0)
    x = x_ref[...]
    sq = jnp.sum(x * x, axis=1, keepdims=True)
    gram = lax.dot_general(x, x, (((1,), (1,)), ((), ())),
                           preferred_element_type=jnp.float32)
    rowid = lax.broadcasted_iota(jnp.int32, (NPAD, NPAD), 0)
    score = sq - 2.0 * gram
    bits = lax.bitcast_convert_type(score, jnp.int32)
    keys = jnp.where(bits >= 0, bits, bits ^ jnp.int32(0x7FFFFFFF))
    keyq = (keys & jnp.int32(~1023)) | rowid
    keyq = jnp.where(rowid < NPG, keyq, jnp.int32(0x7FFFFFFF))
    sc_ref[...] = keyq
    for k in range(K):
        cur = sc_ref[...]
        m = jnp.min(cur, axis=0, keepdims=True)
        j = m & jnp.int32(1023)
        idx_ref[k:k + 1, :] = j + b * NPAD
        sc_ref[...] = jnp.where(rowid == j, jnp.int32(0x7FFFFFFF), cur)
    a_ref[...] = (jnp.dot(x, wa_ref[...], preferred_element_type=jnp.float32) + ba_ref[...])
    dv = jnp.dot(x, wd_ref[...], preferred_element_type=jnp.float32)
    if d_ref.dtype == jnp.int32:
        d_ref[...] = _pack_bf16_pairs(dv)
    else:
        d_ref[...] = dv


def _knn_stage(x, wa, ba, wd, pack):
    F = x.shape[1]
    C = wa.shape[1]
    dcols, ddt = (C // 2, jnp.int32) if pack else (C, jnp.float32)
    return pl.pallas_call(
        _knn_node_body,
        grid=(NG,),
        in_specs=[
            pl.BlockSpec((NPAD, F), lambda b: (b, 0)),
            pl.BlockSpec((F, C), lambda b: (0, 0)),
            pl.BlockSpec((1, C), lambda b: (0, 0)),
            pl.BlockSpec((F, C), lambda b: (0, 0)),
        ],
        out_specs=[
            pl.BlockSpec((KPAD, NPAD), lambda b: (0, b)),
            pl.BlockSpec((NPAD, C), lambda b: (b, 0)),
            pl.BlockSpec((NPAD, dcols), lambda b: (b, 0)),
        ],
        out_shape=[
            jax.ShapeDtypeStruct((KPAD, NTOT), jnp.int32),
            jax.ShapeDtypeStruct((NTOT, C), jnp.float32),
            jax.ShapeDtypeStruct((NTOT, dcols), ddt),
        ],
        scratch_shapes=[pltpu.VMEM((NPAD, NPAD), jnp.int32)],
    )(x, wa, ba, wd)



def _fused_conv_body(x_ref, wa_ref, ba_ref, wd_ref, w2_ref, b2_ref,
                     wg_ref, bg_ref, wb_ref, bb_ref, o_ref, sc_ref):
    x = x_ref[...]
    sq = jnp.sum(x * x, axis=1, keepdims=True)
    gram = lax.dot_general(x, x, (((1,), (1,)), ((), ())),
                           preferred_element_type=jnp.float32)
    rowid = lax.broadcasted_iota(jnp.int32, (NPAD, NPAD), 0)
    score = sq - 2.0 * gram
    bits = lax.bitcast_convert_type(score, jnp.int32)
    keys = jnp.where(bits >= 0, bits, bits ^ jnp.int32(0x7FFFFFFF))
    keyq = (keys & jnp.int32(~1023)) | rowid
    keyq = jnp.where(rowid < NPG, keyq, jnp.int32(0x7FFFFFFF))
    sc_ref[...] = keyq
    a = jnp.dot(x, wa_ref[...], preferred_element_type=jnp.float32) + ba_ref[...]
    xhi = x.astype(jnp.bfloat16)
    xlo = (x - xhi.astype(jnp.float32)).astype(jnp.bfloat16)
    wd = wd_ref[...]
    xm = None
    for k in range(K):
        cur = sc_ref[...]
        m = jnp.min(cur, axis=0, keepdims=True)
        j = m & jnp.int32(1023)
        sel = rowid == j
        sc_ref[...] = jnp.where(sel, jnp.int32(0x7FFFFFFF), cur)
        s = sel.astype(jnp.bfloat16)
        xk = (lax.dot_general(s, xhi, (((0,), (0,)), ((), ())),
                              preferred_element_type=jnp.float32)
              + lax.dot_general(s, xlo, (((0,), (0,)), ((), ())),
                                preferred_element_type=jnp.float32))
        dk = jnp.dot(xk, wd, preferred_element_type=jnp.float32)
        hk = jnp.maximum(a + dk, 0.0).astype(jnp.bfloat16)
        h2 = jnp.maximum(
            jnp.dot(hk, w2_ref[...], preferred_element_type=jnp.float32)
            + b2_ref[...], 0.0)
        xm = h2 if xm is None else jnp.maximum(xm, h2)
    gam = jnp.dot(xm, wg_ref[...], preferred_element_type=jnp.float32) + bg_ref[...]
    bet = jnp.dot(xm, wb_ref[...], preferred_element_type=jnp.float32) + bb_ref[...]
    f = gam * xm + bet
    valid = lax.broadcasted_iota(jnp.int32, (NPAD, 1), 0) < NPG
    o_ref[...] = jnp.where(valid, f, 0.0)


def _fused_conv_stage(x, wa, ba, wd, w2, b2, wg, bg, wb, bb):
    F = x.shape[1]
    C = wa.shape[1]
    return pl.pallas_call(
        _fused_conv_body,
        grid=(NG,),
        in_specs=[
            pl.BlockSpec((NPAD, F), lambda b: (b, 0)),
            pl.BlockSpec((F, C), lambda b: (0, 0)),
            pl.BlockSpec((1, C), lambda b: (0, 0)),
            pl.BlockSpec((F, C), lambda b: (0, 0)),
            pl.BlockSpec((C, C), lambda b: (0, 0)),
            pl.BlockSpec((1, C), lambda b: (0, 0)),
            pl.BlockSpec((C, C), lambda b: (0, 0)),
            pl.BlockSpec((1, C), lambda b: (0, 0)),
            pl.BlockSpec((C, C), lambda b: (0, 0)),
            pl.BlockSpec((1, C), lambda b: (0, 0)),
        ],
        out_specs=pl.BlockSpec((NPAD, C), lambda b: (b, 0)),
        out_shape=jax.ShapeDtypeStruct((NTOT, C), jnp.float32),
        scratch_shapes=[pltpu.VMEM((NPAD, NPAD), jnp.int32)],
    )(x, wa, ba, wd, w2, b2, wg, bg, wb, bb)



NCHW = RW // CH


def _gather_rows(d, idx):
    C = d.shape[1]
    mesh = plsc.VectorSubcoreMesh(core_axis_name="c", subcore_axis_name="s",
                                  num_cores=NC, num_subcores=NS)

    @functools.partial(
        pl.kernel,
        out_type=jax.ShapeDtypeStruct((E, C), d.dtype),
        mesh=mesh,
        scratch_types=[
            pltpu.VMEM((RW,), jnp.int32),
            pltpu.VMEM((CH, C), d.dtype),
            pltpu.VMEM((CH, C), d.dtype),
            pltpu.SemaphoreType.DMA,
            pltpu.SemaphoreType.DMA,
            pltpu.SemaphoreType.DMA,
        ],
    )
    def gk(d_hbm, idx_hbm, out_hbm, idx_v, buf0, buf1, gs0, gs1, isem):
        wid = lax.axis_index("s") * NC + lax.axis_index("c")
        base = wid * RW
        pltpu.async_copy(idx_hbm.at[pl.ds(base, RW)], idx_v, isem).wait()
        bufs = (buf0, buf1)
        gsems = (gs0, gs1)

        def gstart(c, p):
            pltpu.async_copy(d_hbm.at[idx_v.at[pl.ds(c * CH, CH)]], bufs[p],
                             gsems[p])

        def gwait(c, p):
            pltpu.make_async_copy(d_hbm.at[idx_v.at[pl.ds(c * CH, CH)]],
                                  bufs[p], gsems[p]).wait()

        gstart(0, 0)

        def body(s, carry):
            for p in range(2):
                c = 2 * s + p

                @pl.when(c + 1 < NCHW)
                def _():
                    gstart(c + 1, 1 - p)

                gwait(c, p)
                pltpu.sync_copy(bufs[p], out_hbm.at[pl.ds(base + c * CH, CH)])
            return carry

        lax.fori_loop(0, NCHW // 2, body, 0)

    return gk(d, idx)



def _edge_body(a_ref, g_ref, w2_ref, b2_ref, wg_ref, bg_ref, wb_ref, bb_ref,
               o_ref):
    t = pl.program_id(1)
    a = a_ref[...]
    CP = a.shape[1]
    C = w2_ref.shape[1]
    if g_ref.dtype == jnp.int32:
        g3 = _unpack_bf16_pairs(g_ref[...])
    else:
        g3 = g_ref[...]
    h1 = jnp.maximum(g3 + a[None, :, :], 0.0)
    h2 = jnp.maximum(
        jnp.dot(h1.reshape(K * T, CP), w2_ref[...],
                preferred_element_type=jnp.float32) + b2_ref[...], 0.0)
    xm = jnp.max(h2.reshape(K, T, C), axis=0)
    gam = jnp.dot(xm, wg_ref[...], preferred_element_type=jnp.float32) + bg_ref[...]
    bet = jnp.dot(xm, wb_ref[...], preferred_element_type=jnp.float32) + bb_ref[...]
    f = gam * xm + bet
    rows = t * T + lax.broadcasted_iota(jnp.int32, (T, 1), 0)
    o_ref[...] = jnp.where(rows < NPG, f, 0.0)


def _edge_stage(a, g3, w2, b2, wg, bg, wb, bb):
    CP = a.shape[1]
    C = w2.shape[1]
    gc = g3.shape[2]
    nt = NPAD // T
    return pl.pallas_call(
        _edge_body,
        grid=(NG, nt),
        in_specs=[
            pl.BlockSpec((T, CP), lambda b, t: (b * (NPAD // T) + t, 0)),
            pl.BlockSpec((K, T, gc), lambda b, t: (0, b * (NPAD // T) + t, 0)),
            pl.BlockSpec((CP, C), lambda b, t: (0, 0)),
            pl.BlockSpec((1, C), lambda b, t: (0, 0)),
            pl.BlockSpec((C, C), lambda b, t: (0, 0)),
            pl.BlockSpec((1, C), lambda b, t: (0, 0)),
            pl.BlockSpec((C, C), lambda b, t: (0, 0)),
            pl.BlockSpec((1, C), lambda b, t: (0, 0)),
        ],
        out_specs=pl.BlockSpec((T, C), lambda b, t: (b * (NPAD // T) + t, 0)),
        out_shape=jax.ShapeDtypeStruct((NTOT, C), jnp.float32),
    )(a, g3, w2, b2, wg, bg, wb, bb)



def _head_body(x1_ref, x2_ref, x3_ref, x4_ref, w1_ref, b1_ref, w2_ref, b2_ref,
               w3_ref, b3_ref, o_ref):
    colv = lax.broadcasted_iota(jnp.int32, (16, NTOT), 1)
    rowb = lax.broadcasted_iota(jnp.int32, (16, NTOT), 0)
    sel = jnp.where((colv // NPAD == rowb) & (colv % NPAD < NPG),
                    jnp.float32(1.0 / NPG), 0.0)
    p1 = jnp.dot(sel, x1_ref[...], preferred_element_type=jnp.float32)
    p2 = jnp.dot(sel, x2_ref[...], preferred_element_type=jnp.float32)
    p3 = jnp.dot(sel, x3_ref[...], preferred_element_type=jnp.float32)
    p4 = jnp.dot(sel, x4_ref[...], preferred_element_type=jnp.float32)
    h = jnp.concatenate([p1, p2, p3, p4], axis=1)
    h = jnp.maximum(jnp.dot(h, w1_ref[...], preferred_element_type=jnp.float32) + b1_ref[...], 0.0)
    h = jnp.maximum(jnp.dot(h, w2_ref[...], preferred_element_type=jnp.float32) + b2_ref[...], 0.0)
    o_ref[...] = jnp.dot(h, w3_ref[...], preferred_element_type=jnp.float32) + b3_ref[...]


def _head_stage(xs, w1, b1, w2, b2, w3, b3):
    ins = list(xs) + [w1, b1, w2, b2, w3, b3]
    return pl.pallas_call(
        _head_body,
        out_shape=jax.ShapeDtypeStruct((16, 128), jnp.float32),
    )(*ins)



def _fold_bn(p):
    s = p['g'] / jnp.sqrt(1.0 + EPS)
    return s


def kernel(pos, normals, batch, params):
    del batch

    x = jnp.concatenate([pos, normals], axis=1).reshape(NG, NPG, 6)
    x = jnp.pad(x, ((0, 0), (0, NPAD - NPG), (0, 2))).reshape(NTOT, 8)

    feats = []
    for li in range(4):
        p1, p2 = params[f'conv{li + 1}']
        fl = params[f'film{li + 1}']
        F = p1['W'].shape[0] // 2
        s1 = _fold_bn(p1)
        wa = (p1['W'][:F] - p1['W'][F:]) * s1[None, :]
        wd = p1['W'][F:] * s1[None, :]
        ba = (p1['b'] * s1 + p1['beta'])[None, :]
        s2 = _fold_bn(p2)
        w2 = p2['W'] * s2[None, :]
        b2 = (p2['b'] * s2 + p2['beta'])[None, :]
        if li == 0:
            wa = jnp.pad(wa, ((0, 2), (0, 64)))
            wd = jnp.pad(wd, ((0, 2), (0, 64)))
            ba = jnp.pad(ba, ((0, 0), (0, 64)))
            w2 = jnp.pad(w2, ((0, 64), (0, 0)))

        pack = wa.shape[1] >= 256
        idx, a, d = _knn_stage(x, wa, ba, wd, pack)
        g = _gather_rows(d, idx[:K].reshape(E))
        x = _edge_stage(a, g.reshape(K, NTOT, d.shape[1]),
                        w2, b2,
                        fl['Wg'], fl['bg'][None],
                        fl['Wb'], fl['bb'][None])
        feats.append(x)

    sh1 = params['bn1']['g'] / jnp.sqrt(1.0 + EPS)
    w1h = params['lin1']['W'] * sh1[None, :]
    b1h = (params['lin1']['b'] * sh1 + params['bn1']['beta'])[None, :]
    sh2 = params['bn2']['g'] / jnp.sqrt(1.0 + EPS)
    w2h = params['lin2']['W'] * sh2[None, :]
    b2h = (params['lin2']['b'] * sh2 + params['bn2']['beta'])[None, :]
    w3h = jnp.pad(params['lin3']['W'], ((0, 0), (0, 127)))
    b3h = jnp.pad(params['lin3']['b'], ((0, 127)))[None, :]

    out = _head_stage(feats, w1h, b1h, w2h, b2h, w3h, b3h)
    return out[:NG, :1]

# --- scband reference (transcript-rebuilt; emitter-appended) ---
"""Pipeline reference for scband-reg-dgcnn-19456201851581 (READ-ONLY COPY).

The authoritative reference and input builder live on the scoring server;
editing this copy changes nothing except your own understanding.
"""

import jax, jax.numpy as jnp
import numpy as np

N = 10000
B = 10
NPG = 1000
K = 20
EPS = 1e-5


def _init_params(key):
    keys = iter(jax.random.split(key, 64))

    def lin(i, o):
        k = next(keys)
        return {'W': (jax.random.normal(k, (i, o), jnp.float32) / np.sqrt(i)).astype(jnp.float32),
                'b': jnp.zeros((o,), jnp.float32)}

    def bn(c):
        return {'g': jnp.ones((c,), jnp.float32), 'beta': jnp.zeros((c,), jnp.float32)}

    def mlp(dims):
        return [dict(**lin(dims[i], dims[i + 1]), **bn(dims[i + 1])) for i in range(len(dims) - 1)]

    def film(c):
        a, bl = lin(c, c), lin(c, c)
        return {'Wg': a['W'], 'bg': a['b'], 'Wb': bl['W'], 'bb': bl['b']}

    return {
        'conv1': mlp([12, 64, 64]), 'film1': film(64),
        'conv2': mlp([128, 128, 128]), 'film2': film(128),
        'conv3': mlp([256, 256, 256]), 'film3': film(256),
        'conv4': mlp([512, 512, 512]), 'film4': film(512),
        'lin1': lin(960, 512), 'bn1': bn(512),
        'lin2': lin(512, 256), 'bn2': bn(256),
        'lin3': lin(256, 1),
    }


def _bn_eval(p, x):
    # eval-mode BatchNorm1d with running_mean=0, running_var=1
    return p['g'] * x / jnp.sqrt(1.0 + EPS) + p['beta']


def _mlp_apply(ps, x):
    for p in ps:
        x = x @ p['W'] + p['b']
        x = _bn_eval(p, x)
        x = jax.nn.relu(x)
    return x


def _film(p, x, c):
    gamma = c @ p['Wg'] + p['bg']
    beta = c @ p['Wb'] + p['bb']
    return gamma * x + beta


def _edge_conv(xg, ps):
    # xg: [n, F]. knn in feature space (self included, as in torch_cluster.knn(x, x, k)).
    sq = jnp.sum(xg * xg, axis=1)
    D = sq[:, None] + sq[None, :] - 2.0 * (xg @ xg.T)
    _, idx = jax.lax.top_k(-D, K)           # [n, K]
    xj = jnp.take(xg, idx, axis=0)           # gather neighbor features [n, K, F]
    xi = jnp.broadcast_to(xg[:, None, :], xj.shape)
    h = _mlp_apply(ps, jnp.concatenate([xi, xj - xi], axis=-1))
    return jnp.max(h, axis=1)                # max aggregation over neighbors


def _forward(pos, normals, batch, params):
    x = jnp.concatenate([pos, normals], axis=1)  # [N, 6]
    counts = jnp.bincount(batch, length=B).astype(jnp.float32)[:, None]

    def pool(h):
        return jax.ops.segment_sum(h, batch, num_segments=B) / counts

    def dyn_conv(h, ps):
        hg = h.reshape(B, NPG, h.shape[-1])
        outs = [_edge_conv(hg[b], ps) for b in range(B)]
        return jnp.concatenate(outs, axis=0)

    x1 = dyn_conv(x, params['conv1']);  x1 = _film(params['film1'], x1, x1); p1 = pool(x1)
    x2 = dyn_conv(x1, params['conv2']); x2 = _film(params['film2'], x2, x2); p2 = pool(x2)
    x3 = dyn_conv(x2, params['conv3']); x3 = _film(params['film3'], x3, x3); p3 = pool(x3)
    x4 = dyn_conv(x3, params['conv4']); x4 = _film(params['film4'], x4, x4); p4 = pool(x4)

    h = jnp.concatenate([p1, p2, p3, p4], axis=1)  # [B, 960]
    h = jax.nn.relu(_bn_eval(params['bn1'], h @ params['lin1']['W'] + params['lin1']['b']))
    # dropout is identity in eval mode
    h = jax.nn.relu(_bn_eval(params['bn2'], h @ params['lin2']['W'] + params['lin2']['b']))
    return h @ params['lin3']['W'] + params['lin3']['b']  # [B, 1]


def setup_inputs(seed: int = 0):
    key = jax.random.key(seed)
    k1, k2, k3 = jax.random.split(key, 3)
    pos = jax.random.normal(k1, (N, 3), dtype=jnp.float32)
    normals = jax.random.normal(k2, (N, 3), dtype=jnp.float32)
    batch = jnp.repeat(jnp.arange(B, dtype=jnp.int32), NPG)  # sorted graph ids, equal-size graphs
    params = _init_params(k3)
    return {'pos': pos, 'normals': normals, 'batch': batch, 'params': params}


def reference(pos, normals, batch, params):
    return _forward(pos, normals, batch, params)

if __name__ == "__main__":
    import jax
    _d = setup_inputs()
    print(jax.jit(kernel)(*tuple(_d.values())))

</pallas_src>

<mosaic_0001>
#map = affine_map<(d0, d1) -> (0, 0)>
#map1 = affine_map<(d0, d1) -> (0)>
module attributes {stable_mosaic.version = 14 : i64} {
  func.func @gk(%arg0: i32, %arg1: i32, %arg2: memref<10240x128xi32, #tpu.memory_space<hbm>>, %arg3: memref<204800xi32, #tpu.memory_space<hbm>>, %arg4: memref<204800x128xi32, #tpu.memory_space<hbm>>, %arg5: memref<6400xi32, #tpu.memory_space<vmem>>, %arg6: memref<128x128xi32, #tpu.memory_space<vmem>>, %arg7: memref<128x128xi32, #tpu.memory_space<vmem>>, %arg8: memref<!tpu.dma_semaphore, #tpu.memory_space<semaphore_mem>>, %arg9: memref<!tpu.dma_semaphore, #tpu.memory_space<semaphore_mem>>, %arg10: memref<!tpu.dma_semaphore, #tpu.memory_space<semaphore_mem>>) attributes {dimension_semantics = [#tpu.dimension_semantics<core_parallel>, #tpu.dimension_semantics<subcore_parallel>], iteration_bounds = array<i64: 2, 16>, scalar_prefetch = 0 : i64, scratch_operands = 6 : i64, tpu.core_type = #tpu.core_type<sc_vector_subcore>, window_params = [{transform_indices = #map}, {transform_indices = #map1}, {transform_indices = #map}]} {
    %mul3A = arith.constant 2 : i32
    %mul3A_0 = arith.muli %arg1, %mul3A : i32
    %add3A = arith.addi %mul3A_0, %arg0 : i32
    %mul3A_1 = arith.constant 6400 : i32
    %mul3A_2 = arith.muli %add3A, %mul3A_1 : i32
    %dma_start3A = tpu.memref_slice %arg3[%mul3A_2] : memref<204800xi32, #tpu.memory_space<hbm>> -> memref<6400xi32, #tpu.memory_space<hbm>>
    %dma_start3A_3 = tpu.memref_slice %arg3[%mul3A_2] : memref<204800xi32, #tpu.memory_space<hbm>> -> memref<6400xi32, #tpu.memory_space<hbm>>
    tpu.enqueue_dma source(%dma_start3A_3 : memref<6400xi32, #tpu.memory_space<hbm>>) target(%arg5 : memref<6400xi32, #tpu.memory_space<vmem>>) target_semaphore(%arg10 : memref<!tpu.dma_semaphore, #tpu.memory_space<semaphore_mem>>)
    %dma_wait3A = tpu.memref_slice %arg3[%mul3A_2] : memref<204800xi32, #tpu.memory_space<hbm>> -> memref<6400xi32, #tpu.memory_space<hbm>>
    %dma_wait3A_4 = tpu.memref_slice %arg3[%mul3A_2] : memref<204800xi32, #tpu.memory_space<hbm>> -> memref<6400xi32, #tpu.memory_space<hbm>>
    tpu.wait_dma2 semaphore(%arg10 : memref<!tpu.dma_semaphore, #tpu.memory_space<semaphore_mem>>) src(%dma_wait3A_4 : memref<6400xi32, #tpu.memory_space<hbm>>) dst(%arg5 : memref<6400xi32, #tpu.memory_space<vmem>>)
    %dma_start3A_5 = arith.constant 0 : i32
    %dma_start3A_6 = tpu.memref_slice %arg5[%dma_start3A_5] : memref<6400xi32, #tpu.memory_space<vmem>> -> memref<128xi32, #tpu.memory_space<vmem>>
    %dma_start3A_7 = arith.constant 0 : i32
    %dma_start3A_8 = arith.constant 0 : i32
    %dma_start3A_9 = tpu.memref_slice %arg2[%dma_start3A_7, %dma_start3A_8] : memref<10240x128xi32, #tpu.memory_space<hbm>> -> memref<10240x128xi32, #tpu.memory_space<hbm>>
    tpu.enqueue_indirect_dma source(%dma_start3A_9 : memref<10240x128xi32, #tpu.memory_space<hbm>>) target(%arg6 : memref<128x128xi32, #tpu.memory_space<vmem>>) offsets(%dma_start3A_6 : memref<128xi32, #tpu.memory_space<vmem>>) semaphore(%arg8 : memref<!tpu.dma_semaphore, #tpu.memory_space<semaphore_mem>>)
    %scan3A = arith.constant 0 : i32
    %scan3A_10 = arith.constant 0 : i32
    %scan3A_11 = arith.constant 25 : i32
    %scan3A_12 = arith.addi %scan3A_10, %scan3A_11 : i32
    %scan3A_13 = arith.constant 1 : i32
    scf.for %scan3A_15 = %scan3A_10 to %scan3A_12 step %scan3A_13  : i32 {
      %mul3A_16 = arith.constant 2 : i32
      %mul3A_17 = arith.muli %mul3A_16, %scan3A_15 : i32
      %add3A_18 = arith.constant 0 : i32
      %add3A_19 = arith.addi %mul3A_17, %add3A_18 : i32
      %add3A_20 = arith.constant 1 : i32
      %add3A_21 = arith.addi %add3A_19, %add3A_20 : i32
      %lt3A = arith.constant 50 : i32
      %lt3A_22 = arith.cmpi slt, %add3A_21, %lt3A : i32
      %convert_element_type3A = arith.extui %lt3A_22 : i1 to i32
      %cond3A = arith.constant 0 : i32
      %cond3A_23 = arith.cmpi ne, %convert_element_type3A, %cond3A : i32
      scf.if %cond3A_23 {
        %add3A_53 = arith.constant 1 : i32
        %add3A_54 = arith.addi %add3A_19, %add3A_53 : i32
        %mul3A_55 = arith.constant 128 : i32
        %mul3A_56 = arith.muli %add3A_54, %mul3A_55 : i32
        %dma_start3A_57 = tpu.memref_slice %arg5[%mul3A_56] : memref<6400xi32, #tpu.memory_space<vmem>> -> memref<128xi32, #tpu.memory_space<vmem>>
        %dma_start3A_58 = arith.constant 0 : i32
        %dma_start3A_59 = arith.constant 0 : i32
        %dma_start3A_60 = tpu.memref_slice %arg2[%dma_start3A_58, %dma_start3A_59] : memref<10240x128xi32, #tpu.memory_space<hbm>> -> memref<10240x128xi32, #tpu.memory_space<hbm>>
        tpu.enqueue_indirect_dma source(%dma_start3A_60 : memref<10240x128xi32, #tpu.memory_space<hbm>>) target(%arg7 : memref<128x128xi32, #tpu.memory_space<vmem>>) offsets(%dma_start3A_57 : memref<128xi32, #tpu.memory_space<vmem>>) semaphore(%arg9 : memref<!tpu.dma_semaphore, #tpu.memory_space<semaphore_mem>>)
      } else {
      }
      %mul3A_24 = arith.constant 128 : i32
      %mul3A_25 = arith.muli %add3A_19, %mul3A_24 : i32
      %dma_wait3A_26 = tpu.memref_slice %arg5[%mul3A_25] : memref<6400xi32, #tpu.memory_space<vmem>> -> memref<128xi32, #tpu.memory_space<vmem>>
      %dma_wait3A_27 = arith.constant 0 : i32
      %dma_wait3A_28 = arith.constant 0 : i32
      %dma_wait3A_29 = tpu.memref_slice %arg2[%dma_wait3A_27, %dma_wait3A_28] : memref<10240x128xi32, #tpu.memory_space<hbm>> -> memref<10240x128xi32, #tpu.memory_space<hbm>>
      tpu.wait_indirect_dma semaphore(%arg8 : memref<!tpu.dma_semaphore, #tpu.memory_space<semaphore_mem>>) src(%dma_wait3A_29 : memref<10240x128xi32, #tpu.memory_space<hbm>>) dst(%arg6 : memref<128x128xi32, #tpu.memory_space<vmem>>)
      %mul3A_30 = arith.constant 128 : i32
      %mul3A_31 = arith.muli %add3A_19, %mul3A_30 : i32
      %add3A_32 = arith.addi %mul3A_2, %mul3A_31 : i32
      "tpu.region"() ({
        %run_scoped3A = tpu.sem_alloc : memref<!tpu.dma_semaphore, #tpu.memory_space<semaphore_mem>>
        %dma_start3A_53 = arith.constant 0 : i32
        %dma_start3A_54 = tpu.memref_slice %arg4[%add3A_32, %dma_start3A_53] : memref<204800x128xi32, #tpu.memory_space<hbm>> -> memref<128x128xi32, #tpu.memory_space<hbm>>
        %dma_start3A_55 = arith.constant 0 : i32
        %dma_start3A_56 = tpu.memref_slice %arg4[%add3A_32, %dma_start3A_55] : memref<204800x128xi32, #tpu.memory_space<hbm>> -> memref<128x128xi32, #tpu.memory_space<hbm>>
        tpu.enqueue_dma source(%arg6 : memref<128x128xi32, #tpu.memory_space<vmem>>) target(%dma_start3A_56 : memref<128x128xi32, #tpu.memory_space<hbm>>) target_semaphore(%run_scoped3A : memref<!tpu.dma_semaphore, #tpu.memory_space<semaphore_mem>>)
        %dma_wait3A_57 = arith.constant 0 : i32
        %dma_wait3A_58 = tpu.memref_slice %arg4[%add3A_32, %dma_wait3A_57] : memref<204800x128xi32, #tpu.memory_space<hbm>> -> memref<128x128xi32, #tpu.memory_space<hbm>>
        %dma_wait3A_59 = arith.constant 0 : i32
        %dma_wait3A_60 = tpu.memref_slice %arg4[%add3A_32, %dma_wait3A_59] : memref<204800x128xi32, #tpu.memory_space<hbm>> -> memref<128x128xi32, #tpu.memory_space<hbm>>
        tpu.wait_dma2 semaphore(%run_scoped3A : memref<!tpu.dma_semaphore, #tpu.memory_space<semaphore_mem>>) src(%arg6 : memref<128x128xi32, #tpu.memory_space<vmem>>) dst(%dma_wait3A_60 : memref<128x128xi32, #tpu.memory_space<hbm>>)
        tpu.yield
      }) : () -> ()
      %mul3A_33 = arith.constant 2 : i32
      %mul3A_34 = arith.muli %mul3A_33, %scan3A_15 : i32
      %add3A_35 = arith.constant 1 : i32
      %add3A_36 = arith.addi %mul3A_34, %add3A_35 : i32
      %add3A_37 = arith.constant 1 : i32
      %add3A_38 = arith.addi %add3A_36, %add3A_37 : i32
      %lt3A_39 = arith.constant 50 : i32
      %lt3A_40 = arith.cmpi slt, %add3A_38, %lt3A_39 : i32
      %convert_element_type3A_41 = arith.extui %lt3A_40 : i1 to i32
      %cond3A_42 = arith.constant 0 : i32
      %cond3A_43 = arith.cmpi ne, %convert_element_type3A_41, %cond3A_42 : i32
      scf.if %cond3A_43 {
        %add3A_53 = arith.constant 1 : i32
        %add3A_54 = arith.addi %add3A_36, %add3A_53 : i32
        %mul3A_55 = arith.constant 128 : i32
        %mul3A_56 = arith.muli %add3A_54, %mul3A_55 : i32
        %dma_start3A_57 = tpu.memref_slice %arg5[%mul3A_56] : memref<6400xi32, #tpu.memory_space<vmem>> -> memref<128xi32, #tpu.memory_space<vmem>>
        %dma_start3A_58 = arith.constant 0 : i32
        %dma_start3A_59 = arith.constant 0 : i32
        %dma_start3A_60 = tpu.memref_slice %arg2[%dma_start3A_58, %dma_start3A_59] : memref<10240x128xi32, #tpu.memory_space<hbm>> -> memref<10240x128xi32, #tpu.memory_space<hbm>>
        tpu.enqueue_indirect_dma source(%dma_start3A_60 : memref<10240x128xi32, #tpu.memory_space<hbm>>) target(%arg6 : memref<128x128xi32, #tpu.memory_space<vmem>>) offsets(%dma_start3A_57 : memref<128xi32, #tpu.memory_space<vmem>>) semaphore(%arg8 : memref<!tpu.dma_semaphore, #tpu.memory_space<semaphore_mem>>)
      } else {
      }
      %mul3A_44 = arith.constant 128 : i32
      %mul3A_45 = arith.muli %add3A_36, %mul3A_44 : i32
      %dma_wait3A_46 = tpu.memref_slice %arg5[%mul3A_45] : memref<6400xi32, #tpu.memory_space<vmem>> -> memref<128xi32, #tpu.memory_space<vmem>>
      %dma_wait3A_47 = arith.constant 0 : i32
      %dma_wait3A_48 = arith.constant 0 : i32
      %dma_wait3A_49 = tpu.memref_slice %arg2[%dma_wait3A_47, %dma_wait3A_48] : memref<10240x128xi32, #tpu.memory_space<hbm>> -> memref<10240x128xi32, #tpu.memory_space<hbm>>
      tpu.wait_indirect_dma semaphore(%arg9 : memref<!tpu.dma_semaphore, #tpu.memory_space<semaphore_mem>>) src(%dma_wait3A_49 : memref<10240x128xi32, #tpu.memory_space<hbm>>) dst(%arg7 : memref<128x128xi32, #tpu.memory_space<vmem>>)
      %mul3A_50 = arith.constant 128 : i32
      %mul3A_51 = arith.muli %add3A_36, %mul3A_50 : i32
      %add3A_52 = arith.addi %mul3A_2, %mul3A_51 : i32
      "tpu.region"() ({
        %run_scoped3A = tpu.sem_alloc : memref<!tpu.dma_semaphore, #tpu.memory_space<semaphore_mem>>
        %dma_start3A_53 = arith.constant 0 : i32
        %dma_start3A_54 = tpu.memref_slice %arg4[%add3A_52, %dma_start3A_53] : memref<204800x128xi32, #tpu.memory_space<hbm>> -> memref<128x128xi32, #tpu.memory_space<hbm>>
        %dma_start3A_55 = arith.constant 0 : i32
        %dma_start3A_56 = tpu.memref_slice %arg4[%add3A_52, %dma_start3A_55] : memref<204800x128xi32, #tpu.memory_space<hbm>> -> memref<128x128xi32, #tpu.memory_space<hbm>>
        tpu.enqueue_dma source(%arg7 : memref<128x128xi32, #tpu.memory_space<vmem>>) target(%dma_start3A_56 : memref<128x128xi32, #tpu.memory_space<hbm>>) target_semaphore(%run_scoped3A : memref<!tpu.dma_semaphore, #tpu.memory_space<semaphore_mem>>)
        %dma_wait3A_57 = arith.constant 0 : i32
        %dma_wait3A_58 = tpu.memref_slice %arg4[%add3A_52, %dma_wait3A_57] : memref<204800x128xi32, #tpu.memory_space<hbm>> -> memref<128x128xi32, #tpu.memory_space<hbm>>
        %dma_wait3A_59 = arith.constant 0 : i32
        %dma_wait3A_60 = tpu.memref_slice %arg4[%add3A_52, %dma_wait3A_59] : memref<204800x128xi32, #tpu.memory_space<hbm>> -> memref<128x128xi32, #tpu.memory_space<hbm>>
        tpu.wait_dma2 semaphore(%run_scoped3A : memref<!tpu.dma_semaphore, #tpu.memory_space<semaphore_mem>>) src(%arg7 : memref<128x128xi32, #tpu.memory_space<vmem>>) dst(%dma_wait3A_60 : memref<128x128xi32, #tpu.memory_space<hbm>>)
        tpu.yield
      }) : () -> ()
    }
    %scan3A_14 = arith.constant 25 : i32
    return
  }
}

#map = affine_map<(d0, d1) -> (0, 0)>
#map1 = affine_map<(d0, d1) -> (0)>
module attributes {stable_mosaic.version = 14 : i64} {
  func.func @gk(%arg0: i32, %arg1: i32, %arg2: memref<10240x128xf32, #tpu.memory_space<hbm>>, %arg3: memref<204800xi32, #tpu.memory_space<hbm>>, %arg4: memref<204800x128xf32, #tpu.memory_space<hbm>>, %arg5: memref<6400xi32, #tpu.memory_space<vmem>>, %arg6: memref<128x128xf32, #tpu.memory_space<vmem>>, %arg7: memref<128x128xf32, #tpu.memory_space<vmem>>, %arg8: memref<!tpu.dma_semaphore, #tpu.memory_space<semaphore_mem>>, %arg9: memref<!tpu.dma_semaphore, #tpu.memory_space<semaphore_mem>>, %arg10: memref<!tpu.dma_semaphore, #tpu.memory_space<semaphore_mem>>) attributes {dimension_semantics = [#tpu.dimension_semantics<core_parallel>, #tpu.dimension_semantics<subcore_parallel>], iteration_bounds = array<i64: 2, 16>, scalar_prefetch = 0 : i64, scratch_operands = 6 : i64, tpu.core_type = #tpu.core_type<sc_vector_subcore>, window_params = [{transform_indices = #map}, {transform_indices = #map1}, {transform_indices = #map}]} {
    %mul3A = arith.constant 2 : i32
    %mul3A_0 = arith.muli %arg1, %mul3A : i32
    %add3A = arith.addi %mul3A_0, %arg0 : i32
    %mul3A_1 = arith.constant 6400 : i32
    %mul3A_2 = arith.muli %add3A, %mul3A_1 : i32
    %dma_start3A = tpu.memref_slice %arg3[%mul3A_2] : memref<204800xi32, #tpu.memory_space<hbm>> -> memref<6400xi32, #tpu.memory_space<hbm>>
    %dma_start3A_3 = tpu.memref_slice %arg3[%mul3A_2] : memref<204800xi32, #tpu.memory_space<hbm>> -> memref<6400xi32, #tpu.memory_space<hbm>>
    tpu.enqueue_dma source(%dma_start3A_3 : memref<6400xi32, #tpu.memory_space<hbm>>) target(%arg5 : memref<6400xi32, #tpu.memory_space<vmem>>) target_semaphore(%arg10 : memref<!tpu.dma_semaphore, #tpu.memory_space<semaphore_mem>>)
    %dma_wait3A = tpu.memref_slice %arg3[%mul3A_2] : memref<204800xi32, #tpu.memory_space<hbm>> -> memref<6400xi32, #tpu.memory_space<hbm>>
    %dma_wait3A_4 = tpu.memref_slice %arg3[%mul3A_2] : memref<204800xi32, #tpu.memory_space<hbm>> -> memref<6400xi32, #tpu.memory_space<hbm>>
    tpu.wait_dma2 semaphore(%arg10 : memref<!tpu.dma_semaphore, #tpu.memory_space<semaphore_mem>>) src(%dma_wait3A_4 : memref<6400xi32, #tpu.memory_space<hbm>>) dst(%arg5 : memref<6400xi32, #tpu.memory_space<vmem>>)
    %dma_start3A_5 = arith.constant 0 : i32
    %dma_start3A_6 = tpu.memref_slice %arg5[%dma_start3A_5] : memref<6400xi32, #tpu.memory_space<vmem>> -> memref<128xi32, #tpu.memory_space<vmem>>
    %dma_start3A_7 = arith.constant 0 : i32
    %dma_start3A_8 = arith.constant 0 : i32
    %dma_start3A_9 = tpu.memref_slice %arg2[%dma_start3A_7, %dma_start3A_8] : memref<10240x128xf32, #tpu.memory_space<hbm>> -> memref<10240x128xf32, #tpu.memory_space<hbm>>
    tpu.enqueue_indirect_dma source(%dma_start3A_9 : memref<10240x128xf32, #tpu.memory_space<hbm>>) target(%arg6 : memref<128x128xf32, #tpu.memory_space<vmem>>) offsets(%dma_start3A_6 : memref<128xi32, #tpu.memory_space<vmem>>) semaphore(%arg8 : memref<!tpu.dma_semaphore, #tpu.memory_space<semaphore_mem>>)
    %scan3A = arith.constant 0 : i32
    %scan3A_10 = arith.constant 0 : i32
    %scan3A_11 = arith.constant 25 : i32
    %scan3A_12 = arith.addi %scan3A_10, %scan3A_11 : i32
    %scan3A_13 = arith.constant 1 : i32
    scf.for %scan3A_15 = %scan3A_10 to %scan3A_12 step %scan3A_13  : i32 {
      %mul3A_16 = arith.constant 2 : i32
      %mul3A_17 = arith.muli %mul3A_16, %scan3A_15 : i32
      %add3A_18 = arith.constant 0 : i32
      %add3A_19 = arith.addi %mul3A_17, %add3A_18 : i32
      %add3A_20 = arith.constant 1 : i32
      %add3A_21 = arith.addi %add3A_19, %add3A_20 : i32
      %lt3A = arith.constant 50 : i32
      %lt3A_22 = arith.cmpi slt, %add3A_21, %lt3A : i32
      %convert_element_type3A = arith.extui %lt3A_22 : i1 to i32
      %cond3A = arith.constant 0 : i32
      %cond3A_23 = arith.cmpi ne, %convert_element_type3A, %cond3A : i32
      scf.if %cond3A_23 {
        %add3A_53 = arith.constant 1 : i32
        %add3A_54 = arith.addi %add3A_19, %add3A_53 : i32
        %mul3A_55 = arith.constant 128 : i32
        %mul3A_56 = arith.muli %add3A_54, %mul3A_55 : i32
        %dma_start3A_57 = tpu.memref_slice %arg5[%mul3A_56] : memref<6400xi32, #tpu.memory_space<vmem>> -> memref<128xi32, #tpu.memory_space<vmem>>
        %dma_start3A_58 = arith.constant 0 : i32
        %dma_start3A_59 = arith.constant 0 : i32
        %dma_start3A_60 = tpu.memref_slice %arg2[%dma_start3A_58, %dma_start3A_59] : memref<10240x128xf32, #tpu.memory_space<hbm>> -> memref<10240x128xf32, #tpu.memory_space<hbm>>
        tpu.enqueue_indirect_dma source(%dma_start3A_60 : memref<10240x128xf32, #tpu.memory_space<hbm>>) target(%arg7 : memref<128x128xf32, #tpu.memory_space<vmem>>) offsets(%dma_start3A_57 : memref<128xi32, #tpu.memory_space<vmem>>) semaphore(%arg9 : memref<!tpu.dma_semaphore, #tpu.memory_space<semaphore_mem>>)
      } else {
      }
      %mul3A_24 = arith.constant 128 : i32
      %mul3A_25 = arith.muli %add3A_19, %mul3A_24 : i32
      %dma_wait3A_26 = tpu.memref_slice %arg5[%mul3A_25] : memref<6400xi32, #tpu.memory_space<vmem>> -> memref<128xi32, #tpu.memory_space<vmem>>
      %dma_wait3A_27 = arith.constant 0 : i32
      %dma_wait3A_28 = arith.constant 0 : i32
      %dma_wait3A_29 = tpu.memref_slice %arg2[%dma_wait3A_27, %dma_wait3A_28] : memref<10240x128xf32, #tpu.memory_space<hbm>> -> memref<10240x128xf32, #tpu.memory_space<hbm>>
      tpu.wait_indirect_dma semaphore(%arg8 : memref<!tpu.dma_semaphore, #tpu.memory_space<semaphore_mem>>) src(%dma_wait3A_29 : memref<10240x128xf32, #tpu.memory_space<hbm>>) dst(%arg6 : memref<128x128xf32, #tpu.memory_space<vmem>>)
      %mul3A_30 = arith.constant 128 : i32
      %mul3A_31 = arith.muli %add3A_19, %mul3A_30 : i32
      %add3A_32 = arith.addi %mul3A_2, %mul3A_31 : i32
      "tpu.region"() ({
        %run_scoped3A = tpu.sem_alloc : memref<!tpu.dma_semaphore, #tpu.memory_space<semaphore_mem>>
        %dma_start3A_53 = arith.constant 0 : i32
        %dma_start3A_54 = tpu.memref_slice %arg4[%add3A_32, %dma_start3A_53] : memref<204800x128xf32, #tpu.memory_space<hbm>> -> memref<128x128xf32, #tpu.memory_space<hbm>>
        %dma_start3A_55 = arith.constant 0 : i32
        %dma_start3A_56 = tpu.memref_slice %arg4[%add3A_32, %dma_start3A_55] : memref<204800x128xf32, #tpu.memory_space<hbm>> -> memref<128x128xf32, #tpu.memory_space<hbm>>
        tpu.enqueue_dma source(%arg6 : memref<128x128xf32, #tpu.memory_space<vmem>>) target(%dma_start3A_56 : memref<128x128xf32, #tpu.memory_space<hbm>>) target_semaphore(%run_scoped3A : memref<!tpu.dma_semaphore, #tpu.memory_space<semaphore_mem>>)
        %dma_wait3A_57 = arith.constant 0 : i32
        %dma_wait3A_58 = tpu.memref_slice %arg4[%add3A_32, %dma_wait3A_57] : memref<204800x128xf32, #tpu.memory_space<hbm>> -> memref<128x128xf32, #tpu.memory_space<hbm>>
        %dma_wait3A_59 = arith.constant 0 : i32
        %dma_wait3A_60 = tpu.memref_slice %arg4[%add3A_32, %dma_wait3A_59] : memref<204800x128xf32, #tpu.memory_space<hbm>> -> memref<128x128xf32, #tpu.memory_space<hbm>>
        tpu.wait_dma2 semaphore(%run_scoped3A : memref<!tpu.dma_semaphore, #tpu.memory_space<semaphore_mem>>) src(%arg6 : memref<128x128xf32, #tpu.memory_space<vmem>>) dst(%dma_wait3A_60 : memref<128x128xf32, #tpu.memory_space<hbm>>)
        tpu.yield
      }) : () -> ()
      %mul3A_33 = arith.constant 2 : i32
      %mul3A_34 = arith.muli %mul3A_33, %scan3A_15 : i32
      %add3A_35 = arith.constant 1 : i32
      %add3A_36 = arith.addi %mul3A_34, %add3A_35 : i32
      %add3A_37 = arith.constant 1 : i32
      %add3A_38 = arith.addi %add3A_36, %add3A_37 : i32
      %lt3A_39 = arith.constant 50 : i32
      %lt3A_40 = arith.cmpi slt, %add3A_38, %lt3A_39 : i32
      %convert_element_type3A_41 = arith.extui %lt3A_40 : i1 to i32
      %cond3A_42 = arith.constant 0 : i32
      %cond3A_43 = arith.cmpi ne, %convert_element_type3A_41, %cond3A_42 : i32
      scf.if %cond3A_43 {
        %add3A_53 = arith.constant 1 : i32
        %add3A_54 = arith.addi %add3A_36, %add3A_53 : i32
        %mul3A_55 = arith.constant 128 : i32
        %mul3A_56 = arith.muli %add3A_54, %mul3A_55 : i32
        %dma_start3A_57 = tpu.memref_slice %arg5[%mul3A_56] : memref<6400xi32, #tpu.memory_space<vmem>> -> memref<128xi32, #tpu.memory_space<vmem>>
        %dma_start3A_58 = arith.constant 0 : i32
        %dma_start3A_59 = arith.constant 0 : i32
        %dma_start3A_60 = tpu.memref_slice %arg2[%dma_start3A_58, %dma_start3A_59] : memref<10240x128xf32, #tpu.memory_space<hbm>> -> memref<10240x128xf32, #tpu.memory_space<hbm>>
        tpu.enqueue_indirect_dma source(%dma_start3A_60 : memref<10240x128xf32, #tpu.memory_space<hbm>>) target(%arg6 : memref<128x128xf32, #tpu.memory_space<vmem>>) offsets(%dma_start3A_57 : memref<128xi32, #tpu.memory_space<vmem>>) semaphore(%arg8 : memref<!tpu.dma_semaphore, #tpu.memory_space<semaphore_mem>>)
      } else {
      }
      %mul3A_44 = arith.constant 128 : i32
      %mul3A_45 = arith.muli %add3A_36, %mul3A_44 : i32
      %dma_wait3A_46 = tpu.memref_slice %arg5[%mul3A_45] : memref<6400xi32, #tpu.memory_space<vmem>> -> memref<128xi32, #tpu.memory_space<vmem>>
      %dma_wait3A_47 = arith.constant 0 : i32
      %dma_wait3A_48 = arith.constant 0 : i32
      %dma_wait3A_49 = tpu.memref_slice %arg2[%dma_wait3A_47, %dma_wait3A_48] : memref<10240x128xf32, #tpu.memory_space<hbm>> -> memref<10240x128xf32, #tpu.memory_space<hbm>>
      tpu.wait_indirect_dma semaphore(%arg9 : memref<!tpu.dma_semaphore, #tpu.memory_space<semaphore_mem>>) src(%dma_wait3A_49 : memref<10240x128xf32, #tpu.memory_space<hbm>>) dst(%arg7 : memref<128x128xf32, #tpu.memory_space<vmem>>)
      %mul3A_50 = arith.constant 128 : i32
      %mul3A_51 = arith.muli %add3A_36, %mul3A_50 : i32
      %add3A_52 = arith.addi %mul3A_2, %mul3A_51 : i32
      "tpu.region"() ({
        %run_scoped3A = tpu.sem_alloc : memref<!tpu.dma_semaphore, #tpu.memory_space<semaphore_mem>>
        %dma_start3A_53 = arith.constant 0 : i32
        %dma_start3A_54 = tpu.memref_slice %arg4[%add3A_52, %dma_start3A_53] : memref<204800x128xf32, #tpu.memory_space<hbm>> -> memref<128x128xf32, #tpu.memory_space<hbm>>
        %dma_start3A_55 = arith.constant 0 : i32
        %dma_start3A_56 = tpu.memref_slice %arg4[%add3A_52, %dma_start3A_55] : memref<204800x128xf32, #tpu.memory_space<hbm>> -> memref<128x128xf32, #tpu.memory_space<hbm>>
        tpu.enqueue_dma source(%arg7 : memref<128x128xf32, #tpu.memory_space<vmem>>) target(%dma_start3A_56 : memref<128x128xf32, #tpu.memory_space<hbm>>) target_semaphore(%run_scoped3A : memref<!tpu.dma_semaphore, #tpu.memory_space<semaphore_mem>>)
        %dma_wait3A_57 = arith.constant 0 : i32
        %dma_wait3A_58 = tpu.memref_slice %arg4[%add3A_52, %dma_wait3A_57] : memref<204800x128xf32, #tpu.memory_space<hbm>> -> memref<128x128xf32, #tpu.memory_space<hbm>>
        %dma_wait3A_59 = arith.constant 0 : i32
        %dma_wait3A_60 = tpu.memref_slice %arg4[%add3A_52, %dma_wait3A_59] : memref<204800x128xf32, #tpu.memory_space<hbm>> -> memref<128x128xf32, #tpu.memory_space<hbm>>
        tpu.wait_dma2 semaphore(%run_scoped3A : memref<!tpu.dma_semaphore, #tpu.memory_space<semaphore_mem>>) src(%arg7 : memref<128x128xf32, #tpu.memory_space<vmem>>) dst(%dma_wait3A_60 : memref<128x128xf32, #tpu.memory_space<hbm>>)
        tpu.yield
      }) : () -> ()
    }
    %scan3A_14 = arith.constant 25 : i32
    return
  }
}

#map = affine_map<(d0, d1) -> (0, 0)>
#map1 = affine_map<(d0, d1) -> (0)>
module attributes {stable_mosaic.version = 14 : i64} {
  func.func @gk(%arg0: i32, %arg1: i32, %arg2: memref<10240x128xf32, #tpu.memory_space<hbm>>, %arg3: memref<204800xi32, #tpu.memory_space<hbm>>, %arg4: memref<204800x128xf32, #tpu.memory_space<hbm>>, %arg5: memref<6400xi32, #tpu.memory_space<vmem>>, %arg6: memref<128x128xf32, #tpu.memory_space<vmem>>, %arg7: memref<128x128xf32, #tpu.memory_space<vmem>>, %arg8: memref<!tpu.dma_semaphore, #tpu.memory_space<semaphore_mem>>, %arg9: memref<!tpu.dma_semaphore, #tpu.memory_space<semaphore_mem>>, %arg10: memref<!tpu.dma_semaphore, #tpu.memory_space<semaphore_mem>>) attributes {dimension_semantics = [#tpu.dimension_semantics<core_parallel>, #tpu.dimension_semantics<subcore_parallel>], iteration_bounds = array<i64: 2, 16>, scalar_prefetch = 0 : i64, scratch_operands = 6 : i64, tpu.core_type = #tpu.core_type<sc_vector_subcore>, window_params = [{transform_indices = #map}, {transform_indices = #map1}, {transform_indices = #map}]} {
    %mul3A = arith.constant 2 : i32
    %mul3A_0 = arith.muli %arg1, %mul3A : i32
    %add3A = arith.addi %mul3A_0, %arg0 : i32
    %mul3A_1 = arith.constant 6400 : i32
    %mul3A_2 = arith.muli %add3A, %mul3A_1 : i32
    %dma_start3A = tpu.memref_slice %arg3[%mul3A_2] : memref<204800xi32, #tpu.memory_space<hbm>> -> memref<6400xi32, #tpu.memory_space<hbm>>
    %dma_start3A_3 = tpu.memref_slice %arg3[%mul3A_2] : memref<204800xi32, #tpu.memory_space<hbm>> -> memref<6400xi32, #tpu.memory_space<hbm>>
    tpu.enqueue_dma source(%dma_start3A_3 : memref<6400xi32, #tpu.memory_space<hbm>>) target(%arg5 : memref<6400xi32, #tpu.memory_space<vmem>>) target_semaphore(%arg10 : memref<!tpu.dma_semaphore, #tpu.memory_space<semaphore_mem>>)
    %dma_wait3A = tpu.memref_slice %arg3[%mul3A_2] : memref<204800xi32, #tpu.memory_space<hbm>> -> memref<6400xi32, #tpu.memory_space<hbm>>
    %dma_wait3A_4 = tpu.memref_slice %arg3[%mul3A_2] : memref<204800xi32, #tpu.memory_space<hbm>> -> memref<6400xi32, #tpu.memory_space<hbm>>
    tpu.wait_dma2 semaphore(%arg10 : memref<!tpu.dma_semaphore, #tpu.memory_space<semaphore_mem>>) src(%dma_wait3A_4 : memref<6400xi32, #tpu.memory_space<hbm>>) dst(%arg5 : memref<6400xi32, #tpu.memory_space<vmem>>)
    %dma_start3A_5 = arith.constant 0 : i32
    %dma_start3A_6 = tpu.memref_slice %arg5[%dma_start3A_5] : memref<6400xi32, #tpu.memory_space<vmem>> -> memref<128xi32, #tpu.memory_space<vmem>>
    %dma_start3A_7 = arith.constant 0 : i32
    %dma_start3A_8 = arith.constant 0 : i32
    %dma_start3A_9 = tpu.memref_slice %arg2[%dma_start3A_7, %dma_start3A_8] : memref<10240x128xf32, #tpu.memory_space<hbm>> -> memref<10240x128xf32, #tpu.memory_space<hbm>>
    tpu.enqueue_indirect_dma source(%dma_start3A_9 : memref<10240x128xf32, #tpu.memory_space<hbm>>) target(%arg6 : memref<128x128xf32, #tpu.memory_space<vmem>>) offsets(%dma_start3A_6 : memref<128xi32, #tpu.memory_space<vmem>>) semaphore(%arg8 : memref<!tpu.dma_semaphore, #tpu.memory_space<semaphore_mem>>)
    %scan3A = arith.constant 0 : i32
    %scan3A_10 = arith.constant 0 : i32
    %scan3A_11 = arith.constant 25 : i32
    %scan3A_12 = arith.addi %scan3A_10, %scan3A_11 : i32
    %scan3A_13 = arith.constant 1 : i32
    scf.for %scan3A_15 = %scan3A_10 to %scan3A_12 step %scan3A_13  : i32 {
      %mul3A_16 = arith.constant 2 : i32
      %mul3A_17 = arith.muli %mul3A_16, %scan3A_15 : i32
      %add3A_18 = arith.constant 0 : i32
      %add3A_19 = arith.addi %mul3A_17, %add3A_18 : i32
      %add3A_20 = arith.constant 1 : i32
      %add3A_21 = arith.addi %add3A_19, %add3A_20 : i32
      %lt3A = arith.constant 50 : i32
      %lt3A_22 = arith.cmpi slt, %add3A_21, %lt3A : i32
      %convert_element_type3A = arith.extui %lt3A_22 : i1 to i32
      %cond3A = arith.constant 0 : i32
      %cond3A_23 = arith.cmpi ne, %convert_element_type3A, %cond3A : i32
      scf.if %cond3A_23 {
        %add3A_53 = arith.constant 1 : i32
        %add3A_54 = arith.addi %add3A_19, %add3A_53 : i32
        %mul3A_55 = arith.constant 128 : i32
        %mul3A_56 = arith.muli %add3A_54, %mul3A_55 : i32
        %dma_start3A_57 = tpu.memref_slice %arg5[%mul3A_56] : memref<6400xi32, #tpu.memory_space<vmem>> -> memref<128xi32, #tpu.memory_space<vmem>>
        %dma_start3A_58 = arith.constant 0 : i32
        %dma_start3A_59 = arith.constant 0 : i32
        %dma_start3A_60 = tpu.memref_slice %arg2[%dma_start3A_58, %dma_start3A_59] : memref<10240x128xf32, #tpu.memory_space<hbm>> -> memref<10240x128xf32, #tpu.memory_space<hbm>>
        tpu.enqueue_indirect_dma source(%dma_start3A_60 : memref<10240x128xf32, #tpu.memory_space<hbm>>) target(%arg7 : memref<128x128xf32, #tpu.memory_space<vmem>>) offsets(%dma_start3A_57 : memref<128xi32, #tpu.memory_space<vmem>>) semaphore(%arg9 : memref<!tpu.dma_semaphore, #tpu.memory_space<semaphore_mem>>)
      } else {
      }
      %mul3A_24 = arith.constant 128 : i32
      %mul3A_25 = arith.muli %add3A_19, %mul3A_24 : i32
      %dma_wait3A_26 = tpu.memref_slice %arg5[%mul3A_25] : memref<6400xi32, #tpu.memory_space<vmem>> -> memref<128xi32, #tpu.memory_space<vmem>>
      %dma_wait3A_27 = arith.constant 0 : i32
      %dma_wait3A_28 = arith.constant 0 : i32
      %dma_wait3A_29 = tpu.memref_slice %arg2[%dma_wait3A_27, %dma_wait3A_28] : memref<10240x128xf32, #tpu.memory_space<hbm>> -> memref<10240x128xf32, #tpu.memory_space<hbm>>
      tpu.wait_indirect_dma semaphore(%arg8 : memref<!tpu.dma_semaphore, #tpu.memory_space<semaphore_mem>>) src(%dma_wait3A_29 : memref<10240x128xf32, #tpu.memory_space<hbm>>) dst(%arg6 : memref<128x128xf32, #tpu.memory_space<vmem>>)
      %mul3A_30 = arith.constant 128 : i32
      %mul3A_31 = arith.muli %add3A_19, %mul3A_30 : i32
      %add3A_32 = arith.addi %mul3A_2, %mul3A_31 : i32
      "tpu.region"() ({
        %run_scoped3A = tpu.sem_alloc : memref<!tpu.dma_semaphore, #tpu.memory_space<semaphore_mem>>
        %dma_start3A_53 = arith.constant 0 : i32
        %dma_start3A_54 = tpu.memref_slice %arg4[%add3A_32, %dma_start3A_53] : memref<204800x128xf32, #tpu.memory_space<hbm>> -> memref<128x128xf32, #tpu.memory_space<hbm>>
        %dma_start3A_55 = arith.constant 0 : i32
        %dma_start3A_56 = tpu.memref_slice %arg4[%add3A_32, %dma_start3A_55] : memref<204800x128xf32, #tpu.memory_space<hbm>> -> memref<128x128xf32, #tpu.memory_space<hbm>>
        tpu.enqueue_dma source(%arg6 : memref<128x128xf32, #tpu.memory_space<vmem>>) target(%dma_start3A_56 : memref<128x128xf32, #tpu.memory_space<hbm>>) target_semaphore(%run_scoped3A : memref<!tpu.dma_semaphore, #tpu.memory_space<semaphore_mem>>)
        %dma_wait3A_57 = arith.constant 0 : i32
        %dma_wait3A_58 = tpu.memref_slice %arg4[%add3A_32, %dma_wait3A_57] : memref<204800x128xf32, #tpu.memory_space<hbm>> -> memref<128x128xf32, #tpu.memory_space<hbm>>
        %dma_wait3A_59 = arith.constant 0 : i32
        %dma_wait3A_60 = tpu.memref_slice %arg4[%add3A_32, %dma_wait3A_59] : memref<204800x128xf32, #tpu.memory_space<hbm>> -> memref<128x128xf32, #tpu.memory_space<hbm>>
        tpu.wait_dma2 semaphore(%run_scoped3A : memref<!tpu.dma_semaphore, #tpu.memory_space<semaphore_mem>>) src(%arg6 : memref<128x128xf32, #tpu.memory_space<vmem>>) dst(%dma_wait3A_60 : memref<128x128xf32, #tpu.memory_space<hbm>>)
        tpu.yield
      }) : () -> ()
      %mul3A_33 = arith.constant 2 : i32
      %mul3A_34 = arith.muli %mul3A_33, %scan3A_15 : i32
      %add3A_35 = arith.constant 1 : i32
      %add3A_36 = arith.addi %mul3A_34, %add3A_35 : i32
      %add3A_37 = arith.constant 1 : i32
      %add3A_38 = arith.addi %add3A_36, %add3A_37 : i32
      %lt3A_39 = arith.constant 50 : i32
      %lt3A_40 = arith.cmpi slt, %add3A_38, %lt3A_39 : i32
      %convert_element_type3A_41 = arith.extui %lt3A_40 : i1 to i32
      %cond3A_42 = arith.constant 0 : i32
      %cond3A_43 = arith.cmpi ne, %convert_element_type3A_41, %cond3A_42 : i32
      scf.if %cond3A_43 {
        %add3A_53 = arith.constant 1 : i32
        %add3A_54 = arith.addi %add3A_36, %add3A_53 : i32
        %mul3A_55 = arith.constant 128 : i32
        %mul3A_56 = arith.muli %add3A_54, %mul3A_55 : i32
        %dma_start3A_57 = tpu.memref_slice %arg5[%mul3A_56] : memref<6400xi32, #tpu.memory_space<vmem>> -> memref<128xi32, #tpu.memory_space<vmem>>
        %dma_start3A_58 = arith.constant 0 : i32
        %dma_start3A_59 = arith.constant 0 : i32
        %dma_start3A_60 = tpu.memref_slice %arg2[%dma_start3A_58, %dma_start3A_59] : memref<10240x128xf32, #tpu.memory_space<hbm>> -> memref<10240x128xf32, #tpu.memory_space<hbm>>
        tpu.enqueue_indirect_dma source(%dma_start3A_60 : memref<10240x128xf32, #tpu.memory_space<hbm>>) target(%arg6 : memref<128x128xf32, #tpu.memory_space<vmem>>) offsets(%dma_start3A_57 : memref<128xi32, #tpu.memory_space<vmem>>) semaphore(%arg8 : memref<!tpu.dma_semaphore, #tpu.memory_space<semaphore_mem>>)
      } else {
      }
      %mul3A_44 = arith.constant 128 : i32
      %mul3A_45 = arith.muli %add3A_36, %mul3A_44 : i32
      %dma_wait3A_46 = tpu.memref_slice %arg5[%mul3A_45] : memref<6400xi32, #tpu.memory_space<vmem>> -> memref<128xi32, #tpu.memory_space<vmem>>
      %dma_wait3A_47 = arith.constant 0 : i32
      %dma_wait3A_48 = arith.constant 0 : i32
      %dma_wait3A_49 = tpu.memref_slice %arg2[%dma_wait3A_47, %dma_wait3A_48] : memref<10240x128xf32, #tpu.memory_space<hbm>> -> memref<10240x128xf32, #tpu.memory_space<hbm>>
      tpu.wait_indirect_dma semaphore(%arg9 : memref<!tpu.dma_semaphore, #tpu.memory_space<semaphore_mem>>) src(%dma_wait3A_49 : memref<10240x128xf32, #tpu.memory_space<hbm>>) dst(%arg7 : memref<128x128xf32, #tpu.memory_space<vmem>>)
      %mul3A_50 = arith.constant 128 : i32
      %mul3A_51 = arith.muli %add3A_36, %mul3A_50 : i32
      %add3A_52 = arith.addi %mul3A_2, %mul3A_51 : i32
      "tpu.region"() ({
        %run_scoped3A = tpu.sem_alloc : memref<!tpu.dma_semaphore, #tpu.memory_space<semaphore_mem>>
        %dma_start3A_53 = arith.constant 0 : i32
        %dma_start3A_54 = tpu.memref_slice %arg4[%add3A_52, %dma_start3A_53] : memref<204800x128xf32, #tpu.memory_space<hbm>> -> memref<128x128xf32, #tpu.memory_space<hbm>>
        %dma_start3A_55 = arith.constant 0 : i32
        %dma_start3A_56 = tpu.memref_slice %arg4[%add3A_52, %dma_start3A_55] : memref<204800x128xf32, #tpu.memory_space<hbm>> -> memref<128x128xf32, #tpu.memory_space<hbm>>
        tpu.enqueue_dma source(%arg7 : memref<128x128xf32, #tpu.memory_space<vmem>>) target(%dma_start3A_56 : memref<128x128xf32, #tpu.memory_space<hbm>>) target_semaphore(%run_scoped3A : memref<!tpu.dma_semaphore, #tpu.memory_space<semaphore_mem>>)
        %dma_wait3A_57 = arith.constant 0 : i32
        %dma_wait3A_58 = tpu.memref_slice %arg4[%add3A_52, %dma_wait3A_57] : memref<204800x128xf32, #tpu.memory_space<hbm>> -> memref<128x128xf32, #tpu.memory_space<hbm>>
        %dma_wait3A_59 = arith.constant 0 : i32
        %dma_wait3A_60 = tpu.memref_slice %arg4[%add3A_52, %dma_wait3A_59] : memref<204800x128xf32, #tpu.memory_space<hbm>> -> memref<128x128xf32, #tpu.memory_space<hbm>>
        tpu.wait_dma2 semaphore(%run_scoped3A : memref<!tpu.dma_semaphore, #tpu.memory_space<semaphore_mem>>) src(%arg7 : memref<128x128xf32, #tpu.memory_space<vmem>>) dst(%dma_wait3A_60 : memref<128x128xf32, #tpu.memory_space<hbm>>)
        tpu.yield
      }) : () -> ()
    }
    %scan3A_14 = arith.constant 25 : i32
    return
  }
}

#map = affine_map<(d0, d1) -> (0, 0)>
#map1 = affine_map<(d0, d1) -> (0)>
module attributes {stable_mosaic.version = 14 : i64} {
  func.func @gk(%arg0: i32, %arg1: i32, %arg2: memref<10240x256xi32, #tpu.memory_space<hbm>>, %arg3: memref<204800xi32, #tpu.memory_space<hbm>>, %arg4: memref<204800x256xi32, #tpu.memory_space<hbm>>, %arg5: memref<6400xi32, #tpu.memory_space<vmem>>, %arg6: memref<128x256xi32, #tpu.memory_space<vmem>>, %arg7: memref<128x256xi32, #tpu.memory_space<vmem>>, %arg8: memref<!tpu.dma_semaphore, #tpu.memory_space<semaphore_mem>>, %arg9: memref<!tpu.dma_semaphore, #tpu.memory_space<semaphore_mem>>, %arg10: memref<!tpu.dma_semaphore, #tpu.memory_space<semaphore_mem>>) attributes {dimension_semantics = [#tpu.dimension_semantics<core_parallel>, #tpu.dimension_semantics<subcore_parallel>], iteration_bounds = array<i64: 2, 16>, scalar_prefetch = 0 : i64, scratch_operands = 6 : i64, tpu.core_type = #tpu.core_type<sc_vector_subcore>, window_params = [{transform_indices = #map}, {transform_indices = #map1}, {transform_indices = #map}]} {
    %mul3A = arith.constant 2 : i32
    %mul3A_0 = arith.muli %arg1, %mul3A : i32
    %add3A = arith.addi %mul3A_0, %arg0 : i32
    %mul3A_1 = arith.constant 6400 : i32
    %mul3A_2 = arith.muli %add3A, %mul3A_1 : i32
    %dma_start3A = tpu.memref_slice %arg3[%mul3A_2] : memref<204800xi32, #tpu.memory_space<hbm>> -> memref<6400xi32, #tpu.memory_space<hbm>>
    %dma_start3A_3 = tpu.memref_slice %arg3[%mul3A_2] : memref<204800xi32, #tpu.memory_space<hbm>> -> memref<6400xi32, #tpu.memory_space<hbm>>
    tpu.enqueue_dma source(%dma_start3A_3 : memref<6400xi32, #tpu.memory_space<hbm>>) target(%arg5 : memref<6400xi32, #tpu.memory_space<vmem>>) target_semaphore(%arg10 : memref<!tpu.dma_semaphore, #tpu.memory_space<semaphore_mem>>)
    %dma_wait3A = tpu.memref_slice %arg3[%mul3A_2] : memref<204800xi32, #tpu.memory_space<hbm>> -> memref<6400xi32, #tpu.memory_space<hbm>>
    %dma_wait3A_4 = tpu.memref_slice %arg3[%mul3A_2] : memref<204800xi32, #tpu.memory_space<hbm>> -> memref<6400xi32, #tpu.memory_space<hbm>>
    tpu.wait_dma2 semaphore(%arg10 : memref<!tpu.dma_semaphore, #tpu.memory_space<semaphore_mem>>) src(%dma_wait3A_4 : memref<6400xi32, #tpu.memory_space<hbm>>) dst(%arg5 : memref<6400xi32, #tpu.memory_space<vmem>>)
    %dma_start3A_5 = arith.constant 0 : i32
    %dma_start3A_6 = tpu.memref_slice %arg5[%dma_start3A_5] : memref<6400xi32, #tpu.memory_space<vmem>> -> memref<128xi32, #tpu.memory_space<vmem>>
    %dma_start3A_7 = arith.constant 0 : i32
    %dma_start3A_8 = arith.constant 0 : i32
    %dma_start3A_9 = tpu.memref_slice %arg2[%dma_start3A_7, %dma_start3A_8] : memref<10240x256xi32, #tpu.memory_space<hbm>> -> memref<10240x256xi32, #tpu.memory_space<hbm>>
    tpu.enqueue_indirect_dma source(%dma_start3A_9 : memref<10240x256xi32, #tpu.memory_space<hbm>>) target(%arg6 : memref<128x256xi32, #tpu.memory_space<vmem>>) offsets(%dma_start3A_6 : memref<128xi32, #tpu.memory_space<vmem>>) semaphore(%arg8 : memref<!tpu.dma_semaphore, #tpu.memory_space<semaphore_mem>>)
    %scan3A = arith.constant 0 : i32
    %scan3A_10 = arith.constant 0 : i32
    %scan3A_11 = arith.constant 25 : i32
    %scan3A_12 = arith.addi %scan3A_10, %scan3A_11 : i32
    %scan3A_13 = arith.constant 1 : i32
    scf.for %scan3A_15 = %scan3A_10 to %scan3A_12 step %scan3A_13  : i32 {
      %mul3A_16 = arith.constant 2 : i32
      %mul3A_17 = arith.muli %mul3A_16, %scan3A_15 : i32
      %add3A_18 = arith.constant 0 : i32
      %add3A_19 = arith.addi %mul3A_17, %add3A_18 : i32
      %add3A_20 = arith.constant 1 : i32
      %add3A_21 = arith.addi %add3A_19, %add3A_20 : i32
      %lt3A = arith.constant 50 : i32
      %lt3A_22 = arith.cmpi slt, %add3A_21, %lt3A : i32
      %convert_element_type3A = arith.extui %lt3A_22 : i1 to i32
      %cond3A = arith.constant 0 : i32
      %cond3A_23 = arith.cmpi ne, %convert_element_type3A, %cond3A : i32
      scf.if %cond3A_23 {
        %add3A_53 = arith.constant 1 : i32
        %add3A_54 = arith.addi %add3A_19, %add3A_53 : i32
        %mul3A_55 = arith.constant 128 : i32
        %mul3A_56 = arith.muli %add3A_54, %mul3A_55 : i32
        %dma_start3A_57 = tpu.memref_slice %arg5[%mul3A_56] : memref<6400xi32, #tpu.memory_space<vmem>> -> memref<128xi32, #tpu.memory_space<vmem>>
        %dma_start3A_58 = arith.constant 0 : i32
        %dma_start3A_59 = arith.constant 0 : i32
        %dma_start3A_60 = tpu.memref_slice %arg2[%dma_start3A_58, %dma_start3A_59] : memref<10240x256xi32, #tpu.memory_space<hbm>> -> memref<10240x256xi32, #tpu.memory_space<hbm>>
        tpu.enqueue_indirect_dma source(%dma_start3A_60 : memref<10240x256xi32, #tpu.memory_space<hbm>>) target(%arg7 : memref<128x256xi32, #tpu.memory_space<vmem>>) offsets(%dma_start3A_57 : memref<128xi32, #tpu.memory_space<vmem>>) semaphore(%arg9 : memref<!tpu.dma_semaphore, #tpu.memory_space<semaphore_mem>>)
      } else {
      }
      %mul3A_24 = arith.constant 128 : i32
      %mul3A_25 = arith.muli %add3A_19, %mul3A_24 : i32
      %dma_wait3A_26 = tpu.memref_slice %arg5[%mul3A_25] : memref<6400xi32, #tpu.memory_space<vmem>> -> memref<128xi32, #tpu.memory_space<vmem>>
      %dma_wait3A_27 = arith.constant 0 : i32
      %dma_wait3A_28 = arith.constant 0 : i32
      %dma_wait3A_29 = tpu.memref_slice %arg2[%dma_wait3A_27, %dma_wait3A_28] : memref<10240x256xi32, #tpu.memory_space<hbm>> -> memref<10240x256xi32, #tpu.memory_space<hbm>>
      tpu.wait_indirect_dma semaphore(%arg8 : memref<!tpu.dma_semaphore, #tpu.memory_space<semaphore_mem>>) src(%dma_wait3A_29 : memref<10240x256xi32, #tpu.memory_space<hbm>>) dst(%arg6 : memref<128x256xi32, #tpu.memory_space<vmem>>)
      %mul3A_30 = arith.constant 128 : i32
      %mul3A_31 = arith.muli %add3A_19, %mul3A_30 : i32
      %add3A_32 = arith.addi %mul3A_2, %mul3A_31 : i32
      "tpu.region"() ({
        %run_scoped3A = tpu.sem_alloc : memref<!tpu.dma_semaphore, #tpu.memory_space<semaphore_mem>>
        %dma_start3A_53 = arith.constant 0 : i32
        %dma_start3A_54 = tpu.memref_slice %arg4[%add3A_32, %dma_start3A_53] : memref<204800x256xi32, #tpu.memory_space<hbm>> -> memref<128x256xi32, #tpu.memory_space<hbm>>
        %dma_start3A_55 = arith.constant 0 : i32
        %dma_start3A_56 = tpu.memref_slice %arg4[%add3A_32, %dma_start3A_55] : memref<204800x256xi32, #tpu.memory_space<hbm>> -> memref<128x256xi32, #tpu.memory_space<hbm>>
        tpu.enqueue_dma source(%arg6 : memref<128x256xi32, #tpu.memory_space<vmem>>) target(%dma_start3A_56 : memref<128x256xi32, #tpu.memory_space<hbm>>) target_semaphore(%run_scoped3A : memref<!tpu.dma_semaphore, #tpu.memory_space<semaphore_mem>>)
        %dma_wait3A_57 = arith.constant 0 : i32
        %dma_wait3A_58 = tpu.memref_slice %arg4[%add3A_32, %dma_wait3A_57] : memref<204800x256xi32, #tpu.memory_space<hbm>> -> memref<128x256xi32, #tpu.memory_space<hbm>>
        %dma_wait3A_59 = arith.constant 0 : i32
        %dma_wait3A_60 = tpu.memref_slice %arg4[%add3A_32, %dma_wait3A_59] : memref<204800x256xi32, #tpu.memory_space<hbm>> -> memref<128x256xi32, #tpu.memory_space<hbm>>
        tpu.wait_dma2 semaphore(%run_scoped3A : memref<!tpu.dma_semaphore, #tpu.memory_space<semaphore_mem>>) src(%arg6 : memref<128x256xi32, #tpu.memory_space<vmem>>) dst(%dma_wait3A_60 : memref<128x256xi32, #tpu.memory_space<hbm>>)
        tpu.yield
      }) : () -> ()
      %mul3A_33 = arith.constant 2 : i32
      %mul3A_34 = arith.muli %mul3A_33, %scan3A_15 : i32
      %add3A_35 = arith.constant 1 : i32
      %add3A_36 = arith.addi %mul3A_34, %add3A_35 : i32
      %add3A_37 = arith.constant 1 : i32
      %add3A_38 = arith.addi %add3A_36, %add3A_37 : i32
      %lt3A_39 = arith.constant 50 : i32
      %lt3A_40 = arith.cmpi slt, %add3A_38, %lt3A_39 : i32
      %convert_element_type3A_41 = arith.extui %lt3A_40 : i1 to i32
      %cond3A_42 = arith.constant 0 : i32
      %cond3A_43 = arith.cmpi ne, %convert_element_type3A_41, %cond3A_42 : i32
      scf.if %cond3A_43 {
        %add3A_53 = arith.constant 1 : i32
        %add3A_54 = arith.addi %add3A_36, %add3A_53 : i32
        %mul3A_55 = arith.constant 128 : i32
        %mul3A_56 = arith.muli %add3A_54, %mul3A_55 : i32
        %dma_start3A_57 = tpu.memref_slice %arg5[%mul3A_56] : memref<6400xi32, #tpu.memory_space<vmem>> -> memref<128xi32, #tpu.memory_space<vmem>>
        %dma_start3A_58 = arith.constant 0 : i32
        %dma_start3A_59 = arith.constant 0 : i32
        %dma_start3A_60 = tpu.memref_slice %arg2[%dma_start3A_58, %dma_start3A_59] : memref<10240x256xi32, #tpu.memory_space<hbm>> -> memref<10240x256xi32, #tpu.memory_space<hbm>>
        tpu.enqueue_indirect_dma source(%dma_start3A_60 : memref<10240x256xi32, #tpu.memory_space<hbm>>) target(%arg6 : memref<128x256xi32, #tpu.memory_space<vmem>>) offsets(%dma_start3A_57 : memref<128xi32, #tpu.memory_space<vmem>>) semaphore(%arg8 : memref<!tpu.dma_semaphore, #tpu.memory_space<semaphore_mem>>)
      } else {
      }
      %mul3A_44 = arith.constant 128 : i32
      %mul3A_45 = arith.muli %add3A_36, %mul3A_44 : i32
      %dma_wait3A_46 = tpu.memref_slice %arg5[%mul3A_45] : memref<6400xi32, #tpu.memory_space<vmem>> -> memref<128xi32, #tpu.memory_space<vmem>>
      %dma_wait3A_47 = arith.constant 0 : i32
      %dma_wait3A_48 = arith.constant 0 : i32
      %dma_wait3A_49 = tpu.memref_slice %arg2[%dma_wait3A_47, %dma_wait3A_48] : memref<10240x256xi32, #tpu.memory_space<hbm>> -> memref<10240x256xi32, #tpu.memory_space<hbm>>
      tpu.wait_indirect_dma semaphore(%arg9 : memref<!tpu.dma_semaphore, #tpu.memory_space<semaphore_mem>>) src(%dma_wait3A_49 : memref<10240x256xi32, #tpu.memory_space<hbm>>) dst(%arg7 : memref<128x256xi32, #tpu.memory_space<vmem>>)
      %mul3A_50 = arith.constant 128 : i32
      %mul3A_51 = arith.muli %add3A_36, %mul3A_50 : i32
      %add3A_52 = arith.addi %mul3A_2, %mul3A_51 : i32
      "tpu.region"() ({
        %run_scoped3A = tpu.sem_alloc : memref<!tpu.dma_semaphore, #tpu.memory_space<semaphore_mem>>
        %dma_start3A_53 = arith.constant 0 : i32
        %dma_start3A_54 = tpu.memref_slice %arg4[%add3A_52, %dma_start3A_53] : memref<204800x256xi32, #tpu.memory_space<hbm>> -> memref<128x256xi32, #tpu.memory_space<hbm>>
        %dma_start3A_55 = arith.constant 0 : i32
        %dma_start3A_56 = tpu.memref_slice %arg4[%add3A_52, %dma_start3A_55] : memref<204800x256xi32, #tpu.memory_space<hbm>> -> memref<128x256xi32, #tpu.memory_space<hbm>>
        tpu.enqueue_dma source(%arg7 : memref<128x256xi32, #tpu.memory_space<vmem>>) target(%dma_start3A_56 : memref<128x256xi32, #tpu.memory_space<hbm>>) target_semaphore(%run_scoped3A : memref<!tpu.dma_semaphore, #tpu.memory_space<semaphore_mem>>)
        %dma_wait3A_57 = arith.constant 0 : i32
        %dma_wait3A_58 = tpu.memref_slice %arg4[%add3A_52, %dma_wait3A_57] : memref<204800x256xi32, #tpu.memory_space<hbm>> -> memref<128x256xi32, #tpu.memory_space<hbm>>
        %dma_wait3A_59 = arith.constant 0 : i32
        %dma_wait3A_60 = tpu.memref_slice %arg4[%add3A_52, %dma_wait3A_59] : memref<204800x256xi32, #tpu.memory_space<hbm>> -> memref<128x256xi32, #tpu.memory_space<hbm>>
        tpu.wait_dma2 semaphore(%run_scoped3A : memref<!tpu.dma_semaphore, #tpu.memory_space<semaphore_mem>>) src(%arg7 : memref<128x256xi32, #tpu.memory_space<vmem>>) dst(%dma_wait3A_60 : memref<128x256xi32, #tpu.memory_space<hbm>>)
        tpu.yield
      }) : () -> ()
    }
    %scan3A_14 = arith.constant 25 : i32
    return
  }
}

module attributes {stable_mosaic.version = 14 : i64} {
  func.func @_knn_node_body(%arg0: i32, %arg1: memref<1024x8xf32, #tpu.memory_space<vmem>>, %arg2: memref<8x128xf32, #tpu.memory_space<vmem>>, %arg3: memref<1x128xf32, #tpu.memory_space<vmem>>, %arg4: memref<8x128xf32, #tpu.memory_space<vmem>>, %arg5: memref<24x1024xi32, #tpu.memory_space<vmem>>, %arg6: memref<1024x128xf32, #tpu.memory_space<vmem>>, %arg7: memref<1024x128xf32, #tpu.memory_space<vmem>>, %arg8: memref<1024x1024xi32, #tpu.memory_space<vmem>>) attributes {dimension_semantics = [#tpu.dimension_semantics<arbitrary>], iteration_bounds = array<i64: 10>, scalar_prefetch = 0 : i64, scratch_operands = 1 : i64, tpu.core_type = #tpu.core_type<tc>, window_params = [{transform_indices = @transform_0, window_bounds = array<i64: 1024, 8>}, {pipeline_mode = #tpu.pipeline_mode<synchronous>, transform_indices = @transform_1, window_bounds = array<i64: 8, 128>}, {pipeline_mode = #tpu.pipeline_mode<synchronous>, transform_indices = @transform_2, window_bounds = array<i64: 1, 128>}, {pipeline_mode = #tpu.pipeline_mode<synchronous>, transform_indices = @transform_3, window_bounds = array<i64: 8, 128>}, {transform_indices = @transform_4, window_bounds = array<i64: 24, 1024>}, {transform_indices = @transform_5, window_bounds = array<i64: 1024, 128>}, {transform_indices = @transform_6, window_bounds = array<i64: 1024, 128>}]} {
    %get3A = arith.constant 0 : index
    %get3A_0 = arith.constant 0 : index
    %get3A_1 = vector.load %arg1[%get3A, %get3A_0] : memref<1024x8xf32, #tpu.memory_space<vmem>>, vector<1024x8xf32>
    %mul3A = arith.mulf %get3A_1, %get3A_1 : vector<1024x8xf32>
    %reduce_sum3A = arith.constant dense<0.000000e+00> : vector<1024xf32>
    %reduce_sum3A_2 = vector.multi_reduction <add>, %mul3A, %reduce_sum3A [1] : vector<1024x8xf32> to vector<1024xf32>
    %broadcast_in_dim3A = vector.shape_cast %reduce_sum3A_2 : vector<1024xf32> to vector<1024x1xf32>
    %dot_general3A = arith.constant dense<0.000000e+00> : vector<1024x1024xf32>
    %dot_general3A_3 = tpu.matmul %get3A_1, %get3A_1, %dot_general3A {dimension_numbers = #tpu.dot_dimension_numbers<[1], [1], [0], [0], [0, 0, 1, 0], [], []>, transpose_lhs_hint = false} : vector<1024x8xf32>, vector<1024x8xf32>, vector<1024x1024xf32> -> vector<1024x1024xf32>
    %iota3A = tpu.iota {dimensions = array<i32: 0>} : vector<1024x1024xi32>
    %mul3A_4 = arith.constant 2.000000e+00 : f32
    %mul3A_5 = vector.broadcast %mul3A_4 : f32 to vector<1024x1024xf32>
    %mul3A_6 = arith.mulf %mul3A_5, %dot_general3A_3 : vector<1024x1024xf32>
    %sub3A = vector.broadcast %broadcast_in_dim3A : vector<1024x1xf32> to vector<1024x1024xf32>
    %sub3A_7 = arith.subf %sub3A, %mul3A_6 : vector<1024x1024xf32>
    %bitcast_convert_type3A = tpu.bitcast %sub3A_7 : vector<1024x1024xf32> -> vector<1024x1024xi32>
    %ge3A = arith.constant 0 : i32
    %ge3A_8 = vector.broadcast %ge3A : i32 to vector<1024x1024xi32>
    %ge3A_9 = arith.cmpi sge, %bitcast_convert_type3A, %ge3A_8 : vector<1024x1024xi32>
    %xor3A = arith.constant 2147483647 : i32
    %xor3A_10 = vector.broadcast %xor3A : i32 to vector<1024x1024xi32>
    %xor3A_11 = arith.xori %bitcast_convert_type3A, %xor3A_10 : vector<1024x1024xi32>
    %select_n3A = arith.select %ge3A_9, %bitcast_convert_type3A, %xor3A_11 : vector<1024x1024xi1>, vector<1024x1024xi32>
    %and3A = arith.constant -1024 : i32
    %and3A_12 = vector.broadcast %and3A : i32 to vector<1024x1024xi32>
    %and3A_13 = arith.andi %select_n3A, %and3A_12 : vector<1024x1024xi32>
    %or3A = arith.ori %and3A_13, %iota3A : vector<1024x1024xi32>
    %lt3A = arith.constant 1000 : i32
    %lt3A_14 = vector.broadcast %lt3A : i32 to vector<1024x1024xi32>
    %lt3A_15 = arith.cmpi slt, %iota3A, %lt3A_14 : vector<1024x1024xi32>
    %jit3A = arith.constant 2147483647 : i32
    %broadcast_in_dim3A_16 = vector.broadcast %jit3A : i32 to vector<1024x1024xi32>
    %select_n3A_17 = arith.select %lt3A_15, %or3A, %broadcast_in_dim3A_16 : vector<1024x1024xi1>, vector<1024x1024xi32>
    %swap3A = arith.constant 0 : index
    %swap3A_18 = arith.constant 0 : index
    %swap3A_19 = vector.load %arg8[%swap3A, %swap3A_18] : memref<1024x1024xi32, #tpu.memory_space<vmem>>, vector<1024x1024xi32>
    tpu.vector_store %arg8[%swap3A, %swap3A_18], %select_n3A_17 {strides = array<i32>} : memref<1024x1024xi32, #tpu.memory_space<vmem>>, vector<1024x1024xi32>,
    %get3A_20 = arith.constant 0 : index
    %get3A_21 = arith.constant 0 : index
    %get3A_22 = vector.load %arg8[%get3A_20, %get3A_21] : memref<1024x1024xi32, #tpu.memory_space<vmem>>, vector<1024x1024xi32>
    %reduce_min3A = arith.constant dense<2147483647> : vector<1024xi32>
    %reduce_min3A_23 = vector.multi_reduction <minsi>, %get3A_22, %reduce_min3A [0] : vector<1024x1024xi32> to vector<1024xi32>
    %broadcast_in_dim3A_24 = vector.shape_cast %reduce_min3A_23 : vector<1024xi32> to vector<1x1024xi32>
    %and3A_25 = arith.constant 1023 : i32
    %and3A_26 = vector.broadcast %and3A_25 : i32 to vector<1x1024xi32>
    %and3A_27 = arith.andi %broadcast_in_dim3A_24, %and3A_26 : vector<1x1024xi32>
    %mul3A_28 = arith.constant 1024 : i32
    %mul3A_29 = arith.muli %arg0, %mul3A_28 : i32
    %add3A = vector.broadcast %mul3A_29 : i32 to vector<1x1024xi32>
    %add3A_30 = arith.addi %and3A_27, %add3A : vector<1x1024xi32>
    %swap3A_31 = arith.constant 0 : index
    %swap3A_32 = arith.constant 0 : index
    %swap3A_33 = vector.load %arg5[%swap3A_31, %swap3A_32] : memref<24x1024xi32, #tpu.memory_space<vmem>>, vector<1x1024xi32>
    tpu.vector_store %arg5[%swap3A_31, %swap3A_32], %add3A_30 {strides = array<i32>} : memref<24x1024xi32, #tpu.memory_space<vmem>>, vector<1x1024xi32>,
    %eq3A = vector.broadcast %and3A_27 : vector<1x1024xi32> to vector<1024x1024xi32>
    %eq3A_34 = arith.cmpi eq, %iota3A, %eq3A : vector<1024x1024xi32>
    %jit3A_35 = arith.constant 2147483647 : i32
    %broadcast_in_dim3A_36 = vector.broadcast %jit3A_35 : i32 to vector<1024x1024xi32>
    %select_n3A_37 = arith.select %eq3A_34, %broadcast_in_dim3A_36, %get3A_22 : vector<1024x1024xi1>, vector<1024x1024xi32>
    %swap3A_38 = arith.constant 0 : index
    %swap3A_39 = arith.constant 0 : index
    %swap3A_40 = vector.load %arg8[%swap3A_38, %swap3A_39] : memref<1024x1024xi32, #tpu.memory_space<vmem>>, vector<1024x1024xi32>
    tpu.vector_store %arg8[%swap3A_38, %swap3A_39], %select_n3A_37 {strides = array<i32>} : memref<1024x1024xi32, #tpu.memory_space<vmem>>, vector<1024x1024xi32>,
    %get3A_41 = arith.constant 0 : index
    %get3A_42 = arith.constant 0 : index
    %get3A_43 = vector.load %arg8[%get3A_41, %get3A_42] : memref<1024x1024xi32, #tpu.memory_space<vmem>>, vector<1024x1024xi32>
    %reduce_min3A_44 = arith.constant dense<2147483647> : vector<1024xi32>
    %reduce_min3A_45 = vector.multi_reduction <minsi>, %get3A_43, %reduce_min3A_44 [0] : vector<1024x1024xi32> to vector<1024xi32>
    %broadcast_in_dim3A_46 = vector.shape_cast %reduce_min3A_45 : vector<1024xi32> to vector<1x1024xi32>
    %and3A_47 = arith.constant 1023 : i32
    %and3A_48 = vector.broadcast %and3A_47 : i32 to vector<1x1024xi32>
    %and3A_49 = arith.andi %broadcast_in_dim3A_46, %and3A_48 : vector<1x1024xi32>
    %mul3A_50 = arith.constant 1024 : i32
    %mul3A_51 = arith.muli %arg0, %mul3A_50 : i32
    %add3A_52 = vector.broadcast %mul3A_51 : i32 to vector<1x1024xi32>
    %add3A_53 = arith.addi %and3A_49, %add3A_52 : vector<1x1024xi32>
    %swap3A_54 = arith.constant 1 : index
    %swap3A_55 = arith.constant 0 : index
    %swap3A_56 = vector.load %arg5[%swap3A_54, %swap3A_55] : memref<24x1024xi32, #tpu.memory_space<vmem>>, vector<1x1024xi32>
    tpu.vector_store %arg5[%swap3A_54, %swap3A_55], %add3A_53 {strides = array<i32>} : memref<24x1024xi32, #tpu.memory_space<vmem>>, vector<1x1024xi32>,
    %eq3A_57 = vector.broadcast %and3A_49 : vector<1x1024xi32> to vector<1024x1024xi32>
    %eq3A_58 = arith.cmpi eq, %iota3A, %eq3A_57 : vector<1024x1024xi32>
    %jit3A_59 = arith.constant 2147483647 : i32
    %broadcast_in_dim3A_60 = vector.broadcast %jit3A_59 : i32 to vector<1024x1024xi32>
    %select_n3A_61 = arith.select %eq3A_58, %broadcast_in_dim3A_60, %get3A_43 : vector<1024x1024xi1>, vector<1024x1024xi32>
    %swap3A_62 = arith.constant 0 : index
    %swap3A_63 = arith.constant 0 : index
    %swap3A_64 = vector.load %arg8[%swap3A_62, %swap3A_63] : memref<1024x1024xi32, #tpu.memory_space<vmem>>, vector<1024x1024xi32>
    tpu.vector_store %arg8[%swap3A_62, %swap3A_63], %select_n3A_61 {strides = array<i32>} : memref<1024x1024xi32, #tpu.memory_space<vmem>>, vector<1024x1024xi32>,
    %get3A_65 = arith.constant 0 : index
    %get3A_66 = arith.constant 0 : index
    %get3A_67 = vector.load %arg8[%get3A_65, %get3A_66] : memref<1024x1024xi32, #tpu.memory_space<vmem>>, vector<1024x1024xi32>
    %reduce_min3A_68 = arith.constant dense<2147483647> : vector<1024xi32>
    %reduce_min3A_69 = vector.multi_reduction <minsi>, %get3A_67, %reduce_min3A_68 [0] : vector<1024x1024xi32> to vector<1024xi32>
    %broadcast_in_dim3A_70 = vector.shape_cast %reduce_min3A_69 : vector<1024xi32> to vector<1x1024xi32>
    %and3A_71 = arith.constant 1023 : i32
    %and3A_72 = vector.broadcast %and3A_71 : i32 to vector<1x1024xi32>
    %and3A_73 = arith.andi %broadcast_in_dim3A_70, %and3A_72 : vector<1x1024xi32>
    %mul3A_74 = arith.constant 1024 : i32
    %mul3A_75 = arith.muli %arg0, %mul3A_74 : i32
    %add3A_76 = vector.broadcast %mul3A_75 : i32 to vector<1x1024xi32>
    %add3A_77 = arith.addi %and3A_73, %add3A_76 : vector<1x1024xi32>
    %swap3A_78 = arith.constant 2 : index
    %swap3A_79 = arith.constant 0 : index
    %swap3A_80 = vector.load %arg5[%swap3A_78, %swap3A_79] : memref<24x1024xi32, #tpu.memory_space<vmem>>, vector<1x1024xi32>
    tpu.vector_store %arg5[%swap3A_78, %swap3A_79], %add3A_77 {strides = array<i32>} : memref<24x1024xi32, #tpu.memory_space<vmem>>, vector<1x1024xi32>,
    %eq3A_81 = vector.broadcast %and3A_73 : vector<1x1024xi32> to vector<1024x1024xi32>
    %eq3A_82 = arith.cmpi eq, %iota3A, %eq3A_81 : vector<1024x1024xi32>
    %jit3A_83 = arith.constant 2147483647 : i32
    %broadcast_in_dim3A_84 = vector.broadcast %jit3A_83 : i32 to vector<1024x1024xi32>
    %select_n3A_85 = arith.select %eq3A_82, %broadcast_in_dim3A_84, %get3A_67 : vector<1024x1024xi1>, vector<1024x1024xi32>
    %swap3A_86 = arith.constant 0 : index
    %swap3A_87 = arith.constant 0 : index
    %swap3A_88 = vector.load %arg8[%swap3A_86, %swap3A_87] : memref<1024x1024xi32, #tpu.memory_space<vmem>>, vector<1024x1024xi32>
    tpu.vector_store %arg8[%swap3A_86, %swap3A_87], %select_n3A_85 {strides = array<i32>} : memref<1024x1024xi32, #tpu.memory_space<vmem>>, vector<1024x1024xi32>,
    %get3A_89 = arith.constant 0 : index
    %get3A_90 = arith.constant 0 : index
    %get3A_91 = vector.load %arg8[%get3A_89, %get3A_90] : memref<1024x1024xi32, #tpu.memory_space<vmem>>, vector<1024x1024xi32>
    %reduce_min3A_92 = arith.constant dense<2147483647> : vector<1024xi32>
    %reduce_min3A_93 = vector.multi_reduction <minsi>, %get3A_91, %reduce_min3A_92 [0] : vector<1024x1024xi32> to vector<1024xi32>
    %broadcast_in_dim3A_94 = vector.shape_cast %reduce_min3A_93 : vector<1024xi32> to vector<1x1024xi32>
    %and3A_95 = arith.constant 1023 : i32
    %and3A_96 = vector.broadcast %and3A_95 : i32 to vector<1x1024xi32>
    %and3A_97 = arith.andi %broadcast_in_dim3A_94, %and3A_96 : vector<1x1024xi32>
    %mul3A_98 = arith.constant 1024 : i32
    %mul3A_99 = arith.muli %arg0, %mul3A_98 : i32
    %add3A_100 = vector.broadcast %mul3A_99 : i32 to vector<1x1024xi32>
    %add3A_101 = arith.addi %and3A_97, %add3A_100 : vector<1x1024xi32>
    %swap3A_102 = arith.constant 3 : index
    %swap3A_103 = arith.constant 0 : index
    %swap3A_104 = vector.load %arg5[%swap3A_102, %swap3A_103] : memref<24x1024xi32, #tpu.memory_space<vmem>>, vector<1x1024xi32>
    tpu.vector_store %arg5[%swap3A_102, %swap3A_103], %add3A_101 {strides = array<i32>} : memref<24x1024xi32, #tpu.memory_space<vmem>>, vector<1x1024xi32>,
    %eq3A_105 = vector.broadcast %and3A_97 : vector<1x1024xi32> to vector<1024x1024xi32>
    %eq3A_106 = arith.cmpi eq, %iota3A, %eq3A_105 : vector<1024x1024xi32>
    %jit3A_107 = arith.constant 2147483647 : i32
    %broadcast_in_dim3A_108 = vector.broadcast %jit3A_107 : i32 to vector<1024x1024xi32>
    %select_n3A_109 = arith.select %eq3A_106, %broadcast_in_dim3A_108, %get3A_91 : vector<1024x1024xi1>, vector<1024x1024xi32>
    %swap3A_110 = arith.constant 0 : index
    %swap3A_111 = arith.constant 0 : index
    %swap3A_112 = vector.load %arg8[%swap3A_110, %swap3A_111] : memref<1024x1024xi32, #tpu.memory_space<vmem>>, vector<1024x1024xi32>
    tpu.vector_store %arg8[%swap3A_110, %swap3A_111], %select_n3A_109 {strides = array<i32>} : memref<1024x1024xi32, #tpu.memory_space<vmem>>, vector<1024x1024xi32>,
    %get3A_113 = arith.constant 0 : index
    %get3A_114 = arith.constant 0 : index
    %get3A_115 = vector.load %arg8[%get3A_113, %get3A_114] : memref<1024x1024xi32, #tpu.memory_space<vmem>>, vector<1024x1024xi32>
    %reduce_min3A_116 = arith.constant dense<2147483647> : vector<1024xi32>
    %reduce_min3A_117 = vector.multi_reduction <minsi>, %get3A_115, %reduce_min3A_116 [0] : vector<1024x1024xi32> to vector<1024xi32>
    %broadcast_in_dim3A_118 = vector.shape_cast %reduce_min3A_117 : vector<1024xi32> to vector<1x1024xi32>
    %and3A_119 = arith.constant 1023 : i32
    %and3A_120 = vector.broadcast %and3A_119 : i32 to vector<1x1024xi32>
    %and3A_121 = arith.andi %broadcast_in_dim3A_118, %and3A_120 : vector<1x1024xi32>
    %mul3A_122 = arith.constant 1024 : i32
    %mul3A_123 = arith.muli %arg0, %mul3A_122 : i32
    %add3A_124 = vector.broadcast %mul3A_123 : i32 to vector<1x1024xi32>
    %add3A_125 = arith.addi %and3A_121, %add3A_124 : vector<1x1024xi32>
    %swap3A_126 = arith.constant 4 : index
    %swap3A_127 = arith.constant 0 : index
    %swap3A_128 = vector.load %arg5[%swap3A_126, %swap3A_127] : memref<24x1024xi32, #tpu.memory_space<vmem>>, vector<1x1024xi32>
    tpu.vector_store %arg5[%swap3A_126, %swap3A_127], %add3A_125 {strides = array<i32>} : memref<24x1024xi32, #tpu.memory_space<vmem>>, vector<1x1024xi32>,
    %eq3A_129 = vector.broadcast %and3A_121 : vector<1x1024xi32> to vector<1024x1024xi32>
    %eq3A_130 = arith.cmpi eq, %iota3A, %eq3A_129 : vector<1024x1024xi32>
    %jit3A_131 = arith.constant 2147483647 : i32
    %broadcast_in_dim3A_132 = vector.broadcast %jit3A_131 : i32 to vector<1024x1024xi32>
    %select_n3A_133 = arith.select %eq3A_130, %broadcast_in_dim3A_132, %get3A_115 : vector<1024x1024xi1>, vector<1024x1024xi32>
    %swap3A_134 = arith.constant 0 : index
    %swap3A_135 = arith.constant 0 : index
    %swap3A_136 = vector.load %arg8[%swap3A_134, %swap3A_135] : memref<1024x1024xi32, #tpu.memory_space<vmem>>, vector<1024x1024xi32>
    tpu.vector_store %arg8[%swap3A_134, %swap3A_135], %select_n3A_133 {strides = array<i32>} : memref<1024x1024xi32, #tpu.memory_space<vmem>>, vector<1024x1024xi32>,
    %get3A_137 = arith.constant 0 : index
    %get3A_138 = arith.constant 0 : index
    %get3A_139 = vector.load %arg8[%get3A_137, %get3A_138] : memref<1024x1024xi32, #tpu.memory_space<vmem>>, vector<1024x1024xi32>
    %reduce_min3A_140 = arith.constant dense<2147483647> : vector<1024xi32>
    %reduce_min3A_141 = vector.multi_reduction <minsi>, %get3A_139, %reduce_min3A_140 [0] : vector<1024x1024xi32> to vector<1024xi32>
    %broadcast_in_dim3A_142 = vector.shape_cast %reduce_min3A_141 : vector<1024xi32> to vector<1x1024xi32>
    %and3A_143 = arith.constant 1023 : i32
    %and3A_144 = vector.broadcast %and3A_143 : i32 to vector<1x1024xi32>
    %and3A_145 = arith.andi %broadcast_in_dim3A_142, %and3A_144 : vector<1x1024xi32>
    %mul3A_146 = arith.constant 1024 : i32
    %mul3A_147 = arith.muli %arg0, %mul3A_146 : i32
    %add3A_148 = vector.broadcast %mul3A_147 : i32 to vector<1x1024xi32>
    %add3A_149 = arith.addi %and3A_145, %add3A_148 : vector<1x1024xi32>
    %swap3A_150 = arith.constant 5 : index
    %swap3A_151 = arith.constant 0 : index
    %swap3A_152 = vector.load %arg5[%swap3A_150, %swap3A_151] : memref<24x1024xi32, #tpu.memory_space<vmem>>, vector<1x1024xi32>
    tpu.vector_store %arg5[%swap3A_150, %swap3A_151], %add3A_149 {strides = array<i32>} : memref<24x1024xi32, #tpu.memory_space<vmem>>, vector<1x1024xi32>,
    %eq3A_153 = vector.broadcast %and3A_145 : vector<1x1024xi32> to vector<1024x1024xi32>
    %eq3A_154 = arith.cmpi eq, %iota3A, %eq3A_153 : vector<1024x1024xi32>
    %jit3A_155 = arith.constant 2147483647 : i32
    %broadcast_in_dim3A_156 = vector.broadcast %jit3A_155 : i32 to vector<1024x1024xi32>
    %select_n3A_157 = arith.select %eq3A_154, %broadcast_in_dim3A_156, %get3A_139 : vector<1024x1024xi1>, vector<1024x1024xi32>
    %swap3A_158 = arith.constant 0 : index
    %swap3A_159 = arith.constant 0 : index
    %swap3A_160 = vector.load %arg8[%swap3A_158, %swap3A_159] : memref<1024x1024xi32, #tpu.memory_space<vmem>>, vector<1024x1024xi32>
    tpu.vector_store %arg8[%swap3A_158, %swap3A_159], %select_n3A_157 {strides = array<i32>} : memref<1024x1024xi32, #tpu.memory_space<vmem>>, vector<1024x1024xi32>,
    %get3A_161 = arith.constant 0 : index
    %get3A_162 = arith.constant 0 : index
    %get3A_163 = vector.load %arg8[%get3A_161, %get3A_162] : memref<1024x1024xi32, #tpu.memory_space<vmem>>, vector<1024x1024xi32>
    %reduce_min3A_164 = arith.constant dense<2147483647> : vector<1024xi32>
    %reduce_min3A_165 = vector.multi_reduction <minsi>, %get3A_163, %reduce_min3A_164 [0] : vector<1024x1024xi32> to vector<1024xi32>
    %broadcast_in_dim3A_166 = vector.shape_cast %reduce_min3A_165 : vector<1024xi32> to vector<1x1024xi32>
    %and3A_167 = arith.constant 1023 : i32
    %and3A_168 = vector.broadcast %and3A_167 : i32 to vector<1x1024xi32>
    %and3A_169 = arith.andi %broadcast_in_dim3A_166, %and3A_168 : vector<1x1024xi32>
    %mul3A_170 = arith.constant 1024 : i32
    %mul3A_171 = arith.muli %arg0, %mul3A_170 : i32
    %add3A_172 = vector.broadcast %mul3A_171 : i32 to vector<1x1024xi32>
    %add3A_173 = arith.addi %and3A_169, %add3A_172 : vector<1x1024xi32>
    %swap3A_174 = arith.constant 6 : index
    %swap3A_175 = arith.constant 0 : index
    %swap3A_176 = vector.load %arg5[%swap3A_174, %swap3A_175] : memref<24x1024xi32, #tpu.memory_space<vmem>>, vector<1x1024xi32>
    tpu.vector_store %arg5[%swap3A_174, %swap3A_175], %add3A_173 {strides = array<i32>} : memref<24x1024xi32, #tpu.memory_space<vmem>>, vector<1x1024xi32>,
    %eq3A_177 = vector.broadcast %and3A_169 : vector<1x1024xi32> to vector<1024x1024xi32>
    %eq3A_178 = arith.cmpi eq, %iota3A, %eq3A_177 : vector<1024x1024xi32>
    %jit3A_179 = arith.constant 2147483647 : i32
    %broadcast_in_dim3A_180 = vector.broadcast %jit3A_179 : i32 to vector<1024x1024xi32>
    %select_n3A_181 = arith.select %eq3A_178, %broadcast_in_dim3A_180, %get3A_163 : vector<1024x1024xi1>, vector<1024x1024xi32>
    %swap3A_182 = arith.constant 0 : index
    %swap3A_183 = arith.constant 0 : index
    %swap3A_184 = vector.load %arg8[%swap3A_182, %swap3A_183] : memref<1024x1024xi32, #tpu.memory_space<vmem>>, vector<1024x1024xi32>
    tpu.vector_store %arg8[%swap3A_182, %swap3A_183], %select_n3A_181 {strides = array<i32>} : memref<1024x1024xi32, #tpu.memory_space<vmem>>, vector<1024x1024xi32>,
    %get3A_185 = arith.constant 0 : index
    %get3A_186 = arith.constant 0 : index
    %get3A_187 = vector.load %arg8[%get3A_185, %get3A_186] : memref<1024x1024xi32, #tpu.memory_space<vmem>>, vector<1024x1024xi32>
    %reduce_min3A_188 = arith.constant dense<2147483647> : vector<1024xi32>
    %reduce_min3A_189 = vector.multi_reduction <minsi>, %get3A_187, %reduce_min3A_188 [0] : vector<1024x1024xi32> to vector<1024xi32>
    %broadcast_in_dim3A_190 = vector.shape_cast %reduce_min3A_189 : vector<1024xi32> to vector<1x1024xi32>
    %and3A_191 = arith.constant 1023 : i32
    %and3A_192 = vector.broadcast %and3A_191 : i32 to vector<1x1024xi32>
    %and3A_193 = arith.andi %broadcast_in_dim3A_190, %and3A_192 : vector<1x1024xi32>
    %mul3A_194 = arith.constant 1024 : i32
    %mul3A_195 = arith.muli %arg0, %mul3A_194 : i32
    %add3A_196 = vector.broadcast %mul3A_195 : i32 to vector<1x1024xi32>
    %add3A_197 = arith.addi %and3A_193, %add3A_196 : vector<1x1024xi32>
    %swap3A_198 = arith.constant 7 : index
    %swap3A_199 = arith.constant 0 : index
    %swap3A_200 = vector.load %arg5[%swap3A_198, %swap3A_199] : memref<24x1024xi32, #tpu.memory_space<vmem>>, vector<1x1024xi32>
    tpu.vector_store %arg5[%swap3A_198, %swap3A_199], %add3A_197 {strides = array<i32>} : memref<24x1024xi32, #tpu.memory_space<vmem>>, vector<1x1024xi32>,
    %eq3A_201 = vector.broadcast %and3A_193 : vector<1x1024xi32> to vector<1024x1024xi32>
    %eq3A_202 = arith.cmpi eq, %iota3A, %eq3A_201 : vector<1024x1024xi32>
    %jit3A_203 = arith.constant 2147483647 : i32
    %broadcast_in_dim3A_204 = vector.broadcast %jit3A_203 : i32 to vector<1024x1024xi32>
    %select_n3A_205 = arith.select %eq3A_202, %broadcast_in_dim3A_204, %get3A_187 : vector<1024x1024xi1>, vector<1024x1024xi32>
    %swap3A_206 = arith.constant 0 : index
    %swap3A_207 = arith.constant 0 : index
    %swap3A_208 = vector.load %arg8[%swap3A_206, %swap3A_207] : memref<1024x1024xi32, #tpu.memory_space<vmem>>, vector<1024x1024xi32>
    tpu.vector_store %arg8[%swap3A_206, %swap3A_207], %select_n3A_205 {strides = array<i32>} : memref<1024x1024xi32, #tpu.memory_space<vmem>>, vector<1024x1024xi32>,
    %get3A_209 = arith.constant 0 : index
    %get3A_210 = arith.constant 0 : index
    %get3A_211 = vector.load %arg8[%get3A_209, %get3A_210] : memref<1024x1024xi32, #tpu.memory_space<vmem>>, vector<1024x1024xi32>
    %reduce_min3A_212 = arith.constant dense<2147483647> : vector<1024xi32>
    %reduce_min3A_213 = vector.multi_reduction <minsi>, %get3A_211, %reduce_min3A_212 [0] : vector<1024x1024xi32> to vector<1024xi32>
    %broadcast_in_dim3A_214 = vector.shape_cast %reduce_min3A_213 : vector<1024xi32> to vector<1x1024xi32>
    %and3A_215 = arith.constant 1023 : i32
    %and3A_216 = vector.broadcast %and3A_215 : i32 to vector<1x1024xi32>
    %and3A_217 = arith.andi %broadcast_in_dim3A_214, %and3A_216 : vector<1x1024xi32>
    %mul3A_218 = arith.constant 1024 : i32
    %mul3A_219 = arith.muli %arg0, %mul3A_218 : i32
    %add3A_220 = vector.broadcast %mul3A_219 : i32 to vector<1x1024xi32>
    %add3A_221 = arith.addi %and3A_217, %add3A_220 : vector<1x1024xi32>
    %swap3A_222 = arith.constant 8 : index
    %swap3A_223 = arith.constant 0 : index
    %swap3A_224 = vector.load %arg5[%swap3A_222, %swap3A_223] : memref<24x1024xi32, #tpu.memory_space<vmem>>, vector<1x1024xi32>
    tpu.vector_store %arg5[%swap3A_222, %swap3A_223], %add3A_221 {strides = array<i32>} : memref<24x1024xi32, #tpu.memory_space<vmem>>, vector<1x1024xi32>,
    %eq3A_225 = vector.broadcast %and3A_217 : vector<1x1024xi32> to vector<1024x1024xi32>
    %eq3A_226 = arith.cmpi eq, %iota3A, %eq3A_225 : vector<1024x1024xi32>
    %jit3A_227 = arith.constant 2147483647 : i32
    %broadcast_in_dim3A_228 = vector.broadcast %jit3A_227 : i32 to vector<1024x1024xi32>
    %select_n3A_229 = arith.select %eq3A_226, %broadcast_in_dim3A_228, %get3A_211 : vector<1024x1024xi1>, vector<1024x1024xi32>
    %swap3A_230 = arith.constant 0 : index
    %swap3A_231 = arith.constant 0 : index
    %swap3A_232 = vector.load %arg8[%swap3A_230, %swap3A_231] : memref<1024x1024xi32, #tpu.memory_space<vmem>>, vector<1024x1024xi32>
    tpu.vector_store %arg8[%swap3A_230, %swap3A_231], %select_n3A_229 {strides = array<i32>} : memref<1024x1024xi32, #tpu.memory_space<vmem>>, vector<1024x1024xi32>,
    %get3A_233 = arith.constant 0 : index
    %get3A_234 = arith.constant 0 : index
    %get3A_235 = vector.load %arg8[%get3A_233, %get3A_234] : memref<1024x1024xi32, #tpu.memory_space<vmem>>, vector<1024x1024xi32>
    %reduce_min3A_236 = arith.constant dense<2147483647> : vector<1024xi32>
    %reduce_min3A_237 = vector.multi_reduction <minsi>, %get3A_235, %reduce_min3A_236 [0] : vector<1024x1024xi32> to vector<1024xi32>
    %broadcast_in_dim3A_238 = vector.shape_cast %reduce_min3A_237 : vector<1024xi32> to vector<1x1024xi32>
    %and3A_239 = arith.constant 1023 : i32
    %and3A_240 = vector.broadcast %and3A_239 : i32 to vector<1x1024xi32>
    %and3A_241 = arith.andi %broadcast_in_dim3A_238, %and3A_240 : vector<1x1024xi32>
    %mul3A_242 = arith.constant 1024 : i32
    %mul3A_243 = arith.muli %arg0, %mul3A_242 : i32
    %add3A_244 = vector.broadcast %mul3A_243 : i32 to vector<1x1024xi32>
    %add3A_245 = arith.addi %and3A_241, %add3A_244 : vector<1x1024xi32>
    %swap3A_246 = arith.constant 9 : index
    %swap3A_247 = arith.constant 0 : index
    %swap3A_248 = vector.load %arg5[%swap3A_246, %swap3A_247] : memref<24x1024xi32, #tpu.memory_space<vmem>>, vector<1x1024xi32>
    tpu.vector_store %arg5[%swap3A_246, %swap3A_247], %add3A_245 {strides = array<i32>} : memref<24x1024xi32, #tpu.memory_space<vmem>>, vector<1x1024xi32>,
    %eq3A_249 = vector.broadcast %and3A_241 : vector<1x1024xi32> to vector<1024x1024xi32>
    %eq3A_250 = arith.cmpi eq, %iota3A, %eq3A_249 : vector<1024x1024xi32>
    %jit3A_251 = arith.constant 2147483647 : i32
    %broadcast_in_dim3A_252 = vector.broadcast %jit3A_251 : i32 to vector<1024x1024xi32>
    %select_n3A_253 = arith.select %eq3A_250, %broadcast_in_dim3A_252, %get3A_235 : vector<1024x1024xi1>, vector<1024x1024xi32>
    %swap3A_254 = arith.constant 0 : index
    %swap3A_255 = arith.constant 0 : index
    %swap3A_256 = vector.load %arg8[%swap3A_254, %swap3A_255] : memref<1024x1024xi32, #tpu.memory_space<vmem>>, vector<1024x1024xi32>
    tpu.vector_store %arg8[%swap3A_254, %swap3A_255], %select_n3A_253 {strides = array<i32>} : memref<1024x1024xi32, #tpu.memory_space<vmem>>, vector<1024x1024xi32>,
    %get3A_257 = arith.constant 0 : index
    %get3A_258 = arith.constant 0 : index
    %get3A_259 = vector.load %arg8[%get3A_257, %get3A_258] : memref<1024x1024xi32, #tpu.memory_space<vmem>>, vector<1024x1024xi32>
    %reduce_min3A_260 = arith.constant dense<2147483647> : vector<1024xi32>
    %reduce_min3A_261 = vector.multi_reduction <minsi>, %get3A_259, %reduce_min3A_260 [0] : vector<1024x1024xi32> to vector<1024xi32>
    %broadcast_in_dim3A_262 = vector.shape_cast %reduce_min3A_261 : vector<1024xi32> to vector<1x1024xi32>
    %and3A_263 = arith.constant 1023 : i32
    %and3A_264 = vector.broadcast %and3A_263 : i32 to vector<1x1024xi32>
    %and3A_265 = arith.andi %broadcast_in_dim3A_262, %and3A_264 : vector<1x1024xi32>
    %mul3A_266 = arith.constant 1024 : i32
    %mul3A_267 = arith.muli %arg0, %mul3A_266 : i32
    %add3A_268 = vector.broadcast %mul3A_267 : i32 to vector<1x1024xi32>
    %add3A_269 = arith.addi %and3A_265, %add3A_268 : vector<1x1024xi32>
    %swap3A_270 = arith.constant 10 : index
    %swap3A_271 = arith.constant 0 : index
    %swap3A_272 = vector.load %arg5[%swap3A_270, %swap3A_271] : memref<24x1024xi32, #tpu.memory_space<vmem>>, vector<1x1024xi32>
    tpu.vector_store %arg5[%swap3A_270, %swap3A_271], %add3A_269 {strides = array<i32>} : memref<24x1024xi32, #tpu.memory_space<vmem>>, vector<1x1024xi32>,
    %eq3A_273 = vector.broadcast %and3A_265 : vector<1x1024xi32> to vector<1024x1024xi32>
    %eq3A_274 = arith.cmpi eq, %iota3A, %eq3A_273 : vector<1024x1024xi32>
    %jit3A_275 = arith.constant 2147483647 : i32
    %broadcast_in_dim3A_276 = vector.broadcast %jit3A_275 : i32 to vector<1024x1024xi32>
    %select_n3A_277 = arith.select %eq3A_274, %broadcast_in_dim3A_276, %get3A_259 : vector<1024x1024xi1>, vector<1024x1024xi32>
    %swap3A_278 = arith.constant 0 : index
    %swap3A_279 = arith.constant 0 : index
    %swap3A_280 = vector.load %arg8[%swap3A_278, %swap3A_279] : memref<1024x1024xi32, #tpu.memory_space<vmem>>, vector<1024x1024xi32>
    tpu.vector_store %arg8[%swap3A_278, %swap3A_279], %select_n3A_277 {strides = array<i32>} : memref<1024x1024xi32, #tpu.memory_space<vmem>>, vector<1024x1024xi32>,
    %get3A_281 = arith.constant 0 : index
    %get3A_282 = arith.constant 0 : index
    %get3A_283 = vector.load %arg8[%get3A_281, %get3A_282] : memref<1024x1024xi32, #tpu.memory_space<vmem>>, vector<1024x1024xi32>
    %reduce_min3A_284 = arith.constant dense<2147483647> : vector<1024xi32>
    %reduce_min3A_285 = vector.multi_reduction <minsi>, %get3A_283, %reduce_min3A_284 [0] : vector<1024x1024xi32> to vector<1024xi32>
    %broadcast_in_dim3A_286 = vector.shape_cast %reduce_min3A_285 : vector<1024xi32> to vector<1x1024xi32>
    %and3A_287 = arith.constant 1023 : i32
    %and3A_288 = vector.broadcast %and3A_287 : i32 to vector<1x1024xi32>
    %and3A_289 = arith.andi %broadcast_in_dim3A_286, %and3A_288 : vector<1x1024xi32>
    %mul3A_290 = arith.constant 1024 : i32
    %mul3A_291 = arith.muli %arg0, %mul3A_290 : i32
    %add3A_292 = vector.broadcast %mul3A_291 : i32 to vector<1x1024xi32>
    %add3A_293 = arith.addi %and3A_289, %add3A_292 : vector<1x1024xi32>
    %swap3A_294 = arith.constant 11 : index
    %swap3A_295 = arith.constant 0 : index
    %swap3A_296 = vector.load %arg5[%swap3A_294, %swap3A_295] : memref<24x1024xi32, #tpu.memory_space<vmem>>, vector<1x1024xi32>
    tpu.vector_store %arg5[%swap3A_294, %swap3A_295], %add3A_293 {strides = array<i32>} : memref<24x1024xi32, #tpu.memory_space<vmem>>, vector<1x1024xi32>,
    %eq3A_297 = vector.broadcast %and3A_289 : vector<1x1024xi32> to vector<1024x1024xi32>
    %eq3A_298 = arith.cmpi eq, %iota3A, %eq3A_297 : vector<1024x1024xi32>
    %jit3A_299 = arith.constant 2147483647 : i32
    %broadcast_in_dim3A_300 = vector.broadcast %jit3A_299 : i32 to vector<1024x1024xi32>
    %select_n3A_301 = arith.select %eq3A_298, %broadcast_in_dim3A_300, %get3A_283 : vector<1024x1024xi1>, vector<1024x1024xi32>
    %swap3A_302 = arith.constant 0 : index
    %swap3A_303 = arith.constant 0 : index
    %swap3A_304 = vector.load %arg8[%swap3A_302, %swap3A_303] : memref<1024x1024xi32, #tpu.memory_space<vmem>>, vector<1024x1024xi32>
    tpu.vector_store %arg8[%swap3A_302, %swap3A_303], %select_n3A_301 {strides = array<i32>} : memref<1024x1024xi32, #tpu.memory_space<vmem>>, vector<1024x1024xi32>,
    %get3A_305 = arith.constant 0 : index
    %get3A_306 = arith.constant 0 : index
    %get3A_307 = vector.load %arg8[%get3A_305, %get3A_306] : memref<1024x1024xi32, #tpu.memory_space<vmem>>, vector<1024x1024xi32>
    %reduce_min3A_308 = arith.constant dense<2147483647> : vector<1024xi32>
    %reduce_min3A_309 = vector.multi_reduction <minsi>, %get3A_307, %reduce_min3A_308 [0] : vector<1024x1024xi32> to vector<1024xi32>
    %broadcast_in_dim3A_310 = vector.shape_cast %reduce_min3A_309 : vector<1024xi32> to vector<1x1024xi32>
    %and3A_311 = arith.constant 1023 : i32
    %and3A_312 = vector.broadcast %and3A_311 : i32 to vector<1x1024xi32>
    %and3A_313 = arith.andi %broadcast_in_dim3A_310, %and3A_312 : vector<1x1024xi32>
    %mul3A_314 = arith.constant 1024 : i32
    %mul3A_315 = arith.muli %arg0, %mul3A_314 : i32
    %add3A_316 = vector.broadcast %mul3A_315 : i32 to vector<1x1024xi32>
    %add3A_317 = arith.addi %and3A_313, %add3A_316 : vector<1x1024xi32>
    %swap3A_318 = arith.constant 12 : index
    %swap3A_319 = arith.constant 0 : index
    %swap3A_320 = vector.load %arg5[%swap3A_318, %swap3A_319] : memref<24x1024xi32, #tpu.memory_space<vmem>>, vector<1x1024xi32>
    tpu.vector_store %arg5[%swap3A_318, %swap3A_319], %add3A_317 {strides = array<i32>} : memref<24x1024xi32, #tpu.memory_space<vmem>>, vector<1x1024xi32>,
    %eq3A_321 = vector.broadcast %and3A_313 : vector<1x1024xi32> to vector<1024x1024xi32>
    %eq3A_322 = arith.cmpi eq, %iota3A, %eq3A_321 : vector<1024x1024xi32>
    %jit3A_323 = arith.constant 2147483647 : i32
    %broadcast_in_dim3A_324 = vector.broadcast %jit3A_323 : i32 to vector<1024x1024xi32>
    %select_n3A_325 = arith.select %eq3A_322, %broadcast_in_dim3A_324, %get3A_307 : vector<1024x1024xi1>, vector<1024x1024xi32>
    %swap3A_326 = arith.constant 0 : index
    %swap3A_327 = arith.constant 0 : index
    %swap3A_328 = vector.load %arg8[%swap3A_326, %swap3A_327] : memref<1024x1024xi32, #tpu.memory_space<vmem>>, vector<1024x1024xi32>
    tpu.vector_store %arg8[%swap3A_326, %swap3A_327], %select_n3A_325 {strides = array<i32>} : memref<1024x1024xi32, #tpu.memory_space<vmem>>, vector<1024x1024xi32>,
    %get3A_329 = arith.constant 0 : index
    %get3A_330 = arith.constant 0 : index
    %get3A_331 = vector.load %arg8[%get3A_329, %get3A_330] : memref<1024x1024xi32, #tpu.memory_space<vmem>>, vector<1024x1024xi32>
    %reduce_min3A_332 = arith.constant dense<2147483647> : vector<1024xi32>
    %reduce_min3A_333 = vector.multi_reduction <minsi>, %get3A_331, %reduce_min3A_332 [0] : vector<1024x1024xi32> to vector<1024xi32>
    %broadcast_in_dim3A_334 = vector.shape_cast %reduce_min3A_333 : vector<1024xi32> to vector<1x1024xi32>
    %and3A_335 = arith.constant 1023 : i32
    %and3A_336 = vector.broadcast %and3A_335 : i32 to vector<1x1024xi32>
    %and3A_337 = arith.andi %broadcast_in_dim3A_334, %and3A_336 : vector<1x1024xi32>
    %mul3A_338 = arith.constant 1024 : i32
    %mul3A_339 = arith.muli %arg0, %mul3A_338 : i32
    %add3A_340 = vector.broadcast %mul3A_339 : i32 to vector<1x1024xi32>
    %add3A_341 = arith.addi %and3A_337, %add3A_340 : vector<1x1024xi32>
    %swap3A_342 = arith.constant 13 : index
    %swap3A_343 = arith.constant 0 : index
    %swap3A_344 = vector.load %arg5[%swap3A_342, %swap3A_343] : memref<24x1024xi32, #tpu.memory_space<vmem>>, vector<1x1024xi32>
    tpu.vector_store %arg5[%swap3A_342, %swap3A_343], %add3A_341 {strides = array<i32>} : memref<24x1024xi32, #tpu.memory_space<vmem>>, vector<1x1024xi32>,
    %eq3A_345 = vector.broadcast %and3A_337 : vector<1x1024xi32> to vector<1024x1024xi32>
    %eq3A_346 = arith.cmpi eq, %iota3A, %eq3A_345 : vector<1024x1024xi32>
    %jit3A_347 = arith.constant 2147483647 : i32
    %broadcast_in_dim3A_348 = vector.broadcast %jit3A_347 : i32 to vector<1024x1024xi32>
    %select_n3A_349 = arith.select %eq3A_346, %broadcast_in_dim3A_348, %get3A_331 : vector<1024x1024xi1>, vector<1024x1024xi32>
    %swap3A_350 = arith.constant 0 : index
    %swap3A_351 = arith.constant 0 : index
    %swap3A_352 = vector.load %arg8[%swap3A_350, %swap3A_351] : memref<1024x1024xi32, #tpu.memory_space<vmem>>, vector<1024x1024xi32>
    tpu.vector_store %arg8[%swap3A_350, %swap3A_351], %select_n3A_349 {strides = array<i32>} : memref<1024x1024xi32, #tpu.memory_space<vmem>>, vector<1024x1024xi32>,
    %get3A_353 = arith.constant 0 : index
    %get3A_354 = arith.constant 0 : index
    %get3A_355 = vector.load %arg8[%get3A_353, %get3A_354] : memref<1024x1024xi32, #tpu.memory_space<vmem>>, vector<1024x1024xi32>
    %reduce_min3A_356 = arith.constant dense<2147483647> : vector<1024xi32>
    %reduce_min3A_357 = vector.multi_reduction <minsi>, %get3A_355, %reduce_min3A_356 [0] : vector<1024x1024xi32> to vector<1024xi32>
    %broadcast_in_dim3A_358 = vector.shape_cast %reduce_min3A_357 : vector<1024xi32> to vector<1x1024xi32>
    %and3A_359 = arith.constant 1023 : i32
    %and3A_360 = vector.broadcast %and3A_359 : i32 to vector<1x1024xi32>
    %and3A_361 = arith.andi %broadcast_in_dim3A_358, %and3A_360 : vector<1x1024xi32>
    %mul3A_362 = arith.constant 1024 : i32
    %mul3A_363 = arith.muli %arg0, %mul3A_362 : i32
    %add3A_364 = vector.broadcast %mul3A_363 : i32 to vector<1x1024xi32>
    %add3A_365 = arith.addi %and3A_361, %add3A_364 : vector<1x1024xi32>
    %swap3A_366 = arith.constant 14 : index
    %swap3A_367 = arith.constant 0 : index
    %swap3A_368 = vector.load %arg5[%swap3A_366, %swap3A_367] : memref<24x1024xi32, #tpu.memory_space<vmem>>, vector<1x1024xi32>
    tpu.vector_store %arg5[%swap3A_366, %swap3A_367], %add3A_365 {strides = array<i32>} : memref<24x1024xi32, #tpu.memory_space<vmem>>, vector<1x1024xi32>,
    %eq3A_369 = vector.broadcast %and3A_361 : vector<1x1024xi32> to vector<1024x1024xi32>
    %eq3A_370 = arith.cmpi eq, %iota3A, %eq3A_369 : vector<1024x1024xi32>
    %jit3A_371 = arith.constant 2147483647 : i32
    %broadcast_in_dim3A_372 = vector.broadcast %jit3A_371 : i32 to vector<1024x1024xi32>
    %select_n3A_373 = arith.select %eq3A_370, %broadcast_in_dim3A_372, %get3A_355 : vector<1024x1024xi1>, vector<1024x1024xi32>
    %swap3A_374 = arith.constant 0 : index
    %swap3A_375 = arith.constant 0 : index
    %swap3A_376 = vector.load %arg8[%swap3A_374, %swap3A_375] : memref<1024x1024xi32, #tpu.memory_space<vmem>>, vector<1024x1024xi32>
    tpu.vector_store %arg8[%swap3A_374, %swap3A_375], %select_n3A_373 {strides = array<i32>} : memref<1024x1024xi32, #tpu.memory_space<vmem>>, vector<1024x1024xi32>,
    %get3A_377 = arith.constant 0 : index
    %get3A_378 = arith.constant 0 : index
    %get3A_379 = vector.load %arg8[%get3A_377, %get3A_378] : memref<1024x1024xi32, #tpu.memory_space<vmem>>, vector<1024x1024xi32>
    %reduce_min3A_380 = arith.constant dense<2147483647> : vector<1024xi32>
    %reduce_min3A_381 = vector.multi_reduction <minsi>, %get3A_379, %reduce_min3A_380 [0] : vector<1024x1024xi32> to vector<1024xi32>
    %broadcast_in_dim3A_382 = vector.shape_cast %reduce_min3A_381 : vector<1024xi32> to vector<1x1024xi32>
    %and3A_383 = arith.constant 1023 : i32
    %and3A_384 = vector.broadcast %and3A_383 : i32 to vector<1x1024xi32>
    %and3A_385 = arith.andi %broadcast_in_dim3A_382, %and3A_384 : vector<1x1024xi32>
    %mul3A_386 = arith.constant 1024 : i32
    %mul3A_387 = arith.muli %arg0, %mul3A_386 : i32
    %add3A_388 = vector.broadcast %mul3A_387 : i32 to vector<1x1024xi32>
    %add3A_389 = arith.addi %and3A_385, %add3A_388 : vector<1x1024xi32>
    %swap3A_390 = arith.constant 15 : index
    %swap3A_391 = arith.constant 0 : index
    %swap3A_392 = vector.load %arg5[%swap3A_390, %swap3A_391] : memref<24x1024xi32, #tpu.memory_space<vmem>>, vector<1x1024xi32>
    tpu.vector_store %arg5[%swap3A_390, %swap3A_391], %add3A_389 {strides = array<i32>} : memref<24x1024xi32, #tpu.memory_space<vmem>>, vector<1x1024xi32>,
    %eq3A_393 = vector.broadcast %and3A_385 : vector<1x1024xi32> to vector<1024x1024xi32>
    %eq3A_394 = arith.cmpi eq, %iota3A, %eq3A_393 : vector<1024x1024xi32>
    %jit3A_395 = arith.constant 2147483647 : i32
    %broadcast_in_dim3A_396 = vector.broadcast %jit3A_395 : i32 to vector<1024x1024xi32>
    %select_n3A_397 = arith.select %eq3A_394, %broadcast_in_dim3A_396, %get3A_379 : vector<1024x1024xi1>, vector<1024x1024xi32>
    %swap3A_398 = arith.constant 0 : index
    %swap3A_399 = arith.constant 0 : index
    %swap3A_400 = vector.load %arg8[%swap3A_398, %swap3A_399] : memref<1024x1024xi32, #tpu.memory_space<vmem>>, vector<1024x1024xi32>
    tpu.vector_store %arg8[%swap3A_398, %swap3A_399], %select_n3A_397 {strides = array<i32>} : memref<1024x1024xi32, #tpu.memory_space<vmem>>, vector<1024x1024xi32>,
    %get3A_401 = arith.constant 0 : index
    %get3A_402 = arith.constant 0 : index
    %get3A_403 = vector.load %arg8[%get3A_401, %get3A_402] : memref<1024x1024xi32, #tpu.memory_space<vmem>>, vector<1024x1024xi32>
    %reduce_min3A_404 = arith.constant dense<2147483647> : vector<1024xi32>
    %reduce_min3A_405 = vector.multi_reduction <minsi>, %get3A_403, %reduce_min3A_404 [0] : vector<1024x1024xi32> to vector<1024xi32>
    %broadcast_in_dim3A_406 = vector.shape_cast %reduce_min3A_405 : vector<1024xi32> to vector<1x1024xi32>
    %and3A_407 = arith.constant 1023 : i32
    %and3A_408 = vector.broadcast %and3A_407 : i32 to vector<1x1024xi32>
    %and3A_409 = arith.andi %broadcast_in_dim3A_406, %and3A_408 : vector<1x1024xi32>
    %mul3A_410 = arith.constant 1024 : i32
    %mul3A_411 = arith.muli %arg0, %mul3A_410 : i32
    %add3A_412 = vector.broadcast %mul3A_411 : i32 to vector<1x1024xi32>
    %add3A_413 = arith.addi %and3A_409, %add3A_412 : vector<1x1024xi32>
    %swap3A_414 = arith.constant 16 : index
    %swap3A_415 = arith.constant 0 : index
    %swap3A_416 = vector.load %arg5[%swap3A_414, %swap3A_415] : memref<24x1024xi32, #tpu.memory_space<vmem>>, vector<1x1024xi32>
    tpu.vector_store %arg5[%swap3A_414, %swap3A_415], %add3A_413 {strides = array<i32>} : memref<24x1024xi32, #tpu.memory_space<vmem>>, vector<1x1024xi32>,
    %eq3A_417 = vector.broadcast %and3A_409 : vector<1x1024xi32> to vector<1024x1024xi32>
    %eq3A_418 = arith.cmpi eq, %iota3A, %eq3A_417 : vector<1024x1024xi32>
    %jit3A_419 = arith.constant 2147483647 : i32
    %broadcast_in_dim3A_420 = vector.broadcast %jit3A_419 : i32 to vector<1024x1024xi32>
    %select_n3A_421 = arith.select %eq3A_418, %broadcast_in_dim3A_420, %get3A_403 : vector<1024x1024xi1>, vector<1024x1024xi32>
    %swap3A_422 = arith.constant 0 : index
    %swap3A_423 = arith.constant 0 : index
    %swap3A_424 = vector.load %arg8[%swap3A_422, %swap3A_423] : memref<1024x1024xi32, #tpu.memory_space<vmem>>, vector<1024x1024xi32>
    tpu.vector_store %arg8[%swap3A_422, %swap3A_423], %select_n3A_421 {strides = array<i32>} : memref<1024x1024xi32, #tpu.memory_space<vmem>>, vector<1024x1024xi32>,
    %get3A_425 = arith.constant 0 : index
    %get3A_426 = arith.constant 0 : index
    %get3A_427 = vector.load %arg8[%get3A_425, %get3A_426] : memref<1024x1024xi32, #tpu.memory_space<vmem>>, vector<1024x1024xi32>
    %reduce_min3A_428 = arith.constant dense<2147483647> : vector<1024xi32>
    %reduce_min3A_429 = vector.multi_reduction <minsi>, %get3A_427, %reduce_min3A_428 [0] : vector<1024x1024xi32> to vector<1024xi32>
    %broadcast_in_dim3A_430 = vector.shape_cast %reduce_min3A_429 : vector<1024xi32> to vector<1x1024xi32>
    %and3A_431 = arith.constant 1023 : i32
    %and3A_432 = vector.broadcast %and3A_431 : i32 to vector<1x1024xi32>
    %and3A_433 = arith.andi %broadcast_in_dim3A_430, %and3A_432 : vector<1x1024xi32>
    %mul3A_434 = arith.constant 1024 : i32
    %mul3A_435 = arith.muli %arg0, %mul3A_434 : i32
    %add3A_436 = vector.broadcast %mul3A_435 : i32 to vector<1x1024xi32>
    %add3A_437 = arith.addi %and3A_433, %add3A_436 : vector<1x1024xi32>
    %swap3A_438 = arith.constant 17 : index
    %swap3A_439 = arith.constant 0 : index
    %swap3A_440 = vector.load %arg5[%swap3A_438, %swap3A_439] : memref<24x1024xi32, #tpu.memory_space<vmem>>, vector<1x1024xi32>
    tpu.vector_store %arg5[%swap3A_438, %swap3A_439], %add3A_437 {strides = array<i32>} : memref<24x1024xi32, #tpu.memory_space<vmem>>, vector<1x1024xi32>,
    %eq3A_441 = vector.broadcast %and3A_433 : vector<1x1024xi32> to vector<1024x1024xi32>
    %eq3A_442 = arith.cmpi eq, %iota3A, %eq3A_441 : vector<1024x1024xi32>
    %jit3A_443 = arith.constant 2147483647 : i32
    %broadcast_in_dim3A_444 = vector.broadcast %jit3A_443 : i32 to vector<1024x1024xi32>
    %select_n3A_445 = arith.select %eq3A_442, %broadcast_in_dim3A_444, %get3A_427 : vector<1024x1024xi1>, vector<1024x1024xi32>
    %swap3A_446 = arith.constant 0 : index
    %swap3A_447 = arith.constant 0 : index
    %swap3A_448 = vector.load %arg8[%swap3A_446, %swap3A_447] : memref<1024x1024xi32, #tpu.memory_space<vmem>>, vector<1024x1024xi32>
    tpu.vector_store %arg8[%swap3A_446, %swap3A_447], %select_n3A_445 {strides = array<i32>} : memref<1024x1024xi32, #tpu.memory_space<vmem>>, vector<1024x1024xi32>,
    %get3A_449 = arith.constant 0 : index
    %get3A_450 = arith.constant 0 : index
    %get3A_451 = vector.load %arg8[%get3A_449, %get3A_450] : memref<1024x1024xi32, #tpu.memory_space<vmem>>, vector<1024x1024xi32>
    %reduce_min3A_452 = arith.constant dense<2147483647> : vector<1024xi32>
    %reduce_min3A_453 = vector.multi_reduction <minsi>, %get3A_451, %reduce_min3A_452 [0] : vector<1024x1024xi32> to vector<1024xi32>
    %broadcast_in_dim3A_454 = vector.shape_cast %reduce_min3A_453 : vector<1024xi32> to vector<1x1024xi32>
    %and3A_455 = arith.constant 1023 : i32
    %and3A_456 = vector.broadcast %and3A_455 : i32 to vector<1x1024xi32>
    %and3A_457 = arith.andi %broadcast_in_dim3A_454, %and3A_456 : vector<1x1024xi32>
    %mul3A_458 = arith.constant 1024 : i32
    %mul3A_459 = arith.muli %arg0, %mul3A_458 : i32
    %add3A_460 = vector.broadcast %mul3A_459 : i32 to vector<1x1024xi32>
    %add3A_461 = arith.addi %and3A_457, %add3A_460 : vector<1x1024xi32>
    %swap3A_462 = arith.constant 18 : index
    %swap3A_463 = arith.constant 0 : index
    %swap3A_464 = vector.load %arg5[%swap3A_462, %swap3A_463] : memref<24x1024xi32, #tpu.memory_space<vmem>>, vector<1x1024xi32>
    tpu.vector_store %arg5[%swap3A_462, %swap3A_463], %add3A_461 {strides = array<i32>} : memref<24x1024xi32, #tpu.memory_space<vmem>>, vector<1x1024xi32>,
    %eq3A_465 = vector.broadcast %and3A_457 : vector<1x1024xi32> to vector<1024x1024xi32>
    %eq3A_466 = arith.cmpi eq, %iota3A, %eq3A_465 : vector<1024x1024xi32>
    %jit3A_467 = arith.constant 2147483647 : i32
    %broadcast_in_dim3A_468 = vector.broadcast %jit3A_467 : i32 to vector<1024x1024xi32>
    %select_n3A_469 = arith.select %eq3A_466, %broadcast_in_dim3A_468, %get3A_451 : vector<1024x1024xi1>, vector<1024x1024xi32>
    %swap3A_470 = arith.constant 0 : index
    %swap3A_471 = arith.constant 0 : index
    %swap3A_472 = vector.load %arg8[%swap3A_470, %swap3A_471] : memref<1024x1024xi32, #tpu.memory_space<vmem>>, vector<1024x1024xi32>
    tpu.vector_store %arg8[%swap3A_470, %swap3A_471], %select_n3A_469 {strides = array<i32>} : memref<1024x1024xi32, #tpu.memory_space<vmem>>, vector<1024x1024xi32>,
    %get3A_473 = arith.constant 0 : index
    %get3A_474 = arith.constant 0 : index
    %get3A_475 = vector.load %arg8[%get3A_473, %get3A_474] : memref<1024x1024xi32, #tpu.memory_space<vmem>>, vector<1024x1024xi32>
    %reduce_min3A_476 = arith.constant dense<2147483647> : vector<1024xi32>
    %reduce_min3A_477 = vector.multi_reduction <minsi>, %get3A_475, %reduce_min3A_476 [0] : vector<1024x1024xi32> to vector<1024xi32>
    %broadcast_in_dim3A_478 = vector.shape_cast %reduce_min3A_477 : vector<1024xi32> to vector<1x1024xi32>
    %and3A_479 = arith.constant 1023 : i32
    %and3A_480 = vector.broadcast %and3A_479 : i32 to vector<1x1024xi32>
    %and3A_481 = arith.andi %broadcast_in_dim3A_478, %and3A_480 : vector<1x1024xi32>
    %mul3A_482 = arith.constant 1024 : i32
    %mul3A_483 = arith.muli %arg0, %mul3A_482 : i32
    %add3A_484 = vector.broadcast %mul3A_483 : i32 to vector<1x1024xi32>
    %add3A_485 = arith.addi %and3A_481, %add3A_484 : vector<1x1024xi32>
    %swap3A_486 = arith.constant 19 : index
    %swap3A_487 = arith.constant 0 : index
    %swap3A_488 = vector.load %arg5[%swap3A_486, %swap3A_487] : memref<24x1024xi32, #tpu.memory_space<vmem>>, vector<1x1024xi32>
    tpu.vector_store %arg5[%swap3A_486, %swap3A_487], %add3A_485 {strides = array<i32>} : memref<24x1024xi32, #tpu.memory_space<vmem>>, vector<1x1024xi32>,
    %eq3A_489 = vector.broadcast %and3A_481 : vector<1x1024xi32> to vector<1024x1024xi32>
    %eq3A_490 = arith.cmpi eq, %iota3A, %eq3A_489 : vector<1024x1024xi32>
    %jit3A_491 = arith.constant 2147483647 : i32
    %broadcast_in_dim3A_492 = vector.broadcast %jit3A_491 : i32 to vector<1024x1024xi32>
    %select_n3A_493 = arith.select %eq3A_490, %broadcast_in_dim3A_492, %get3A_475 : vector<1024x1024xi1>, vector<1024x1024xi32>
    %swap3A_494 = arith.constant 0 : index
    %swap3A_495 = arith.constant 0 : index
    %swap3A_496 = vector.load %arg8[%swap3A_494, %swap3A_495] : memref<1024x1024xi32, #tpu.memory_space<vmem>>, vector<1024x1024xi32>
    tpu.vector_store %arg8[%swap3A_494, %swap3A_495], %select_n3A_493 {strides = array<i32>} : memref<1024x1024xi32, #tpu.memory_space<vmem>>, vector<1024x1024xi32>,
    %get3A_497 = arith.constant 0 : index
    %get3A_498 = arith.constant 0 : index
    %get3A_499 = vector.load %arg2[%get3A_497, %get3A_498] : memref<8x128xf32, #tpu.memory_space<vmem>>, vector<8x128xf32>
    %dot_general3A_500 = arith.constant dense<0.000000e+00> : vector<1024x128xf32>
    %dot_general3A_501 = tpu.matmul %get3A_1, %get3A_499, %dot_general3A_500 {dimension_numbers = #tpu.dot_dimension_numbers<[1], [0], [0], [1], [0, 0, 1, 1], [], []>, transpose_lhs_hint = false} : vector<1024x8xf32>, vector<8x128xf32>, vector<1024x128xf32> -> vector<1024x128xf32>
    %get3A_502 = arith.constant 0 : index
    %get3A_503 = arith.constant 0 : index
    %get3A_504 = vector.load %arg3[%get3A_502, %get3A_503] : memref<1x128xf32, #tpu.memory_space<vmem>>, vector<1x128xf32>
    %add3A_505 = vector.broadcast %get3A_504 : vector<1x128xf32> to vector<1024x128xf32>
    %add3A_506 = arith.addf %dot_general3A_501, %add3A_505 : vector<1024x128xf32>
    %swap3A_507 = arith.constant 0 : index
    %swap3A_508 = arith.constant 0 : index
    %swap3A_509 = vector.load %arg6[%swap3A_507, %swap3A_508] : memref<1024x128xf32, #tpu.memory_space<vmem>>, vector<1024x128xf32>
    tpu.vector_store %arg6[%swap3A_507, %swap3A_508], %add3A_506 {strides = array<i32>} : memref<1024x128xf32, #tpu.memory_space<vmem>>, vector<1024x128xf32>,
    %get3A_510 = arith.constant 0 : index
    %get3A_511 = arith.constant 0 : index
    %get3A_512 = vector.load %arg4[%get3A_510, %get3A_511] : memref<8x128xf32, #tpu.memory_space<vmem>>, vector<8x128xf32>
    %dot_general3A_513 = arith.constant dense<0.000000e+00> : vector<1024x128xf32>
    %dot_general3A_514 = tpu.matmul %get3A_1, %get3A_512, %dot_general3A_513 {dimension_numbers = #tpu.dot_dimension_numbers<[1], [0], [0], [1], [0, 0, 1, 1], [], []>, transpose_lhs_hint = false} : vector<1024x8xf32>, vector<8x128xf32>, vector<1024x128xf32> -> vector<1024x128xf32>
    %swap3A_515 = arith.constant 0 : index
    %swap3A_516 = arith.constant 0 : index
    %swap3A_517 = vector.load %arg7[%swap3A_515, %swap3A_516] : memref<1024x128xf32, #tpu.memory_space<vmem>>, vector<1024x128xf32>
    tpu.vector_store %arg7[%swap3A_515, %swap3A_516], %dot_general3A_514 {strides = array<i32>} : memref<1024x128xf32, #tpu.memory_space<vmem>>, vector<1024x128xf32>,
    return
  }
  func.func @transform_0(%arg0: i32) -> (i32, i32) {
    %c0_i32 = arith.constant 0 : i32
    %c0_i32_0 = arith.constant 0 : i32
    return %arg0, %c0_i32 : i32, i32
  }
  func.func @transform_1(%arg0: i32) -> (i32, i32) {
    %c0_i32 = arith.constant 0 : i32
    %c0_i32_0 = arith.constant 0 : i32
    %c0_i32_1 = arith.constant 0 : i32
    return %c0_i32, %c0_i32_0 : i32, i32
  }
  func.func @transform_2(%arg0: i32) -> (i32, i32) {
    %c0_i32 = arith.constant 0 : i32
    %c0_i32_0 = arith.constant 0 : i32
    %c0_i32_1 = arith.constant 0 : i32
    return %c0_i32, %c0_i32_0 : i32, i32
  }
  func.func @transform_3(%arg0: i32) -> (i32, i32) {
    %c0_i32 = arith.constant 0 : i32
    %c0_i32_0 = arith.constant 0 : i32
    %c0_i32_1 = arith.constant 0 : i32
    return %c0_i32, %c0_i32_0 : i32, i32
  }
  func.func @transform_4(%arg0: i32) -> (i32, i32) {
    %c0_i32 = arith.constant 0 : i32
    %c0_i32_0 = arith.constant 0 : i32
    return %c0_i32, %arg0 : i32, i32
  }
  func.func @transform_5(%arg0: i32) -> (i32, i32) {
    %c0_i32 = arith.constant 0 : i32
    %c0_i32_0 = arith.constant 0 : i32
    return %arg0, %c0_i32 : i32, i32
  }
  func.func @transform_6(%arg0: i32) -> (i32, i32) {
    %c0_i32 = arith.constant 0 : i32
    %c0_i32_0 = arith.constant 0 : i32
    return %arg0, %c0_i32 : i32, i32
  }
}

module attributes {stable_mosaic.version = 14 : i64} {
  func.func @_edge_body(%arg0: i32, %arg1: i32, %arg2: memref<128x128xf32, #tpu.memory_space<vmem>>, %arg3: memref<20x128x128xf32, #tpu.memory_space<vmem>>, %arg4: memref<128x64xf32, #tpu.memory_space<vmem>>, %arg5: memref<1x64xf32, #tpu.memory_space<vmem>>, %arg6: memref<64x64xf32, #tpu.memory_space<vmem>>, %arg7: memref<1x64xf32, #tpu.memory_space<vmem>>, %arg8: memref<64x64xf32, #tpu.memory_space<vmem>>, %arg9: memref<1x64xf32, #tpu.memory_space<vmem>>, %arg10: memref<128x64xf32, #tpu.memory_space<vmem>>) attributes {dimension_semantics = [#tpu.dimension_semantics<arbitrary>, #tpu.dimension_semantics<arbitrary>], iteration_bounds = array<i64: 10, 8>, scalar_prefetch = 0 : i64, scratch_operands = 0 : i64, tpu.core_type = #tpu.core_type<tc>, window_params = [{transform_indices = @transform_0, window_bounds = array<i64: 128, 128>}, {transform_indices = @transform_1, window_bounds = array<i64: 20, 128, 128>}, {pipeline_mode = #tpu.pipeline_mode<synchronous>, transform_indices = @transform_2, window_bounds = array<i64: 128, 64>}, {pipeline_mode = #tpu.pipeline_mode<synchronous>, transform_indices = @transform_3, window_bounds = array<i64: 1, 64>}, {pipeline_mode = #tpu.pipeline_mode<synchronous>, transform_indices = @transform_4, window_bounds = array<i64: 64, 64>}, {pipeline_mode = #tpu.pipeline_mode<synchronous>, transform_indices = @transform_5, window_bounds = array<i64: 1, 64>}, {pipeline_mode = #tpu.pipeline_mode<synchronous>, transform_indices = @transform_6, window_bounds = array<i64: 64, 64>}, {pipeline_mode = #tpu.pipeline_mode<synchronous>, transform_indices = @transform_7, window_bounds = array<i64: 1, 64>}, {transform_indices = @transform_8, window_bounds = array<i64: 128, 64>}]} {
    %get3A = arith.constant 0 : index
    %get3A_0 = arith.constant 0 : index
    %get3A_1 = vector.load %arg2[%get3A, %get3A_0] : memref<128x128xf32, #tpu.memory_space<vmem>>, vector<128x128xf32>
    %get3A_2 = arith.constant 0 : index
    %get3A_3 = arith.constant 0 : index
    %get3A_4 = arith.constant 0 : index
    %get3A_5 = vector.load %arg3[%get3A_2, %get3A_3, %get3A_4] : memref<20x128x128xf32, #tpu.memory_space<vmem>>, vector<20x128x128xf32>
    %broadcast_in_dim3A = vector.shape_cast %get3A_1 : vector<128x128xf32> to vector<1x128x128xf32>
    %add3A = vector.broadcast %broadcast_in_dim3A : vector<1x128x128xf32> to vector<20x128x128xf32>
    %add3A_6 = arith.addf %get3A_5, %add3A : vector<20x128x128xf32>
    %max3A = arith.constant 0.000000e+00 : f32
    %max3A_7 = vector.broadcast %max3A : f32 to vector<20x128x128xf32>
    %max3A_8 = arith.maximumf %add3A_6, %max3A_7 : vector<20x128x128xf32>
    %reshape3A = vector.shape_cast %max3A_8 : vector<20x128x128xf32> to vector<2560x128xf32>
    %get3A_9 = arith.constant 0 : index
    %get3A_10 = arith.constant 0 : index
    %get3A_11 = vector.load %arg4[%get3A_9, %get3A_10] : memref<128x64xf32, #tpu.memory_space<vmem>>, vector<128x64xf32>
    %dot_general3A = arith.constant dense<0.000000e+00> : vector<2560x64xf32>
    %dot_general3A_12 = tpu.matmul %reshape3A, %get3A_11, %dot_general3A {dimension_numbers = #tpu.dot_dimension_numbers<[1], [0], [0], [1], [0, 0, 1, 1], [], []>, transpose_lhs_hint = false} : vector<2560x128xf32>, vector<128x64xf32>, vector<2560x64xf32> -> vector<2560x64xf32>
    %get3A_13 = arith.constant 0 : index
    %get3A_14 = arith.constant 0 : index
    %get3A_15 = vector.load %arg5[%get3A_13, %get3A_14] : memref<1x64xf32, #tpu.memory_space<vmem>>, vector<1x64xf32>
    %add3A_16 = vector.broadcast %get3A_15 : vector<1x64xf32> to vector<2560x64xf32>
    %add3A_17 = arith.addf %dot_general3A_12, %add3A_16 : vector<2560x64xf32>
    %max3A_18 = arith.constant 0.000000e+00 : f32
    %max3A_19 = vector.broadcast %max3A_18 : f32 to vector<2560x64xf32>
    %max3A_20 = arith.maximumf %add3A_17, %max3A_19 : vector<2560x64xf32>
    %reshape3A_21 = vector.shape_cast %max3A_20 : vector<2560x64xf32> to vector<20x128x64xf32>
    %reduce_max3A = arith.constant dense<0xFF800000> : vector<128x64xf32>
    %reduce_max3A_22 = vector.multi_reduction <maximumf>, %reshape3A_21, %reduce_max3A [0] : vector<20x128x64xf32> to vector<128x64xf32>
    %get3A_23 = arith.constant 0 : index
    %get3A_24 = arith.constant 0 : index
    %get3A_25 = vector.load %arg6[%get3A_23, %get3A_24] : memref<64x64xf32, #tpu.memory_space<vmem>>, vector<64x64xf32>
    %dot_general3A_26 = arith.constant dense<0.000000e+00> : vector<128x64xf32>
    %dot_general3A_27 = tpu.matmul %reduce_max3A_22, %get3A_25, %dot_general3A_26 {dimension_numbers = #tpu.dot_dimension_numbers<[1], [0], [0], [1], [0, 0, 1, 1], [], []>, transpose_lhs_hint = false} : vector<128x64xf32>, vector<64x64xf32>, vector<128x64xf32> -> vector<128x64xf32>
    %get3A_28 = arith.constant 0 : index
    %get3A_29 = arith.constant 0 : index
    %get3A_30 = vector.load %arg7[%get3A_28, %get3A_29] : memref<1x64xf32, #tpu.memory_space<vmem>>, vector<1x64xf32>
    %add3A_31 = vector.broadcast %get3A_30 : vector<1x64xf32> to vector<128x64xf32>
    %add3A_32 = arith.addf %dot_general3A_27, %add3A_31 : vector<128x64xf32>
    %get3A_33 = arith.constant 0 : index
    %get3A_34 = arith.constant 0 : index
    %get3A_35 = vector.load %arg8[%get3A_33, %get3A_34] : memref<64x64xf32, #tpu.memory_space<vmem>>, vector<64x64xf32>
    %dot_general3A_36 = arith.constant dense<0.000000e+00> : vector<128x64xf32>
    %dot_general3A_37 = tpu.matmul %reduce_max3A_22, %get3A_35, %dot_general3A_36 {dimension_numbers = #tpu.dot_dimension_numbers<[1], [0], [0], [1], [0, 0, 1, 1], [], []>, transpose_lhs_hint = false} : vector<128x64xf32>, vector<64x64xf32>, vector<128x64xf32> -> vector<128x64xf32>
    %get3A_38 = arith.constant 0 : index
    %get3A_39 = arith.constant 0 : index
    %get3A_40 = vector.load %arg9[%get3A_38, %get3A_39] : memref<1x64xf32, #tpu.memory_space<vmem>>, vector<1x64xf32>
    %add3A_41 = vector.broadcast %get3A_40 : vector<1x64xf32> to vector<128x64xf32>
    %add3A_42 = arith.addf %dot_general3A_37, %add3A_41 : vector<128x64xf32>
    %mul3A = arith.mulf %add3A_32, %reduce_max3A_22 : vector<128x64xf32>
    %add3A_43 = arith.addf %mul3A, %add3A_42 : vector<128x64xf32>
    %mul3A_44 = arith.constant 128 : i32
    %mul3A_45 = arith.muli %arg1, %mul3A_44 : i32
    %iota3A = tpu.iota {dimensions = array<i32: 0>} : vector<128x1xi32>
    %add3A_46 = vector.broadcast %mul3A_45 : i32 to vector<128x1xi32>
    %add3A_47 = arith.addi %add3A_46, %iota3A : vector<128x1xi32>
    %lt3A = arith.constant 1000 : i32
    %lt3A_48 = vector.broadcast %lt3A : i32 to vector<128x1xi32>
    %lt3A_49 = arith.cmpi slt, %add3A_47, %lt3A_48 : vector<128x1xi32>
    %jit3A = arith.constant 0.000000e+00 : f32
    %broadcast_in_dim3A_50 = vector.shape_cast %lt3A_49 : vector<128x1xi1> to vector<128x1xi1>
    %broadcast_in_dim3A_51 = vector.broadcast %broadcast_in_dim3A_50 : vector<128x1xi1> to vector<128x64xi1>
    %broadcast_in_dim3A_52 = vector.broadcast %jit3A : f32 to vector<128x64xf32>
    %select_n3A = arith.select %broadcast_in_dim3A_51, %add3A_43, %broadcast_in_dim3A_52 : vector<128x64xi1>, vector<128x64xf32>
    %swap3A = arith.constant 0 : index
    %swap3A_53 = arith.constant 0 : index
    %swap3A_54 = vector.load %arg10[%swap3A, %swap3A_53] : memref<128x64xf32, #tpu.memory_space<vmem>>, vector<128x64xf32>
    tpu.vector_store %arg10[%swap3A, %swap3A_53], %select_n3A {strides = array<i32>} : memref<128x64xf32, #tpu.memory_space<vmem>>, vector<128x64xf32>,
    return
  }
  func.func @transform_0(%arg0: i32, %arg1: i32) -> (i32, i32) {
    %mul3A = arith.constant 8 : i32
    %mul3A_0 = arith.muli %arg0, %mul3A : i32
    %add3A = arith.addi %mul3A_0, %arg1 : i32
    %c0_i32 = arith.constant 0 : i32
    %c0_i32_1 = arith.constant 0 : i32
    return %add3A, %c0_i32 : i32, i32
  }
  func.func @transform_1(%arg0: i32, %arg1: i32) -> (i32, i32, i32) {
    %mul3A = arith.constant 8 : i32
    %mul3A_0 = arith.muli %arg0, %mul3A : i32
    %add3A = arith.addi %mul3A_0, %arg1 : i32
    %c0_i32 = arith.constant 0 : i32
    %c0_i32_1 = arith.constant 0 : i32
    %c0_i32_2 = arith.constant 0 : i32
    return %c0_i32, %add3A, %c0_i32_1 : i32, i32, i32
  }
  func.func @transform_2(%arg0: i32, %arg1: i32) -> (i32, i32) {
    %c0_i32 = arith.constant 0 : i32
    %c0_i32_0 = arith.constant 0 : i32
    %c0_i32_1 = arith.constant 0 : i32
    return %c0_i32, %c0_i32_0 : i32, i32
  }
  func.func @transform_3(%arg0: i32, %arg1: i32) -> (i32, i32) {
    %c0_i32 = arith.constant 0 : i32
    %c0_i32_0 = arith.constant 0 : i32
    %c0_i32_1 = arith.constant 0 : i32
    return %c0_i32, %c0_i32_0 : i32, i32
  }
  func.func @transform_4(%arg0: i32, %arg1: i32) -> (i32, i32) {
    %c0_i32 = arith.constant 0 : i32
    %c0_i32_0 = arith.constant 0 : i32
    %c0_i32_1 = arith.constant 0 : i32
    return %c0_i32, %c0_i32_0 : i32, i32
  }
  func.func @transform_5(%arg0: i32, %arg1: i32) -> (i32, i32) {
    %c0_i32 = arith.constant 0 : i32
    %c0_i32_0 = arith.constant 0 : i32
    %c0_i32_1 = arith.constant 0 : i32
    return %c0_i32, %c0_i32_0 : i32, i32
  }
  func.func @transform_6(%arg0: i32, %arg1: i32) -> (i32, i32) {
    %c0_i32 = arith.constant 0 : i32
    %c0_i32_0 = arith.constant 0 : i32
    %c0_i32_1 = arith.constant 0 : i32
    return %c0_i32, %c0_i32_0 : i32, i32
  }
  func.func @transform_7(%arg0: i32, %arg1: i32) -> (i32, i32) {
    %c0_i32 = arith.constant 0 : i32
    %c0_i32_0 = arith.constant 0 : i32
    %c0_i32_1 = arith.constant 0 : i32
    return %c0_i32, %c0_i32_0 : i32, i32
  }
  func.func @transform_8(%arg0: i32, %arg1: i32) -> (i32, i32) {
    %mul3A = arith.constant 8 : i32
    %mul3A_0 = arith.muli %arg0, %mul3A : i32
    %add3A = arith.addi %mul3A_0, %arg1 : i32
    %c0_i32 = arith.constant 0 : i32
    %c0_i32_1 = arith.constant 0 : i32
    return %add3A, %c0_i32 : i32, i32
  }
}

module attributes {stable_mosaic.version = 14 : i64} {
  func.func @_knn_node_body(%arg0: i32, %arg1: memref<1024x64xf32, #tpu.memory_space<vmem>>, %arg2: memref<64x128xf32, #tpu.memory_space<vmem>>, %arg3: memref<1x128xf32, #tpu.memory_space<vmem>>, %arg4: memref<64x128xf32, #tpu.memory_space<vmem>>, %arg5: memref<24x1024xi32, #tpu.memory_space<vmem>>, %arg6: memref<1024x128xf32, #tpu.memory_space<vmem>>, %arg7: memref<1024x128xf32, #tpu.memory_space<vmem>>, %arg8: memref<1024x1024xi32, #tpu.memory_space<vmem>>) attributes {dimension_semantics = [#tpu.dimension_semantics<arbitrary>], iteration_bounds = array<i64: 10>, scalar_prefetch = 0 : i64, scratch_operands = 1 : i64, tpu.core_type = #tpu.core_type<tc>, window_params = [{transform_indices = @transform_0, window_bounds = array<i64: 1024, 64>}, {pipeline_mode = #tpu.pipeline_mode<synchronous>, transform_indices = @transform_1, window_bounds = array<i64: 64, 128>}, {pipeline_mode = #tpu.pipeline_mode<synchronous>, transform_indices = @transform_2, window_bounds = array<i64: 1, 128>}, {pipeline_mode = #tpu.pipeline_mode<synchronous>, transform_indices = @transform_3, window_bounds = array<i64: 64, 128>}, {transform_indices = @transform_4, window_bounds = array<i64: 24, 1024>}, {transform_indices = @transform_5, window_bounds = array<i64: 1024, 128>}, {transform_indices = @transform_6, window_bounds = array<i64: 1024, 128>}]} {
    %get3A = arith.constant 0 : index
    %get3A_0 = arith.constant 0 : index
    %get3A_1 = vector.load %arg1[%get3A, %get3A_0] : memref<1024x64xf32, #tpu.memory_space<vmem>>, vector<1024x64xf32>
    %mul3A = arith.mulf %get3A_1, %get3A_1 : vector<1024x64xf32>
    %reduce_sum3A = arith.constant dense<0.000000e+00> : vector<1024xf32>
    %reduce_sum3A_2 = vector.multi_reduction <add>, %mul3A, %reduce_sum3A [1] : vector<1024x64xf32> to vector<1024xf32>
    %broadcast_in_dim3A = vector.shape_cast %reduce_sum3A_2 : vector<1024xf32> to vector<1024x1xf32>
    %dot_general3A = arith.constant dense<0.000000e+00> : vector<1024x1024xf32>
    %dot_general3A_3 = tpu.matmul %get3A_1, %get3A_1, %dot_general3A {dimension_numbers = #tpu.dot_dimension_numbers<[1], [1], [0], [0], [0, 0, 1, 0], [], []>, transpose_lhs_hint = false} : vector<1024x64xf32>, vector<1024x64xf32>, vector<1024x1024xf32> -> vector<1024x1024xf32>
    %iota3A = tpu.iota {dimensions = array<i32: 0>} : vector<1024x1024xi32>
    %mul3A_4 = arith.constant 2.000000e+00 : f32
    %mul3A_5 = vector.broadcast %mul3A_4 : f32 to vector<1024x1024xf32>
    %mul3A_6 = arith.mulf %mul3A_5, %dot_general3A_3 : vector<1024x1024xf32>
    %sub3A = vector.broadcast %broadcast_in_dim3A : vector<1024x1xf32> to vector<1024x1024xf32>
    %sub3A_7 = arith.subf %sub3A, %mul3A_6 : vector<1024x1024xf32>
    %bitcast_convert_type3A = tpu.bitcast %sub3A_7 : vector<1024x1024xf32> -> vector<1024x1024xi32>
    %ge3A = arith.constant 0 : i32
    %ge3A_8 = vector.broadcast %ge3A : i32 to vector<1024x1024xi32>
    %ge3A_9 = arith.cmpi sge, %bitcast_convert_type3A, %ge3A_8 : vector<1024x1024xi32>
    %xor3A = arith.constant 2147483647 : i32
    %xor3A_10 = vector.broadcast %xor3A : i32 to vector<1024x1024xi32>
    %xor3A_11 = arith.xori %bitcast_convert_type3A, %xor3A_10 : vector<1024x1024xi32>
    %select_n3A = arith.select %ge3A_9, %bitcast_convert_type3A, %xor3A_11 : vector<1024x1024xi1>, vector<1024x1024xi32>
    %and3A = arith.constant -1024 : i32
    %and3A_12 = vector.broadcast %and3A : i32 to vector<1024x1024xi32>
    %and3A_13 = arith.andi %select_n3A, %and3A_12 : vector<1024x1024xi32>
    %or3A = arith.ori %and3A_13, %iota3A : vector<1024x1024xi32>
    %lt3A = arith.constant 1000 : i32
    %lt3A_14 = vector.broadcast %lt3A : i32 to vector<1024x1024xi32>
    %lt3A_15 = arith.cmpi slt, %iota3A, %lt3A_14 : vector<1024x1024xi32>
    %jit3A = arith.constant 2147483647 : i32
    %broadcast_in_dim3A_16 = vector.broadcast %jit3A : i32 to vector<1024x1024xi32>
    %select_n3A_17 = arith.select %lt3A_15, %or3A, %broadcast_in_dim3A_16 : vector<1024x1024xi1>, vector<1024x1024xi32>
    %swap3A = arith.constant 0 : index
    %swap3A_18 = arith.constant 0 : index
    %swap3A_19 = vector.load %arg8[%swap3A, %swap3A_18] : memref<1024x1024xi32, #tpu.memory_space<vmem>>, vector<1024x1024xi32>
    tpu.vector_store %arg8[%swap3A, %swap3A_18], %select_n3A_17 {strides = array<i32>} : memref<1024x1024xi32, #tpu.memory_space<vmem>>, vector<1024x1024xi32>,
    %get3A_20 = arith.constant 0 : index
    %get3A_21 = arith.constant 0 : index
    %get3A_22 = vector.load %arg8[%get3A_20, %get3A_21] : memref<1024x1024xi32, #tpu.memory_space<vmem>>, vector<1024x1024xi32>
    %reduce_min3A = arith.constant dense<2147483647> : vector<1024xi32>
    %reduce_min3A_23 = vector.multi_reduction <minsi>, %get3A_22, %reduce_min3A [0] : vector<1024x1024xi32> to vector<1024xi32>
    %broadcast_in_dim3A_24 = vector.shape_cast %reduce_min3A_23 : vector<1024xi32> to vector<1x1024xi32>
    %and3A_25 = arith.constant 1023 : i32
    %and3A_26 = vector.broadcast %and3A_25 : i32 to vector<1x1024xi32>
    %and3A_27 = arith.andi %broadcast_in_dim3A_24, %and3A_26 : vector<1x1024xi32>
    %mul3A_28 = arith.constant 1024 : i32
    %mul3A_29 = arith.muli %arg0, %mul3A_28 : i32
    %add3A = vector.broadcast %mul3A_29 : i32 to vector<1x1024xi32>
    %add3A_30 = arith.addi %and3A_27, %add3A : vector<1x1024xi32>
    %swap3A_31 = arith.constant 0 : index
    %swap3A_32 = arith.constant 0 : index
    %swap3A_33 = vector.load %arg5[%swap3A_31, %swap3A_32] : memref<24x1024xi32, #tpu.memory_space<vmem>>, vector<1x1024xi32>
    tpu.vector_store %arg5[%swap3A_31, %swap3A_32], %add3A_30 {strides = array<i32>} : memref<24x1024xi32, #tpu.memory_space<vmem>>, vector<1x1024xi32>,
    %eq3A = vector.broadcast %and3A_27 : vector<1x1024xi32> to vector<1024x1024xi32>
    %eq3A_34 = arith.cmpi eq, %iota3A, %eq3A : vector<1024x1024xi32>
    %jit3A_35 = arith.constant 2147483647 : i32
    %broadcast_in_dim3A_36 = vector.broadcast %jit3A_35 : i32 to vector<1024x1024xi32>
    %select_n3A_37 = arith.select %eq3A_34, %broadcast_in_dim3A_36, %get3A_22 : vector<1024x1024xi1>, vector<1024x1024xi32>
    %swap3A_38 = arith.constant 0 : index
    %swap3A_39 = arith.constant 0 : index
    %swap3A_40 = vector.load %arg8[%swap3A_38, %swap3A_39] : memref<1024x1024xi32, #tpu.memory_space<vmem>>, vector<1024x1024xi32>
    tpu.vector_store %arg8[%swap3A_38, %swap3A_39], %select_n3A_37 {strides = array<i32>} : memref<1024x1024xi32, #tpu.memory_space<vmem>>, vector<1024x1024xi32>,
    %get3A_41 = arith.constant 0 : index
    %get3A_42 = arith.constant 0 : index
    %get3A_43 = vector.load %arg8[%get3A_41, %get3A_42] : memref<1024x1024xi32, #tpu.memory_space<vmem>>, vector<1024x1024xi32>
    %reduce_min3A_44 = arith.constant dense<2147483647> : vector<1024xi32>
    %reduce_min3A_45 = vector.multi_reduction <minsi>, %get3A_43, %reduce_min3A_44 [0] : vector<1024x1024xi32> to vector<1024xi32>
    %broadcast_in_dim3A_46 = vector.shape_cast %reduce_min3A_45 : vector<1024xi32> to vector<1x1024xi32>
    %and3A_47 = arith.constant 1023 : i32
    %and3A_48 = vector.broadcast %and3A_47 : i32 to vector<1x1024xi32>
    %and3A_49 = arith.andi %broadcast_in_dim3A_46, %and3A_48 : vector<1x1024xi32>
    %mul3A_50 = arith.constant 1024 : i32
    %mul3A_51 = arith.muli %arg0, %mul3A_50 : i32
    %add3A_52 = vector.broadcast %mul3A_51 : i32 to vector<1x1024xi32>
    %add3A_53 = arith.addi %and3A_49, %add3A_52 : vector<1x1024xi32>
    %swap3A_54 = arith.constant 1 : index
    %swap3A_55 = arith.constant 0 : index
    %swap3A_56 = vector.load %arg5[%swap3A_54, %swap3A_55] : memref<24x1024xi32, #tpu.memory_space<vmem>>, vector<1x1024xi32>
    tpu.vector_store %arg5[%swap3A_54, %swap3A_55], %add3A_53 {strides = array<i32>} : memref<24x1024xi32, #tpu.memory_space<vmem>>, vector<1x1024xi32>,
    %eq3A_57 = vector.broadcast %and3A_49 : vector<1x1024xi32> to vector<1024x1024xi32>
    %eq3A_58 = arith.cmpi eq, %iota3A, %eq3A_57 : vector<1024x1024xi32>
    %jit3A_59 = arith.constant 2147483647 : i32
    %broadcast_in_dim3A_60 = vector.broadcast %jit3A_59 : i32 to vector<1024x1024xi32>
    %select_n3A_61 = arith.select %eq3A_58, %broadcast_in_dim3A_60, %get3A_43 : vector<1024x1024xi1>, vector<1024x1024xi32>
    %swap3A_62 = arith.constant 0 : index
    %swap3A_63 = arith.constant 0 : index
    %swap3A_64 = vector.load %arg8[%swap3A_62, %swap3A_63] : memref<1024x1024xi32, #tpu.memory_space<vmem>>, vector<1024x1024xi32>
    tpu.vector_store %arg8[%swap3A_62, %swap3A_63], %select_n3A_61 {strides = array<i32>} : memref<1024x1024xi32, #tpu.memory_space<vmem>>, vector<1024x1024xi32>,
    %get3A_65 = arith.constant 0 : index
    %get3A_66 = arith.constant 0 : index
    %get3A_67 = vector.load %arg8[%get3A_65, %get3A_66] : memref<1024x1024xi32, #tpu.memory_space<vmem>>, vector<1024x1024xi32>
    %reduce_min3A_68 = arith.constant dense<2147483647> : vector<1024xi32>
    %reduce_min3A_69 = vector.multi_reduction <minsi>, %get3A_67, %reduce_min3A_68 [0] : vector<1024x1024xi32> to vector<1024xi32>
    %broadcast_in_dim3A_70 = vector.shape_cast %reduce_min3A_69 : vector<1024xi32> to vector<1x1024xi32>
    %and3A_71 = arith.constant 1023 : i32
    %and3A_72 = vector.broadcast %and3A_71 : i32 to vector<1x1024xi32>
    %and3A_73 = arith.andi %broadcast_in_dim3A_70, %and3A_72 : vector<1x1024xi32>
    %mul3A_74 = arith.constant 1024 : i32
    %mul3A_75 = arith.muli %arg0, %mul3A_74 : i32
    %add3A_76 = vector.broadcast %mul3A_75 : i32 to vector<1x1024xi32>
    %add3A_77 = arith.addi %and3A_73, %add3A_76 : vector<1x1024xi32>
    %swap3A_78 = arith.constant 2 : index
    %swap3A_79 = arith.constant 0 : index
    %swap3A_80 = vector.load %arg5[%swap3A_78, %swap3A_79] : memref<24x1024xi32, #tpu.memory_space<vmem>>, vector<1x1024xi32>
    tpu.vector_store %arg5[%swap3A_78, %swap3A_79], %add3A_77 {strides = array<i32>} : memref<24x1024xi32, #tpu.memory_space<vmem>>, vector<1x1024xi32>,
    %eq3A_81 = vector.broadcast %and3A_73 : vector<1x1024xi32> to vector<1024x1024xi32>
    %eq3A_82 = arith.cmpi eq, %iota3A, %eq3A_81 : vector<1024x1024xi32>
    %jit3A_83 = arith.constant 2147483647 : i32
    %broadcast_in_dim3A_84 = vector.broadcast %jit3A_83 : i32 to vector<1024x1024xi32>
    %select_n3A_85 = arith.select %eq3A_82, %broadcast_in_dim3A_84, %get3A_67 : vector<1024x1024xi1>, vector<1024x1024xi32>
    %swap3A_86 = arith.constant 0 : index
    %swap3A_87 = arith.constant 0 : index
    %swap3A_88 = vector.load %arg8[%swap3A_86, %swap3A_87] : memref<1024x1024xi32, #tpu.memory_space<vmem>>, vector<1024x1024xi32>
    tpu.vector_store %arg8[%swap3A_86, %swap3A_87], %select_n3A_85 {strides = array<i32>} : memref<1024x1024xi32, #tpu.memory_space<vmem>>, vector<1024x1024xi32>,
    %get3A_89 = arith.constant 0 : index
    %get3A_90 = arith.constant 0 : index
    %get3A_91 = vector.load %arg8[%get3A_89, %get3A_90] : memref<1024x1024xi32, #tpu.memory_space<vmem>>, vector<1024x1024xi32>
    %reduce_min3A_92 = arith.constant dense<2147483647> : vector<1024xi32>
    %reduce_min3A_93 = vector.multi_reduction <minsi>, %get3A_91, %reduce_min3A_92 [0] : vector<1024x1024xi32> to vector<1024xi32>
    %broadcast_in_dim3A_94 = vector.shape_cast %reduce_min3A_93 : vector<1024xi32> to vector<1x1024xi32>
    %and3A_95 = arith.constant 1023 : i32
    %and3A_96 = vector.broadcast %and3A_95 : i32 to vector<1x1024xi32>
    %and3A_97 = arith.andi %broadcast_in_dim3A_94, %and3A_96 : vector<1x1024xi32>
    %mul3A_98 = arith.constant 1024 : i32
    %mul3A_99 = arith.muli %arg0, %mul3A_98 : i32
    %add3A_100 = vector.broadcast %mul3A_99 : i32 to vector<1x1024xi32>
    %add3A_101 = arith.addi %and3A_97, %add3A_100 : vector<1x1024xi32>
    %swap3A_102 = arith.constant 3 : index
    %swap3A_103 = arith.constant 0 : index
    %swap3A_104 = vector.load %arg5[%swap3A_102, %swap3A_103] : memref<24x1024xi32, #tpu.memory_space<vmem>>, vector<1x1024xi32>
    tpu.vector_store %arg5[%swap3A_102, %swap3A_103], %add3A_101 {strides = array<i32>} : memref<24x1024xi32, #tpu.memory_space<vmem>>, vector<1x1024xi32>,
    %eq3A_105 = vector.broadcast %and3A_97 : vector<1x1024xi32> to vector<1024x1024xi32>
    %eq3A_106 = arith.cmpi eq, %iota3A, %eq3A_105 : vector<1024x1024xi32>
    %jit3A_107 = arith.constant 2147483647 : i32
    %broadcast_in_dim3A_108 = vector.broadcast %jit3A_107 : i32 to vector<1024x1024xi32>
    %select_n3A_109 = arith.select %eq3A_106, %broadcast_in_dim3A_108, %get3A_91 : vector<1024x1024xi1>, vector<1024x1024xi32>
    %swap3A_110 = arith.constant 0 : index
    %swap3A_111 = arith.constant 0 : index
    %swap3A_112 = vector.load %arg8[%swap3A_110, %swap3A_111] : memref<1024x1024xi32, #tpu.memory_space<vmem>>, vector<1024x1024xi32>
    tpu.vector_store %arg8[%swap3A_110, %swap3A_111], %select_n3A_109 {strides = array<i32>} : memref<1024x1024xi32, #tpu.memory_space<vmem>>, vector<1024x1024xi32>,
    %get3A_113 = arith.constant 0 : index
    %get3A_114 = arith.constant 0 : index
    %get3A_115 = vector.load %arg8[%get3A_113, %get3A_114] : memref<1024x1024xi32, #tpu.memory_space<vmem>>, vector<1024x1024xi32>
    %reduce_min3A_116 = arith.constant dense<2147483647> : vector<1024xi32>
    %reduce_min3A_117 = vector.multi_reduction <minsi>, %get3A_115, %reduce_min3A_116 [0] : vector<1024x1024xi32> to vector<1024xi32>
    %broadcast_in_dim3A_118 = vector.shape_cast %reduce_min3A_117 : vector<1024xi32> to vector<1x1024xi32>
    %and3A_119 = arith.constant 1023 : i32
    %and3A_120 = vector.broadcast %and3A_119 : i32 to vector<1x1024xi32>
    %and3A_121 = arith.andi %broadcast_in_dim3A_118, %and3A_120 : vector<1x1024xi32>
    %mul3A_122 = arith.constant 1024 : i32
    %mul3A_123 = arith.muli %arg0, %mul3A_122 : i32
    %add3A_124 = vector.broadcast %mul3A_123 : i32 to vector<1x1024xi32>
    %add3A_125 = arith.addi %and3A_121, %add3A_124 : vector<1x1024xi32>
    %swap3A_126 = arith.constant 4 : index
    %swap3A_127 = arith.constant 0 : index
    %swap3A_128 = vector.load %arg5[%swap3A_126, %swap3A_127] : memref<24x1024xi32, #tpu.memory_space<vmem>>, vector<1x1024xi32>
    tpu.vector_store %arg5[%swap3A_126, %swap3A_127], %add3A_125 {strides = array<i32>} : memref<24x1024xi32, #tpu.memory_space<vmem>>, vector<1x1024xi32>,
    %eq3A_129 = vector.broadcast %and3A_121 : vector<1x1024xi32> to vector<1024x1024xi32>
    %eq3A_130 = arith.cmpi eq, %iota3A, %eq3A_129 : vector<1024x1024xi32>
    %jit3A_131 = arith.constant 2147483647 : i32
    %broadcast_in_dim3A_132 = vector.broadcast %jit3A_131 : i32 to vector<1024x1024xi32>
    %select_n3A_133 = arith.select %eq3A_130, %broadcast_in_dim3A_132, %get3A_115 : vector<1024x1024xi1>, vector<1024x1024xi32>
    %swap3A_134 = arith.constant 0 : index
    %swap3A_135 = arith.constant 0 : index
    %swap3A_136 = vector.load %arg8[%swap3A_134, %swap3A_135] : memref<1024x1024xi32, #tpu.memory_space<vmem>>, vector<1024x1024xi32>
    tpu.vector_store %arg8[%swap3A_134, %swap3A_135], %select_n3A_133 {strides = array<i32>} : memref<1024x1024xi32, #tpu.memory_space<vmem>>, vector<1024x1024xi32>,
    %get3A_137 = arith.constant 0 : index
    %get3A_138 = arith.constant 0 : index
    %get3A_139 = vector.load %arg8[%get3A_137, %get3A_138] : memref<1024x1024xi32, #tpu.memory_space<vmem>>, vector<1024x1024xi32>
    %reduce_min3A_140 = arith.constant dense<2147483647> : vector<1024xi32>
    %reduce_min3A_141 = vector.multi_reduction <minsi>, %get3A_139, %reduce_min3A_140 [0] : vector<1024x1024xi32> to vector<1024xi32>
    %broadcast_in_dim3A_142 = vector.shape_cast %reduce_min3A_141 : vector<1024xi32> to vector<1x1024xi32>
    %and3A_143 = arith.constant 1023 : i32
    %and3A_144 = vector.broadcast %and3A_143 : i32 to vector<1x1024xi32>
    %and3A_145 = arith.andi %broadcast_in_dim3A_142, %and3A_144 : vector<1x1024xi32>
    %mul3A_146 = arith.constant 1024 : i32
    %mul3A_147 = arith.muli %arg0, %mul3A_146 : i32
    %add3A_148 = vector.broadcast %mul3A_147 : i32 to vector<1x1024xi32>
    %add3A_149 = arith.addi %and3A_145, %add3A_148 : vector<1x1024xi32>
    %swap3A_150 = arith.constant 5 : index
    %swap3A_151 = arith.constant 0 : index
    %swap3A_152 = vector.load %arg5[%swap3A_150, %swap3A_151] : memref<24x1024xi32, #tpu.memory_space<vmem>>, vector<1x1024xi32>
    tpu.vector_store %arg5[%swap3A_150, %swap3A_151], %add3A_149 {strides = array<i32>} : memref<24x1024xi32, #tpu.memory_space<vmem>>, vector<1x1024xi32>,
    %eq3A_153 = vector.broadcast %and3A_145 : vector<1x1024xi32> to vector<1024x1024xi32>
    %eq3A_154 = arith.cmpi eq, %iota3A, %eq3A_153 : vector<1024x1024xi32>
    %jit3A_155 = arith.constant 2147483647 : i32
    %broadcast_in_dim3A_156 = vector.broadcast %jit3A_155 : i32 to vector<1024x1024xi32>
    %select_n3A_157 = arith.select %eq3A_154, %broadcast_in_dim3A_156, %get3A_139 : vector<1024x1024xi1>, vector<1024x1024xi32>
    %swap3A_158 = arith.constant 0 : index
    %swap3A_159 = arith.constant 0 : index
    %swap3A_160 = vector.load %arg8[%swap3A_158, %swap3A_159] : memref<1024x1024xi32, #tpu.memory_space<vmem>>, vector<1024x1024xi32>
    tpu.vector_store %arg8[%swap3A_158, %swap3A_159], %select_n3A_157 {strides = array<i32>} : memref<1024x1024xi32, #tpu.memory_space<vmem>>, vector<1024x1024xi32>,
    %get3A_161 = arith.constant 0 : index
    %get3A_162 = arith.constant 0 : index
    %get3A_163 = vector.load %arg8[%get3A_161, %get3A_162] : memref<1024x1024xi32, #tpu.memory_space<vmem>>, vector<1024x1024xi32>
    %reduce_min3A_164 = arith.constant dense<2147483647> : vector<1024xi32>
    %reduce_min3A_165 = vector.multi_reduction <minsi>, %get3A_163, %reduce_min3A_164 [0] : vector<1024x1024xi32> to vector<1024xi32>
    %broadcast_in_dim3A_166 = vector.shape_cast %reduce_min3A_165 : vector<1024xi32> to vector<1x1024xi32>
    %and3A_167 = arith.constant 1023 : i32
    %and3A_168 = vector.broadcast %and3A_167 : i32 to vector<1x1024xi32>
    %and3A_169 = arith.andi %broadcast_in_dim3A_166, %and3A_168 : vector<1x1024xi32>
    %mul3A_170 = arith.constant 1024 : i32
    %mul3A_171 = arith.muli %arg0, %mul3A_170 : i32
    %add3A_172 = vector.broadcast %mul3A_171 : i32 to vector<1x1024xi32>
    %add3A_173 = arith.addi %and3A_169, %add3A_172 : vector<1x1024xi32>
    %swap3A_174 = arith.constant 6 : index
    %swap3A_175 = arith.constant 0 : index
    %swap3A_176 = vector.load %arg5[%swap3A_174, %swap3A_175] : memref<24x1024xi32, #tpu.memory_space<vmem>>, vector<1x1024xi32>
    tpu.vector_store %arg5[%swap3A_174, %swap3A_175], %add3A_173 {strides = array<i32>} : memref<24x1024xi32, #tpu.memory_space<vmem>>, vector<1x1024xi32>,
    %eq3A_177 = vector.broadcast %and3A_169 : vector<1x1024xi32> to vector<1024x1024xi32>
    %eq3A_178 = arith.cmpi eq, %iota3A, %eq3A_177 : vector<1024x1024xi32>
    %jit3A_179 = arith.constant 2147483647 : i32
    %broadcast_in_dim3A_180 = vector.broadcast %jit3A_179 : i32 to vector<1024x1024xi32>
    %select_n3A_181 = arith.select %eq3A_178, %broadcast_in_dim3A_180, %get3A_163 : vector<1024x1024xi1>, vector<1024x1024xi32>
    %swap3A_182 = arith.constant 0 : index
    %swap3A_183 = arith.constant 0 : index
    %swap3A_184 = vector.load %arg8[%swap3A_182, %swap3A_183] : memref<1024x1024xi32, #tpu.memory_space<vmem>>, vector<1024x1024xi32>
    tpu.vector_store %arg8[%swap3A_182, %swap3A_183], %select_n3A_181 {strides = array<i32>} : memref<1024x1024xi32, #tpu.memory_space<vmem>>, vector<1024x1024xi32>,
    %get3A_185 = arith.constant 0 : index
    %get3A_186 = arith.constant 0 : index
    %get3A_187 = vector.load %arg8[%get3A_185, %get3A_186] : memref<1024x1024xi32, #tpu.memory_space<vmem>>, vector<1024x1024xi32>
    %reduce_min3A_188 = arith.constant dense<2147483647> : vector<1024xi32>
    %reduce_min3A_189 = vector.multi_reduction <minsi>, %get3A_187, %reduce_min3A_188 [0] : vector<1024x1024xi32> to vector<1024xi32>
    %broadcast_in_dim3A_190 = vector.shape_cast %reduce_min3A_189 : vector<1024xi32> to vector<1x1024xi32>
    %and3A_191 = arith.constant 1023 : i32
    %and3A_192 = vector.broadcast %and3A_191 : i32 to vector<1x1024xi32>
    %and3A_193 = arith.andi %broadcast_in_dim3A_190, %and3A_192 : vector<1x1024xi32>
    %mul3A_194 = arith.constant 1024 : i32
    %mul3A_195 = arith.muli %arg0, %mul3A_194 : i32
    %add3A_196 = vector.broadcast %mul3A_195 : i32 to vector<1x1024xi32>
    %add3A_197 = arith.addi %and3A_193, %add3A_196 : vector<1x1024xi32>
    %swap3A_198 = arith.constant 7 : index
    %swap3A_199 = arith.constant 0 : index
    %swap3A_200 = vector.load %arg5[%swap3A_198, %swap3A_199] : memref<24x1024xi32, #tpu.memory_space<vmem>>, vector<1x1024xi32>
    tpu.vector_store %arg5[%swap3A_198, %swap3A_199], %add3A_197 {strides = array<i32>} : memref<24x1024xi32, #tpu.memory_space<vmem>>, vector<1x1024xi32>,
    %eq3A_201 = vector.broadcast %and3A_193 : vector<1x1024xi32> to vector<1024x1024xi32>
    %eq3A_202 = arith.cmpi eq, %iota3A, %eq3A_201 : vector<1024x1024xi32>
    %jit3A_203 = arith.constant 2147483647 : i32
    %broadcast_in_dim3A_204 = vector.broadcast %jit3A_203 : i32 to vector<1024x1024xi32>
    %select_n3A_205 = arith.select %eq3A_202, %broadcast_in_dim3A_204, %get3A_187 : vector<1024x1024xi1>, vector<1024x1024xi32>
    %swap3A_206 = arith.constant 0 : index
    %swap3A_207 = arith.constant 0 : index
    %swap3A_208 = vector.load %arg8[%swap3A_206, %swap3A_207] : memref<1024x1024xi32, #tpu.memory_space<vmem>>, vector<1024x1024xi32>
    tpu.vector_store %arg8[%swap3A_206, %swap3A_207], %select_n3A_205 {strides = array<i32>} : memref<1024x1024xi32, #tpu.memory_space<vmem>>, vector<1024x1024xi32>,
    %get3A_209 = arith.constant 0 : index
    %get3A_210 = arith.constant 0 : index
    %get3A_211 = vector.load %arg8[%get3A_209, %get3A_210] : memref<1024x1024xi32, #tpu.memory_space<vmem>>, vector<1024x1024xi32>
    %reduce_min3A_212 = arith.constant dense<2147483647> : vector<1024xi32>
    %reduce_min3A_213 = vector.multi_reduction <minsi>, %get3A_211, %reduce_min3A_212 [0] : vector<1024x1024xi32> to vector<1024xi32>
    %broadcast_in_dim3A_214 = vector.shape_cast %reduce_min3A_213 : vector<1024xi32> to vector<1x1024xi32>
    %and3A_215 = arith.constant 1023 : i32
    %and3A_216 = vector.broadcast %and3A_215 : i32 to vector<1x1024xi32>
    %and3A_217 = arith.andi %broadcast_in_dim3A_214, %and3A_216 : vector<1x1024xi32>
    %mul3A_218 = arith.constant 1024 : i32
    %mul3A_219 = arith.muli %arg0, %mul3A_218 : i32
    %add3A_220 = vector.broadcast %mul3A_219 : i32 to vector<1x1024xi32>
    %add3A_221 = arith.addi %and3A_217, %add3A_220 : vector<1x1024xi32>
    %swap3A_222 = arith.constant 8 : index
    %swap3A_223 = arith.constant 0 : index
    %swap3A_224 = vector.load %arg5[%swap3A_222, %swap3A_223] : memref<24x1024xi32, #tpu.memory_space<vmem>>, vector<1x1024xi32>
    tpu.vector_store %arg5[%swap3A_222, %swap3A_223], %add3A_221 {strides = array<i32>} : memref<24x1024xi32, #tpu.memory_space<vmem>>, vector<1x1024xi32>,
    %eq3A_225 = vector.broadcast %and3A_217 : vector<1x1024xi32> to vector<1024x1024xi32>
    %eq3A_226 = arith.cmpi eq, %iota3A, %eq3A_225 : vector<1024x1024xi32>
    %jit3A_227 = arith.constant 2147483647 : i32
    %broadcast_in_dim3A_228 = vector.broadcast %jit3A_227 : i32 to vector<1024x1024xi32>
    %select_n3A_229 = arith.select %eq3A_226, %broadcast_in_dim3A_228, %get3A_211 : vector<1024x1024xi1>, vector<1024x1024xi32>
    %swap3A_230 = arith.constant 0 : index
    %swap3A_231 = arith.constant 0 : index
    %swap3A_232 = vector.load %arg8[%swap3A_230, %swap3A_231] : memref<1024x1024xi32, #tpu.memory_space<vmem>>, vector<1024x1024xi32>
    tpu.vector_store %arg8[%swap3A_230, %swap3A_231], %select_n3A_229 {strides = array<i32>} : memref<1024x1024xi32, #tpu.memory_space<vmem>>, vector<1024x1024xi32>,
    %get3A_233 = arith.constant 0 : index
    %get3A_234 = arith.constant 0 : index
    %get3A_235 = vector.load %arg8[%get3A_233, %get3A_234] : memref<1024x1024xi32, #tpu.memory_space<vmem>>, vector<1024x1024xi32>
    %reduce_min3A_236 = arith.constant dense<2147483647> : vector<1024xi32>
    %reduce_min3A_237 = vector.multi_reduction <minsi>, %get3A_235, %reduce_min3A_236 [0] : vector<1024x1024xi32> to vector<1024xi32>
    %broadcast_in_dim3A_238 = vector.shape_cast %reduce_min3A_237 : vector<1024xi32> to vector<1x1024xi32>
    %and3A_239 = arith.constant 1023 : i32
    %and3A_240 = vector.broadcast %and3A_239 : i32 to vector<1x1024xi32>
    %and3A_241 = arith.andi %broadcast_in_dim3A_238, %and3A_240 : vector<1x1024xi32>
    %mul3A_242 = arith.constant 1024 : i32
    %mul3A_243 = arith.muli %arg0, %mul3A_242 : i32
    %add3A_244 = vector.broadcast %mul3A_243 : i32 to vector<1x1024xi32>
    %add3A_245 = arith.addi %and3A_241, %add3A_244 : vector<1x1024xi32>
    %swap3A_246 = arith.constant 9 : index
    %swap3A_247 = arith.constant 0 : index
    %swap3A_248 = vector.load %arg5[%swap3A_246, %swap3A_247] : memref<24x1024xi32, #tpu.memory_space<vmem>>, vector<1x1024xi32>
    tpu.vector_store %arg5[%swap3A_246, %swap3A_247], %add3A_245 {strides = array<i32>} : memref<24x1024xi32, #tpu.memory_space<vmem>>, vector<1x1024xi32>,
    %eq3A_249 = vector.broadcast %and3A_241 : vector<1x1024xi32> to vector<1024x1024xi32>
    %eq3A_250 = arith.cmpi eq, %iota3A, %eq3A_249 : vector<1024x1024xi32>
    %jit3A_251 = arith.constant 2147483647 : i32
    %broadcast_in_dim3A_252 = vector.broadcast %jit3A_251 : i32 to vector<1024x1024xi32>
    %select_n3A_253 = arith.select %eq3A_250, %broadcast_in_dim3A_252, %get3A_235 : vector<1024x1024xi1>, vector<1024x1024xi32>
    %swap3A_254 = arith.constant 0 : index
    %swap3A_255 = arith.constant 0 : index
    %swap3A_256 = vector.load %arg8[%swap3A_254, %swap3A_255] : memref<1024x1024xi32, #tpu.memory_space<vmem>>, vector<1024x1024xi32>
    tpu.vector_store %arg8[%swap3A_254, %swap3A_255], %select_n3A_253 {strides = array<i32>} : memref<1024x1024xi32, #tpu.memory_space<vmem>>, vector<1024x1024xi32>,
    %get3A_257 = arith.constant 0 : index
    %get3A_258 = arith.constant 0 : index
    %get3A_259 = vector.load %arg8[%get3A_257, %get3A_258] : memref<1024x1024xi32, #tpu.memory_space<vmem>>, vector<1024x1024xi32>
    %reduce_min3A_260 = arith.constant dense<2147483647> : vector<1024xi32>
    %reduce_min3A_261 = vector.multi_reduction <minsi>, %get3A_259, %reduce_min3A_260 [0] : vector<1024x1024xi32> to vector<1024xi32>
    %broadcast_in_dim3A_262 = vector.shape_cast %reduce_min3A_261 : vector<1024xi32> to vector<1x1024xi32>
    %and3A_263 = arith.constant 1023 : i32
    %and3A_264 = vector.broadcast %and3A_263 : i32 to vector<1x1024xi32>
    %and3A_265 = arith.andi %broadcast_in_dim3A_262, %and3A_264 : vector<1x1024xi32>
    %mul3A_266 = arith.constant 1024 : i32
    %mul3A_267 = arith.muli %arg0, %mul3A_266 : i32
    %add3A_268 = vector.broadcast %mul3A_267 : i32 to vector<1x1024xi32>
    %add3A_269 = arith.addi %and3A_265, %add3A_268 : vector<1x1024xi32>
    %swap3A_270 = arith.constant 10 : index
    %swap3A_271 = arith.constant 0 : index
    %swap3A_272 = vector.load %arg5[%swap3A_270, %swap3A_271] : memref<24x1024xi32, #tpu.memory_space<vmem>>, vector<1x1024xi32>
    tpu.vector_store %arg5[%swap3A_270, %swap3A_271], %add3A_269 {strides = array<i32>} : memref<24x1024xi32, #tpu.memory_space<vmem>>, vector<1x1024xi32>,
    %eq3A_273 = vector.broadcast %and3A_265 : vector<1x1024xi32> to vector<1024x1024xi32>
    %eq3A_274 = arith.cmpi eq, %iota3A, %eq3A_273 : vector<1024x1024xi32>
    %jit3A_275 = arith.constant 2147483647 : i32
    %broadcast_in_dim3A_276 = vector.broadcast %jit3A_275 : i32 to vector<1024x1024xi32>
    %select_n3A_277 = arith.select %eq3A_274, %broadcast_in_dim3A_276, %get3A_259 : vector<1024x1024xi1>, vector<1024x1024xi32>
    %swap3A_278 = arith.constant 0 : index
    %swap3A_279 = arith.constant 0 : index
    %swap3A_280 = vector.load %arg8[%swap3A_278, %swap3A_279] : memref<1024x1024xi32, #tpu.memory_space<vmem>>, vector<1024x1024xi32>
    tpu.vector_store %arg8[%swap3A_278, %swap3A_279], %select_n3A_277 {strides = array<i32>} : memref<1024x1024xi32, #tpu.memory_space<vmem>>, vector<1024x1024xi32>,
    %get3A_281 = arith.constant 0 : index
    %get3A_282 = arith.constant 0 : index
    %get3A_283 = vector.load %arg8[%get3A_281, %get3A_282] : memref<1024x1024xi32, #tpu.memory_space<vmem>>, vector<1024x1024xi32>
    %reduce_min3A_284 = arith.constant dense<2147483647> : vector<1024xi32>
    %reduce_min3A_285 = vector.multi_reduction <minsi>, %get3A_283, %reduce_min3A_284 [0] : vector<1024x1024xi32> to vector<1024xi32>
    %broadcast_in_dim3A_286 = vector.shape_cast %reduce_min3A_285 : vector<1024xi32> to vector<1x1024xi32>
    %and3A_287 = arith.constant 1023 : i32
    %and3A_288 = vector.broadcast %and3A_287 : i32 to vector<1x1024xi32>
    %and3A_289 = arith.andi %broadcast_in_dim3A_286, %and3A_288 : vector<1x1024xi32>
    %mul3A_290 = arith.constant 1024 : i32
    %mul3A_291 = arith.muli %arg0, %mul3A_290 : i32
    %add3A_292 = vector.broadcast %mul3A_291 : i32 to vector<1x1024xi32>
    %add3A_293 = arith.addi %and3A_289, %add3A_292 : vector<1x1024xi32>
    %swap3A_294 = arith.constant 11 : index
    %swap3A_295 = arith.constant 0 : index
    %swap3A_296 = vector.load %arg5[%swap3A_294, %swap3A_295] : memref<24x1024xi32, #tpu.memory_space<vmem>>, vector<1x1024xi32>
    tpu.vector_store %arg5[%swap3A_294, %swap3A_295], %add3A_293 {strides = array<i32>} : memref<24x1024xi32, #tpu.memory_space<vmem>>, vector<1x1024xi32>,
    %eq3A_297 = vector.broadcast %and3A_289 : vector<1x1024xi32> to vector<1024x1024xi32>
    %eq3A_298 = arith.cmpi eq, %iota3A, %eq3A_297 : vector<1024x1024xi32>
    %jit3A_299 = arith.constant 2147483647 : i32
    %broadcast_in_dim3A_300 = vector.broadcast %jit3A_299 : i32 to vector<1024x1024xi32>
    %select_n3A_301 = arith.select %eq3A_298, %broadcast_in_dim3A_300, %get3A_283 : vector<1024x1024xi1>, vector<1024x1024xi32>
    %swap3A_302 = arith.constant 0 : index
    %swap3A_303 = arith.constant 0 : index
    %swap3A_304 = vector.load %arg8[%swap3A_302, %swap3A_303] : memref<1024x1024xi32, #tpu.memory_space<vmem>>, vector<1024x1024xi32>
    tpu.vector_store %arg8[%swap3A_302, %swap3A_303], %select_n3A_301 {strides = array<i32>} : memref<1024x1024xi32, #tpu.memory_space<vmem>>, vector<1024x1024xi32>,
    %get3A_305 = arith.constant 0 : index
    %get3A_306 = arith.constant 0 : index
    %get3A_307 = vector.load %arg8[%get3A_305, %get3A_306] : memref<1024x1024xi32, #tpu.memory_space<vmem>>, vector<1024x1024xi32>
    %reduce_min3A_308 = arith.constant dense<2147483647> : vector<1024xi32>
    %reduce_min3A_309 = vector.multi_reduction <minsi>, %get3A_307, %reduce_min3A_308 [0] : vector<1024x1024xi32> to vector<1024xi32>
    %broadcast_in_dim3A_310 = vector.shape_cast %reduce_min3A_309 : vector<1024xi32> to vector<1x1024xi32>
    %and3A_311 = arith.constant 1023 : i32
    %and3A_312 = vector.broadcast %and3A_311 : i32 to vector<1x1024xi32>
    %and3A_313 = arith.andi %broadcast_in_dim3A_310, %and3A_312 : vector<1x1024xi32>
    %mul3A_314 = arith.constant 1024 : i32
    %mul3A_315 = arith.muli %arg0, %mul3A_314 : i32
    %add3A_316 = vector.broadcast %mul3A_315 : i32 to vector<1x1024xi32>
    %add3A_317 = arith.addi %and3A_313, %add3A_316 : vector<1x1024xi32>
    %swap3A_318 = arith.constant 12 : index
    %swap3A_319 = arith.constant 0 : index
    %swap3A_320 = vector.load %arg5[%swap3A_318, %swap3A_319] : memref<24x1024xi32, #tpu.memory_space<vmem>>, vector<1x1024xi32>
    tpu.vector_store %arg5[%swap3A_318, %swap3A_319], %add3A_317 {strides = array<i32>} : memref<24x1024xi32, #tpu.memory_space<vmem>>, vector<1x1024xi32>,
    %eq3A_321 = vector.broadcast %and3A_313 : vector<1x1024xi32> to vector<1024x1024xi32>
    %eq3A_322 = arith.cmpi eq, %iota3A, %eq3A_321 : vector<1024x1024xi32>
    %jit3A_323 = arith.constant 2147483647 : i32
    %broadcast_in_dim3A_324 = vector.broadcast %jit3A_323 : i32 to vector<1024x1024xi32>
    %select_n3A_325 = arith.select %eq3A_322, %broadcast_in_dim3A_324, %get3A_307 : vector<1024x1024xi1>, vector<1024x1024xi32>
    %swap3A_326 = arith.constant 0 : index
    %swap3A_327 = arith.constant 0 : index
    %swap3A_328 = vector.load %arg8[%swap3A_326, %swap3A_327] : memref<1024x1024xi32, #tpu.memory_space<vmem>>, vector<1024x1024xi32>
    tpu.vector_store %arg8[%swap3A_326, %swap3A_327], %select_n3A_325 {strides = array<i32>} : memref<1024x1024xi32, #tpu.memory_space<vmem>>, vector<1024x1024xi32>,
    %get3A_329 = arith.constant 0 : index
    %get3A_330 = arith.constant 0 : index
    %get3A_331 = vector.load %arg8[%get3A_329, %get3A_330] : memref<1024x1024xi32, #tpu.memory_space<vmem>>, vector<1024x1024xi32>
    %reduce_min3A_332 = arith.constant dense<2147483647> : vector<1024xi32>
    %reduce_min3A_333 = vector.multi_reduction <minsi>, %get3A_331, %reduce_min3A_332 [0] : vector<1024x1024xi32> to vector<1024xi32>
    %broadcast_in_dim3A_334 = vector.shape_cast %reduce_min3A_333 : vector<1024xi32> to vector<1x1024xi32>
    %and3A_335 = arith.constant 1023 : i32
    %and3A_336 = vector.broadcast %and3A_335 : i32 to vector<1x1024xi32>
    %and3A_337 = arith.andi %broadcast_in_dim3A_334, %and3A_336 : vector<1x1024xi32>
    %mul3A_338 = arith.constant 1024 : i32
    %mul3A_339 = arith.muli %arg0, %mul3A_338 : i32
    %add3A_340 = vector.broadcast %mul3A_339 : i32 to vector<1x1024xi32>
    %add3A_341 = arith.addi %and3A_337, %add3A_340 : vector<1x1024xi32>
    %swap3A_342 = arith.constant 13 : index
    %swap3A_343 = arith.constant 0 : index
    %swap3A_344 = vector.load %arg5[%swap3A_342, %swap3A_343] : memref<24x1024xi32, #tpu.memory_space<vmem>>, vector<1x1024xi32>
    tpu.vector_store %arg5[%swap3A_342, %swap3A_343], %add3A_341 {strides = array<i32>} : memref<24x1024xi32, #tpu.memory_space<vmem>>, vector<1x1024xi32>,
    %eq3A_345 = vector.broadcast %and3A_337 : vector<1x1024xi32> to vector<1024x1024xi32>
    %eq3A_346 = arith.cmpi eq, %iota3A, %eq3A_345 : vector<1024x1024xi32>
    %jit3A_347 = arith.constant 2147483647 : i32
    %broadcast_in_dim3A_348 = vector.broadcast %jit3A_347 : i32 to vector<1024x1024xi32>
    %select_n3A_349 = arith.select %eq3A_346, %broadcast_in_dim3A_348, %get3A_331 : vector<1024x1024xi1>, vector<1024x1024xi32>
    %swap3A_350 = arith.constant 0 : index
    %swap3A_351 = arith.constant 0 : index
    %swap3A_352 = vector.load %arg8[%swap3A_350, %swap3A_351] : memref<1024x1024xi32, #tpu.memory_space<vmem>>, vector<1024x1024xi32>
    tpu.vector_store %arg8[%swap3A_350, %swap3A_351], %select_n3A_349 {strides = array<i32>} : memref<1024x1024xi32, #tpu.memory_space<vmem>>, vector<1024x1024xi32>,
    %get3A_353 = arith.constant 0 : index
    %get3A_354 = arith.constant 0 : index
    %get3A_355 = vector.load %arg8[%get3A_353, %get3A_354] : memref<1024x1024xi32, #tpu.memory_space<vmem>>, vector<1024x1024xi32>
    %reduce_min3A_356 = arith.constant dense<2147483647> : vector<1024xi32>
    %reduce_min3A_357 = vector.multi_reduction <minsi>, %get3A_355, %reduce_min3A_356 [0] : vector<1024x1024xi32> to vector<1024xi32>
    %broadcast_in_dim3A_358 = vector.shape_cast %reduce_min3A_357 : vector<1024xi32> to vector<1x1024xi32>
    %and3A_359 = arith.constant 1023 : i32
    %and3A_360 = vector.broadcast %and3A_359 : i32 to vector<1x1024xi32>
    %and3A_361 = arith.andi %broadcast_in_dim3A_358, %and3A_360 : vector<1x1024xi32>
    %mul3A_362 = arith.constant 1024 : i32
    %mul3A_363 = arith.muli %arg0, %mul3A_362 : i32
    %add3A_364 = vector.broadcast %mul3A_363 : i32 to vector<1x1024xi32>
    %add3A_365 = arith.addi %and3A_361, %add3A_364 : vector<1x1024xi32>
    %swap3A_366 = arith.constant 14 : index
    %swap3A_367 = arith.constant 0 : index
    %swap3A_368 = vector.load %arg5[%swap3A_366, %swap3A_367] : memref<24x1024xi32, #tpu.memory_space<vmem>>, vector<1x1024xi32>
    tpu.vector_store %arg5[%swap3A_366, %swap3A_367], %add3A_365 {strides = array<i32>} : memref<24x1024xi32, #tpu.memory_space<vmem>>, vector<1x1024xi32>,
    %eq3A_369 = vector.broadcast %and3A_361 : vector<1x1024xi32> to vector<1024x1024xi32>
    %eq3A_370 = arith.cmpi eq, %iota3A, %eq3A_369 : vector<1024x1024xi32>
    %jit3A_371 = arith.constant 2147483647 : i32
    %broadcast_in_dim3A_372 = vector.broadcast %jit3A_371 : i32 to vector<1024x1024xi32>
    %select_n3A_373 = arith.select %eq3A_370, %broadcast_in_dim3A_372, %get3A_355 : vector<1024x1024xi1>, vector<1024x1024xi32>
    %swap3A_374 = arith.constant 0 : index
    %swap3A_375 = arith.constant 0 : index
    %swap3A_376 = vector.load %arg8[%swap3A_374, %swap3A_375] : memref<1024x1024xi32, #tpu.memory_space<vmem>>, vector<1024x1024xi32>
    tpu.vector_store %arg8[%swap3A_374, %swap3A_375], %select_n3A_373 {strides = array<i32>} : memref<1024x1024xi32, #tpu.memory_space<vmem>>, vector<1024x1024xi32>,
    %get3A_377 = arith.constant 0 : index
    %get3A_378 = arith.constant 0 : index
    %get3A_379 = vector.load %arg8[%get3A_377, %get3A_378] : memref<1024x1024xi32, #tpu.memory_space<vmem>>, vector<1024x1024xi32>
    %reduce_min3A_380 = arith.constant dense<2147483647> : vector<1024xi32>
    %reduce_min3A_381 = vector.multi_reduction <minsi>, %get3A_379, %reduce_min3A_380 [0] : vector<1024x1024xi32> to vector<1024xi32>
    %broadcast_in_dim3A_382 = vector.shape_cast %reduce_min3A_381 : vector<1024xi32> to vector<1x1024xi32>
    %and3A_383 = arith.constant 1023 : i32
    %and3A_384 = vector.broadcast %and3A_383 : i32 to vector<1x1024xi32>
    %and3A_385 = arith.andi %broadcast_in_dim3A_382, %and3A_384 : vector<1x1024xi32>
    %mul3A_386 = arith.constant 1024 : i32
    %mul3A_387 = arith.muli %arg0, %mul3A_386 : i32
    %add3A_388 = vector.broadcast %mul3A_387 : i32 to vector<1x1024xi32>
    %add3A_389 = arith.addi %and3A_385, %add3A_388 : vector<1x1024xi32>
    %swap3A_390 = arith.constant 15 : index
    %swap3A_391 = arith.constant 0 : index
    %swap3A_392 = vector.load %arg5[%swap3A_390, %swap3A_391] : memref<24x1024xi32, #tpu.memory_space<vmem>>, vector<1x1024xi32>
    tpu.vector_store %arg5[%swap3A_390, %swap3A_391], %add3A_389 {strides = array<i32>} : memref<24x1024xi32, #tpu.memory_space<vmem>>, vector<1x1024xi32>,
    %eq3A_393 = vector.broadcast %and3A_385 : vector<1x1024xi32> to vector<1024x1024xi32>
    %eq3A_394 = arith.cmpi eq, %iota3A, %eq3A_393 : vector<1024x1024xi32>
    %jit3A_395 = arith.constant 2147483647 : i32
    %broadcast_in_dim3A_396 = vector.broadcast %jit3A_395 : i32 to vector<1024x1024xi32>
    %select_n3A_397 = arith.select %eq3A_394, %broadcast_in_dim3A_396, %get3A_379 : vector<1024x1024xi1>, vector<1024x1024xi32>
    %swap3A_398 = arith.constant 0 : index
    %swap3A_399 = arith.constant 0 : index
    %swap3A_400 = vector.load %arg8[%swap3A_398, %swap3A_399] : memref<1024x1024xi32, #tpu.memory_space<vmem>>, vector<1024x1024xi32>
    tpu.vector_store %arg8[%swap3A_398, %swap3A_399], %select_n3A_397 {strides = array<i32>} : memref<1024x1024xi32, #tpu.memory_space<vmem>>, vector<1024x1024xi32>,
    %get3A_401 = arith.constant 0 : index
    %get3A_402 = arith.constant 0 : index
    %get3A_403 = vector.load %arg8[%get3A_401, %get3A_402] : memref<1024x1024xi32, #tpu.memory_space<vmem>>, vector<1024x1024xi32>
    %reduce_min3A_404 = arith.constant dense<2147483647> : vector<1024xi32>
    %reduce_min3A_405 = vector.multi_reduction <minsi>, %get3A_403, %reduce_min3A_404 [0] : vector<1024x1024xi32> to vector<1024xi32>
    %broadcast_in_dim3A_406 = vector.shape_cast %reduce_min3A_405 : vector<1024xi32> to vector<1x1024xi32>
    %and3A_407 = arith.constant 1023 : i32
    %and3A_408 = vector.broadcast %and3A_407 : i32 to vector<1x1024xi32>
    %and3A_409 = arith.andi %broadcast_in_dim3A_406, %and3A_408 : vector<1x1024xi32>
    %mul3A_410 = arith.constant 1024 : i32
    %mul3A_411 = arith.muli %arg0, %mul3A_410 : i32
    %add3A_412 = vector.broadcast %mul3A_411 : i32 to vector<1x1024xi32>
    %add3A_413 = arith.addi %and3A_409, %add3A_412 : vector<1x1024xi32>
    %swap3A_414 = arith.constant 16 : index
    %swap3A_415 = arith.constant 0 : index
    %swap3A_416 = vector.load %arg5[%swap3A_414, %swap3A_415] : memref<24x1024xi32, #tpu.memory_space<vmem>>, vector<1x1024xi32>
    tpu.vector_store %arg5[%swap3A_414, %swap3A_415], %add3A_413 {strides = array<i32>} : memref<24x1024xi32, #tpu.memory_space<vmem>>, vector<1x1024xi32>,
    %eq3A_417 = vector.broadcast %and3A_409 : vector<1x1024xi32> to vector<1024x1024xi32>
    %eq3A_418 = arith.cmpi eq, %iota3A, %eq3A_417 : vector<1024x1024xi32>
    %jit3A_419 = arith.constant 2147483647 : i32
    %broadcast_in_dim3A_420 = vector.broadcast %jit3A_419 : i32 to vector<1024x1024xi32>
    %select_n3A_421 = arith.select %eq3A_418, %broadcast_in_dim3A_420, %get3A_403 : vector<1024x1024xi1>, vector<1024x1024xi32>
    %swap3A_422 = arith.constant 0 : index
    %swap3A_423 = arith.constant 0 : index
    %swap3A_424 = vector.load %arg8[%swap3A_422, %swap3A_423] : memref<1024x1024xi32, #tpu.memory_space<vmem>>, vector<1024x1024xi32>
    tpu.vector_store %arg8[%swap3A_422, %swap3A_423], %select_n3A_421 {strides = array<i32>} : memref<1024x1024xi32, #tpu.memory_space<vmem>>, vector<1024x1024xi32>,
    %get3A_425 = arith.constant 0 : index
    %get3A_426 = arith.constant 0 : index
    %get3A_427 = vector.load %arg8[%get3A_425, %get3A_426] : memref<1024x1024xi32, #tpu.memory_space<vmem>>, vector<1024x1024xi32>
    %reduce_min3A_428 = arith.constant dense<2147483647> : vector<1024xi32>
    %reduce_min3A_429 = vector.multi_reduction <minsi>, %get3A_427, %reduce_min3A_428 [0] : vector<1024x1024xi32> to vector<1024xi32>
    %broadcast_in_dim3A_430 = vector.shape_cast %reduce_min3A_429 : vector<1024xi32> to vector<1x1024xi32>
    %and3A_431 = arith.constant 1023 : i32
    %and3A_432 = vector.broadcast %and3A_431 : i32 to vector<1x1024xi32>
    %and3A_433 = arith.andi %broadcast_in_dim3A_430, %and3A_432 : vector<1x1024xi32>
    %mul3A_434 = arith.constant 1024 : i32
    %mul3A_435 = arith.muli %arg0, %mul3A_434 : i32
    %add3A_436 = vector.broadcast %mul3A_435 : i32 to vector<1x1024xi32>
    %add3A_437 = arith.addi %and3A_433, %add3A_436 : vector<1x1024xi32>
    %swap3A_438 = arith.constant 17 : index
    %swap3A_439 = arith.constant 0 : index
    %swap3A_440 = vector.load %arg5[%swap3A_438, %swap3A_439] : memref<24x1024xi32, #tpu.memory_space<vmem>>, vector<1x1024xi32>
    tpu.vector_store %arg5[%swap3A_438, %swap3A_439], %add3A_437 {strides = array<i32>} : memref<24x1024xi32, #tpu.memory_space<vmem>>, vector<1x1024xi32>,
    %eq3A_441 = vector.broadcast %and3A_433 : vector<1x1024xi32> to vector<1024x1024xi32>
    %eq3A_442 = arith.cmpi eq, %iota3A, %eq3A_441 : vector<1024x1024xi32>
    %jit3A_443 = arith.constant 2147483647 : i32
    %broadcast_in_dim3A_444 = vector.broadcast %jit3A_443 : i32 to vector<1024x1024xi32>
    %select_n3A_445 = arith.select %eq3A_442, %broadcast_in_dim3A_444, %get3A_427 : vector<1024x1024xi1>, vector<1024x1024xi32>
    %swap3A_446 = arith.constant 0 : index
    %swap3A_447 = arith.constant 0 : index
    %swap3A_448 = vector.load %arg8[%swap3A_446, %swap3A_447] : memref<1024x1024xi32, #tpu.memory_space<vmem>>, vector<1024x1024xi32>
    tpu.vector_store %arg8[%swap3A_446, %swap3A_447], %select_n3A_445 {strides = array<i32>} : memref<1024x1024xi32, #tpu.memory_space<vmem>>, vector<1024x1024xi32>,
    %get3A_449 = arith.constant 0 : index
    %get3A_450 = arith.constant 0 : index
    %get3A_451 = vector.load %arg8[%get3A_449, %get3A_450] : memref<1024x1024xi32, #tpu.memory_space<vmem>>, vector<1024x1024xi32>
    %reduce_min3A_452 = arith.constant dense<2147483647> : vector<1024xi32>
    %reduce_min3A_453 = vector.multi_reduction <minsi>, %get3A_451, %reduce_min3A_452 [0] : vector<1024x1024xi32> to vector<1024xi32>
    %broadcast_in_dim3A_454 = vector.shape_cast %reduce_min3A_453 : vector<1024xi32> to vector<1x1024xi32>
    %and3A_455 = arith.constant 1023 : i32
    %and3A_456 = vector.broadcast %and3A_455 : i32 to vector<1x1024xi32>
    %and3A_457 = arith.andi %broadcast_in_dim3A_454, %and3A_456 : vector<1x1024xi32>
    %mul3A_458 = arith.constant 1024 : i32
    %mul3A_459 = arith.muli %arg0, %mul3A_458 : i32
    %add3A_460 = vector.broadcast %mul3A_459 : i32 to vector<1x1024xi32>
    %add3A_461 = arith.addi %and3A_457, %add3A_460 : vector<1x1024xi32>
    %swap3A_462 = arith.constant 18 : index
    %swap3A_463 = arith.constant 0 : index
    %swap3A_464 = vector.load %arg5[%swap3A_462, %swap3A_463] : memref<24x1024xi32, #tpu.memory_space<vmem>>, vector<1x1024xi32>
    tpu.vector_store %arg5[%swap3A_462, %swap3A_463], %add3A_461 {strides = array<i32>} : memref<24x1024xi32, #tpu.memory_space<vmem>>, vector<1x1024xi32>,
    %eq3A_465 = vector.broadcast %and3A_457 : vector<1x1024xi32> to vector<1024x1024xi32>
    %eq3A_466 = arith.cmpi eq, %iota3A, %eq3A_465 : vector<1024x1024xi32>
    %jit3A_467 = arith.constant 2147483647 : i32
    %broadcast_in_dim3A_468 = vector.broadcast %jit3A_467 : i32 to vector<1024x1024xi32>
    %select_n3A_469 = arith.select %eq3A_466, %broadcast_in_dim3A_468, %get3A_451 : vector<1024x1024xi1>, vector<1024x1024xi32>
    %swap3A_470 = arith.constant 0 : index
    %swap3A_471 = arith.constant 0 : index
    %swap3A_472 = vector.load %arg8[%swap3A_470, %swap3A_471] : memref<1024x1024xi32, #tpu.memory_space<vmem>>, vector<1024x1024xi32>
    tpu.vector_store %arg8[%swap3A_470, %swap3A_471], %select_n3A_469 {strides = array<i32>} : memref<1024x1024xi32, #tpu.memory_space<vmem>>, vector<1024x1024xi32>,
    %get3A_473 = arith.constant 0 : index
    %get3A_474 = arith.constant 0 : index
    %get3A_475 = vector.load %arg8[%get3A_473, %get3A_474] : memref<1024x1024xi32, #tpu.memory_space<vmem>>, vector<1024x1024xi32>
    %reduce_min3A_476 = arith.constant dense<2147483647> : vector<1024xi32>
    %reduce_min3A_477 = vector.multi_reduction <minsi>, %get3A_475, %reduce_min3A_476 [0] : vector<1024x1024xi32> to vector<1024xi32>
    %broadcast_in_dim3A_478 = vector.shape_cast %reduce_min3A_477 : vector<1024xi32> to vector<1x1024xi32>
    %and3A_479 = arith.constant 1023 : i32
    %and3A_480 = vector.broadcast %and3A_479 : i32 to vector<1x1024xi32>
    %and3A_481 = arith.andi %broadcast_in_dim3A_478, %and3A_480 : vector<1x1024xi32>
    %mul3A_482 = arith.constant 1024 : i32
    %mul3A_483 = arith.muli %arg0, %mul3A_482 : i32
    %add3A_484 = vector.broadcast %mul3A_483 : i32 to vector<1x1024xi32>
    %add3A_485 = arith.addi %and3A_481, %add3A_484 : vector<1x1024xi32>
    %swap3A_486 = arith.constant 19 : index
    %swap3A_487 = arith.constant 0 : index
    %swap3A_488 = vector.load %arg5[%swap3A_486, %swap3A_487] : memref<24x1024xi32, #tpu.memory_space<vmem>>, vector<1x1024xi32>
    tpu.vector_store %arg5[%swap3A_486, %swap3A_487], %add3A_485 {strides = array<i32>} : memref<24x1024xi32, #tpu.memory_space<vmem>>, vector<1x1024xi32>,
    %eq3A_489 = vector.broadcast %and3A_481 : vector<1x1024xi32> to vector<1024x1024xi32>
    %eq3A_490 = arith.cmpi eq, %iota3A, %eq3A_489 : vector<1024x1024xi32>
    %jit3A_491 = arith.constant 2147483647 : i32
    %broadcast_in_dim3A_492 = vector.broadcast %jit3A_491 : i32 to vector<1024x1024xi32>
    %select_n3A_493 = arith.select %eq3A_490, %broadcast_in_dim3A_492, %get3A_475 : vector<1024x1024xi1>, vector<1024x1024xi32>
    %swap3A_494 = arith.constant 0 : index
    %swap3A_495 = arith.constant 0 : index
    %swap3A_496 = vector.load %arg8[%swap3A_494, %swap3A_495] : memref<1024x1024xi32, #tpu.memory_space<vmem>>, vector<1024x1024xi32>
    tpu.vector_store %arg8[%swap3A_494, %swap3A_495], %select_n3A_493 {strides = array<i32>} : memref<1024x1024xi32, #tpu.memory_space<vmem>>, vector<1024x1024xi32>,
    %get3A_497 = arith.constant 0 : index
    %get3A_498 = arith.constant 0 : index
    %get3A_499 = vector.load %arg2[%get3A_497, %get3A_498] : memref<64x128xf32, #tpu.memory_space<vmem>>, vector<64x128xf32>
    %dot_general3A_500 = arith.constant dense<0.000000e+00> : vector<1024x128xf32>
    %dot_general3A_501 = tpu.matmul %get3A_1, %get3A_499, %dot_general3A_500 {dimension_numbers = #tpu.dot_dimension_numbers<[1], [0], [0], [1], [0, 0, 1, 1], [], []>, transpose_lhs_hint = false} : vector<1024x64xf32>, vector<64x128xf32>, vector<1024x128xf32> -> vector<1024x128xf32>
    %get3A_502 = arith.constant 0 : index
    %get3A_503 = arith.constant 0 : index
    %get3A_504 = vector.load %arg3[%get3A_502, %get3A_503] : memref<1x128xf32, #tpu.memory_space<vmem>>, vector<1x128xf32>
    %add3A_505 = vector.broadcast %get3A_504 : vector<1x128xf32> to vector<1024x128xf32>
    %add3A_506 = arith.addf %dot_general3A_501, %add3A_505 : vector<1024x128xf32>
    %swap3A_507 = arith.constant 0 : index
    %swap3A_508 = arith.constant 0 : index
    %swap3A_509 = vector.load %arg6[%swap3A_507, %swap3A_508] : memref<1024x128xf32, #tpu.memory_space<vmem>>, vector<1024x128xf32>
    tpu.vector_store %arg6[%swap3A_507, %swap3A_508], %add3A_506 {strides = array<i32>} : memref<1024x128xf32, #tpu.memory_space<vmem>>, vector<1024x128xf32>,
    %get3A_510 = arith.constant 0 : index
    %get3A_511 = arith.constant 0 : index
    %get3A_512 = vector.load %arg4[%get3A_510, %get3A_511] : memref<64x128xf32, #tpu.memory_space<vmem>>, vector<64x128xf32>
    %dot_general3A_513 = arith.constant dense<0.000000e+00> : vector<1024x128xf32>
    %dot_general3A_514 = tpu.matmul %get3A_1, %get3A_512, %dot_general3A_513 {dimension_numbers = #tpu.dot_dimension_numbers<[1], [0], [0], [1], [0, 0, 1, 1], [], []>, transpose_lhs_hint = false} : vector<1024x64xf32>, vector<64x128xf32>, vector<1024x128xf32> -> vector<1024x128xf32>
    %swap3A_515 = arith.constant 0 : index
    %swap3A_516 = arith.constant 0 : index
    %swap3A_517 = vector.load %arg7[%swap3A_515, %swap3A_516] : memref<1024x128xf32, #tpu.memory_space<vmem>>, vector<1024x128xf32>
    tpu.vector_store %arg7[%swap3A_515, %swap3A_516], %dot_general3A_514 {strides = array<i32>} : memref<1024x128xf32, #tpu.memory_space<vmem>>, vector<1024x128xf32>,
    return
  }
  func.func @transform_0(%arg0: i32) -> (i32, i32) {
    %c0_i32 = arith.constant 0 : i32
    %c0_i32_0 = arith.constant 0 : i32
    return %arg0, %c0_i32 : i32, i32
  }
  func.func @transform_1(%arg0: i32) -> (i32, i32) {
    %c0_i32 = arith.constant 0 : i32
    %c0_i32_0 = arith.constant 0 : i32
    %c0_i32_1 = arith.constant 0 : i32
    return %c0_i32, %c0_i32_0 : i32, i32
  }
  func.func @transform_2(%arg0: i32) -> (i32, i32) {
    %c0_i32 = arith.constant 0 : i32
    %c0_i32_0 = arith.constant 0 : i32
    %c0_i32_1 = arith.constant 0 : i32
    return %c0_i32, %c0_i32_0 : i32, i32
  }
  func.func @transform_3(%arg0: i32) -> (i32, i32) {
    %c0_i32 = arith.constant 0 : i32
    %c0_i32_0 = arith.constant 0 : i32
    %c0_i32_1 = arith.constant 0 : i32
    return %c0_i32, %c0_i32_0 : i32, i32
  }
  func.func @transform_4(%arg0: i32) -> (i32, i32) {
    %c0_i32 = arith.constant 0 : i32
    %c0_i32_0 = arith.constant 0 : i32
    return %c0_i32, %arg0 : i32, i32
  }
  func.func @transform_5(%arg0: i32) -> (i32, i32) {
    %c0_i32 = arith.constant 0 : i32
    %c0_i32_0 = arith.constant 0 : i32
    return %arg0, %c0_i32 : i32, i32
  }
  func.func @transform_6(%arg0: i32) -> (i32, i32) {
    %c0_i32 = arith.constant 0 : i32
    %c0_i32_0 = arith.constant 0 : i32
    return %arg0, %c0_i32 : i32, i32
  }
}

module attributes {stable_mosaic.version = 14 : i64} {
  func.func @_edge_body(%arg0: i32, %arg1: i32, %arg2: memref<128x128xf32, #tpu.memory_space<vmem>>, %arg3: memref<20x128x128xf32, #tpu.memory_space<vmem>>, %arg4: memref<128x128xf32, #tpu.memory_space<vmem>>, %arg5: memref<1x128xf32, #tpu.memory_space<vmem>>, %arg6: memref<128x128xf32, #tpu.memory_space<vmem>>, %arg7: memref<1x128xf32, #tpu.memory_space<vmem>>, %arg8: memref<128x128xf32, #tpu.memory_space<vmem>>, %arg9: memref<1x128xf32, #tpu.memory_space<vmem>>, %arg10: memref<128x128xf32, #tpu.memory_space<vmem>>) attributes {dimension_semantics = [#tpu.dimension_semantics<arbitrary>, #tpu.dimension_semantics<arbitrary>], iteration_bounds = array<i64: 10, 8>, scalar_prefetch = 0 : i64, scratch_operands = 0 : i64, tpu.core_type = #tpu.core_type<tc>, window_params = [{transform_indices = @transform_0, window_bounds = array<i64: 128, 128>}, {transform_indices = @transform_1, window_bounds = array<i64: 20, 128, 128>}, {pipeline_mode = #tpu.pipeline_mode<synchronous>, transform_indices = @transform_2, window_bounds = array<i64: 128, 128>}, {pipeline_mode = #tpu.pipeline_mode<synchronous>, transform_indices = @transform_3, window_bounds = array<i64: 1, 128>}, {pipeline_mode = #tpu.pipeline_mode<synchronous>, transform_indices = @transform_4, window_bounds = array<i64: 128, 128>}, {pipeline_mode = #tpu.pipeline_mode<synchronous>, transform_indices = @transform_5, window_bounds = array<i64: 1, 128>}, {pipeline_mode = #tpu.pipeline_mode<synchronous>, transform_indices = @transform_6, window_bounds = array<i64: 128, 128>}, {pipeline_mode = #tpu.pipeline_mode<synchronous>, transform_indices = @transform_7, window_bounds = array<i64: 1, 128>}, {transform_indices = @transform_8, window_bounds = array<i64: 128, 128>}]} {
    %get3A = arith.constant 0 : index
    %get3A_0 = arith.constant 0 : index
    %get3A_1 = vector.load %arg2[%get3A, %get3A_0] : memref<128x128xf32, #tpu.memory_space<vmem>>, vector<128x128xf32>
    %get3A_2 = arith.constant 0 : index
    %get3A_3 = arith.constant 0 : index
    %get3A_4 = arith.constant 0 : index
    %get3A_5 = vector.load %arg3[%get3A_2, %get3A_3, %get3A_4] : memref<20x128x128xf32, #tpu.memory_space<vmem>>, vector<20x128x128xf32>
    %broadcast_in_dim3A = vector.shape_cast %get3A_1 : vector<128x128xf32> to vector<1x128x128xf32>
    %add3A = vector.broadcast %broadcast_in_dim3A : vector<1x128x128xf32> to vector<20x128x128xf32>
    %add3A_6 = arith.addf %get3A_5, %add3A : vector<20x128x128xf32>
    %max3A = arith.constant 0.000000e+00 : f32
    %max3A_7 = vector.broadcast %max3A : f32 to vector<20x128x128xf32>
    %max3A_8 = arith.maximumf %add3A_6, %max3A_7 : vector<20x128x128xf32>
    %reshape3A = vector.shape_cast %max3A_8 : vector<20x128x128xf32> to vector<2560x128xf32>
    %get3A_9 = arith.constant 0 : index
    %get3A_10 = arith.constant 0 : index
    %get3A_11 = vector.load %arg4[%get3A_9, %get3A_10] : memref<128x128xf32, #tpu.memory_space<vmem>>, vector<128x128xf32>
    %dot_general3A = arith.constant dense<0.000000e+00> : vector<2560x128xf32>
    %dot_general3A_12 = tpu.matmul %reshape3A, %get3A_11, %dot_general3A {dimension_numbers = #tpu.dot_dimension_numbers<[1], [0], [0], [1], [0, 0, 1, 1], [], []>, transpose_lhs_hint = false} : vector<2560x128xf32>, vector<128x128xf32>, vector<2560x128xf32> -> vector<2560x128xf32>
    %get3A_13 = arith.constant 0 : index
    %get3A_14 = arith.constant 0 : index
    %get3A_15 = vector.load %arg5[%get3A_13, %get3A_14] : memref<1x128xf32, #tpu.memory_space<vmem>>, vector<1x128xf32>
    %add3A_16 = vector.broadcast %get3A_15 : vector<1x128xf32> to vector<2560x128xf32>
    %add3A_17 = arith.addf %dot_general3A_12, %add3A_16 : vector<2560x128xf32>
    %max3A_18 = arith.constant 0.000000e+00 : f32
    %max3A_19 = vector.broadcast %max3A_18 : f32 to vector<2560x128xf32>
    %max3A_20 = arith.maximumf %add3A_17, %max3A_19 : vector<2560x128xf32>
    %reshape3A_21 = vector.shape_cast %max3A_20 : vector<2560x128xf32> to vector<20x128x128xf32>
    %reduce_max3A = arith.constant dense<0xFF800000> : vector<128x128xf32>
    %reduce_max3A_22 = vector.multi_reduction <maximumf>, %reshape3A_21, %reduce_max3A [0] : vector<20x128x128xf32> to vector<128x128xf32>
    %get3A_23 = arith.constant 0 : index
    %get3A_24 = arith.constant 0 : index
    %get3A_25 = vector.load %arg6[%get3A_23, %get3A_24] : memref<128x128xf32, #tpu.memory_space<vmem>>, vector<128x128xf32>
    %dot_general3A_26 = arith.constant dense<0.000000e+00> : vector<128x128xf32>
    %dot_general3A_27 = tpu.matmul %reduce_max3A_22, %get3A_25, %dot_general3A_26 {dimension_numbers = #tpu.dot_dimension_numbers<[1], [0], [0], [1], [0, 0, 1, 1], [], []>, transpose_lhs_hint = false} : vector<128x128xf32>, vector<128x128xf32>, vector<128x128xf32> -> vector<128x128xf32>
    %get3A_28 = arith.constant 0 : index
    %get3A_29 = arith.constant 0 : index
    %get3A_30 = vector.load %arg7[%get3A_28, %get3A_29] : memref<1x128xf32, #tpu.memory_space<vmem>>, vector<1x128xf32>
    %add3A_31 = vector.broadcast %get3A_30 : vector<1x128xf32> to vector<128x128xf32>
    %add3A_32 = arith.addf %dot_general3A_27, %add3A_31 : vector<128x128xf32>
    %get3A_33 = arith.constant 0 : index
    %get3A_34 = arith.constant 0 : index
    %get3A_35 = vector.load %arg8[%get3A_33, %get3A_34] : memref<128x128xf32, #tpu.memory_space<vmem>>, vector<128x128xf32>
    %dot_general3A_36 = arith.constant dense<0.000000e+00> : vector<128x128xf32>
    %dot_general3A_37 = tpu.matmul %reduce_max3A_22, %get3A_35, %dot_general3A_36 {dimension_numbers = #tpu.dot_dimension_numbers<[1], [0], [0], [1], [0, 0, 1, 1], [], []>, transpose_lhs_hint = false} : vector<128x128xf32>, vector<128x128xf32>, vector<128x128xf32> -> vector<128x128xf32>
    %get3A_38 = arith.constant 0 : index
    %get3A_39 = arith.constant 0 : index
    %get3A_40 = vector.load %arg9[%get3A_38, %get3A_39] : memref<1x128xf32, #tpu.memory_space<vmem>>, vector<1x128xf32>
    %add3A_41 = vector.broadcast %get3A_40 : vector<1x128xf32> to vector<128x128xf32>
    %add3A_42 = arith.addf %dot_general3A_37, %add3A_41 : vector<128x128xf32>
    %mul3A = arith.mulf %add3A_32, %reduce_max3A_22 : vector<128x128xf32>
    %add3A_43 = arith.addf %mul3A, %add3A_42 : vector<128x128xf32>
    %mul3A_44 = arith.constant 128 : i32
    %mul3A_45 = arith.muli %arg1, %mul3A_44 : i32
    %iota3A = tpu.iota {dimensions = array<i32: 0>} : vector<128x1xi32>
    %add3A_46 = vector.broadcast %mul3A_45 : i32 to vector<128x1xi32>
    %add3A_47 = arith.addi %add3A_46, %iota3A : vector<128x1xi32>
    %lt3A = arith.constant 1000 : i32
    %lt3A_48 = vector.broadcast %lt3A : i32 to vector<128x1xi32>
    %lt3A_49 = arith.cmpi slt, %add3A_47, %lt3A_48 : vector<128x1xi32>
    %jit3A = arith.constant 0.000000e+00 : f32
    %broadcast_in_dim3A_50 = vector.shape_cast %lt3A_49 : vector<128x1xi1> to vector<128x1xi1>
    %broadcast_in_dim3A_51 = vector.broadcast %broadcast_in_dim3A_50 : vector<128x1xi1> to vector<128x128xi1>
    %broadcast_in_dim3A_52 = vector.broadcast %jit3A : f32 to vector<128x128xf32>
    %select_n3A = arith.select %broadcast_in_dim3A_51, %add3A_43, %broadcast_in_dim3A_52 : vector<128x128xi1>, vector<128x128xf32>
    %swap3A = arith.constant 0 : index
    %swap3A_53 = arith.constant 0 : index
    %swap3A_54 = vector.load %arg10[%swap3A, %swap3A_53] : memref<128x128xf32, #tpu.memory_space<vmem>>, vector<128x128xf32>
    tpu.vector_store %arg10[%swap3A, %swap3A_53], %select_n3A {strides = array<i32>} : memref<128x128xf32, #tpu.memory_space<vmem>>, vector<128x128xf32>,
    return
  }
  func.func @transform_0(%arg0: i32, %arg1: i32) -> (i32, i32) {
    %mul3A = arith.constant 8 : i32
    %mul3A_0 = arith.muli %arg0, %mul3A : i32
    %add3A = arith.addi %mul3A_0, %arg1 : i32
    %c0_i32 = arith.constant 0 : i32
    %c0_i32_1 = arith.constant 0 : i32
    return %add3A, %c0_i32 : i32, i32
  }
  func.func @transform_1(%arg0: i32, %arg1: i32) -> (i32, i32, i32) {
    %mul3A = arith.constant 8 : i32
    %mul3A_0 = arith.muli %arg0, %mul3A : i32
    %add3A = arith.addi %mul3A_0, %arg1 : i32
    %c0_i32 = arith.constant 0 : i32
    %c0_i32_1 = arith.constant 0 : i32
    %c0_i32_2 = arith.constant 0 : i32
    return %c0_i32, %add3A, %c0_i32_1 : i32, i32, i32
  }
  func.func @transform_2(%arg0: i32, %arg1: i32) -> (i32, i32) {
    %c0_i32 = arith.constant 0 : i32
    %c0_i32_0 = arith.constant 0 : i32
    %c0_i32_1 = arith.constant 0 : i32
    return %c0_i32, %c0_i32_0 : i32, i32
  }
  func.func @transform_3(%arg0: i32, %arg1: i32) -> (i32, i32) {
    %c0_i32 = arith.constant 0 : i32
    %c0_i32_0 = arith.constant 0 : i32
    %c0_i32_1 = arith.constant 0 : i32
    return %c0_i32, %c0_i32_0 : i32, i32
  }
  func.func @transform_4(%arg0: i32, %arg1: i32) -> (i32, i32) {
    %c0_i32 = arith.constant 0 : i32
    %c0_i32_0 = arith.constant 0 : i32
    %c0_i32_1 = arith.constant 0 : i32
    return %c0_i32, %c0_i32_0 : i32, i32
  }
  func.func @transform_5(%arg0: i32, %arg1: i32) -> (i32, i32) {
    %c0_i32 = arith.constant 0 : i32
    %c0_i32_0 = arith.constant 0 : i32
    %c0_i32_1 = arith.constant 0 : i32
    return %c0_i32, %c0_i32_0 : i32, i32
  }
  func.func @transform_6(%arg0: i32, %arg1: i32) -> (i32, i32) {
    %c0_i32 = arith.constant 0 : i32
    %c0_i32_0 = arith.constant 0 : i32
    %c0_i32_1 = arith.constant 0 : i32
    return %c0_i32, %c0_i32_0 : i32, i32
  }
  func.func @transform_7(%arg0: i32, %arg1: i32) -> (i32, i32) {
    %c0_i32 = arith.constant 0 : i32
    %c0_i32_0 = arith.constant 0 : i32
    %c0_i32_1 = arith.constant 0 : i32
    return %c0_i32, %c0_i32_0 : i32, i32
  }
  func.func @transform_8(%arg0: i32, %arg1: i32) -> (i32, i32) {
    %mul3A = arith.constant 8 : i32
    %mul3A_0 = arith.muli %arg0, %mul3A : i32
    %add3A = arith.addi %mul3A_0, %arg1 : i32
    %c0_i32 = arith.constant 0 : i32
    %c0_i32_1 = arith.constant 0 : i32
    return %add3A, %c0_i32 : i32, i32
  }
}

module attributes {stable_mosaic.version = 14 : i64} {
  func.func @_knn_node_body(%arg0: i32, %arg1: memref<1024x128xf32, #tpu.memory_space<vmem>>, %arg2: memref<128x256xf32, #tpu.memory_space<vmem>>, %arg3: memref<1x256xf32, #tpu.memory_space<vmem>>, %arg4: memref<128x256xf32, #tpu.memory_space<vmem>>, %arg5: memref<24x1024xi32, #tpu.memory_space<vmem>>, %arg6: memref<1024x256xf32, #tpu.memory_space<vmem>>, %arg7: memref<1024x128xi32, #tpu.memory_space<vmem>>, %arg8: memref<1024x1024xi32, #tpu.memory_space<vmem>>) attributes {dimension_semantics = [#tpu.dimension_semantics<arbitrary>], iteration_bounds = array<i64: 10>, scalar_prefetch = 0 : i64, scratch_operands = 1 : i64, tpu.core_type = #tpu.core_type<tc>, window_params = [{transform_indices = @transform_0, window_bounds = array<i64: 1024, 128>}, {pipeline_mode = #tpu.pipeline_mode<synchronous>, transform_indices = @transform_1, window_bounds = array<i64: 128, 256>}, {pipeline_mode = #tpu.pipeline_mode<synchronous>, transform_indices = @transform_2, window_bounds = array<i64: 1, 256>}, {pipeline_mode = #tpu.pipeline_mode<synchronous>, transform_indices = @transform_3, window_bounds = array<i64: 128, 256>}, {transform_indices = @transform_4, window_bounds = array<i64: 24, 1024>}, {transform_indices = @transform_5, window_bounds = array<i64: 1024, 256>}, {transform_indices = @transform_6, window_bounds = array<i64: 1024, 128>}]} {
    %get3A = arith.constant 0 : index
    %get3A_0 = arith.constant 0 : index
    %get3A_1 = vector.load %arg1[%get3A, %get3A_0] : memref<1024x128xf32, #tpu.memory_space<vmem>>, vector<1024x128xf32>
    %mul3A = arith.mulf %get3A_1, %get3A_1 : vector<1024x128xf32>
    %reduce_sum3A = arith.constant dense<0.000000e+00> : vector<1024xf32>
    %reduce_sum3A_2 = vector.multi_reduction <add>, %mul3A, %reduce_sum3A [1] : vector<1024x128xf32> to vector<1024xf32>
    %broadcast_in_dim3A = vector.shape_cast %reduce_sum3A_2 : vector<1024xf32> to vector<1024x1xf32>
    %dot_general3A = arith.constant dense<0.000000e+00> : vector<1024x1024xf32>
    %dot_general3A_3 = tpu.matmul %get3A_1, %get3A_1, %dot_general3A {dimension_numbers = #tpu.dot_dimension_numbers<[1], [1], [0], [0], [0, 0, 1, 0], [], []>, transpose_lhs_hint = false} : vector<1024x128xf32>, vector<1024x128xf32>, vector<1024x1024xf32> -> vector<1024x1024xf32>
    %iota3A = tpu.iota {dimensions = array<i32: 0>} : vector<1024x1024xi32>
    %mul3A_4 = arith.constant 2.000000e+00 : f32
    %mul3A_5 = vector.broadcast %mul3A_4 : f32 to vector<1024x1024xf32>
    %mul3A_6 = arith.mulf %mul3A_5, %dot_general3A_3 : vector<1024x1024xf32>
    %sub3A = vector.broadcast %broadcast_in_dim3A : vector<1024x1xf32> to vector<1024x1024xf32>
    %sub3A_7 = arith.subf %sub3A, %mul3A_6 : vector<1024x1024xf32>
    %bitcast_convert_type3A = tpu.bitcast %sub3A_7 : vector<1024x1024xf32> -> vector<1024x1024xi32>
    %ge3A = arith.constant 0 : i32
    %ge3A_8 = vector.broadcast %ge3A : i32 to vector<1024x1024xi32>
    %ge3A_9 = arith.cmpi sge, %bitcast_convert_type3A, %ge3A_8 : vector<1024x1024xi32>
    %xor3A = arith.constant 2147483647 : i32
    %xor3A_10 = vector.broadcast %xor3A : i32 to vector<1024x1024xi32>
    %xor3A_11 = arith.xori %bitcast_convert_type3A, %xor3A_10 : vector<1024x1024xi32>
    %select_n3A = arith.select %ge3A_9, %bitcast_convert_type3A, %xor3A_11 : vector<1024x1024xi1>, vector<1024x1024xi32>
    %and3A = arith.constant -1024 : i32
    %and3A_12 = vector.broadcast %and3A : i32 to vector<1024x1024xi32>
    %and3A_13 = arith.andi %select_n3A, %and3A_12 : vector<1024x1024xi32>
    %or3A = arith.ori %and3A_13, %iota3A : vector<1024x1024xi32>
    %lt3A = arith.constant 1000 : i32
    %lt3A_14 = vector.broadcast %lt3A : i32 to vector<1024x1024xi32>
    %lt3A_15 = arith.cmpi slt, %iota3A, %lt3A_14 : vector<1024x1024xi32>
    %jit3A = arith.constant 2147483647 : i32
    %broadcast_in_dim3A_16 = vector.broadcast %jit3A : i32 to vector<1024x1024xi32>
    %select_n3A_17 = arith.select %lt3A_15, %or3A, %broadcast_in_dim3A_16 : vector<1024x1024xi1>, vector<1024x1024xi32>
    %swap3A = arith.constant 0 : index
    %swap3A_18 = arith.constant 0 : index
    %swap3A_19 = vector.load %arg8[%swap3A, %swap3A_18] : memref<1024x1024xi32, #tpu.memory_space<vmem>>, vector<1024x1024xi32>
    tpu.vector_store %arg8[%swap3A, %swap3A_18], %select_n3A_17 {strides = array<i32>} : memref<1024x1024xi32, #tpu.memory_space<vmem>>, vector<1024x1024xi32>,
    %get3A_20 = arith.constant 0 : index
    %get3A_21 = arith.constant 0 : index
    %get3A_22 = vector.load %arg8[%get3A_20, %get3A_21] : memref<1024x1024xi32, #tpu.memory_space<vmem>>, vector<1024x1024xi32>
    %reduce_min3A = arith.constant dense<2147483647> : vector<1024xi32>
    %reduce_min3A_23 = vector.multi_reduction <minsi>, %get3A_22, %reduce_min3A [0] : vector<1024x1024xi32> to vector<1024xi32>
    %broadcast_in_dim3A_24 = vector.shape_cast %reduce_min3A_23 : vector<1024xi32> to vector<1x1024xi32>
    %and3A_25 = arith.constant 1023 : i32
    %and3A_26 = vector.broadcast %and3A_25 : i32 to vector<1x1024xi32>
    %and3A_27 = arith.andi %broadcast_in_dim3A_24, %and3A_26 : vector<1x1024xi32>
    %mul3A_28 = arith.constant 1024 : i32
    %mul3A_29 = arith.muli %arg0, %mul3A_28 : i32
    %add3A = vector.broadcast %mul3A_29 : i32 to vector<1x1024xi32>
    %add3A_30 = arith.addi %and3A_27, %add3A : vector<1x1024xi32>
    %swap3A_31 = arith.constant 0 : index
    %swap3A_32 = arith.constant 0 : index
    %swap3A_33 = vector.load %arg5[%swap3A_31, %swap3A_32] : memref<24x1024xi32, #tpu.memory_space<vmem>>, vector<1x1024xi32>
    tpu.vector_store %arg5[%swap3A_31, %swap3A_32], %add3A_30 {strides = array<i32>} : memref<24x1024xi32, #tpu.memory_space<vmem>>, vector<1x1024xi32>,
    %eq3A = vector.broadcast %and3A_27 : vector<1x1024xi32> to vector<1024x1024xi32>
    %eq3A_34 = arith.cmpi eq, %iota3A, %eq3A : vector<1024x1024xi32>
    %jit3A_35 = arith.constant 2147483647 : i32
    %broadcast_in_dim3A_36 = vector.broadcast %jit3A_35 : i32 to vector<1024x1024xi32>
    %select_n3A_37 = arith.select %eq3A_34, %broadcast_in_dim3A_36, %get3A_22 : vector<1024x1024xi1>, vector<1024x1024xi32>
    %swap3A_38 = arith.constant 0 : index
    %swap3A_39 = arith.constant 0 : index
    %swap3A_40 = vector.load %arg8[%swap3A_38, %swap3A_39] : memref<1024x1024xi32, #tpu.memory_space<vmem>>, vector<1024x1024xi32>
    tpu.vector_store %arg8[%swap3A_38, %swap3A_39], %select_n3A_37 {strides = array<i32>} : memref<1024x1024xi32, #tpu.memory_space<vmem>>, vector<1024x1024xi32>,
    %get3A_41 = arith.constant 0 : index
    %get3A_42 = arith.constant 0 : index
    %get3A_43 = vector.load %arg8[%get3A_41, %get3A_42] : memref<1024x1024xi32, #tpu.memory_space<vmem>>, vector<1024x1024xi32>
    %reduce_min3A_44 = arith.constant dense<2147483647> : vector<1024xi32>
    %reduce_min3A_45 = vector.multi_reduction <minsi>, %get3A_43, %reduce_min3A_44 [0] : vector<1024x1024xi32> to vector<1024xi32>
    %broadcast_in_dim3A_46 = vector.shape_cast %reduce_min3A_45 : vector<1024xi32> to vector<1x1024xi32>
    %and3A_47 = arith.constant 1023 : i32
    %and3A_48 = vector.broadcast %and3A_47 : i32 to vector<1x1024xi32>
    %and3A_49 = arith.andi %broadcast_in_dim3A_46, %and3A_48 : vector<1x1024xi32>
    %mul3A_50 = arith.constant 1024 : i32
    %mul3A_51 = arith.muli %arg0, %mul3A_50 : i32
    %add3A_52 = vector.broadcast %mul3A_51 : i32 to vector<1x1024xi32>
    %add3A_53 = arith.addi %and3A_49, %add3A_52 : vector<1x1024xi32>
    %swap3A_54 = arith.constant 1 : index
    %swap3A_55 = arith.constant 0 : index
    %swap3A_56 = vector.load %arg5[%swap3A_54, %swap3A_55] : memref<24x1024xi32, #tpu.memory_space<vmem>>, vector<1x1024xi32>
    tpu.vector_store %arg5[%swap3A_54, %swap3A_55], %add3A_53 {strides = array<i32>} : memref<24x1024xi32, #tpu.memory_space<vmem>>, vector<1x1024xi32>,
    %eq3A_57 = vector.broadcast %and3A_49 : vector<1x1024xi32> to vector<1024x1024xi32>
    %eq3A_58 = arith.cmpi eq, %iota3A, %eq3A_57 : vector<1024x1024xi32>
    %jit3A_59 = arith.constant 2147483647 : i32
    %broadcast_in_dim3A_60 = vector.broadcast %jit3A_59 : i32 to vector<1024x1024xi32>
    %select_n3A_61 = arith.select %eq3A_58, %broadcast_in_dim3A_60, %get3A_43 : vector<1024x1024xi1>, vector<1024x1024xi32>
    %swap3A_62 = arith.constant 0 : index
    %swap3A_63 = arith.constant 0 : index
    %swap3A_64 = vector.load %arg8[%swap3A_62, %swap3A_63] : memref<1024x1024xi32, #tpu.memory_space<vmem>>, vector<1024x1024xi32>
    tpu.vector_store %arg8[%swap3A_62, %swap3A_63], %select_n3A_61 {strides = array<i32>} : memref<1024x1024xi32, #tpu.memory_space<vmem>>, vector<1024x1024xi32>,
    %get3A_65 = arith.constant 0 : index
    %get3A_66 = arith.constant 0 : index
    %get3A_67 = vector.load %arg8[%get3A_65, %get3A_66] : memref<1024x1024xi32, #tpu.memory_space<vmem>>, vector<1024x1024xi32>
    %reduce_min3A_68 = arith.constant dense<2147483647> : vector<1024xi32>
    %reduce_min3A_69 = vector.multi_reduction <minsi>, %get3A_67, %reduce_min3A_68 [0] : vector<1024x1024xi32> to vector<1024xi32>
    %broadcast_in_dim3A_70 = vector.shape_cast %reduce_min3A_69 : vector<1024xi32> to vector<1x1024xi32>
    %and3A_71 = arith.constant 1023 : i32
    %and3A_72 = vector.broadcast %and3A_71 : i32 to vector<1x1024xi32>
    %and3A_73 = arith.andi %broadcast_in_dim3A_70, %and3A_72 : vector<1x1024xi32>
    %mul3A_74 = arith.constant 1024 : i32
    %mul3A_75 = arith.muli %arg0, %mul3A_74 : i32
    %add3A_76 = vector.broadcast %mul3A_75 : i32 to vector<1x1024xi32>
    %add3A_77 = arith.addi %and3A_73, %add3A_76 : vector<1x1024xi32>
    %swap3A_78 = arith.constant 2 : index
    %swap3A_79 = arith.constant 0 : index
    %swap3A_80 = vector.load %arg5[%swap3A_78, %swap3A_79] : memref<24x1024xi32, #tpu.memory_space<vmem>>, vector<1x1024xi32>
    tpu.vector_store %arg5[%swap3A_78, %swap3A_79], %add3A_77 {strides = array<i32>} : memref<24x1024xi32, #tpu.memory_space<vmem>>, vector<1x1024xi32>,
    %eq3A_81 = vector.broadcast %and3A_73 : vector<1x1024xi32> to vector<1024x1024xi32>
    %eq3A_82 = arith.cmpi eq, %iota3A, %eq3A_81 : vector<1024x1024xi32>
    %jit3A_83 = arith.constant 2147483647 : i32
    %broadcast_in_dim3A_84 = vector.broadcast %jit3A_83 : i32 to vector<1024x1024xi32>
    %select_n3A_85 = arith.select %eq3A_82, %broadcast_in_dim3A_84, %get3A_67 : vector<1024x1024xi1>, vector<1024x1024xi32>
    %swap3A_86 = arith.constant 0 : index
    %swap3A_87 = arith.constant 0 : index
    %swap3A_88 = vector.load %arg8[%swap3A_86, %swap3A_87] : memref<1024x1024xi32, #tpu.memory_space<vmem>>, vector<1024x1024xi32>
    tpu.vector_store %arg8[%swap3A_86, %swap3A_87], %select_n3A_85 {strides = array<i32>} : memref<1024x1024xi32, #tpu.memory_space<vmem>>, vector<1024x1024xi32>,
    %get3A_89 = arith.constant 0 : index
    %get3A_90 = arith.constant 0 : index
    %get3A_91 = vector.load %arg8[%get3A_89, %get3A_90] : memref<1024x1024xi32, #tpu.memory_space<vmem>>, vector<1024x1024xi32>
    %reduce_min3A_92 = arith.constant dense<2147483647> : vector<1024xi32>
    %reduce_min3A_93 = vector.multi_reduction <minsi>, %get3A_91, %reduce_min3A_92 [0] : vector<1024x1024xi32> to vector<1024xi32>
    %broadcast_in_dim3A_94 = vector.shape_cast %reduce_min3A_93 : vector<1024xi32> to vector<1x1024xi32>
    %and3A_95 = arith.constant 1023 : i32
    %and3A_96 = vector.broadcast %and3A_95 : i32 to vector<1x1024xi32>
    %and3A_97 = arith.andi %broadcast_in_dim3A_94, %and3A_96 : vector<1x1024xi32>
    %mul3A_98 = arith.constant 1024 : i32
    %mul3A_99 = arith.muli %arg0, %mul3A_98 : i32
    %add3A_100 = vector.broadcast %mul3A_99 : i32 to vector<1x1024xi32>
    %add3A_101 = arith.addi %and3A_97, %add3A_100 : vector<1x1024xi32>
    %swap3A_102 = arith.constant 3 : index
    %swap3A_103 = arith.constant 0 : index
    %swap3A_104 = vector.load %arg5[%swap3A_102, %swap3A_103] : memref<24x1024xi32, #tpu.memory_space<vmem>>, vector<1x1024xi32>
    tpu.vector_store %arg5[%swap3A_102, %swap3A_103], %add3A_101 {strides = array<i32>} : memref<24x1024xi32, #tpu.memory_space<vmem>>, vector<1x1024xi32>,
    %eq3A_105 = vector.broadcast %and3A_97 : vector<1x1024xi32> to vector<1024x1024xi32>
    %eq3A_106 = arith.cmpi eq, %iota3A, %eq3A_105 : vector<1024x1024xi32>
    %jit3A_107 = arith.constant 2147483647 : i32
    %broadcast_in_dim3A_108 = vector.broadcast %jit3A_107 : i32 to vector<1024x1024xi32>
    %select_n3A_109 = arith.select %eq3A_106, %broadcast_in_dim3A_108, %get3A_91 : vector<1024x1024xi1>, vector<1024x1024xi32>
    %swap3A_110 = arith.constant 0 : index
    %swap3A_111 = arith.constant 0 : index
    %swap3A_112 = vector.load %arg8[%swap3A_110, %swap3A_111] : memref<1024x1024xi32, #tpu.memory_space<vmem>>, vector<1024x1024xi32>
    tpu.vector_store %arg8[%swap3A_110, %swap3A_111], %select_n3A_109 {strides = array<i32>} : memref<1024x1024xi32, #tpu.memory_space<vmem>>, vector<1024x1024xi32>,
    %get3A_113 = arith.constant 0 : index
    %get3A_114 = arith.constant 0 : index
    %get3A_115 = vector.load %arg8[%get3A_113, %get3A_114] : memref<1024x1024xi32, #tpu.memory_space<vmem>>, vector<1024x1024xi32>
    %reduce_min3A_116 = arith.constant dense<2147483647> : vector<1024xi32>
    %reduce_min3A_117 = vector.multi_reduction <minsi>, %get3A_115, %reduce_min3A_116 [0] : vector<1024x1024xi32> to vector<1024xi32>
    %broadcast_in_dim3A_118 = vector.shape_cast %reduce_min3A_117 : vector<1024xi32> to vector<1x1024xi32>
    %and3A_119 = arith.constant 1023 : i32
    %and3A_120 = vector.broadcast %and3A_119 : i32 to vector<1x1024xi32>
    %and3A_121 = arith.andi %broadcast_in_dim3A_118, %and3A_120 : vector<1x1024xi32>
    %mul3A_122 = arith.constant 1024 : i32
    %mul3A_123 = arith.muli %arg0, %mul3A_122 : i32
    %add3A_124 = vector.broadcast %mul3A_123 : i32 to vector<1x1024xi32>
    %add3A_125 = arith.addi %and3A_121, %add3A_124 : vector<1x1024xi32>
    %swap3A_126 = arith.constant 4 : index
    %swap3A_127 = arith.constant 0 : index
    %swap3A_128 = vector.load %arg5[%swap3A_126, %swap3A_127] : memref<24x1024xi32, #tpu.memory_space<vmem>>, vector<1x1024xi32>
    tpu.vector_store %arg5[%swap3A_126, %swap3A_127], %add3A_125 {strides = array<i32>} : memref<24x1024xi32, #tpu.memory_space<vmem>>, vector<1x1024xi32>,
    %eq3A_129 = vector.broadcast %and3A_121 : vector<1x1024xi32> to vector<1024x1024xi32>
    %eq3A_130 = arith.cmpi eq, %iota3A, %eq3A_129 : vector<1024x1024xi32>
    %jit3A_131 = arith.constant 2147483647 : i32
    %broadcast_in_dim3A_132 = vector.broadcast %jit3A_131 : i32 to vector<1024x1024xi32>
    %select_n3A_133 = arith.select %eq3A_130, %broadcast_in_dim3A_132, %get3A_115 : vector<1024x1024xi1>, vector<1024x1024xi32>
    %swap3A_134 = arith.constant 0 : index
    %swap3A_135 = arith.constant 0 : index
    %swap3A_136 = vector.load %arg8[%swap3A_134, %swap3A_135] : memref<1024x1024xi32, #tpu.memory_space<vmem>>, vector<1024x1024xi32>
    tpu.vector_store %arg8[%swap3A_134, %swap3A_135], %select_n3A_133 {strides = array<i32>} : memref<1024x1024xi32, #tpu.memory_space<vmem>>, vector<1024x1024xi32>,
    %get3A_137 = arith.constant 0 : index
    %get3A_138 = arith.constant 0 : index
    %get3A_139 = vector.load %arg8[%get3A_137, %get3A_138] : memref<1024x1024xi32, #tpu.memory_space<vmem>>, vector<1024x1024xi32>
    %reduce_min3A_140 = arith.constant dense<2147483647> : vector<1024xi32>
    %reduce_min3A_141 = vector.multi_reduction <minsi>, %get3A_139, %reduce_min3A_140 [0] : vector<1024x1024xi32> to vector<1024xi32>
    %broadcast_in_dim3A_142 = vector.shape_cast %reduce_min3A_141 : vector<1024xi32> to vector<1x1024xi32>
    %and3A_143 = arith.constant 1023 : i32
    %and3A_144 = vector.broadcast %and3A_143 : i32 to vector<1x1024xi32>
    %and3A_145 = arith.andi %broadcast_in_dim3A_142, %and3A_144 : vector<1x1024xi32>
    %mul3A_146 = arith.constant 1024 : i32
    %mul3A_147 = arith.muli %arg0, %mul3A_146 : i32
    %add3A_148 = vector.broadcast %mul3A_147 : i32 to vector<1x1024xi32>
    %add3A_149 = arith.addi %and3A_145, %add3A_148 : vector<1x1024xi32>
    %swap3A_150 = arith.constant 5 : index
    %swap3A_151 = arith.constant 0 : index
    %swap3A_152 = vector.load %arg5[%swap3A_150, %swap3A_151] : memref<24x1024xi32, #tpu.memory_space<vmem>>, vector<1x1024xi32>
    tpu.vector_store %arg5[%swap3A_150, %swap3A_151], %add3A_149 {strides = array<i32>} : memref<24x1024xi32, #tpu.memory_space<vmem>>, vector<1x1024xi32>,
    %eq3A_153 = vector.broadcast %and3A_145 : vector<1x1024xi32> to vector<1024x1024xi32>
    %eq3A_154 = arith.cmpi eq, %iota3A, %eq3A_153 : vector<1024x1024xi32>
    %jit3A_155 = arith.constant 2147483647 : i32
    %broadcast_in_dim3A_156 = vector.broadcast %jit3A_155 : i32 to vector<1024x1024xi32>
    %select_n3A_157 = arith.select %eq3A_154, %broadcast_in_dim3A_156, %get3A_139 : vector<1024x1024xi1>, vector<1024x1024xi32>
    %swap3A_158 = arith.constant 0 : index
    %swap3A_159 = arith.constant 0 : index
    %swap3A_160 = vector.load %arg8[%swap3A_158, %swap3A_159] : memref<1024x1024xi32, #tpu.memory_space<vmem>>, vector<1024x1024xi32>
    tpu.vector_store %arg8[%swap3A_158, %swap3A_159], %select_n3A_157 {strides = array<i32>} : memref<1024x1024xi32, #tpu.memory_space<vmem>>, vector<1024x1024xi32>,
    %get3A_161 = arith.constant 0 : index
    %get3A_162 = arith.constant 0 : index
    %get3A_163 = vector.load %arg8[%get3A_161, %get3A_162] : memref<1024x1024xi32, #tpu.memory_space<vmem>>, vector<1024x1024xi32>
    %reduce_min3A_164 = arith.constant dense<2147483647> : vector<1024xi32>
    %reduce_min3A_165 = vector.multi_reduction <minsi>, %get3A_163, %reduce_min3A_164 [0] : vector<1024x1024xi32> to vector<1024xi32>
    %broadcast_in_dim3A_166 = vector.shape_cast %reduce_min3A_165 : vector<1024xi32> to vector<1x1024xi32>
    %and3A_167 = arith.constant 1023 : i32
    %and3A_168 = vector.broadcast %and3A_167 : i32 to vector<1x1024xi32>
    %and3A_169 = arith.andi %broadcast_in_dim3A_166, %and3A_168 : vector<1x1024xi32>
    %mul3A_170 = arith.constant 1024 : i32
    %mul3A_171 = arith.muli %arg0, %mul3A_170 : i32
    %add3A_172 = vector.broadcast %mul3A_171 : i32 to vector<1x1024xi32>
    %add3A_173 = arith.addi %and3A_169, %add3A_172 : vector<1x1024xi32>
    %swap3A_174 = arith.constant 6 : index
    %swap3A_175 = arith.constant 0 : index
    %swap3A_176 = vector.load %arg5[%swap3A_174, %swap3A_175] : memref<24x1024xi32, #tpu.memory_space<vmem>>, vector<1x1024xi32>
    tpu.vector_store %arg5[%swap3A_174, %swap3A_175], %add3A_173 {strides = array<i32>} : memref<24x1024xi32, #tpu.memory_space<vmem>>, vector<1x1024xi32>,
    %eq3A_177 = vector.broadcast %and3A_169 : vector<1x1024xi32> to vector<1024x1024xi32>
    %eq3A_178 = arith.cmpi eq, %iota3A, %eq3A_177 : vector<1024x1024xi32>
    %jit3A_179 = arith.constant 2147483647 : i32
    %broadcast_in_dim3A_180 = vector.broadcast %jit3A_179 : i32 to vector<1024x1024xi32>
    %select_n3A_181 = arith.select %eq3A_178, %broadcast_in_dim3A_180, %get3A_163 : vector<1024x1024xi1>, vector<1024x1024xi32>
    %swap3A_182 = arith.constant 0 : index
    %swap3A_183 = arith.constant 0 : index
    %swap3A_184 = vector.load %arg8[%swap3A_182, %swap3A_183] : memref<1024x1024xi32, #tpu.memory_space<vmem>>, vector<1024x1024xi32>
    tpu.vector_store %arg8[%swap3A_182, %swap3A_183], %select_n3A_181 {strides = array<i32>} : memref<1024x1024xi32, #tpu.memory_space<vmem>>, vector<1024x1024xi32>,
    %get3A_185 = arith.constant 0 : index
    %get3A_186 = arith.constant 0 : index
    %get3A_187 = vector.load %arg8[%get3A_185, %get3A_186] : memref<1024x1024xi32, #tpu.memory_space<vmem>>, vector<1024x1024xi32>
    %reduce_min3A_188 = arith.constant dense<2147483647> : vector<1024xi32>
    %reduce_min3A_189 = vector.multi_reduction <minsi>, %get3A_187, %reduce_min3A_188 [0] : vector<1024x1024xi32> to vector<1024xi32>
    %broadcast_in_dim3A_190 = vector.shape_cast %reduce_min3A_189 : vector<1024xi32> to vector<1x1024xi32>
    %and3A_191 = arith.constant 1023 : i32
    %and3A_192 = vector.broadcast %and3A_191 : i32 to vector<1x1024xi32>
    %and3A_193 = arith.andi %broadcast_in_dim3A_190, %and3A_192 : vector<1x1024xi32>
    %mul3A_194 = arith.constant 1024 : i32
    %mul3A_195 = arith.muli %arg0, %mul3A_194 : i32
    %add3A_196 = vector.broadcast %mul3A_195 : i32 to vector<1x1024xi32>
    %add3A_197 = arith.addi %and3A_193, %add3A_196 : vector<1x1024xi32>
    %swap3A_198 = arith.constant 7 : index
    %swap3A_199 = arith.constant 0 : index
    %swap3A_200 = vector.load %arg5[%swap3A_198, %swap3A_199] : memref<24x1024xi32, #tpu.memory_space<vmem>>, vector<1x1024xi32>
    tpu.vector_store %arg5[%swap3A_198, %swap3A_199], %add3A_197 {strides = array<i32>} : memref<24x1024xi32, #tpu.memory_space<vmem>>, vector<1x1024xi32>,
    %eq3A_201 = vector.broadcast %and3A_193 : vector<1x1024xi32> to vector<1024x1024xi32>
    %eq3A_202 = arith.cmpi eq, %iota3A, %eq3A_201 : vector<1024x1024xi32>
    %jit3A_203 = arith.constant 2147483647 : i32
    %broadcast_in_dim3A_204 = vector.broadcast %jit3A_203 : i32 to vector<1024x1024xi32>
    %select_n3A_205 = arith.select %eq3A_202, %broadcast_in_dim3A_204, %get3A_187 : vector<1024x1024xi1>, vector<1024x1024xi32>
    %swap3A_206 = arith.constant 0 : index
    %swap3A_207 = arith.constant 0 : index
    %swap3A_208 = vector.load %arg8[%swap3A_206, %swap3A_207] : memref<1024x1024xi32, #tpu.memory_space<vmem>>, vector<1024x1024xi32>
    tpu.vector_store %arg8[%swap3A_206, %swap3A_207], %select_n3A_205 {strides = array<i32>} : memref<1024x1024xi32, #tpu.memory_space<vmem>>, vector<1024x1024xi32>,
    %get3A_209 = arith.constant 0 : index
    %get3A_210 = arith.constant 0 : index
    %get3A_211 = vector.load %arg8[%get3A_209, %get3A_210] : memref<1024x1024xi32, #tpu.memory_space<vmem>>, vector<1024x1024xi32>
    %reduce_min3A_212 = arith.constant dense<2147483647> : vector<1024xi32>
    %reduce_min3A_213 = vector.multi_reduction <minsi>, %get3A_211, %reduce_min3A_212 [0] : vector<1024x1024xi32> to vector<1024xi32>
    %broadcast_in_dim3A_214 = vector.shape_cast %reduce_min3A_213 : vector<1024xi32> to vector<1x1024xi32>
    %and3A_215 = arith.constant 1023 : i32
    %and3A_216 = vector.broadcast %and3A_215 : i32 to vector<1x1024xi32>
    %and3A_217 = arith.andi %broadcast_in_dim3A_214, %and3A_216 : vector<1x1024xi32>
    %mul3A_218 = arith.constant 1024 : i32
    %mul3A_219 = arith.muli %arg0, %mul3A_218 : i32
    %add3A_220 = vector.broadcast %mul3A_219 : i32 to vector<1x1024xi32>
    %add3A_221 = arith.addi %and3A_217, %add3A_220 : vector<1x1024xi32>
    %swap3A_222 = arith.constant 8 : index
    %swap3A_223 = arith.constant 0 : index
    %swap3A_224 = vector.load %arg5[%swap3A_222, %swap3A_223] : memref<24x1024xi32, #tpu.memory_space<vmem>>, vector<1x1024xi32>
    tpu.vector_store %arg5[%swap3A_222, %swap3A_223], %add3A_221 {strides = array<i32>} : memref<24x1024xi32, #tpu.memory_space<vmem>>, vector<1x1024xi32>,
    %eq3A_225 = vector.broadcast %and3A_217 : vector<1x1024xi32> to vector<1024x1024xi32>
    %eq3A_226 = arith.cmpi eq, %iota3A, %eq3A_225 : vector<1024x1024xi32>
    %jit3A_227 = arith.constant 2147483647 : i32
    %broadcast_in_dim3A_228 = vector.broadcast %jit3A_227 : i32 to vector<1024x1024xi32>
    %select_n3A_229 = arith.select %eq3A_226, %broadcast_in_dim3A_228, %get3A_211 : vector<1024x1024xi1>, vector<1024x1024xi32>
    %swap3A_230 = arith.constant 0 : index
    %swap3A_231 = arith.constant 0 : index
    %swap3A_232 = vector.load %arg8[%swap3A_230, %swap3A_231] : memref<1024x1024xi32, #tpu.memory_space<vmem>>, vector<1024x1024xi32>
    tpu.vector_store %arg8[%swap3A_230, %swap3A_231], %select_n3A_229 {strides = array<i32>} : memref<1024x1024xi32, #tpu.memory_space<vmem>>, vector<1024x1024xi32>,
    %get3A_233 = arith.constant 0 : index
    %get3A_234 = arith.constant 0 : index
    %get3A_235 = vector.load %arg8[%get3A_233, %get3A_234] : memref<1024x1024xi32, #tpu.memory_space<vmem>>, vector<1024x1024xi32>
    %reduce_min3A_236 = arith.constant dense<2147483647> : vector<1024xi32>
    %reduce_min3A_237 = vector.multi_reduction <minsi>, %get3A_235, %reduce_min3A_236 [0] : vector<1024x1024xi32> to vector<1024xi32>
    %broadcast_in_dim3A_238 = vector.shape_cast %reduce_min3A_237 : vector<1024xi32> to vector<1x1024xi32>
    %and3A_239 = arith.constant 1023 : i32
    %and3A_240 = vector.broadcast %and3A_239 : i32 to vector<1x1024xi32>
    %and3A_241 = arith.andi %broadcast_in_dim3A_238, %and3A_240 : vector<1x1024xi32>
    %mul3A_242 = arith.constant 1024 : i32
    %mul3A_243 = arith.muli %arg0, %mul3A_242 : i32
    %add3A_244 = vector.broadcast %mul3A_243 : i32 to vector<1x1024xi32>
    %add3A_245 = arith.addi %and3A_241, %add3A_244 : vector<1x1024xi32>
    %swap3A_246 = arith.constant 9 : index
    %swap3A_247 = arith.constant 0 : index
    %swap3A_248 = vector.load %arg5[%swap3A_246, %swap3A_247] : memref<24x1024xi32, #tpu.memory_space<vmem>>, vector<1x1024xi32>
    tpu.vector_store %arg5[%swap3A_246, %swap3A_247], %add3A_245 {strides = array<i32>} : memref<24x1024xi32, #tpu.memory_space<vmem>>, vector<1x1024xi32>,
    %eq3A_249 = vector.broadcast %and3A_241 : vector<1x1024xi32> to vector<1024x1024xi32>
    %eq3A_250 = arith.cmpi eq, %iota3A, %eq3A_249 : vector<1024x1024xi32>
    %jit3A_251 = arith.constant 2147483647 : i32
    %broadcast_in_dim3A_252 = vector.broadcast %jit3A_251 : i32 to vector<1024x1024xi32>
    %select_n3A_253 = arith.select %eq3A_250, %broadcast_in_dim3A_252, %get3A_235 : vector<1024x1024xi1>, vector<1024x1024xi32>
    %swap3A_254 = arith.constant 0 : index
    %swap3A_255 = arith.constant 0 : index
    %swap3A_256 = vector.load %arg8[%swap3A_254, %swap3A_255] : memref<1024x1024xi32, #tpu.memory_space<vmem>>, vector<1024x1024xi32>
    tpu.vector_store %arg8[%swap3A_254, %swap3A_255], %select_n3A_253 {strides = array<i32>} : memref<1024x1024xi32, #tpu.memory_space<vmem>>, vector<1024x1024xi32>,
    %get3A_257 = arith.constant 0 : index
    %get3A_258 = arith.constant 0 : index
    %get3A_259 = vector.load %arg8[%get3A_257, %get3A_258] : memref<1024x1024xi32, #tpu.memory_space<vmem>>, vector<1024x1024xi32>
    %reduce_min3A_260 = arith.constant dense<2147483647> : vector<1024xi32>
    %reduce_min3A_261 = vector.multi_reduction <minsi>, %get3A_259, %reduce_min3A_260 [0] : vector<1024x1024xi32> to vector<1024xi32>
    %broadcast_in_dim3A_262 = vector.shape_cast %reduce_min3A_261 : vector<1024xi32> to vector<1x1024xi32>
    %and3A_263 = arith.constant 1023 : i32
    %and3A_264 = vector.broadcast %and3A_263 : i32 to vector<1x1024xi32>
    %and3A_265 = arith.andi %broadcast_in_dim3A_262, %and3A_264 : vector<1x1024xi32>
    %mul3A_266 = arith.constant 1024 : i32
    %mul3A_267 = arith.muli %arg0, %mul3A_266 : i32
    %add3A_268 = vector.broadcast %mul3A_267 : i32 to vector<1x1024xi32>
    %add3A_269 = arith.addi %and3A_265, %add3A_268 : vector<1x1024xi32>
    %swap3A_270 = arith.constant 10 : index
    %swap3A_271 = arith.constant 0 : index
    %swap3A_272 = vector.load %arg5[%swap3A_270, %swap3A_271] : memref<24x1024xi32, #tpu.memory_space<vmem>>, vector<1x1024xi32>
    tpu.vector_store %arg5[%swap3A_270, %swap3A_271], %add3A_269 {strides = array<i32>} : memref<24x1024xi32, #tpu.memory_space<vmem>>, vector<1x1024xi32>,
    %eq3A_273 = vector.broadcast %and3A_265 : vector<1x1024xi32> to vector<1024x1024xi32>
    %eq3A_274 = arith.cmpi eq, %iota3A, %eq3A_273 : vector<1024x1024xi32>
    %jit3A_275 = arith.constant 2147483647 : i32
    %broadcast_in_dim3A_276 = vector.broadcast %jit3A_275 : i32 to vector<1024x1024xi32>
    %select_n3A_277 = arith.select %eq3A_274, %broadcast_in_dim3A_276, %get3A_259 : vector<1024x1024xi1>, vector<1024x1024xi32>
    %swap3A_278 = arith.constant 0 : index
    %swap3A_279 = arith.constant 0 : index
    %swap3A_280 = vector.load %arg8[%swap3A_278, %swap3A_279] : memref<1024x1024xi32, #tpu.memory_space<vmem>>, vector<1024x1024xi32>
    tpu.vector_store %arg8[%swap3A_278, %swap3A_279], %select_n3A_277 {strides = array<i32>} : memref<1024x1024xi32, #tpu.memory_space<vmem>>, vector<1024x1024xi32>,
    %get3A_281 = arith.constant 0 : index
    %get3A_282 = arith.constant 0 : index
    %get3A_283 = vector.load %arg8[%get3A_281, %get3A_282] : memref<1024x1024xi32, #tpu.memory_space<vmem>>, vector<1024x1024xi32>
    %reduce_min3A_284 = arith.constant dense<2147483647> : vector<1024xi32>
    %reduce_min3A_285 = vector.multi_reduction <minsi>, %get3A_283, %reduce_min3A_284 [0] : vector<1024x1024xi32> to vector<1024xi32>
    %broadcast_in_dim3A_286 = vector.shape_cast %reduce_min3A_285 : vector<1024xi32> to vector<1x1024xi32>
    %and3A_287 = arith.constant 1023 : i32
    %and3A_288 = vector.broadcast %and3A_287 : i32 to vector<1x1024xi32>
    %and3A_289 = arith.andi %broadcast_in_dim3A_286, %and3A_288 : vector<1x1024xi32>
    %mul3A_290 = arith.constant 1024 : i32
    %mul3A_291 = arith.muli %arg0, %mul3A_290 : i32
    %add3A_292 = vector.broadcast %mul3A_291 : i32 to vector<1x1024xi32>
    %add3A_293 = arith.addi %and3A_289, %add3A_292 : vector<1x1024xi32>
    %swap3A_294 = arith.constant 11 : index
    %swap3A_295 = arith.constant 0 : index
    %swap3A_296 = vector.load %arg5[%swap3A_294, %swap3A_295] : memref<24x1024xi32, #tpu.memory_space<vmem>>, vector<1x1024xi32>
    tpu.vector_store %arg5[%swap3A_294, %swap3A_295], %add3A_293 {strides = array<i32>} : memref<24x1024xi32, #tpu.memory_space<vmem>>, vector<1x1024xi32>,
    %eq3A_297 = vector.broadcast %and3A_289 : vector<1x1024xi32> to vector<1024x1024xi32>
    %eq3A_298 = arith.cmpi eq, %iota3A, %eq3A_297 : vector<1024x1024xi32>
    %jit3A_299 = arith.constant 2147483647 : i32
    %broadcast_in_dim3A_300 = vector.broadcast %jit3A_299 : i32 to vector<1024x1024xi32>
    %select_n3A_301 = arith.select %eq3A_298, %broadcast_in_dim3A_300, %get3A_283 : vector<1024x1024xi1>, vector<1024x1024xi32>
    %swap3A_302 = arith.constant 0 : index
    %swap3A_303 = arith.constant 0 : index
    %swap3A_304 = vector.load %arg8[%swap3A_302, %swap3A_303] : memref<1024x1024xi32, #tpu.memory_space<vmem>>, vector<1024x1024xi32>
    tpu.vector_store %arg8[%swap3A_302, %swap3A_303], %select_n3A_301 {strides = array<i32>} : memref<1024x1024xi32, #tpu.memory_space<vmem>>, vector<1024x1024xi32>,
    %get3A_305 = arith.constant 0 : index
    %get3A_306 = arith.constant 0 : index
    %get3A_307 = vector.load %arg8[%get3A_305, %get3A_306] : memref<1024x1024xi32, #tpu.memory_space<vmem>>, vector<1024x1024xi32>
    %reduce_min3A_308 = arith.constant dense<2147483647> : vector<1024xi32>
    %reduce_min3A_309 = vector.multi_reduction <minsi>, %get3A_307, %reduce_min3A_308 [0] : vector<1024x1024xi32> to vector<1024xi32>
    %broadcast_in_dim3A_310 = vector.shape_cast %reduce_min3A_309 : vector<1024xi32> to vector<1x1024xi32>
    %and3A_311 = arith.constant 1023 : i32
    %and3A_312 = vector.broadcast %and3A_311 : i32 to vector<1x1024xi32>
    %and3A_313 = arith.andi %broadcast_in_dim3A_310, %and3A_312 : vector<1x1024xi32>
    %mul3A_314 = arith.constant 1024 : i32
    %mul3A_315 = arith.muli %arg0, %mul3A_314 : i32
    %add3A_316 = vector.broadcast %mul3A_315 : i32 to vector<1x1024xi32>
    %add3A_317 = arith.addi %and3A_313, %add3A_316 : vector<1x1024xi32>
    %swap3A_318 = arith.constant 12 : index
    %swap3A_319 = arith.constant 0 : index
    %swap3A_320 = vector.load %arg5[%swap3A_318, %swap3A_319] : memref<24x1024xi32, #tpu.memory_space<vmem>>, vector<1x1024xi32>
    tpu.vector_store %arg5[%swap3A_318, %swap3A_319], %add3A_317 {strides = array<i32>} : memref<24x1024xi32, #tpu.memory_space<vmem>>, vector<1x1024xi32>,
    %eq3A_321 = vector.broadcast %and3A_313 : vector<1x1024xi32> to vector<1024x1024xi32>
    %eq3A_322 = arith.cmpi eq, %iota3A, %eq3A_321 : vector<1024x1024xi32>
    %jit3A_323 = arith.constant 2147483647 : i32
    %broadcast_in_dim3A_324 = vector.broadcast %jit3A_323 : i32 to vector<1024x1024xi32>
    %select_n3A_325 = arith.select %eq3A_322, %broadcast_in_dim3A_324, %get3A_307 : vector<1024x1024xi1>, vector<1024x1024xi32>
    %swap3A_326 = arith.constant 0 : index
    %swap3A_327 = arith.constant 0 : index
    %swap3A_328 = vector.load %arg8[%swap3A_326, %swap3A_327] : memref<1024x1024xi32, #tpu.memory_space<vmem>>, vector<1024x1024xi32>
    tpu.vector_store %arg8[%swap3A_326, %swap3A_327], %select_n3A_325 {strides = array<i32>} : memref<1024x1024xi32, #tpu.memory_space<vmem>>, vector<1024x1024xi32>,
    %get3A_329 = arith.constant 0 : index
    %get3A_330 = arith.constant 0 : index
    %get3A_331 = vector.load %arg8[%get3A_329, %get3A_330] : memref<1024x1024xi32, #tpu.memory_space<vmem>>, vector<1024x1024xi32>
    %reduce_min3A_332 = arith.constant dense<2147483647> : vector<1024xi32>
    %reduce_min3A_333 = vector.multi_reduction <minsi>, %get3A_331, %reduce_min3A_332 [0] : vector<1024x1024xi32> to vector<1024xi32>
    %broadcast_in_dim3A_334 = vector.shape_cast %reduce_min3A_333 : vector<1024xi32> to vector<1x1024xi32>
    %and3A_335 = arith.constant 1023 : i32
    %and3A_336 = vector.broadcast %and3A_335 : i32 to vector<1x1024xi32>
    %and3A_337 = arith.andi %broadcast_in_dim3A_334, %and3A_336 : vector<1x1024xi32>
    %mul3A_338 = arith.constant 1024 : i32
    %mul3A_339 = arith.muli %arg0, %mul3A_338 : i32
    %add3A_340 = vector.broadcast %mul3A_339 : i32 to vector<1x1024xi32>
    %add3A_341 = arith.addi %and3A_337, %add3A_340 : vector<1x1024xi32>
    %swap3A_342 = arith.constant 13 : index
    %swap3A_343 = arith.constant 0 : index
    %swap3A_344 = vector.load %arg5[%swap3A_342, %swap3A_343] : memref<24x1024xi32, #tpu.memory_space<vmem>>, vector<1x1024xi32>
    tpu.vector_store %arg5[%swap3A_342, %swap3A_343], %add3A_341 {strides = array<i32>} : memref<24x1024xi32, #tpu.memory_space<vmem>>, vector<1x1024xi32>,
    %eq3A_345 = vector.broadcast %and3A_337 : vector<1x1024xi32> to vector<1024x1024xi32>
    %eq3A_346 = arith.cmpi eq, %iota3A, %eq3A_345 : vector<1024x1024xi32>
    %jit3A_347 = arith.constant 2147483647 : i32
    %broadcast_in_dim3A_348 = vector.broadcast %jit3A_347 : i32 to vector<1024x1024xi32>
    %select_n3A_349 = arith.select %eq3A_346, %broadcast_in_dim3A_348, %get3A_331 : vector<1024x1024xi1>, vector<1024x1024xi32>
    %swap3A_350 = arith.constant 0 : index
    %swap3A_351 = arith.constant 0 : index
    %swap3A_352 = vector.load %arg8[%swap3A_350, %swap3A_351] : memref<1024x1024xi32, #tpu.memory_space<vmem>>, vector<1024x1024xi32>
    tpu.vector_store %arg8[%swap3A_350, %swap3A_351], %select_n3A_349 {strides = array<i32>} : memref<1024x1024xi32, #tpu.memory_space<vmem>>, vector<1024x1024xi32>,
    %get3A_353 = arith.constant 0 : index
    %get3A_354 = arith.constant 0 : index
    %get3A_355 = vector.load %arg8[%get3A_353, %get3A_354] : memref<1024x1024xi32, #tpu.memory_space<vmem>>, vector<1024x1024xi32>
    %reduce_min3A_356 = arith.constant dense<2147483647> : vector<1024xi32>
    %reduce_min3A_357 = vector.multi_reduction <minsi>, %get3A_355, %reduce_min3A_356 [0] : vector<1024x1024xi32> to vector<1024xi32>
    %broadcast_in_dim3A_358 = vector.shape_cast %reduce_min3A_357 : vector<1024xi32> to vector<1x1024xi32>
    %and3A_359 = arith.constant 1023 : i32
    %and3A_360 = vector.broadcast %and3A_359 : i32 to vector<1x1024xi32>
    %and3A_361 = arith.andi %broadcast_in_dim3A_358, %and3A_360 : vector<1x1024xi32>
    %mul3A_362 = arith.constant 1024 : i32
    %mul3A_363 = arith.muli %arg0, %mul3A_362 : i32
    %add3A_364 = vector.broadcast %mul3A_363 : i32 to vector<1x1024xi32>
    %add3A_365 = arith.addi %and3A_361, %add3A_364 : vector<1x1024xi32>
    %swap3A_366 = arith.constant 14 : index
    %swap3A_367 = arith.constant 0 : index
    %swap3A_368 = vector.load %arg5[%swap3A_366, %swap3A_367] : memref<24x1024xi32, #tpu.memory_space<vmem>>, vector<1x1024xi32>
    tpu.vector_store %arg5[%swap3A_366, %swap3A_367], %add3A_365 {strides = array<i32>} : memref<24x1024xi32, #tpu.memory_space<vmem>>, vector<1x1024xi32>,
    %eq3A_369 = vector.broadcast %and3A_361 : vector<1x1024xi32> to vector<1024x1024xi32>
    %eq3A_370 = arith.cmpi eq, %iota3A, %eq3A_369 : vector<1024x1024xi32>
    %jit3A_371 = arith.constant 2147483647 : i32
    %broadcast_in_dim3A_372 = vector.broadcast %jit3A_371 : i32 to vector<1024x1024xi32>
    %select_n3A_373 = arith.select %eq3A_370, %broadcast_in_dim3A_372, %get3A_355 : vector<1024x1024xi1>, vector<1024x1024xi32>
    %swap3A_374 = arith.constant 0 : index
    %swap3A_375 = arith.constant 0 : index
    %swap3A_376 = vector.load %arg8[%swap3A_374, %swap3A_375] : memref<1024x1024xi32, #tpu.memory_space<vmem>>, vector<1024x1024xi32>
    tpu.vector_store %arg8[%swap3A_374, %swap3A_375], %select_n3A_373 {strides = array<i32>} : memref<1024x1024xi32, #tpu.memory_space<vmem>>, vector<1024x1024xi32>,
    %get3A_377 = arith.constant 0 : index
    %get3A_378 = arith.constant 0 : index
    %get3A_379 = vector.load %arg8[%get3A_377, %get3A_378] : memref<1024x1024xi32, #tpu.memory_space<vmem>>, vector<1024x1024xi32>
    %reduce_min3A_380 = arith.constant dense<2147483647> : vector<1024xi32>
    %reduce_min3A_381 = vector.multi_reduction <minsi>, %get3A_379, %reduce_min3A_380 [0] : vector<1024x1024xi32> to vector<1024xi32>
    %broadcast_in_dim3A_382 = vector.shape_cast %reduce_min3A_381 : vector<1024xi32> to vector<1x1024xi32>
    %and3A_383 = arith.constant 1023 : i32
    %and3A_384 = vector.broadcast %and3A_383 : i32 to vector<1x1024xi32>
    %and3A_385 = arith.andi %broadcast_in_dim3A_382, %and3A_384 : vector<1x1024xi32>
    %mul3A_386 = arith.constant 1024 : i32
    %mul3A_387 = arith.muli %arg0, %mul3A_386 : i32
    %add3A_388 = vector.broadcast %mul3A_387 : i32 to vector<1x1024xi32>
    %add3A_389 = arith.addi %and3A_385, %add3A_388 : vector<1x1024xi32>
    %swap3A_390 = arith.constant 15 : index
    %swap3A_391 = arith.constant 0 : index
    %swap3A_392 = vector.load %arg5[%swap3A_390, %swap3A_391] : memref<24x1024xi32, #tpu.memory_space<vmem>>, vector<1x1024xi32>
    tpu.vector_store %arg5[%swap3A_390, %swap3A_391], %add3A_389 {strides = array<i32>} : memref<24x1024xi32, #tpu.memory_space<vmem>>, vector<1x1024xi32>,
    %eq3A_393 = vector.broadcast %and3A_385 : vector<1x1024xi32> to vector<1024x1024xi32>
    %eq3A_394 = arith.cmpi eq, %iota3A, %eq3A_393 : vector<1024x1024xi32>
    %jit3A_395 = arith.constant 2147483647 : i32
    %broadcast_in_dim3A_396 = vector.broadcast %jit3A_395 : i32 to vector<1024x1024xi32>
    %select_n3A_397 = arith.select %eq3A_394, %broadcast_in_dim3A_396, %get3A_379 : vector<1024x1024xi1>, vector<1024x1024xi32>
    %swap3A_398 = arith.constant 0 : index
    %swap3A_399 = arith.constant 0 : index
    %swap3A_400 = vector.load %arg8[%swap3A_398, %swap3A_399] : memref<1024x1024xi32, #tpu.memory_space<vmem>>, vector<1024x1024xi32>
    tpu.vector_store %arg8[%swap3A_398, %swap3A_399], %select_n3A_397 {strides = array<i32>} : memref<1024x1024xi32, #tpu.memory_space<vmem>>, vector<1024x1024xi32>,
    %get3A_401 = arith.constant 0 : index
    %get3A_402 = arith.constant 0 : index
    %get3A_403 = vector.load %arg8[%get3A_401, %get3A_402] : memref<1024x1024xi32, #tpu.memory_space<vmem>>, vector<1024x1024xi32>
    %reduce_min3A_404 = arith.constant dense<2147483647> : vector<1024xi32>
    %reduce_min3A_405 = vector.multi_reduction <minsi>, %get3A_403, %reduce_min3A_404 [0] : vector<1024x1024xi32> to vector<1024xi32>
    %broadcast_in_dim3A_406 = vector.shape_cast %reduce_min3A_405 : vector<1024xi32> to vector<1x1024xi32>
    %and3A_407 = arith.constant 1023 : i32
    %and3A_408 = vector.broadcast %and3A_407 : i32 to vector<1x1024xi32>
    %and3A_409 = arith.andi %broadcast_in_dim3A_406, %and3A_408 : vector<1x1024xi32>
    %mul3A_410 = arith.constant 1024 : i32
    %mul3A_411 = arith.muli %arg0, %mul3A_410 : i32
    %add3A_412 = vector.broadcast %mul3A_411 : i32 to vector<1x1024xi32>
    %add3A_413 = arith.addi %and3A_409, %add3A_412 : vector<1x1024xi32>
    %swap3A_414 = arith.constant 16 : index
    %swap3A_415 = arith.constant 0 : index
    %swap3A_416 = vector.load %arg5[%swap3A_414, %swap3A_415] : memref<24x1024xi32, #tpu.memory_space<vmem>>, vector<1x1024xi32>
    tpu.vector_store %arg5[%swap3A_414, %swap3A_415], %add3A_413 {strides = array<i32>} : memref<24x1024xi32, #tpu.memory_space<vmem>>, vector<1x1024xi32>,
    %eq3A_417 = vector.broadcast %and3A_409 : vector<1x1024xi32> to vector<1024x1024xi32>
    %eq3A_418 = arith.cmpi eq, %iota3A, %eq3A_417 : vector<1024x1024xi32>
    %jit3A_419 = arith.constant 2147483647 : i32
    %broadcast_in_dim3A_420 = vector.broadcast %jit3A_419 : i32 to vector<1024x1024xi32>
    %select_n3A_421 = arith.select %eq3A_418, %broadcast_in_dim3A_420, %get3A_403 : vector<1024x1024xi1>, vector<1024x1024xi32>
    %swap3A_422 = arith.constant 0 : index
    %swap3A_423 = arith.constant 0 : index
    %swap3A_424 = vector.load %arg8[%swap3A_422, %swap3A_423] : memref<1024x1024xi32, #tpu.memory_space<vmem>>, vector<1024x1024xi32>
    tpu.vector_store %arg8[%swap3A_422, %swap3A_423], %select_n3A_421 {strides = array<i32>} : memref<1024x1024xi32, #tpu.memory_space<vmem>>, vector<1024x1024xi32>,
    %get3A_425 = arith.constant 0 : index
    %get3A_426 = arith.constant 0 : index
    %get3A_427 = vector.load %arg8[%get3A_425, %get3A_426] : memref<1024x1024xi32, #tpu.memory_space<vmem>>, vector<1024x1024xi32>
    %reduce_min3A_428 = arith.constant dense<2147483647> : vector<1024xi32>
    %reduce_min3A_429 = vector.multi_reduction <minsi>, %get3A_427, %reduce_min3A_428 [0] : vector<1024x1024xi32> to vector<1024xi32>
    %broadcast_in_dim3A_430 = vector.shape_cast %reduce_min3A_429 : vector<1024xi32> to vector<1x1024xi32>
    %and3A_431 = arith.constant 1023 : i32
    %and3A_432 = vector.broadcast %and3A_431 : i32 to vector<1x1024xi32>
    %and3A_433 = arith.andi %broadcast_in_dim3A_430, %and3A_432 : vector<1x1024xi32>
    %mul3A_434 = arith.constant 1024 : i32
    %mul3A_435 = arith.muli %arg0, %mul3A_434 : i32
    %add3A_436 = vector.broadcast %mul3A_435 : i32 to vector<1x1024xi32>
    %add3A_437 = arith.addi %and3A_433, %add3A_436 : vector<1x1024xi32>
    %swap3A_438 = arith.constant 17 : index
    %swap3A_439 = arith.constant 0 : index
    %swap3A_440 = vector.load %arg5[%swap3A_438, %swap3A_439] : memref<24x1024xi32, #tpu.memory_space<vmem>>, vector<1x1024xi32>
    tpu.vector_store %arg5[%swap3A_438, %swap3A_439], %add3A_437 {strides = array<i32>} : memref<24x1024xi32, #tpu.memory_space<vmem>>, vector<1x1024xi32>,
    %eq3A_441 = vector.broadcast %and3A_433 : vector<1x1024xi32> to vector<1024x1024xi32>
    %eq3A_442 = arith.cmpi eq, %iota3A, %eq3A_441 : vector<1024x1024xi32>
    %jit3A_443 = arith.constant 2147483647 : i32
    %broadcast_in_dim3A_444 = vector.broadcast %jit3A_443 : i32 to vector<1024x1024xi32>
    %select_n3A_445 = arith.select %eq3A_442, %broadcast_in_dim3A_444, %get3A_427 : vector<1024x1024xi1>, vector<1024x1024xi32>
    %swap3A_446 = arith.constant 0 : index
    %swap3A_447 = arith.constant 0 : index
    %swap3A_448 = vector.load %arg8[%swap3A_446, %swap3A_447] : memref<1024x1024xi32, #tpu.memory_space<vmem>>, vector<1024x1024xi32>
    tpu.vector_store %arg8[%swap3A_446, %swap3A_447], %select_n3A_445 {strides = array<i32>} : memref<1024x1024xi32, #tpu.memory_space<vmem>>, vector<1024x1024xi32>,
    %get3A_449 = arith.constant 0 : index
    %get3A_450 = arith.constant 0 : index
    %get3A_451 = vector.load %arg8[%get3A_449, %get3A_450] : memref<1024x1024xi32, #tpu.memory_space<vmem>>, vector<1024x1024xi32>
    %reduce_min3A_452 = arith.constant dense<2147483647> : vector<1024xi32>
    %reduce_min3A_453 = vector.multi_reduction <minsi>, %get3A_451, %reduce_min3A_452 [0] : vector<1024x1024xi32> to vector<1024xi32>
    %broadcast_in_dim3A_454 = vector.shape_cast %reduce_min3A_453 : vector<1024xi32> to vector<1x1024xi32>
    %and3A_455 = arith.constant 1023 : i32
    %and3A_456 = vector.broadcast %and3A_455 : i32 to vector<1x1024xi32>
    %and3A_457 = arith.andi %broadcast_in_dim3A_454, %and3A_456 : vector<1x1024xi32>
    %mul3A_458 = arith.constant 1024 : i32
    %mul3A_459 = arith.muli %arg0, %mul3A_458 : i32
    %add3A_460 = vector.broadcast %mul3A_459 : i32 to vector<1x1024xi32>
    %add3A_461 = arith.addi %and3A_457, %add3A_460 : vector<1x1024xi32>
    %swap3A_462 = arith.constant 18 : index
    %swap3A_463 = arith.constant 0 : index
    %swap3A_464 = vector.load %arg5[%swap3A_462, %swap3A_463] : memref<24x1024xi32, #tpu.memory_space<vmem>>, vector<1x1024xi32>
    tpu.vector_store %arg5[%swap3A_462, %swap3A_463], %add3A_461 {strides = array<i32>} : memref<24x1024xi32, #tpu.memory_space<vmem>>, vector<1x1024xi32>,
    %eq3A_465 = vector.broadcast %and3A_457 : vector<1x1024xi32> to vector<1024x1024xi32>
    %eq3A_466 = arith.cmpi eq, %iota3A, %eq3A_465 : vector<1024x1024xi32>
    %jit3A_467 = arith.constant 2147483647 : i32
    %broadcast_in_dim3A_468 = vector.broadcast %jit3A_467 : i32 to vector<1024x1024xi32>
    %select_n3A_469 = arith.select %eq3A_466, %broadcast_in_dim3A_468, %get3A_451 : vector<1024x1024xi1>, vector<1024x1024xi32>
    %swap3A_470 = arith.constant 0 : index
    %swap3A_471 = arith.constant 0 : index
    %swap3A_472 = vector.load %arg8[%swap3A_470, %swap3A_471] : memref<1024x1024xi32, #tpu.memory_space<vmem>>, vector<1024x1024xi32>
    tpu.vector_store %arg8[%swap3A_470, %swap3A_471], %select_n3A_469 {strides = array<i32>} : memref<1024x1024xi32, #tpu.memory_space<vmem>>, vector<1024x1024xi32>,
    %get3A_473 = arith.constant 0 : index
    %get3A_474 = arith.constant 0 : index
    %get3A_475 = vector.load %arg8[%get3A_473, %get3A_474] : memref<1024x1024xi32, #tpu.memory_space<vmem>>, vector<1024x1024xi32>
    %reduce_min3A_476 = arith.constant dense<2147483647> : vector<1024xi32>
    %reduce_min3A_477 = vector.multi_reduction <minsi>, %get3A_475, %reduce_min3A_476 [0] : vector<1024x1024xi32> to vector<1024xi32>
    %broadcast_in_dim3A_478 = vector.shape_cast %reduce_min3A_477 : vector<1024xi32> to vector<1x1024xi32>
    %and3A_479 = arith.constant 1023 : i32
    %and3A_480 = vector.broadcast %and3A_479 : i32 to vector<1x1024xi32>
    %and3A_481 = arith.andi %broadcast_in_dim3A_478, %and3A_480 : vector<1x1024xi32>
    %mul3A_482 = arith.constant 1024 : i32
    %mul3A_483 = arith.muli %arg0, %mul3A_482 : i32
    %add3A_484 = vector.broadcast %mul3A_483 : i32 to vector<1x1024xi32>
    %add3A_485 = arith.addi %and3A_481, %add3A_484 : vector<1x1024xi32>
    %swap3A_486 = arith.constant 19 : index
    %swap3A_487 = arith.constant 0 : index
    %swap3A_488 = vector.load %arg5[%swap3A_486, %swap3A_487] : memref<24x1024xi32, #tpu.memory_space<vmem>>, vector<1x1024xi32>
    tpu.vector_store %arg5[%swap3A_486, %swap3A_487], %add3A_485 {strides = array<i32>} : memref<24x1024xi32, #tpu.memory_space<vmem>>, vector<1x1024xi32>,
    %eq3A_489 = vector.broadcast %and3A_481 : vector<1x1024xi32> to vector<1024x1024xi32>
    %eq3A_490 = arith.cmpi eq, %iota3A, %eq3A_489 : vector<1024x1024xi32>
    %jit3A_491 = arith.constant 2147483647 : i32
    %broadcast_in_dim3A_492 = vector.broadcast %jit3A_491 : i32 to vector<1024x1024xi32>
    %select_n3A_493 = arith.select %eq3A_490, %broadcast_in_dim3A_492, %get3A_475 : vector<1024x1024xi1>, vector<1024x1024xi32>
    %swap3A_494 = arith.constant 0 : index
    %swap3A_495 = arith.constant 0 : index
    %swap3A_496 = vector.load %arg8[%swap3A_494, %swap3A_495] : memref<1024x1024xi32, #tpu.memory_space<vmem>>, vector<1024x1024xi32>
    tpu.vector_store %arg8[%swap3A_494, %swap3A_495], %select_n3A_493 {strides = array<i32>} : memref<1024x1024xi32, #tpu.memory_space<vmem>>, vector<1024x1024xi32>,
    %get3A_497 = arith.constant 0 : index
    %get3A_498 = arith.constant 0 : index
    %get3A_499 = vector.load %arg2[%get3A_497, %get3A_498] : memref<128x256xf32, #tpu.memory_space<vmem>>, vector<128x256xf32>
    %dot_general3A_500 = arith.constant dense<0.000000e+00> : vector<1024x256xf32>
    %dot_general3A_501 = tpu.matmul %get3A_1, %get3A_499, %dot_general3A_500 {dimension_numbers = #tpu.dot_dimension_numbers<[1], [0], [0], [1], [0, 0, 1, 1], [], []>, transpose_lhs_hint = false} : vector<1024x128xf32>, vector<128x256xf32>, vector<1024x256xf32> -> vector<1024x256xf32>
    %get3A_502 = arith.constant 0 : index
    %get3A_503 = arith.constant 0 : index
    %get3A_504 = vector.load %arg3[%get3A_502, %get3A_503] : memref<1x256xf32, #tpu.memory_space<vmem>>, vector<1x256xf32>
    %add3A_505 = vector.broadcast %get3A_504 : vector<1x256xf32> to vector<1024x256xf32>
    %add3A_506 = arith.addf %dot_general3A_501, %add3A_505 : vector<1024x256xf32>
    %swap3A_507 = arith.constant 0 : index
    %swap3A_508 = arith.constant 0 : index
    %swap3A_509 = vector.load %arg6[%swap3A_507, %swap3A_508] : memref<1024x256xf32, #tpu.memory_space<vmem>>, vector<1024x256xf32>
    tpu.vector_store %arg6[%swap3A_507, %swap3A_508], %add3A_506 {strides = array<i32>} : memref<1024x256xf32, #tpu.memory_space<vmem>>, vector<1024x256xf32>,
    %get3A_510 = arith.constant 0 : index
    %get3A_511 = arith.constant 0 : index
    %get3A_512 = vector.load %arg4[%get3A_510, %get3A_511] : memref<128x256xf32, #tpu.memory_space<vmem>>, vector<128x256xf32>
    %dot_general3A_513 = arith.constant dense<0.000000e+00> : vector<1024x256xf32>
    %dot_general3A_514 = tpu.matmul %get3A_1, %get3A_512, %dot_general3A_513 {dimension_numbers = #tpu.dot_dimension_numbers<[1], [0], [0], [1], [0, 0, 1, 1], [], []>, transpose_lhs_hint = false} : vector<1024x128xf32>, vector<128x256xf32>, vector<1024x256xf32> -> vector<1024x256xf32>
    %slice3A = vector.extract_strided_slice %dot_general3A_514 {offsets = [0, 0], sizes = [1024, 128], strides = [1, 1]} : vector<1024x256xf32> to vector<1024x128xf32>
    %bitcast_convert_type3A_515 = tpu.bitcast %slice3A : vector<1024x128xf32> -> vector<1024x128xi32>
    %slice3A_516 = vector.extract_strided_slice %dot_general3A_514 {offsets = [0, 128], sizes = [1024, 128], strides = [1, 1]} : vector<1024x256xf32> to vector<1024x128xf32>
    %bitcast_convert_type3A_517 = tpu.bitcast %slice3A_516 : vector<1024x128xf32> -> vector<1024x128xi32>
    %add3A_518 = arith.constant 32768 : i32
    %add3A_519 = vector.broadcast %add3A_518 : i32 to vector<1024x128xi32>
    %add3A_520 = arith.addi %bitcast_convert_type3A_515, %add3A_519 : vector<1024x128xi32>
    %shift_right_arithmetic3A = arith.constant 16 : i32
    %shift_right_arithmetic3A_521 = vector.broadcast %shift_right_arithmetic3A : i32 to vector<1024x128xi32>
    %shift_right_arithmetic3A_522 = arith.shrsi %add3A_520, %shift_right_arithmetic3A_521 : vector<1024x128xi32>
    %and3A_523 = arith.constant 65535 : i32
    %and3A_524 = vector.broadcast %and3A_523 : i32 to vector<1024x128xi32>
    %and3A_525 = arith.andi %shift_right_arithmetic3A_522, %and3A_524 : vector<1024x128xi32>
    %add3A_526 = arith.constant 32768 : i32
    %add3A_527 = vector.broadcast %add3A_526 : i32 to vector<1024x128xi32>
    %add3A_528 = arith.addi %bitcast_convert_type3A_517, %add3A_527 : vector<1024x128xi32>
    %and3A_529 = arith.constant -65536 : i32
    %and3A_530 = vector.broadcast %and3A_529 : i32 to vector<1024x128xi32>
    %and3A_531 = arith.andi %add3A_528, %and3A_530 : vector<1024x128xi32>
    %or3A_532 = arith.ori %and3A_531, %and3A_525 : vector<1024x128xi32>
    %swap3A_533 = arith.constant 0 : index
    %swap3A_534 = arith.constant 0 : index
    %swap3A_535 = vector.load %arg7[%swap3A_533, %swap3A_534] : memref<1024x128xi32, #tpu.memory_space<vmem>>, vector<1024x128xi32>
    tpu.vector_store %arg7[%swap3A_533, %swap3A_534], %or3A_532 {strides = array<i32>} : memref<1024x128xi32, #tpu.memory_space<vmem>>, vector<1024x128xi32>,
    return
  }
  func.func @transform_0(%arg0: i32) -> (i32, i32) {
    %c0_i32 = arith.constant 0 : i32
    %c0_i32_0 = arith.constant 0 : i32
    return %arg0, %c0_i32 : i32, i32
  }
  func.func @transform_1(%arg0: i32) -> (i32, i32) {
    %c0_i32 = arith.constant 0 : i32
    %c0_i32_0 = arith.constant 0 : i32
    %c0_i32_1 = arith.constant 0 : i32
    return %c0_i32, %c0_i32_0 : i32, i32
  }
  func.func @transform_2(%arg0: i32) -> (i32, i32) {
    %c0_i32 = arith.constant 0 : i32
    %c0_i32_0 = arith.constant 0 : i32
    %c0_i32_1 = arith.constant 0 : i32
    return %c0_i32, %c0_i32_0 : i32, i32
  }
  func.func @transform_3(%arg0: i32) -> (i32, i32) {
    %c0_i32 = arith.constant 0 : i32
    %c0_i32_0 = arith.constant 0 : i32
    %c0_i32_1 = arith.constant 0 : i32
    return %c0_i32, %c0_i32_0 : i32, i32
  }
  func.func @transform_4(%arg0: i32) -> (i32, i32) {
    %c0_i32 = arith.constant 0 : i32
    %c0_i32_0 = arith.constant 0 : i32
    return %c0_i32, %arg0 : i32, i32
  }
  func.func @transform_5(%arg0: i32) -> (i32, i32) {
    %c0_i32 = arith.constant 0 : i32
    %c0_i32_0 = arith.constant 0 : i32
    return %arg0, %c0_i32 : i32, i32
  }
  func.func @transform_6(%arg0: i32) -> (i32, i32) {
    %c0_i32 = arith.constant 0 : i32
    %c0_i32_0 = arith.constant 0 : i32
    return %arg0, %c0_i32 : i32, i32
  }
}

module attributes {stable_mosaic.version = 14 : i64} {
  func.func @_edge_body(%arg0: i32, %arg1: i32, %arg2: memref<128x256xf32, #tpu.memory_space<vmem>>, %arg3: memref<20x128x128xi32, #tpu.memory_space<vmem>>, %arg4: memref<256x256xf32, #tpu.memory_space<vmem>>, %arg5: memref<1x256xf32, #tpu.memory_space<vmem>>, %arg6: memref<256x256xf32, #tpu.memory_space<vmem>>, %arg7: memref<1x256xf32, #tpu.memory_space<vmem>>, %arg8: memref<256x256xf32, #tpu.memory_space<vmem>>, %arg9: memref<1x256xf32, #tpu.memory_space<vmem>>, %arg10: memref<128x256xf32, #tpu.memory_space<vmem>>) attributes {dimension_semantics = [#tpu.dimension_semantics<arbitrary>, #tpu.dimension_semantics<arbitrary>], iteration_bounds = array<i64: 10, 8>, scalar_prefetch = 0 : i64, scratch_operands = 0 : i64, tpu.core_type = #tpu.core_type<tc>, window_params = [{transform_indices = @transform_0, window_bounds = array<i64: 128, 256>}, {transform_indices = @transform_1, window_bounds = array<i64: 20, 128, 128>}, {pipeline_mode = #tpu.pipeline_mode<synchronous>, transform_indices = @transform_2, window_bounds = array<i64: 256, 256>}, {pipeline_mode = #tpu.pipeline_mode<synchronous>, transform_indices = @transform_3, window_bounds = array<i64: 1, 256>}, {pipeline_mode = #tpu.pipeline_mode<synchronous>, transform_indices = @transform_4, window_bounds = array<i64: 256, 256>}, {pipeline_mode = #tpu.pipeline_mode<synchronous>, transform_indices = @transform_5, window_bounds = array<i64: 1, 256>}, {pipeline_mode = #tpu.pipeline_mode<synchronous>, transform_indices = @transform_6, window_bounds = array<i64: 256, 256>}, {pipeline_mode = #tpu.pipeline_mode<synchronous>, transform_indices = @transform_7, window_bounds = array<i64: 1, 256>}, {transform_indices = @transform_8, window_bounds = array<i64: 128, 256>}]} {
    %get3A = arith.constant 0 : index
    %get3A_0 = arith.constant 0 : index
    %get3A_1 = vector.load %arg2[%get3A, %get3A_0] : memref<128x256xf32, #tpu.memory_space<vmem>>, vector<128x256xf32>
    %get3A_2 = arith.constant 0 : index
    %get3A_3 = arith.constant 0 : index
    %get3A_4 = arith.constant 0 : index
    %get3A_5 = vector.load %arg3[%get3A_2, %get3A_3, %get3A_4] : memref<20x128x128xi32, #tpu.memory_space<vmem>>, vector<20x128x128xi32>
    %shift_left3A = arith.constant 16 : i32
    %shift_left3A_6 = vector.broadcast %shift_left3A : i32 to vector<20x128x128xi32>
    %shift_left3A_7 = arith.shli %get3A_5, %shift_left3A_6 : vector<20x128x128xi32>
    %bitcast_convert_type3A = tpu.bitcast %shift_left3A_7 : vector<20x128x128xi32> -> vector<20x128x128xf32>
    %and3A = arith.constant -65536 : i32
    %and3A_8 = vector.broadcast %and3A : i32 to vector<20x128x128xi32>
    %and3A_9 = arith.andi %get3A_5, %and3A_8 : vector<20x128x128xi32>
    %bitcast_convert_type3A_10 = tpu.bitcast %and3A_9 : vector<20x128x128xi32> -> vector<20x128x128xf32>
    %concatenate3A = tpu.concatenate %bitcast_convert_type3A, %bitcast_convert_type3A_10 in 2 : vector<20x128x128xf32>, vector<20x128x128xf32> -> vector<20x128x256xf32>
    %broadcast_in_dim3A = vector.shape_cast %get3A_1 : vector<128x256xf32> to vector<1x128x256xf32>
    %add3A = vector.broadcast %broadcast_in_dim3A : vector<1x128x256xf32> to vector<20x128x256xf32>
    %add3A_11 = arith.addf %concatenate3A, %add3A : vector<20x128x256xf32>
    %max3A = arith.constant 0.000000e+00 : f32
    %max3A_12 = vector.broadcast %max3A : f32 to vector<20x128x256xf32>
    %max3A_13 = arith.maximumf %add3A_11, %max3A_12 : vector<20x128x256xf32>
    %reshape3A = vector.shape_cast %max3A_13 : vector<20x128x256xf32> to vector<2560x256xf32>
    %get3A_14 = arith.constant 0 : index
    %get3A_15 = arith.constant 0 : index
    %get3A_16 = vector.load %arg4[%get3A_14, %get3A_15] : memref<256x256xf32, #tpu.memory_space<vmem>>, vector<256x256xf32>
    %dot_general3A = arith.constant dense<0.000000e+00> : vector<2560x256xf32>
    %dot_general3A_17 = tpu.matmul %reshape3A, %get3A_16, %dot_general3A {dimension_numbers = #tpu.dot_dimension_numbers<[1], [0], [0], [1], [0, 0, 1, 1], [], []>, transpose_lhs_hint = false} : vector<2560x256xf32>, vector<256x256xf32>, vector<2560x256xf32> -> vector<2560x256xf32>
    %get3A_18 = arith.constant 0 : index
    %get3A_19 = arith.constant 0 : index
    %get3A_20 = vector.load %arg5[%get3A_18, %get3A_19] : memref<1x256xf32, #tpu.memory_space<vmem>>, vector<1x256xf32>
    %add3A_21 = vector.broadcast %get3A_20 : vector<1x256xf32> to vector<2560x256xf32>
    %add3A_22 = arith.addf %dot_general3A_17, %add3A_21 : vector<2560x256xf32>
    %max3A_23 = arith.constant 0.000000e+00 : f32
    %max3A_24 = vector.broadcast %max3A_23 : f32 to vector<2560x256xf32>
    %max3A_25 = arith.maximumf %add3A_22, %max3A_24 : vector<2560x256xf32>
    %reshape3A_26 = vector.shape_cast %max3A_25 : vector<2560x256xf32> to vector<20x128x256xf32>
    %reduce_max3A = arith.constant dense<0xFF800000> : vector<128x256xf32>
    %reduce_max3A_27 = vector.multi_reduction <maximumf>, %reshape3A_26, %reduce_max3A [0] : vector<20x128x256xf32> to vector<128x256xf32>
    %get3A_28 = arith.constant 0 : index
    %get3A_29 = arith.constant 0 : index
    %get3A_30 = vector.load %arg6[%get3A_28, %get3A_29] : memref<256x256xf32, #tpu.memory_space<vmem>>, vector<256x256xf32>
    %dot_general3A_31 = arith.constant dense<0.000000e+00> : vector<128x256xf32>
    %dot_general3A_32 = tpu.matmul %reduce_max3A_27, %get3A_30, %dot_general3A_31 {dimension_numbers = #tpu.dot_dimension_numbers<[1], [0], [0], [1], [0, 0, 1, 1], [], []>, transpose_lhs_hint = false} : vector<128x256xf32>, vector<256x256xf32>, vector<128x256xf32> -> vector<128x256xf32>
    %get3A_33 = arith.constant 0 : index
    %get3A_34 = arith.constant 0 : index
    %get3A_35 = vector.load %arg7[%get3A_33, %get3A_34] : memref<1x256xf32, #tpu.memory_space<vmem>>, vector<1x256xf32>
    %add3A_36 = vector.broadcast %get3A_35 : vector<1x256xf32> to vector<128x256xf32>
    %add3A_37 = arith.addf %dot_general3A_32, %add3A_36 : vector<128x256xf32>
    %get3A_38 = arith.constant 0 : index
    %get3A_39 = arith.constant 0 : index
    %get3A_40 = vector.load %arg8[%get3A_38, %get3A_39] : memref<256x256xf32, #tpu.memory_space<vmem>>, vector<256x256xf32>
    %dot_general3A_41 = arith.constant dense<0.000000e+00> : vector<128x256xf32>
    %dot_general3A_42 = tpu.matmul %reduce_max3A_27, %get3A_40, %dot_general3A_41 {dimension_numbers = #tpu.dot_dimension_numbers<[1], [0], [0], [1], [0, 0, 1, 1], [], []>, transpose_lhs_hint = false} : vector<128x256xf32>, vector<256x256xf32>, vector<128x256xf32> -> vector<128x256xf32>
    %get3A_43 = arith.constant 0 : index
    %get3A_44 = arith.constant 0 : index
    %get3A_45 = vector.load %arg9[%get3A_43, %get3A_44] : memref<1x256xf32, #tpu.memory_space<vmem>>, vector<1x256xf32>
    %add3A_46 = vector.broadcast %get3A_45 : vector<1x256xf32> to vector<128x256xf32>
    %add3A_47 = arith.addf %dot_general3A_42, %add3A_46 : vector<128x256xf32>
    %mul3A = arith.mulf %add3A_37, %reduce_max3A_27 : vector<128x256xf32>
    %add3A_48 = arith.addf %mul3A, %add3A_47 : vector<128x256xf32>
    %mul3A_49 = arith.constant 128 : i32
    %mul3A_50 = arith.muli %arg1, %mul3A_49 : i32
    %iota3A = tpu.iota {dimensions = array<i32: 0>} : vector<128x1xi32>
    %add3A_51 = vector.broadcast %mul3A_50 : i32 to vector<128x1xi32>
    %add3A_52 = arith.addi %add3A_51, %iota3A : vector<128x1xi32>
    %lt3A = arith.constant 1000 : i32
    %lt3A_53 = vector.broadcast %lt3A : i32 to vector<128x1xi32>
    %lt3A_54 = arith.cmpi slt, %add3A_52, %lt3A_53 : vector<128x1xi32>
    %jit3A = arith.constant 0.000000e+00 : f32
    %broadcast_in_dim3A_55 = vector.shape_cast %lt3A_54 : vector<128x1xi1> to vector<128x1xi1>
    %broadcast_in_dim3A_56 = vector.broadcast %broadcast_in_dim3A_55 : vector<128x1xi1> to vector<128x256xi1>
    %broadcast_in_dim3A_57 = vector.broadcast %jit3A : f32 to vector<128x256xf32>
    %select_n3A = arith.select %broadcast_in_dim3A_56, %add3A_48, %broadcast_in_dim3A_57 : vector<128x256xi1>, vector<128x256xf32>
    %swap3A = arith.constant 0 : index
    %swap3A_58 = arith.constant 0 : index
    %swap3A_59 = vector.load %arg10[%swap3A, %swap3A_58] : memref<128x256xf32, #tpu.memory_space<vmem>>, vector<128x256xf32>
    tpu.vector_store %arg10[%swap3A, %swap3A_58], %select_n3A {strides = array<i32>} : memref<128x256xf32, #tpu.memory_space<vmem>>, vector<128x256xf32>,
    return
  }
  func.func @transform_0(%arg0: i32, %arg1: i32) -> (i32, i32) {
    %mul3A = arith.constant 8 : i32
    %mul3A_0 = arith.muli %arg0, %mul3A : i32
    %add3A = arith.addi %mul3A_0, %arg1 : i32
    %c0_i32 = arith.constant 0 : i32
    %c0_i32_1 = arith.constant 0 : i32
    return %add3A, %c0_i32 : i32, i32
  }
  func.func @transform_1(%arg0: i32, %arg1: i32) -> (i32, i32, i32) {
    %mul3A = arith.constant 8 : i32
    %mul3A_0 = arith.muli %arg0, %mul3A : i32
    %add3A = arith.addi %mul3A_0, %arg1 : i32
    %c0_i32 = arith.constant 0 : i32
    %c0_i32_1 = arith.constant 0 : i32
    %c0_i32_2 = arith.constant 0 : i32
    return %c0_i32, %add3A, %c0_i32_1 : i32, i32, i32
  }
  func.func @transform_2(%arg0: i32, %arg1: i32) -> (i32, i32) {
    %c0_i32 = arith.constant 0 : i32
    %c0_i32_0 = arith.constant 0 : i32
    %c0_i32_1 = arith.constant 0 : i32
    return %c0_i32, %c0_i32_0 : i32, i32
  }
  func.func @transform_3(%arg0: i32, %arg1: i32) -> (i32, i32) {
    %c0_i32 = arith.constant 0 : i32
    %c0_i32_0 = arith.constant 0 : i32
    %c0_i32_1 = arith.constant 0 : i32
    return %c0_i32, %c0_i32_0 : i32, i32
  }
  func.func @transform_4(%arg0: i32, %arg1: i32) -> (i32, i32) {
    %c0_i32 = arith.constant 0 : i32
    %c0_i32_0 = arith.constant 0 : i32
    %c0_i32_1 = arith.constant 0 : i32
    return %c0_i32, %c0_i32_0 : i32, i32
  }
  func.func @transform_5(%arg0: i32, %arg1: i32) -> (i32, i32) {
    %c0_i32 = arith.constant 0 : i32
    %c0_i32_0 = arith.constant 0 : i32
    %c0_i32_1 = arith.constant 0 : i32
    return %c0_i32, %c0_i32_0 : i32, i32
  }
  func.func @transform_6(%arg0: i32, %arg1: i32) -> (i32, i32) {
    %c0_i32 = arith.constant 0 : i32
    %c0_i32_0 = arith.constant 0 : i32
    %c0_i32_1 = arith.constant 0 : i32
    return %c0_i32, %c0_i32_0 : i32, i32
  }
  func.func @transform_7(%arg0: i32, %arg1: i32) -> (i32, i32) {
    %c0_i32 = arith.constant 0 : i32
    %c0_i32_0 = arith.constant 0 : i32
    %c0_i32_1 = arith.constant 0 : i32
    return %c0_i32, %c0_i32_0 : i32, i32
  }
  func.func @transform_8(%arg0: i32, %arg1: i32) -> (i32, i32) {
    %mul3A = arith.constant 8 : i32
    %mul3A_0 = arith.muli %arg0, %mul3A : i32
    %add3A = arith.addi %mul3A_0, %arg1 : i32
    %c0_i32 = arith.constant 0 : i32
    %c0_i32_1 = arith.constant 0 : i32
    return %add3A, %c0_i32 : i32, i32
  }
}

module attributes {stable_mosaic.version = 14 : i64} {
  func.func @_knn_node_body(%arg0: i32, %arg1: memref<1024x256xf32, #tpu.memory_space<vmem>>, %arg2: memref<256x512xf32, #tpu.memory_space<vmem>>, %arg3: memref<1x512xf32, #tpu.memory_space<vmem>>, %arg4: memref<256x512xf32, #tpu.memory_space<vmem>>, %arg5: memref<24x1024xi32, #tpu.memory_space<vmem>>, %arg6: memref<1024x512xf32, #tpu.memory_space<vmem>>, %arg7: memref<1024x256xi32, #tpu.memory_space<vmem>>, %arg8: memref<1024x1024xi32, #tpu.memory_space<vmem>>) attributes {dimension_semantics = [#tpu.dimension_semantics<arbitrary>], iteration_bounds = array<i64: 10>, scalar_prefetch = 0 : i64, scratch_operands = 1 : i64, tpu.core_type = #tpu.core_type<tc>, window_params = [{transform_indices = @transform_0, window_bounds = array<i64: 1024, 256>}, {pipeline_mode = #tpu.pipeline_mode<synchronous>, transform_indices = @transform_1, window_bounds = array<i64: 256, 512>}, {pipeline_mode = #tpu.pipeline_mode<synchronous>, transform_indices = @transform_2, window_bounds = array<i64: 1, 512>}, {pipeline_mode = #tpu.pipeline_mode<synchronous>, transform_indices = @transform_3, window_bounds = array<i64: 256, 512>}, {transform_indices = @transform_4, window_bounds = array<i64: 24, 1024>}, {transform_indices = @transform_5, window_bounds = array<i64: 1024, 512>}, {transform_indices = @transform_6, window_bounds = array<i64: 1024, 256>}]} {
    %get3A = arith.constant 0 : index
    %get3A_0 = arith.constant 0 : index
    %get3A_1 = vector.load %arg1[%get3A, %get3A_0] : memref<1024x256xf32, #tpu.memory_space<vmem>>, vector<1024x256xf32>
    %mul3A = arith.mulf %get3A_1, %get3A_1 : vector<1024x256xf32>
    %reduce_sum3A = arith.constant dense<0.000000e+00> : vector<1024xf32>
    %reduce_sum3A_2 = vector.multi_reduction <add>, %mul3A, %reduce_sum3A [1] : vector<1024x256xf32> to vector<1024xf32>
    %broadcast_in_dim3A = vector.shape_cast %reduce_sum3A_2 : vector<1024xf32> to vector<1024x1xf32>
    %dot_general3A = arith.constant dense<0.000000e+00> : vector<1024x1024xf32>
    %dot_general3A_3 = tpu.matmul %get3A_1, %get3A_1, %dot_general3A {dimension_numbers = #tpu.dot_dimension_numbers<[1], [1], [0], [0], [0, 0, 1, 0], [], []>, transpose_lhs_hint = false} : vector<1024x256xf32>, vector<1024x256xf32>, vector<1024x1024xf32> -> vector<1024x1024xf32>
    %iota3A = tpu.iota {dimensions = array<i32: 0>} : vector<1024x1024xi32>
    %mul3A_4 = arith.constant 2.000000e+00 : f32
    %mul3A_5 = vector.broadcast %mul3A_4 : f32 to vector<1024x1024xf32>
    %mul3A_6 = arith.mulf %mul3A_5, %dot_general3A_3 : vector<1024x1024xf32>
    %sub3A = vector.broadcast %broadcast_in_dim3A : vector<1024x1xf32> to vector<1024x1024xf32>
    %sub3A_7 = arith.subf %sub3A, %mul3A_6 : vector<1024x1024xf32>
    %bitcast_convert_type3A = tpu.bitcast %sub3A_7 : vector<1024x1024xf32> -> vector<1024x1024xi32>
    %ge3A = arith.constant 0 : i32
    %ge3A_8 = vector.broadcast %ge3A : i32 to vector<1024x1024xi32>
    %ge3A_9 = arith.cmpi sge, %bitcast_convert_type3A, %ge3A_8 : vector<1024x1024xi32>
    %xor3A = arith.constant 2147483647 : i32
    %xor3A_10 = vector.broadcast %xor3A : i32 to vector<1024x1024xi32>
    %xor3A_11 = arith.xori %bitcast_convert_type3A, %xor3A_10 : vector<1024x1024xi32>
    %select_n3A = arith.select %ge3A_9, %bitcast_convert_type3A, %xor3A_11 : vector<1024x1024xi1>, vector<1024x1024xi32>
    %and3A = arith.constant -1024 : i32
    %and3A_12 = vector.broadcast %and3A : i32 to vector<1024x1024xi32>
    %and3A_13 = arith.andi %select_n3A, %and3A_12 : vector<1024x1024xi32>
    %or3A = arith.ori %and3A_13, %iota3A : vector<1024x1024xi32>
    %lt3A = arith.constant 1000 : i32
    %lt3A_14 = vector.broadcast %lt3A : i32 to vector<1024x1024xi32>
    %lt3A_15 = arith.cmpi slt, %iota3A, %lt3A_14 : vector<1024x1024xi32>
    %jit3A = arith.constant 2147483647 : i32
    %broadcast_in_dim3A_16 = vector.broadcast %jit3A : i32 to vector<1024x1024xi32>
    %select_n3A_17 = arith.select %lt3A_15, %or3A, %broadcast_in_dim3A_16 : vector<1024x1024xi1>, vector<1024x1024xi32>
    %swap3A = arith.constant 0 : index
    %swap3A_18 = arith.constant 0 : index
    %swap3A_19 = vector.load %arg8[%swap3A, %swap3A_18] : memref<1024x1024xi32, #tpu.memory_space<vmem>>, vector<1024x1024xi32>
    tpu.vector_store %arg8[%swap3A, %swap3A_18], %select_n3A_17 {strides = array<i32>} : memref<1024x1024xi32, #tpu.memory_space<vmem>>, vector<1024x1024xi32>,
    %get3A_20 = arith.constant 0 : index
    %get3A_21 = arith.constant 0 : index
    %get3A_22 = vector.load %arg8[%get3A_20, %get3A_21] : memref<1024x1024xi32, #tpu.memory_space<vmem>>, vector<1024x1024xi32>
    %reduce_min3A = arith.constant dense<2147483647> : vector<1024xi32>
    %reduce_min3A_23 = vector.multi_reduction <minsi>, %get3A_22, %reduce_min3A [0] : vector<1024x1024xi32> to vector<1024xi32>
    %broadcast_in_dim3A_24 = vector.shape_cast %reduce_min3A_23 : vector<1024xi32> to vector<1x1024xi32>
    %and3A_25 = arith.constant 1023 : i32
    %and3A_26 = vector.broadcast %and3A_25 : i32 to vector<1x1024xi32>
    %and3A_27 = arith.andi %broadcast_in_dim3A_24, %and3A_26 : vector<1x1024xi32>
    %mul3A_28 = arith.constant 1024 : i32
    %mul3A_29 = arith.muli %arg0, %mul3A_28 : i32
    %add3A = vector.broadcast %mul3A_29 : i32 to vector<1x1024xi32>
    %add3A_30 = arith.addi %and3A_27, %add3A : vector<1x1024xi32>
    %swap3A_31 = arith.constant 0 : index
    %swap3A_32 = arith.constant 0 : index
    %swap3A_33 = vector.load %arg5[%swap3A_31, %swap3A_32] : memref<24x1024xi32, #tpu.memory_space<vmem>>, vector<1x1024xi32>
    tpu.vector_store %arg5[%swap3A_31, %swap3A_32], %add3A_30 {strides = array<i32>} : memref<24x1024xi32, #tpu.memory_space<vmem>>, vector<1x1024xi32>,
    %eq3A = vector.broadcast %and3A_27 : vector<1x1024xi32> to vector<1024x1024xi32>
    %eq3A_34 = arith.cmpi eq, %iota3A, %eq3A : vector<1024x1024xi32>
    %jit3A_35 = arith.constant 2147483647 : i32
    %broadcast_in_dim3A_36 = vector.broadcast %jit3A_35 : i32 to vector<1024x1024xi32>
    %select_n3A_37 = arith.select %eq3A_34, %broadcast_in_dim3A_36, %get3A_22 : vector<1024x1024xi1>, vector<1024x1024xi32>
    %swap3A_38 = arith.constant 0 : index
    %swap3A_39 = arith.constant 0 : index
    %swap3A_40 = vector.load %arg8[%swap3A_38, %swap3A_39] : memref<1024x1024xi32, #tpu.memory_space<vmem>>, vector<1024x1024xi32>
    tpu.vector_store %arg8[%swap3A_38, %swap3A_39], %select_n3A_37 {strides = array<i32>} : memref<1024x1024xi32, #tpu.memory_space<vmem>>, vector<1024x1024xi32>,
    %get3A_41 = arith.constant 0 : index
    %get3A_42 = arith.constant 0 : index
    %get3A_43 = vector.load %arg8[%get3A_41, %get3A_42] : memref<1024x1024xi32, #tpu.memory_space<vmem>>, vector<1024x1024xi32>
    %reduce_min3A_44 = arith.constant dense<2147483647> : vector<1024xi32>
    %reduce_min3A_45 = vector.multi_reduction <minsi>, %get3A_43, %reduce_min3A_44 [0] : vector<1024x1024xi32> to vector<1024xi32>
    %broadcast_in_dim3A_46 = vector.shape_cast %reduce_min3A_45 : vector<1024xi32> to vector<1x1024xi32>
    %and3A_47 = arith.constant 1023 : i32
    %and3A_48 = vector.broadcast %and3A_47 : i32 to vector<1x1024xi32>
    %and3A_49 = arith.andi %broadcast_in_dim3A_46, %and3A_48 : vector<1x1024xi32>
    %mul3A_50 = arith.constant 1024 : i32
    %mul3A_51 = arith.muli %arg0, %mul3A_50 : i32
    %add3A_52 = vector.broadcast %mul3A_51 : i32 to vector<1x1024xi32>
    %add3A_53 = arith.addi %and3A_49, %add3A_52 : vector<1x1024xi32>
    %swap3A_54 = arith.constant 1 : index
    %swap3A_55 = arith.constant 0 : index
    %swap3A_56 = vector.load %arg5[%swap3A_54, %swap3A_55] : memref<24x1024xi32, #tpu.memory_space<vmem>>, vector<1x1024xi32>
    tpu.vector_store %arg5[%swap3A_54, %swap3A_55], %add3A_53 {strides = array<i32>} : memref<24x1024xi32, #tpu.memory_space<vmem>>, vector<1x1024xi32>,
    %eq3A_57 = vector.broadcast %and3A_49 : vector<1x1024xi32> to vector<1024x1024xi32>
    %eq3A_58 = arith.cmpi eq, %iota3A, %eq3A_57 : vector<1024x1024xi32>
    %jit3A_59 = arith.constant 2147483647 : i32
    %broadcast_in_dim3A_60 = vector.broadcast %jit3A_59 : i32 to vector<1024x1024xi32>
    %select_n3A_61 = arith.select %eq3A_58, %broadcast_in_dim3A_60, %get3A_43 : vector<1024x1024xi1>, vector<1024x1024xi32>
    %swap3A_62 = arith.constant 0 : index
    %swap3A_63 = arith.constant 0 : index
    %swap3A_64 = vector.load %arg8[%swap3A_62, %swap3A_63] : memref<1024x1024xi32, #tpu.memory_space<vmem>>, vector<1024x1024xi32>
    tpu.vector_store %arg8[%swap3A_62, %swap3A_63], %select_n3A_61 {strides = array<i32>} : memref<1024x1024xi32, #tpu.memory_space<vmem>>, vector<1024x1024xi32>,
    %get3A_65 = arith.constant 0 : index
    %get3A_66 = arith.constant 0 : index
    %get3A_67 = vector.load %arg8[%get3A_65, %get3A_66] : memref<1024x1024xi32, #tpu.memory_space<vmem>>, vector<1024x1024xi32>
    %reduce_min3A_68 = arith.constant dense<2147483647> : vector<1024xi32>
    %reduce_min3A_69 = vector.multi_reduction <minsi>, %get3A_67, %reduce_min3A_68 [0] : vector<1024x1024xi32> to vector<1024xi32>
    %broadcast_in_dim3A_70 = vector.shape_cast %reduce_min3A_69 : vector<1024xi32> to vector<1x1024xi32>
    %and3A_71 = arith.constant 1023 : i32
    %and3A_72 = vector.broadcast %and3A_71 : i32 to vector<1x1024xi32>
    %and3A_73 = arith.andi %broadcast_in_dim3A_70, %and3A_72 : vector<1x1024xi32>
    %mul3A_74 = arith.constant 1024 : i32
    %mul3A_75 = arith.muli %arg0, %mul3A_74 : i32
    %add3A_76 = vector.broadcast %mul3A_75 : i32 to vector<1x1024xi32>
    %add3A_77 = arith.addi %and3A_73, %add3A_76 : vector<1x1024xi32>
    %swap3A_78 = arith.constant 2 : index
    %swap3A_79 = arith.constant 0 : index
    %swap3A_80 = vector.load %arg5[%swap3A_78, %swap3A_79] : memref<24x1024xi32, #tpu.memory_space<vmem>>, vector<1x1024xi32>
    tpu.vector_store %arg5[%swap3A_78, %swap3A_79], %add3A_77 {strides = array<i32>} : memref<24x1024xi32, #tpu.memory_space<vmem>>, vector<1x1024xi32>,
    %eq3A_81 = vector.broadcast %and3A_73 : vector<1x1024xi32> to vector<1024x1024xi32>
    %eq3A_82 = arith.cmpi eq, %iota3A, %eq3A_81 : vector<1024x1024xi32>
    %jit3A_83 = arith.constant 2147483647 : i32
    %broadcast_in_dim3A_84 = vector.broadcast %jit3A_83 : i32 to vector<1024x1024xi32>
    %select_n3A_85 = arith.select %eq3A_82, %broadcast_in_dim3A_84, %get3A_67 : vector<1024x1024xi1>, vector<1024x1024xi32>
    %swap3A_86 = arith.constant 0 : index
    %swap3A_87 = arith.constant 0 : index
    %swap3A_88 = vector.load %arg8[%swap3A_86, %swap3A_87] : memref<1024x1024xi32, #tpu.memory_space<vmem>>, vector<1024x1024xi32>
    tpu.vector_store %arg8[%swap3A_86, %swap3A_87], %select_n3A_85 {strides = array<i32>} : memref<1024x1024xi32, #tpu.memory_space<vmem>>, vector<1024x1024xi32>,
    %get3A_89 = arith.constant 0 : index
    %get3A_90 = arith.constant 0 : index
    %get3A_91 = vector.load %arg8[%get3A_89, %get3A_90] : memref<1024x1024xi32, #tpu.memory_space<vmem>>, vector<1024x1024xi32>
    %reduce_min3A_92 = arith.constant dense<2147483647> : vector<1024xi32>
    %reduce_min3A_93 = vector.multi_reduction <minsi>, %get3A_91, %reduce_min3A_92 [0] : vector<1024x1024xi32> to vector<1024xi32>
    %broadcast_in_dim3A_94 = vector.shape_cast %reduce_min3A_93 : vector<1024xi32> to vector<1x1024xi32>
    %and3A_95 = arith.constant 1023 : i32
    %and3A_96 = vector.broadcast %and3A_95 : i32 to vector<1x1024xi32>
    %and3A_97 = arith.andi %broadcast_in_dim3A_94, %and3A_96 : vector<1x1024xi32>
    %mul3A_98 = arith.constant 1024 : i32
    %mul3A_99 = arith.muli %arg0, %mul3A_98 : i32
    %add3A_100 = vector.broadcast %mul3A_99 : i32 to vector<1x1024xi32>
    %add3A_101 = arith.addi %and3A_97, %add3A_100 : vector<1x1024xi32>
    %swap3A_102 = arith.constant 3 : index
    %swap3A_103 = arith.constant 0 : index
    %swap3A_104 = vector.load %arg5[%swap3A_102, %swap3A_103] : memref<24x1024xi32, #tpu.memory_space<vmem>>, vector<1x1024xi32>
    tpu.vector_store %arg5[%swap3A_102, %swap3A_103], %add3A_101 {strides = array<i32>} : memref<24x1024xi32, #tpu.memory_space<vmem>>, vector<1x1024xi32>,
    %eq3A_105 = vector.broadcast %and3A_97 : vector<1x1024xi32> to vector<1024x1024xi32>
    %eq3A_106 = arith.cmpi eq, %iota3A, %eq3A_105 : vector<1024x1024xi32>
    %jit3A_107 = arith.constant 2147483647 : i32
    %broadcast_in_dim3A_108 = vector.broadcast %jit3A_107 : i32 to vector<1024x1024xi32>
    %select_n3A_109 = arith.select %eq3A_106, %broadcast_in_dim3A_108, %get3A_91 : vector<1024x1024xi1>, vector<1024x1024xi32>
    %swap3A_110 = arith.constant 0 : index
    %swap3A_111 = arith.constant 0 : index
    %swap3A_112 = vector.load %arg8[%swap3A_110, %swap3A_111] : memref<1024x1024xi32, #tpu.memory_space<vmem>>, vector<1024x1024xi32>
    tpu.vector_store %arg8[%swap3A_110, %swap3A_111], %select_n3A_109 {strides = array<i32>} : memref<1024x1024xi32, #tpu.memory_space<vmem>>, vector<1024x1024xi32>,
    %get3A_113 = arith.constant 0 : index
    %get3A_114 = arith.constant 0 : index
    %get3A_115 = vector.load %arg8[%get3A_113, %get3A_114] : memref<1024x1024xi32, #tpu.memory_space<vmem>>, vector<1024x1024xi32>
    %reduce_min3A_116 = arith.constant dense<2147483647> : vector<1024xi32>
    %reduce_min3A_117 = vector.multi_reduction <minsi>, %get3A_115, %reduce_min3A_116 [0] : vector<1024x1024xi32> to vector<1024xi32>
    %broadcast_in_dim3A_118 = vector.shape_cast %reduce_min3A_117 : vector<1024xi32> to vector<1x1024xi32>
    %and3A_119 = arith.constant 1023 : i32
    %and3A_120 = vector.broadcast %and3A_119 : i32 to vector<1x1024xi32>
    %and3A_121 = arith.andi %broadcast_in_dim3A_118, %and3A_120 : vector<1x1024xi32>
    %mul3A_122 = arith.constant 1024 : i32
    %mul3A_123 = arith.muli %arg0, %mul3A_122 : i32
    %add3A_124 = vector.broadcast %mul3A_123 : i32 to vector<1x1024xi32>
    %add3A_125 = arith.addi %and3A_121, %add3A_124 : vector<1x1024xi32>
    %swap3A_126 = arith.constant 4 : index
    %swap3A_127 = arith.constant 0 : index
    %swap3A_128 = vector.load %arg5[%swap3A_126, %swap3A_127] : memref<24x1024xi32, #tpu.memory_space<vmem>>, vector<1x1024xi32>
    tpu.vector_store %arg5[%swap3A_126, %swap3A_127], %add3A_125 {strides = array<i32>} : memref<24x1024xi32, #tpu.memory_space<vmem>>, vector<1x1024xi32>,
    %eq3A_129 = vector.broadcast %and3A_121 : vector<1x1024xi32> to vector<1024x1024xi32>
    %eq3A_130 = arith.cmpi eq, %iota3A, %eq3A_129 : vector<1024x1024xi32>
    %jit3A_131 = arith.constant 2147483647 : i32
    %broadcast_in_dim3A_132 = vector.broadcast %jit3A_131 : i32 to vector<1024x1024xi32>
    %select_n3A_133 = arith.select %eq3A_130, %broadcast_in_dim3A_132, %get3A_115 : vector<1024x1024xi1>, vector<1024x1024xi32>
    %swap3A_134 = arith.constant 0 : index
    %swap3A_135 = arith.constant 0 : index
    %swap3A_136 = vector.load %arg8[%swap3A_134, %swap3A_135] : memref<1024x1024xi32, #tpu.memory_space<vmem>>, vector<1024x1024xi32>
    tpu.vector_store %arg8[%swap3A_134, %swap3A_135], %select_n3A_133 {strides = array<i32>} : memref<1024x1024xi32, #tpu.memory_space<vmem>>, vector<1024x1024xi32>,
    %get3A_137 = arith.constant 0 : index
    %get3A_138 = arith.constant 0 : index
    %get3A_139 = vector.load %arg8[%get3A_137, %get3A_138] : memref<1024x1024xi32, #tpu.memory_space<vmem>>, vector<1024x1024xi32>
    %reduce_min3A_140 = arith.constant dense<2147483647> : vector<1024xi32>
    %reduce_min3A_141 = vector.multi_reduction <minsi>, %get3A_139, %reduce_min3A_140 [0] : vector<1024x1024xi32> to vector<1024xi32>
    %broadcast_in_dim3A_142 = vector.shape_cast %reduce_min3A_141 : vector<1024xi32> to vector<1x1024xi32>
    %and3A_143 = arith.constant 1023 : i32
    %and3A_144 = vector.broadcast %and3A_143 : i32 to vector<1x1024xi32>
    %and3A_145 = arith.andi %broadcast_in_dim3A_142, %and3A_144 : vector<1x1024xi32>
    %mul3A_146 = arith.constant 1024 : i32
    %mul3A_147 = arith.muli %arg0, %mul3A_146 : i32
    %add3A_148 = vector.broadcast %mul3A_147 : i32 to vector<1x1024xi32>
    %add3A_149 = arith.addi %and3A_145, %add3A_148 : vector<1x1024xi32>
    %swap3A_150 = arith.constant 5 : index
    %swap3A_151 = arith.constant 0 : index
    %swap3A_152 = vector.load %arg5[%swap3A_150, %swap3A_151] : memref<24x1024xi32, #tpu.memory_space<vmem>>, vector<1x1024xi32>
    tpu.vector_store %arg5[%swap3A_150, %swap3A_151], %add3A_149 {strides = array<i32>} : memref<24x1024xi32, #tpu.memory_space<vmem>>, vector<1x1024xi32>,
    %eq3A_153 = vector.broadcast %and3A_145 : vector<1x1024xi32> to vector<1024x1024xi32>
    %eq3A_154 = arith.cmpi eq, %iota3A, %eq3A_153 : vector<1024x1024xi32>
    %jit3A_155 = arith.constant 2147483647 : i32
    %broadcast_in_dim3A_156 = vector.broadcast %jit3A_155 : i32 to vector<1024x1024xi32>
    %select_n3A_157 = arith.select %eq3A_154, %broadcast_in_dim3A_156, %get3A_139 : vector<1024x1024xi1>, vector<1024x1024xi32>
    %swap3A_158 = arith.constant 0 : index
    %swap3A_159 = arith.constant 0 : index
    %swap3A_160 = vector.load %arg8[%swap3A_158, %swap3A_159] : memref<1024x1024xi32, #tpu.memory_space<vmem>>, vector<1024x1024xi32>
    tpu.vector_store %arg8[%swap3A_158, %swap3A_159], %select_n3A_157 {strides = array<i32>} : memref<1024x1024xi32, #tpu.memory_space<vmem>>, vector<1024x1024xi32>,
    %get3A_161 = arith.constant 0 : index
    %get3A_162 = arith.constant 0 : index
    %get3A_163 = vector.load %arg8[%get3A_161, %get3A_162] : memref<1024x1024xi32, #tpu.memory_space<vmem>>, vector<1024x1024xi32>
    %reduce_min3A_164 = arith.constant dense<2147483647> : vector<1024xi32>
    %reduce_min3A_165 = vector.multi_reduction <minsi>, %get3A_163, %reduce_min3A_164 [0] : vector<1024x1024xi32> to vector<1024xi32>
    %broadcast_in_dim3A_166 = vector.shape_cast %reduce_min3A_165 : vector<1024xi32> to vector<1x1024xi32>
    %and3A_167 = arith.constant 1023 : i32
    %and3A_168 = vector.broadcast %and3A_167 : i32 to vector<1x1024xi32>
    %and3A_169 = arith.andi %broadcast_in_dim3A_166, %and3A_168 : vector<1x1024xi32>
    %mul3A_170 = arith.constant 1024 : i32
    %mul3A_171 = arith.muli %arg0, %mul3A_170 : i32
    %add3A_172 = vector.broadcast %mul3A_171 : i32 to vector<1x1024xi32>
    %add3A_173 = arith.addi %and3A_169, %add3A_172 : vector<1x1024xi32>
    %swap3A_174 = arith.constant 6 : index
    %swap3A_175 = arith.constant 0 : index
    %swap3A_176 = vector.load %arg5[%swap3A_174, %swap3A_175] : memref<24x1024xi32, #tpu.memory_space<vmem>>, vector<1x1024xi32>
    tpu.vector_store %arg5[%swap3A_174, %swap3A_175], %add3A_173 {strides = array<i32>} : memref<24x1024xi32, #tpu.memory_space<vmem>>, vector<1x1024xi32>,
    %eq3A_177 = vector.broadcast %and3A_169 : vector<1x1024xi32> to vector<1024x1024xi32>
    %eq3A_178 = arith.cmpi eq, %iota3A, %eq3A_177 : vector<1024x1024xi32>
    %jit3A_179 = arith.constant 2147483647 : i32
    %broadcast_in_dim3A_180 = vector.broadcast %jit3A_179 : i32 to vector<1024x1024xi32>
    %select_n3A_181 = arith.select %eq3A_178, %broadcast_in_dim3A_180, %get3A_163 : vector<1024x1024xi1>, vector<1024x1024xi32>
    %swap3A_182 = arith.constant 0 : index
    %swap3A_183 = arith.constant 0 : index
    %swap3A_184 = vector.load %arg8[%swap3A_182, %swap3A_183] : memref<1024x1024xi32, #tpu.memory_space<vmem>>, vector<1024x1024xi32>
    tpu.vector_store %arg8[%swap3A_182, %swap3A_183], %select_n3A_181 {strides = array<i32>} : memref<1024x1024xi32, #tpu.memory_space<vmem>>, vector<1024x1024xi32>,
    %get3A_185 = arith.constant 0 : index
    %get3A_186 = arith.constant 0 : index
    %get3A_187 = vector.load %arg8[%get3A_185, %get3A_186] : memref<1024x1024xi32, #tpu.memory_space<vmem>>, vector<1024x1024xi32>
    %reduce_min3A_188 = arith.constant dense<2147483647> : vector<1024xi32>
    %reduce_min3A_189 = vector.multi_reduction <minsi>, %get3A_187, %reduce_min3A_188 [0] : vector<1024x1024xi32> to vector<1024xi32>
    %broadcast_in_dim3A_190 = vector.shape_cast %reduce_min3A_189 : vector<1024xi32> to vector<1x1024xi32>
    %and3A_191 = arith.constant 1023 : i32
    %and3A_192 = vector.broadcast %and3A_191 : i32 to vector<1x1024xi32>
    %and3A_193 = arith.andi %broadcast_in_dim3A_190, %and3A_192 : vector<1x1024xi32>
    %mul3A_194 = arith.constant 1024 : i32
    %mul3A_195 = arith.muli %arg0, %mul3A_194 : i32
    %add3A_196 = vector.broadcast %mul3A_195 : i32 to vector<1x1024xi32>
    %add3A_197 = arith.addi %and3A_193, %add3A_196 : vector<1x1024xi32>
    %swap3A_198 = arith.constant 7 : index
    %swap3A_199 = arith.constant 0 : index
    %swap3A_200 = vector.load %arg5[%swap3A_198, %swap3A_199] : memref<24x1024xi32, #tpu.memory_space<vmem>>, vector<1x1024xi32>
    tpu.vector_store %arg5[%swap3A_198, %swap3A_199], %add3A_197 {strides = array<i32>} : memref<24x1024xi32, #tpu.memory_space<vmem>>, vector<1x1024xi32>,
    %eq3A_201 = vector.broadcast %and3A_193 : vector<1x1024xi32> to vector<1024x1024xi32>
    %eq3A_202 = arith.cmpi eq, %iota3A, %eq3A_201 : vector<1024x1024xi32>
    %jit3A_203 = arith.constant 2147483647 : i32
    %broadcast_in_dim3A_204 = vector.broadcast %jit3A_203 : i32 to vector<1024x1024xi32>
    %select_n3A_205 = arith.select %eq3A_202, %broadcast_in_dim3A_204, %get3A_187 : vector<1024x1024xi1>, vector<1024x1024xi32>
    %swap3A_206 = arith.constant 0 : index
    %swap3A_207 = arith.constant 0 : index
    %swap3A_208 = vector.load %arg8[%swap3A_206, %swap3A_207] : memref<1024x1024xi32, #tpu.memory_space<vmem>>, vector<1024x1024xi32>
    tpu.vector_store %arg8[%swap3A_206, %swap3A_207], %select_n3A_205 {strides = array<i32>} : memref<1024x1024xi32, #tpu.memory_space<vmem>>, vector<1024x1024xi32>,
    %get3A_209 = arith.constant 0 : index
    %get3A_210 = arith.constant 0 : index
    %get3A_211 = vector.load %arg8[%get3A_209, %get3A_210] : memref<1024x1024xi32, #tpu.memory_space<vmem>>, vector<1024x1024xi32>
    %reduce_min3A_212 = arith.constant dense<2147483647> : vector<1024xi32>
    %reduce_min3A_213 = vector.multi_reduction <minsi>, %get3A_211, %reduce_min3A_212 [0] : vector<1024x1024xi32> to vector<1024xi32>
    %broadcast_in_dim3A_214 = vector.shape_cast %reduce_min3A_213 : vector<1024xi32> to vector<1x1024xi32>
    %and3A_215 = arith.constant 1023 : i32
    %and3A_216 = vector.broadcast %and3A_215 : i32 to vector<1x1024xi32>
    %and3A_217 = arith.andi %broadcast_in_dim3A_214, %and3A_216 : vector<1x1024xi32>
    %mul3A_218 = arith.constant 1024 : i32
    %mul3A_219 = arith.muli %arg0, %mul3A_218 : i32
    %add3A_220 = vector.broadcast %mul3A_219 : i32 to vector<1x1024xi32>
    %add3A_221 = arith.addi %and3A_217, %add3A_220 : vector<1x1024xi32>
    %swap3A_222 = arith.constant 8 : index
    %swap3A_223 = arith.constant 0 : index
    %swap3A_224 = vector.load %arg5[%swap3A_222, %swap3A_223] : memref<24x1024xi32, #tpu.memory_space<vmem>>, vector<1x1024xi32>
    tpu.vector_store %arg5[%swap3A_222, %swap3A_223], %add3A_221 {strides = array<i32>} : memref<24x1024xi32, #tpu.memory_space<vmem>>, vector<1x1024xi32>,
    %eq3A_225 = vector.broadcast %and3A_217 : vector<1x1024xi32> to vector<1024x1024xi32>
    %eq3A_226 = arith.cmpi eq, %iota3A, %eq3A_225 : vector<1024x1024xi32>
    %jit3A_227 = arith.constant 2147483647 : i32
    %broadcast_in_dim3A_228 = vector.broadcast %jit3A_227 : i32 to vector<1024x1024xi32>
    %select_n3A_229 = arith.select %eq3A_226, %broadcast_in_dim3A_228, %get3A_211 : vector<1024x1024xi1>, vector<1024x1024xi32>
    %swap3A_230 = arith.constant 0 : index
    %swap3A_231 = arith.constant 0 : index
    %swap3A_232 = vector.load %arg8[%swap3A_230, %swap3A_231] : memref<1024x1024xi32, #tpu.memory_space<vmem>>, vector<1024x1024xi32>
    tpu.vector_store %arg8[%swap3A_230, %swap3A_231], %select_n3A_229 {strides = array<i32>} : memref<1024x1024xi32, #tpu.memory_space<vmem>>, vector<1024x1024xi32>,
    %get3A_233 = arith.constant 0 : index
    %get3A_234 = arith.constant 0 : index
    %get3A_235 = vector.load %arg8[%get3A_233, %get3A_234] : memref<1024x1024xi32, #tpu.memory_space<vmem>>, vector<1024x1024xi32>
    %reduce_min3A_236 = arith.constant dense<2147483647> : vector<1024xi32>
    %reduce_min3A_237 = vector.multi_reduction <minsi>, %get3A_235, %reduce_min3A_236 [0] : vector<1024x1024xi32> to vector<1024xi32>
    %broadcast_in_dim3A_238 = vector.shape_cast %reduce_min3A_237 : vector<1024xi32> to vector<1x1024xi32>
    %and3A_239 = arith.constant 1023 : i32
    %and3A_240 = vector.broadcast %and3A_239 : i32 to vector<1x1024xi32>
    %and3A_241 = arith.andi %broadcast_in_dim3A_238, %and3A_240 : vector<1x1024xi32>
    %mul3A_242 = arith.constant 1024 : i32
    %mul3A_243 = arith.muli %arg0, %mul3A_242 : i32
    %add3A_244 = vector.broadcast %mul3A_243 : i32 to vector<1x1024xi32>
    %add3A_245 = arith.addi %and3A_241, %add3A_244 : vector<1x1024xi32>
    %swap3A_246 = arith.constant 9 : index
    %swap3A_247 = arith.constant 0 : index
    %swap3A_248 = vector.load %arg5[%swap3A_246, %swap3A_247] : memref<24x1024xi32, #tpu.memory_space<vmem>>, vector<1x1024xi32>
    tpu.vector_store %arg5[%swap3A_246, %swap3A_247], %add3A_245 {strides = array<i32>} : memref<24x1024xi32, #tpu.memory_space<vmem>>, vector<1x1024xi32>,
    %eq3A_249 = vector.broadcast %and3A_241 : vector<1x1024xi32> to vector<1024x1024xi32>
    %eq3A_250 = arith.cmpi eq, %iota3A, %eq3A_249 : vector<1024x1024xi32>
    %jit3A_251 = arith.constant 2147483647 : i32
    %broadcast_in_dim3A_252 = vector.broadcast %jit3A_251 : i32 to vector<1024x1024xi32>
    %select_n3A_253 = arith.select %eq3A_250, %broadcast_in_dim3A_252, %get3A_235 : vector<1024x1024xi1>, vector<1024x1024xi32>
    %swap3A_254 = arith.constant 0 : index
    %swap3A_255 = arith.constant 0 : index
    %swap3A_256 = vector.load %arg8[%swap3A_254, %swap3A_255] : memref<1024x1024xi32, #tpu.memory_space<vmem>>, vector<1024x1024xi32>
    tpu.vector_store %arg8[%swap3A_254, %swap3A_255], %select_n3A_253 {strides = array<i32>} : memref<1024x1024xi32, #tpu.memory_space<vmem>>, vector<1024x1024xi32>,
    %get3A_257 = arith.constant 0 : index
    %get3A_258 = arith.constant 0 : index
    %get3A_259 = vector.load %arg8[%get3A_257, %get3A_258] : memref<1024x1024xi32, #tpu.memory_space<vmem>>, vector<1024x1024xi32>
    %reduce_min3A_260 = arith.constant dense<2147483647> : vector<1024xi32>
    %reduce_min3A_261 = vector.multi_reduction <minsi>, %get3A_259, %reduce_min3A_260 [0] : vector<1024x1024xi32> to vector<1024xi32>
    %broadcast_in_dim3A_262 = vector.shape_cast %reduce_min3A_261 : vector<1024xi32> to vector<1x1024xi32>
    %and3A_263 = arith.constant 1023 : i32
    %and3A_264 = vector.broadcast %and3A_263 : i32 to vector<1x1024xi32>
    %and3A_265 = arith.andi %broadcast_in_dim3A_262, %and3A_264 : vector<1x1024xi32>
    %mul3A_266 = arith.constant 1024 : i32
    %mul3A_267 = arith.muli %arg0, %mul3A_266 : i32
    %add3A_268 = vector.broadcast %mul3A_267 : i32 to vector<1x1024xi32>
    %add3A_269 = arith.addi %and3A_265, %add3A_268 : vector<1x1024xi32>
    %swap3A_270 = arith.constant 10 : index
    %swap3A_271 = arith.constant 0 : index
    %swap3A_272 = vector.load %arg5[%swap3A_270, %swap3A_271] : memref<24x1024xi32, #tpu.memory_space<vmem>>, vector<1x1024xi32>
    tpu.vector_store %arg5[%swap3A_270, %swap3A_271], %add3A_269 {strides = array<i32>} : memref<24x1024xi32, #tpu.memory_space<vmem>>, vector<1x1024xi32>,
    %eq3A_273 = vector.broadcast %and3A_265 : vector<1x1024xi32> to vector<1024x1024xi32>
    %eq3A_274 = arith.cmpi eq, %iota3A, %eq3A_273 : vector<1024x1024xi32>
    %jit3A_275 = arith.constant 2147483647 : i32
    %broadcast_in_dim3A_276 = vector.broadcast %jit3A_275 : i32 to vector<1024x1024xi32>
    %select_n3A_277 = arith.select %eq3A_274, %broadcast_in_dim3A_276, %get3A_259 : vector<1024x1024xi1>, vector<1024x1024xi32>
    %swap3A_278 = arith.constant 0 : index
    %swap3A_279 = arith.constant 0 : index
    %swap3A_280 = vector.load %arg8[%swap3A_278, %swap3A_279] : memref<1024x1024xi32, #tpu.memory_space<vmem>>, vector<1024x1024xi32>
    tpu.vector_store %arg8[%swap3A_278, %swap3A_279], %select_n3A_277 {strides = array<i32>} : memref<1024x1024xi32, #tpu.memory_space<vmem>>, vector<1024x1024xi32>,
    %get3A_281 = arith.constant 0 : index
    %get3A_282 = arith.constant 0 : index
    %get3A_283 = vector.load %arg8[%get3A_281, %get3A_282] : memref<1024x1024xi32, #tpu.memory_space<vmem>>, vector<1024x1024xi32>
    %reduce_min3A_284 = arith.constant dense<2147483647> : vector<1024xi32>
    %reduce_min3A_285 = vector.multi_reduction <minsi>, %get3A_283, %reduce_min3A_284 [0] : vector<1024x1024xi32> to vector<1024xi32>
    %broadcast_in_dim3A_286 = vector.shape_cast %reduce_min3A_285 : vector<1024xi32> to vector<1x1024xi32>
    %and3A_287 = arith.constant 1023 : i32
    %and3A_288 = vector.broadcast %and3A_287 : i32 to vector<1x1024xi32>
    %and3A_289 = arith.andi %broadcast_in_dim3A_286, %and3A_288 : vector<1x1024xi32>
    %mul3A_290 = arith.constant 1024 : i32
    %mul3A_291 = arith.muli %arg0, %mul3A_290 : i32
    %add3A_292 = vector.broadcast %mul3A_291 : i32 to vector<1x1024xi32>
    %add3A_293 = arith.addi %and3A_289, %add3A_292 : vector<1x1024xi32>
    %swap3A_294 = arith.constant 11 : index
    %swap3A_295 = arith.constant 0 : index
    %swap3A_296 = vector.load %arg5[%swap3A_294, %swap3A_295] : memref<24x1024xi32, #tpu.memory_space<vmem>>, vector<1x1024xi32>
    tpu.vector_store %arg5[%swap3A_294, %swap3A_295], %add3A_293 {strides = array<i32>} : memref<24x1024xi32, #tpu.memory_space<vmem>>, vector<1x1024xi32>,
    %eq3A_297 = vector.broadcast %and3A_289 : vector<1x1024xi32> to vector<1024x1024xi32>
    %eq3A_298 = arith.cmpi eq, %iota3A, %eq3A_297 : vector<1024x1024xi32>
    %jit3A_299 = arith.constant 2147483647 : i32
    %broadcast_in_dim3A_300 = vector.broadcast %jit3A_299 : i32 to vector<1024x1024xi32>
    %select_n3A_301 = arith.select %eq3A_298, %broadcast_in_dim3A_300, %get3A_283 : vector<1024x1024xi1>, vector<1024x1024xi32>
    %swap3A_302 = arith.constant 0 : index
    %swap3A_303 = arith.constant 0 : index
    %swap3A_304 = vector.load %arg8[%swap3A_302, %swap3A_303] : memref<1024x1024xi32, #tpu.memory_space<vmem>>, vector<1024x1024xi32>
    tpu.vector_store %arg8[%swap3A_302, %swap3A_303], %select_n3A_301 {strides = array<i32>} : memref<1024x1024xi32, #tpu.memory_space<vmem>>, vector<1024x1024xi32>,
    %get3A_305 = arith.constant 0 : index
    %get3A_306 = arith.constant 0 : index
    %get3A_307 = vector.load %arg8[%get3A_305, %get3A_306] : memref<1024x1024xi32, #tpu.memory_space<vmem>>, vector<1024x1024xi32>
    %reduce_min3A_308 = arith.constant dense<2147483647> : vector<1024xi32>
    %reduce_min3A_309 = vector.multi_reduction <minsi>, %get3A_307, %reduce_min3A_308 [0] : vector<1024x1024xi32> to vector<1024xi32>
    %broadcast_in_dim3A_310 = vector.shape_cast %reduce_min3A_309 : vector<1024xi32> to vector<1x1024xi32>
    %and3A_311 = arith.constant 1023 : i32
    %and3A_312 = vector.broadcast %and3A_311 : i32 to vector<1x1024xi32>
    %and3A_313 = arith.andi %broadcast_in_dim3A_310, %and3A_312 : vector<1x1024xi32>
    %mul3A_314 = arith.constant 1024 : i32
    %mul3A_315 = arith.muli %arg0, %mul3A_314 : i32
    %add3A_316 = vector.broadcast %mul3A_315 : i32 to vector<1x1024xi32>
    %add3A_317 = arith.addi %and3A_313, %add3A_316 : vector<1x1024xi32>
    %swap3A_318 = arith.constant 12 : index
    %swap3A_319 = arith.constant 0 : index
    %swap3A_320 = vector.load %arg5[%swap3A_318, %swap3A_319] : memref<24x1024xi32, #tpu.memory_space<vmem>>, vector<1x1024xi32>
    tpu.vector_store %arg5[%swap3A_318, %swap3A_319], %add3A_317 {strides = array<i32>} : memref<24x1024xi32, #tpu.memory_space<vmem>>, vector<1x1024xi32>,
    %eq3A_321 = vector.broadcast %and3A_313 : vector<1x1024xi32> to vector<1024x1024xi32>
    %eq3A_322 = arith.cmpi eq, %iota3A, %eq3A_321 : vector<1024x1024xi32>
    %jit3A_323 = arith.constant 2147483647 : i32
    %broadcast_in_dim3A_324 = vector.broadcast %jit3A_323 : i32 to vector<1024x1024xi32>
    %select_n3A_325 = arith.select %eq3A_322, %broadcast_in_dim3A_324, %get3A_307 : vector<1024x1024xi1>, vector<1024x1024xi32>
    %swap3A_326 = arith.constant 0 : index
    %swap3A_327 = arith.constant 0 : index
    %swap3A_328 = vector.load %arg8[%swap3A_326, %swap3A_327] : memref<1024x1024xi32, #tpu.memory_space<vmem>>, vector<1024x1024xi32>
    tpu.vector_store %arg8[%swap3A_326, %swap3A_327], %select_n3A_325 {strides = array<i32>} : memref<1024x1024xi32, #tpu.memory_space<vmem>>, vector<1024x1024xi32>,
    %get3A_329 = arith.constant 0 : index
    %get3A_330 = arith.constant 0 : index
    %get3A_331 = vector.load %arg8[%get3A_329, %get3A_330] : memref<1024x1024xi32, #tpu.memory_space<vmem>>, vector<1024x1024xi32>
    %reduce_min3A_332 = arith.constant dense<2147483647> : vector<1024xi32>
    %reduce_min3A_333 = vector.multi_reduction <minsi>, %get3A_331, %reduce_min3A_332 [0] : vector<1024x1024xi32> to vector<1024xi32>
    %broadcast_in_dim3A_334 = vector.shape_cast %reduce_min3A_333 : vector<1024xi32> to vector<1x1024xi32>
    %and3A_335 = arith.constant 1023 : i32
    %and3A_336 = vector.broadcast %and3A_335 : i32 to vector<1x1024xi32>
    %and3A_337 = arith.andi %broadcast_in_dim3A_334, %and3A_336 : vector<1x1024xi32>
    %mul3A_338 = arith.constant 1024 : i32
    %mul3A_339 = arith.muli %arg0, %mul3A_338 : i32
    %add3A_340 = vector.broadcast %mul3A_339 : i32 to vector<1x1024xi32>
    %add3A_341 = arith.addi %and3A_337, %add3A_340 : vector<1x1024xi32>
    %swap3A_342 = arith.constant 13 : index
    %swap3A_343 = arith.constant 0 : index
    %swap3A_344 = vector.load %arg5[%swap3A_342, %swap3A_343] : memref<24x1024xi32, #tpu.memory_space<vmem>>, vector<1x1024xi32>
    tpu.vector_store %arg5[%swap3A_342, %swap3A_343], %add3A_341 {strides = array<i32>} : memref<24x1024xi32, #tpu.memory_space<vmem>>, vector<1x1024xi32>,
    %eq3A_345 = vector.broadcast %and3A_337 : vector<1x1024xi32> to vector<1024x1024xi32>
    %eq3A_346 = arith.cmpi eq, %iota3A, %eq3A_345 : vector<1024x1024xi32>
    %jit3A_347 = arith.constant 2147483647 : i32
    %broadcast_in_dim3A_348 = vector.broadcast %jit3A_347 : i32 to vector<1024x1024xi32>
    %select_n3A_349 = arith.select %eq3A_346, %broadcast_in_dim3A_348, %get3A_331 : vector<1024x1024xi1>, vector<1024x1024xi32>
    %swap3A_350 = arith.constant 0 : index
    %swap3A_351 = arith.constant 0 : index
    %swap3A_352 = vector.load %arg8[%swap3A_350, %swap3A_351] : memref<1024x1024xi32, #tpu.memory_space<vmem>>, vector<1024x1024xi32>
    tpu.vector_store %arg8[%swap3A_350, %swap3A_351], %select_n3A_349 {strides = array<i32>} : memref<1024x1024xi32, #tpu.memory_space<vmem>>, vector<1024x1024xi32>,
    %get3A_353 = arith.constant 0 : index
    %get3A_354 = arith.constant 0 : index
    %get3A_355 = vector.load %arg8[%get3A_353, %get3A_354] : memref<1024x1024xi32, #tpu.memory_space<vmem>>, vector<1024x1024xi32>
    %reduce_min3A_356 = arith.constant dense<2147483647> : vector<1024xi32>
    %reduce_min3A_357 = vector.multi_reduction <minsi>, %get3A_355, %reduce_min3A_356 [0] : vector<1024x1024xi32> to vector<1024xi32>
    %broadcast_in_dim3A_358 = vector.shape_cast %reduce_min3A_357 : vector<1024xi32> to vector<1x1024xi32>
    %and3A_359 = arith.constant 1023 : i32
    %and3A_360 = vector.broadcast %and3A_359 : i32 to vector<1x1024xi32>
    %and3A_361 = arith.andi %broadcast_in_dim3A_358, %and3A_360 : vector<1x1024xi32>
    %mul3A_362 = arith.constant 1024 : i32
    %mul3A_363 = arith.muli %arg0, %mul3A_362 : i32
    %add3A_364 = vector.broadcast %mul3A_363 : i32 to vector<1x1024xi32>
    %add3A_365 = arith.addi %and3A_361, %add3A_364 : vector<1x1024xi32>
    %swap3A_366 = arith.constant 14 : index
    %swap3A_367 = arith.constant 0 : index
    %swap3A_368 = vector.load %arg5[%swap3A_366, %swap3A_367] : memref<24x1024xi32, #tpu.memory_space<vmem>>, vector<1x1024xi32>
    tpu.vector_store %arg5[%swap3A_366, %swap3A_367], %add3A_365 {strides = array<i32>} : memref<24x1024xi32, #tpu.memory_space<vmem>>, vector<1x1024xi32>,
    %eq3A_369 = vector.broadcast %and3A_361 : vector<1x1024xi32> to vector<1024x1024xi32>
    %eq3A_370 = arith.cmpi eq, %iota3A, %eq3A_369 : vector<1024x1024xi32>
    %jit3A_371 = arith.constant 2147483647 : i32
    %broadcast_in_dim3A_372 = vector.broadcast %jit3A_371 : i32 to vector<1024x1024xi32>
    %select_n3A_373 = arith.select %eq3A_370, %broadcast_in_dim3A_372, %get3A_355 : vector<1024x1024xi1>, vector<1024x1024xi32>
    %swap3A_374 = arith.constant 0 : index
    %swap3A_375 = arith.constant 0 : index
    %swap3A_376 = vector.load %arg8[%swap3A_374, %swap3A_375] : memref<1024x1024xi32, #tpu.memory_space<vmem>>, vector<1024x1024xi32>
    tpu.vector_store %arg8[%swap3A_374, %swap3A_375], %select_n3A_373 {strides = array<i32>} : memref<1024x1024xi32, #tpu.memory_space<vmem>>, vector<1024x1024xi32>,
    %get3A_377 = arith.constant 0 : index
    %get3A_378 = arith.constant 0 : index
    %get3A_379 = vector.load %arg8[%get3A_377, %get3A_378] : memref<1024x1024xi32, #tpu.memory_space<vmem>>, vector<1024x1024xi32>
    %reduce_min3A_380 = arith.constant dense<2147483647> : vector<1024xi32>
    %reduce_min3A_381 = vector.multi_reduction <minsi>, %get3A_379, %reduce_min3A_380 [0] : vector<1024x1024xi32> to vector<1024xi32>
    %broadcast_in_dim3A_382 = vector.shape_cast %reduce_min3A_381 : vector<1024xi32> to vector<1x1024xi32>
    %and3A_383 = arith.constant 1023 : i32
    %and3A_384 = vector.broadcast %and3A_383 : i32 to vector<1x1024xi32>
    %and3A_385 = arith.andi %broadcast_in_dim3A_382, %and3A_384 : vector<1x1024xi32>
    %mul3A_386 = arith.constant 1024 : i32
    %mul3A_387 = arith.muli %arg0, %mul3A_386 : i32
    %add3A_388 = vector.broadcast %mul3A_387 : i32 to vector<1x1024xi32>
    %add3A_389 = arith.addi %and3A_385, %add3A_388 : vector<1x1024xi32>
    %swap3A_390 = arith.constant 15 : index
    %swap3A_391 = arith.constant 0 : index
    %swap3A_392 = vector.load %arg5[%swap3A_390, %swap3A_391] : memref<24x1024xi32, #tpu.memory_space<vmem>>, vector<1x1024xi32>
    tpu.vector_store %arg5[%swap3A_390, %swap3A_391], %add3A_389 {strides = array<i32>} : memref<24x1024xi32, #tpu.memory_space<vmem>>, vector<1x1024xi32>,
    %eq3A_393 = vector.broadcast %and3A_385 : vector<1x1024xi32> to vector<1024x1024xi32>
    %eq3A_394 = arith.cmpi eq, %iota3A, %eq3A_393 : vector<1024x1024xi32>
    %jit3A_395 = arith.constant 2147483647 : i32
    %broadcast_in_dim3A_396 = vector.broadcast %jit3A_395 : i32 to vector<1024x1024xi32>
    %select_n3A_397 = arith.select %eq3A_394, %broadcast_in_dim3A_396, %get3A_379 : vector<1024x1024xi1>, vector<1024x1024xi32>
    %swap3A_398 = arith.constant 0 : index
    %swap3A_399 = arith.constant 0 : index
    %swap3A_400 = vector.load %arg8[%swap3A_398, %swap3A_399] : memref<1024x1024xi32, #tpu.memory_space<vmem>>, vector<1024x1024xi32>
    tpu.vector_store %arg8[%swap3A_398, %swap3A_399], %select_n3A_397 {strides = array<i32>} : memref<1024x1024xi32, #tpu.memory_space<vmem>>, vector<1024x1024xi32>,
    %get3A_401 = arith.constant 0 : index
    %get3A_402 = arith.constant 0 : index
    %get3A_403 = vector.load %arg8[%get3A_401, %get3A_402] : memref<1024x1024xi32, #tpu.memory_space<vmem>>, vector<1024x1024xi32>
    %reduce_min3A_404 = arith.constant dense<2147483647> : vector<1024xi32>
    %reduce_min3A_405 = vector.multi_reduction <minsi>, %get3A_403, %reduce_min3A_404 [0] : vector<1024x1024xi32> to vector<1024xi32>
    %broadcast_in_dim3A_406 = vector.shape_cast %reduce_min3A_405 : vector<1024xi32> to vector<1x1024xi32>
    %and3A_407 = arith.constant 1023 : i32
    %and3A_408 = vector.broadcast %and3A_407 : i32 to vector<1x1024xi32>
    %and3A_409 = arith.andi %broadcast_in_dim3A_406, %and3A_408 : vector<1x1024xi32>
    %mul3A_410 = arith.constant 1024 : i32
    %mul3A_411 = arith.muli %arg0, %mul3A_410 : i32
    %add3A_412 = vector.broadcast %mul3A_411 : i32 to vector<1x1024xi32>
    %add3A_413 = arith.addi %and3A_409, %add3A_412 : vector<1x1024xi32>
    %swap3A_414 = arith.constant 16 : index
    %swap3A_415 = arith.constant 0 : index
    %swap3A_416 = vector.load %arg5[%swap3A_414, %swap3A_415] : memref<24x1024xi32, #tpu.memory_space<vmem>>, vector<1x1024xi32>
    tpu.vector_store %arg5[%swap3A_414, %swap3A_415], %add3A_413 {strides = array<i32>} : memref<24x1024xi32, #tpu.memory_space<vmem>>, vector<1x1024xi32>,
    %eq3A_417 = vector.broadcast %and3A_409 : vector<1x1024xi32> to vector<1024x1024xi32>
    %eq3A_418 = arith.cmpi eq, %iota3A, %eq3A_417 : vector<1024x1024xi32>
    %jit3A_419 = arith.constant 2147483647 : i32
    %broadcast_in_dim3A_420 = vector.broadcast %jit3A_419 : i32 to vector<1024x1024xi32>
    %select_n3A_421 = arith.select %eq3A_418, %broadcast_in_dim3A_420, %get3A_403 : vector<1024x1024xi1>, vector<1024x1024xi32>
    %swap3A_422 = arith.constant 0 : index
    %swap3A_423 = arith.constant 0 : index
    %swap3A_424 = vector.load %arg8[%swap3A_422, %swap3A_423] : memref<1024x1024xi32, #tpu.memory_space<vmem>>, vector<1024x1024xi32>
    tpu.vector_store %arg8[%swap3A_422, %swap3A_423], %select_n3A_421 {strides = array<i32>} : memref<1024x1024xi32, #tpu.memory_space<vmem>>, vector<1024x1024xi32>,
    %get3A_425 = arith.constant 0 : index
    %get3A_426 = arith.constant 0 : index
    %get3A_427 = vector.load %arg8[%get3A_425, %get3A_426] : memref<1024x1024xi32, #tpu.memory_space<vmem>>, vector<1024x1024xi32>
    %reduce_min3A_428 = arith.constant dense<2147483647> : vector<1024xi32>
    %reduce_min3A_429 = vector.multi_reduction <minsi>, %get3A_427, %reduce_min3A_428 [0] : vector<1024x1024xi32> to vector<1024xi32>
    %broadcast_in_dim3A_430 = vector.shape_cast %reduce_min3A_429 : vector<1024xi32> to vector<1x1024xi32>
    %and3A_431 = arith.constant 1023 : i32
    %and3A_432 = vector.broadcast %and3A_431 : i32 to vector<1x1024xi32>
    %and3A_433 = arith.andi %broadcast_in_dim3A_430, %and3A_432 : vector<1x1024xi32>
    %mul3A_434 = arith.constant 1024 : i32
    %mul3A_435 = arith.muli %arg0, %mul3A_434 : i32
    %add3A_436 = vector.broadcast %mul3A_435 : i32 to vector<1x1024xi32>
    %add3A_437 = arith.addi %and3A_433, %add3A_436 : vector<1x1024xi32>
    %swap3A_438 = arith.constant 17 : index
    %swap3A_439 = arith.constant 0 : index
    %swap3A_440 = vector.load %arg5[%swap3A_438, %swap3A_439] : memref<24x1024xi32, #tpu.memory_space<vmem>>, vector<1x1024xi32>
    tpu.vector_store %arg5[%swap3A_438, %swap3A_439], %add3A_437 {strides = array<i32>} : memref<24x1024xi32, #tpu.memory_space<vmem>>, vector<1x1024xi32>,
    %eq3A_441 = vector.broadcast %and3A_433 : vector<1x1024xi32> to vector<1024x1024xi32>
    %eq3A_442 = arith.cmpi eq, %iota3A, %eq3A_441 : vector<1024x1024xi32>
    %jit3A_443 = arith.constant 2147483647 : i32
    %broadcast_in_dim3A_444 = vector.broadcast %jit3A_443 : i32 to vector<1024x1024xi32>
    %select_n3A_445 = arith.select %eq3A_442, %broadcast_in_dim3A_444, %get3A_427 : vector<1024x1024xi1>, vector<1024x1024xi32>
    %swap3A_446 = arith.constant 0 : index
    %swap3A_447 = arith.constant 0 : index
    %swap3A_448 = vector.load %arg8[%swap3A_446, %swap3A_447] : memref<1024x1024xi32, #tpu.memory_space<vmem>>, vector<1024x1024xi32>
    tpu.vector_store %arg8[%swap3A_446, %swap3A_447], %select_n3A_445 {strides = array<i32>} : memref<1024x1024xi32, #tpu.memory_space<vmem>>, vector<1024x1024xi32>,
    %get3A_449 = arith.constant 0 : index
    %get3A_450 = arith.constant 0 : index
    %get3A_451 = vector.load %arg8[%get3A_449, %get3A_450] : memref<1024x1024xi32, #tpu.memory_space<vmem>>, vector<1024x1024xi32>
    %reduce_min3A_452 = arith.constant dense<2147483647> : vector<1024xi32>
    %reduce_min3A_453 = vector.multi_reduction <minsi>, %get3A_451, %reduce_min3A_452 [0] : vector<1024x1024xi32> to vector<1024xi32>
    %broadcast_in_dim3A_454 = vector.shape_cast %reduce_min3A_453 : vector<1024xi32> to vector<1x1024xi32>
    %and3A_455 = arith.constant 1023 : i32
    %and3A_456 = vector.broadcast %and3A_455 : i32 to vector<1x1024xi32>
    %and3A_457 = arith.andi %broadcast_in_dim3A_454, %and3A_456 : vector<1x1024xi32>
    %mul3A_458 = arith.constant 1024 : i32
    %mul3A_459 = arith.muli %arg0, %mul3A_458 : i32
    %add3A_460 = vector.broadcast %mul3A_459 : i32 to vector<1x1024xi32>
    %add3A_461 = arith.addi %and3A_457, %add3A_460 : vector<1x1024xi32>
    %swap3A_462 = arith.constant 18 : index
    %swap3A_463 = arith.constant 0 : index
    %swap3A_464 = vector.load %arg5[%swap3A_462, %swap3A_463] : memref<24x1024xi32, #tpu.memory_space<vmem>>, vector<1x1024xi32>
    tpu.vector_store %arg5[%swap3A_462, %swap3A_463], %add3A_461 {strides = array<i32>} : memref<24x1024xi32, #tpu.memory_space<vmem>>, vector<1x1024xi32>,
    %eq3A_465 = vector.broadcast %and3A_457 : vector<1x1024xi32> to vector<1024x1024xi32>
    %eq3A_466 = arith.cmpi eq, %iota3A, %eq3A_465 : vector<1024x1024xi32>
    %jit3A_467 = arith.constant 2147483647 : i32
    %broadcast_in_dim3A_468 = vector.broadcast %jit3A_467 : i32 to vector<1024x1024xi32>
    %select_n3A_469 = arith.select %eq3A_466, %broadcast_in_dim3A_468, %get3A_451 : vector<1024x1024xi1>, vector<1024x1024xi32>
    %swap3A_470 = arith.constant 0 : index
    %swap3A_471 = arith.constant 0 : index
    %swap3A_472 = vector.load %arg8[%swap3A_470, %swap3A_471] : memref<1024x1024xi32, #tpu.memory_space<vmem>>, vector<1024x1024xi32>
    tpu.vector_store %arg8[%swap3A_470, %swap3A_471], %select_n3A_469 {strides = array<i32>} : memref<1024x1024xi32, #tpu.memory_space<vmem>>, vector<1024x1024xi32>,
    %get3A_473 = arith.constant 0 : index
    %get3A_474 = arith.constant 0 : index
    %get3A_475 = vector.load %arg8[%get3A_473, %get3A_474] : memref<1024x1024xi32, #tpu.memory_space<vmem>>, vector<1024x1024xi32>
    %reduce_min3A_476 = arith.constant dense<2147483647> : vector<1024xi32>
    %reduce_min3A_477 = vector.multi_reduction <minsi>, %get3A_475, %reduce_min3A_476 [0] : vector<1024x1024xi32> to vector<1024xi32>
    %broadcast_in_dim3A_478 = vector.shape_cast %reduce_min3A_477 : vector<1024xi32> to vector<1x1024xi32>
    %and3A_479 = arith.constant 1023 : i32
    %and3A_480 = vector.broadcast %and3A_479 : i32 to vector<1x1024xi32>
    %and3A_481 = arith.andi %broadcast_in_dim3A_478, %and3A_480 : vector<1x1024xi32>
    %mul3A_482 = arith.constant 1024 : i32
    %mul3A_483 = arith.muli %arg0, %mul3A_482 : i32
    %add3A_484 = vector.broadcast %mul3A_483 : i32 to vector<1x1024xi32>
    %add3A_485 = arith.addi %and3A_481, %add3A_484 : vector<1x1024xi32>
    %swap3A_486 = arith.constant 19 : index
    %swap3A_487 = arith.constant 0 : index
    %swap3A_488 = vector.load %arg5[%swap3A_486, %swap3A_487] : memref<24x1024xi32, #tpu.memory_space<vmem>>, vector<1x1024xi32>
    tpu.vector_store %arg5[%swap3A_486, %swap3A_487], %add3A_485 {strides = array<i32>} : memref<24x1024xi32, #tpu.memory_space<vmem>>, vector<1x1024xi32>,
    %eq3A_489 = vector.broadcast %and3A_481 : vector<1x1024xi32> to vector<1024x1024xi32>
    %eq3A_490 = arith.cmpi eq, %iota3A, %eq3A_489 : vector<1024x1024xi32>
    %jit3A_491 = arith.constant 2147483647 : i32
    %broadcast_in_dim3A_492 = vector.broadcast %jit3A_491 : i32 to vector<1024x1024xi32>
    %select_n3A_493 = arith.select %eq3A_490, %broadcast_in_dim3A_492, %get3A_475 : vector<1024x1024xi1>, vector<1024x1024xi32>
    %swap3A_494 = arith.constant 0 : index
    %swap3A_495 = arith.constant 0 : index
    %swap3A_496 = vector.load %arg8[%swap3A_494, %swap3A_495] : memref<1024x1024xi32, #tpu.memory_space<vmem>>, vector<1024x1024xi32>
    tpu.vector_store %arg8[%swap3A_494, %swap3A_495], %select_n3A_493 {strides = array<i32>} : memref<1024x1024xi32, #tpu.memory_space<vmem>>, vector<1024x1024xi32>,
    %get3A_497 = arith.constant 0 : index
    %get3A_498 = arith.constant 0 : index
    %get3A_499 = vector.load %arg2[%get3A_497, %get3A_498] : memref<256x512xf32, #tpu.memory_space<vmem>>, vector<256x512xf32>
    %dot_general3A_500 = arith.constant dense<0.000000e+00> : vector<1024x512xf32>
    %dot_general3A_501 = tpu.matmul %get3A_1, %get3A_499, %dot_general3A_500 {dimension_numbers = #tpu.dot_dimension_numbers<[1], [0], [0], [1], [0, 0, 1, 1], [], []>, transpose_lhs_hint = false} : vector<1024x256xf32>, vector<256x512xf32>, vector<1024x512xf32> -> vector<1024x512xf32>
    %get3A_502 = arith.constant 0 : index
    %get3A_503 = arith.constant 0 : index
    %get3A_504 = vector.load %arg3[%get3A_502, %get3A_503] : memref<1x512xf32, #tpu.memory_space<vmem>>, vector<1x512xf32>
    %add3A_505 = vector.broadcast %get3A_504 : vector<1x512xf32> to vector<1024x512xf32>
    %add3A_506 = arith.addf %dot_general3A_501, %add3A_505 : vector<1024x512xf32>
    %swap3A_507 = arith.constant 0 : index
    %swap3A_508 = arith.constant 0 : index
    %swap3A_509 = vector.load %arg6[%swap3A_507, %swap3A_508] : memref<1024x512xf32, #tpu.memory_space<vmem>>, vector<1024x512xf32>
    tpu.vector_store %arg6[%swap3A_507, %swap3A_508], %add3A_506 {strides = array<i32>} : memref<1024x512xf32, #tpu.memory_space<vmem>>, vector<1024x512xf32>,
    %get3A_510 = arith.constant 0 : index
    %get3A_511 = arith.constant 0 : index
    %get3A_512 = vector.load %arg4[%get3A_510, %get3A_511] : memref<256x512xf32, #tpu.memory_space<vmem>>, vector<256x512xf32>
    %dot_general3A_513 = arith.constant dense<0.000000e+00> : vector<1024x512xf32>
    %dot_general3A_514 = tpu.matmul %get3A_1, %get3A_512, %dot_general3A_513 {dimension_numbers = #tpu.dot_dimension_numbers<[1], [0], [0], [1], [0, 0, 1, 1], [], []>, transpose_lhs_hint = false} : vector<1024x256xf32>, vector<256x512xf32>, vector<1024x512xf32> -> vector<1024x512xf32>
    %slice3A = vector.extract_strided_slice %dot_general3A_514 {offsets = [0, 0], sizes = [1024, 256], strides = [1, 1]} : vector<1024x512xf32> to vector<1024x256xf32>
    %bitcast_convert_type3A_515 = tpu.bitcast %slice3A : vector<1024x256xf32> -> vector<1024x256xi32>
    %slice3A_516 = vector.extract_strided_slice %dot_general3A_514 {offsets = [0, 256], sizes = [1024, 256], strides = [1, 1]} : vector<1024x512xf32> to vector<1024x256xf32>
    %bitcast_convert_type3A_517 = tpu.bitcast %slice3A_516 : vector<1024x256xf32> -> vector<1024x256xi32>
    %add3A_518 = arith.constant 32768 : i32
    %add3A_519 = vector.broadcast %add3A_518 : i32 to vector<1024x256xi32>
    %add3A_520 = arith.addi %bitcast_convert_type3A_515, %add3A_519 : vector<1024x256xi32>
    %shift_right_arithmetic3A = arith.constant 16 : i32
    %shift_right_arithmetic3A_521 = vector.broadcast %shift_right_arithmetic3A : i32 to vector<1024x256xi32>
    %shift_right_arithmetic3A_522 = arith.shrsi %add3A_520, %shift_right_arithmetic3A_521 : vector<1024x256xi32>
    %and3A_523 = arith.constant 65535 : i32
    %and3A_524 = vector.broadcast %and3A_523 : i32 to vector<1024x256xi32>
    %and3A_525 = arith.andi %shift_right_arithmetic3A_522, %and3A_524 : vector<1024x256xi32>
    %add3A_526 = arith.constant 32768 : i32
    %add3A_527 = vector.broadcast %add3A_526 : i32 to vector<1024x256xi32>
    %add3A_528 = arith.addi %bitcast_convert_type3A_517, %add3A_527 : vector<1024x256xi32>
    %and3A_529 = arith.constant -65536 : i32
    %and3A_530 = vector.broadcast %and3A_529 : i32 to vector<1024x256xi32>
    %and3A_531 = arith.andi %add3A_528, %and3A_530 : vector<1024x256xi32>
    %or3A_532 = arith.ori %and3A_531, %and3A_525 : vector<1024x256xi32>
    %swap3A_533 = arith.constant 0 : index
    %swap3A_534 = arith.constant 0 : index
    %swap3A_535 = vector.load %arg7[%swap3A_533, %swap3A_534] : memref<1024x256xi32, #tpu.memory_space<vmem>>, vector<1024x256xi32>
    tpu.vector_store %arg7[%swap3A_533, %swap3A_534], %or3A_532 {strides = array<i32>} : memref<1024x256xi32, #tpu.memory_space<vmem>>, vector<1024x256xi32>,
    return
  }
  func.func @transform_0(%arg0: i32) -> (i32, i32) {
    %c0_i32 = arith.constant 0 : i32
    %c0_i32_0 = arith.constant 0 : i32
    return %arg0, %c0_i32 : i32, i32
  }
  func.func @transform_1(%arg0: i32) -> (i32, i32) {
    %c0_i32 = arith.constant 0 : i32
    %c0_i32_0 = arith.constant 0 : i32
    %c0_i32_1 = arith.constant 0 : i32
    return %c0_i32, %c0_i32_0 : i32, i32
  }
  func.func @transform_2(%arg0: i32) -> (i32, i32) {
    %c0_i32 = arith.constant 0 : i32
    %c0_i32_0 = arith.constant 0 : i32
    %c0_i32_1 = arith.constant 0 : i32
    return %c0_i32, %c0_i32_0 : i32, i32
  }
  func.func @transform_3(%arg0: i32) -> (i32, i32) {
    %c0_i32 = arith.constant 0 : i32
    %c0_i32_0 = arith.constant 0 : i32
    %c0_i32_1 = arith.constant 0 : i32
    return %c0_i32, %c0_i32_0 : i32, i32
  }
  func.func @transform_4(%arg0: i32) -> (i32, i32) {
    %c0_i32 = arith.constant 0 : i32
    %c0_i32_0 = arith.constant 0 : i32
    return %c0_i32, %arg0 : i32, i32
  }
  func.func @transform_5(%arg0: i32) -> (i32, i32) {
    %c0_i32 = arith.constant 0 : i32
    %c0_i32_0 = arith.constant 0 : i32
    return %arg0, %c0_i32 : i32, i32
  }
  func.func @transform_6(%arg0: i32) -> (i32, i32) {
    %c0_i32 = arith.constant 0 : i32
    %c0_i32_0 = arith.constant 0 : i32
    return %arg0, %c0_i32 : i32, i32
  }
}

module attributes {stable_mosaic.version = 14 : i64} {
  func.func @_edge_body(%arg0: i32, %arg1: i32, %arg2: memref<128x512xf32, #tpu.memory_space<vmem>>, %arg3: memref<20x128x256xi32, #tpu.memory_space<vmem>>, %arg4: memref<512x512xf32, #tpu.memory_space<vmem>>, %arg5: memref<1x512xf32, #tpu.memory_space<vmem>>, %arg6: memref<512x512xf32, #tpu.memory_space<vmem>>, %arg7: memref<1x512xf32, #tpu.memory_space<vmem>>, %arg8: memref<512x512xf32, #tpu.memory_space<vmem>>, %arg9: memref<1x512xf32, #tpu.memory_space<vmem>>, %arg10: memref<128x512xf32, #tpu.memory_space<vmem>>) attributes {dimension_semantics = [#tpu.dimension_semantics<arbitrary>, #tpu.dimension_semantics<arbitrary>], iteration_bounds = array<i64: 10, 8>, scalar_prefetch = 0 : i64, scratch_operands = 0 : i64, tpu.core_type = #tpu.core_type<tc>, window_params = [{transform_indices = @transform_0, window_bounds = array<i64: 128, 512>}, {transform_indices = @transform_1, window_bounds = array<i64: 20, 128, 256>}, {pipeline_mode = #tpu.pipeline_mode<synchronous>, transform_indices = @transform_2, window_bounds = array<i64: 512, 512>}, {pipeline_mode = #tpu.pipeline_mode<synchronous>, transform_indices = @transform_3, window_bounds = array<i64: 1, 512>}, {pipeline_mode = #tpu.pipeline_mode<synchronous>, transform_indices = @transform_4, window_bounds = array<i64: 512, 512>}, {pipeline_mode = #tpu.pipeline_mode<synchronous>, transform_indices = @transform_5, window_bounds = array<i64: 1, 512>}, {pipeline_mode = #tpu.pipeline_mode<synchronous>, transform_indices = @transform_6, window_bounds = array<i64: 512, 512>}, {pipeline_mode = #tpu.pipeline_mode<synchronous>, transform_indices = @transform_7, window_bounds = array<i64: 1, 512>}, {transform_indices = @transform_8, window_bounds = array<i64: 128, 512>}]} {
    %get3A = arith.constant 0 : index
    %get3A_0 = arith.constant 0 : index
    %get3A_1 = vector.load %arg2[%get3A, %get3A_0] : memref<128x512xf32, #tpu.memory_space<vmem>>, vector<128x512xf32>
    %get3A_2 = arith.constant 0 : index
    %get3A_3 = arith.constant 0 : index
    %get3A_4 = arith.constant 0 : index
    %get3A_5 = vector.load %arg3[%get3A_2, %get3A_3, %get3A_4] : memref<20x128x256xi32, #tpu.memory_space<vmem>>, vector<20x128x256xi32>
    %shift_left3A = arith.constant 16 : i32
    %shift_left3A_6 = vector.broadcast %shift_left3A : i32 to vector<20x128x256xi32>
    %shift_left3A_7 = arith.shli %get3A_5, %shift_left3A_6 : vector<20x128x256xi32>
    %bitcast_convert_type3A = tpu.bitcast %shift_left3A_7 : vector<20x128x256xi32> -> vector<20x128x256xf32>
    %and3A = arith.constant -65536 : i32
    %and3A_8 = vector.broadcast %and3A : i32 to vector<20x128x256xi32>
    %and3A_9 = arith.andi %get3A_5, %and3A_8 : vector<20x128x256xi32>
    %bitcast_convert_type3A_10 = tpu.bitcast %and3A_9 : vector<20x128x256xi32> -> vector<20x128x256xf32>
    %concatenate3A = tpu.concatenate %bitcast_convert_type3A, %bitcast_convert_type3A_10 in 2 : vector<20x128x256xf32>, vector<20x128x256xf32> -> vector<20x128x512xf32>
    %broadcast_in_dim3A = vector.shape_cast %get3A_1 : vector<128x512xf32> to vector<1x128x512xf32>
    %add3A = vector.broadcast %broadcast_in_dim3A : vector<1x128x512xf32> to vector<20x128x512xf32>
    %add3A_11 = arith.addf %concatenate3A, %add3A : vector<20x128x512xf32>
    %max3A = arith.constant 0.000000e+00 : f32
    %max3A_12 = vector.broadcast %max3A : f32 to vector<20x128x512xf32>
    %max3A_13 = arith.maximumf %add3A_11, %max3A_12 : vector<20x128x512xf32>
    %reshape3A = vector.shape_cast %max3A_13 : vector<20x128x512xf32> to vector<2560x512xf32>
    %get3A_14 = arith.constant 0 : index
    %get3A_15 = arith.constant 0 : index
    %get3A_16 = vector.load %arg4[%get3A_14, %get3A_15] : memref<512x512xf32, #tpu.memory_space<vmem>>, vector<512x512xf32>
    %dot_general3A = arith.constant dense<0.000000e+00> : vector<2560x512xf32>
    %dot_general3A_17 = tpu.matmul %reshape3A, %get3A_16, %dot_general3A {dimension_numbers = #tpu.dot_dimension_numbers<[1], [0], [0], [1], [0, 0, 1, 1], [], []>, transpose_lhs_hint = false} : vector<2560x512xf32>, vector<512x512xf32>, vector<2560x512xf32> -> vector<2560x512xf32>
    %get3A_18 = arith.constant 0 : index
    %get3A_19 = arith.constant 0 : index
    %get3A_20 = vector.load %arg5[%get3A_18, %get3A_19] : memref<1x512xf32, #tpu.memory_space<vmem>>, vector<1x512xf32>
    %add3A_21 = vector.broadcast %get3A_20 : vector<1x512xf32> to vector<2560x512xf32>
    %add3A_22 = arith.addf %dot_general3A_17, %add3A_21 : vector<2560x512xf32>
    %max3A_23 = arith.constant 0.000000e+00 : f32
    %max3A_24 = vector.broadcast %max3A_23 : f32 to vector<2560x512xf32>
    %max3A_25 = arith.maximumf %add3A_22, %max3A_24 : vector<2560x512xf32>
    %reshape3A_26 = vector.shape_cast %max3A_25 : vector<2560x512xf32> to vector<20x128x512xf32>
    %reduce_max3A = arith.constant dense<0xFF800000> : vector<128x512xf32>
    %reduce_max3A_27 = vector.multi_reduction <maximumf>, %reshape3A_26, %reduce_max3A [0] : vector<20x128x512xf32> to vector<128x512xf32>
    %get3A_28 = arith.constant 0 : index
    %get3A_29 = arith.constant 0 : index
    %get3A_30 = vector.load %arg6[%get3A_28, %get3A_29] : memref<512x512xf32, #tpu.memory_space<vmem>>, vector<512x512xf32>
    %dot_general3A_31 = arith.constant dense<0.000000e+00> : vector<128x512xf32>
    %dot_general3A_32 = tpu.matmul %reduce_max3A_27, %get3A_30, %dot_general3A_31 {dimension_numbers = #tpu.dot_dimension_numbers<[1], [0], [0], [1], [0, 0, 1, 1], [], []>, transpose_lhs_hint = false} : vector<128x512xf32>, vector<512x512xf32>, vector<128x512xf32> -> vector<128x512xf32>
    %get3A_33 = arith.constant 0 : index
    %get3A_34 = arith.constant 0 : index
    %get3A_35 = vector.load %arg7[%get3A_33, %get3A_34] : memref<1x512xf32, #tpu.memory_space<vmem>>, vector<1x512xf32>
    %add3A_36 = vector.broadcast %get3A_35 : vector<1x512xf32> to vector<128x512xf32>
    %add3A_37 = arith.addf %dot_general3A_32, %add3A_36 : vector<128x512xf32>
    %get3A_38 = arith.constant 0 : index
    %get3A_39 = arith.constant 0 : index
    %get3A_40 = vector.load %arg8[%get3A_38, %get3A_39] : memref<512x512xf32, #tpu.memory_space<vmem>>, vector<512x512xf32>
    %dot_general3A_41 = arith.constant dense<0.000000e+00> : vector<128x512xf32>
    %dot_general3A_42 = tpu.matmul %reduce_max3A_27, %get3A_40, %dot_general3A_41 {dimension_numbers = #tpu.dot_dimension_numbers<[1], [0], [0], [1], [0, 0, 1, 1], [], []>, transpose_lhs_hint = false} : vector<128x512xf32>, vector<512x512xf32>, vector<128x512xf32> -> vector<128x512xf32>
    %get3A_43 = arith.constant 0 : index
    %get3A_44 = arith.constant 0 : index
    %get3A_45 = vector.load %arg9[%get3A_43, %get3A_44] : memref<1x512xf32, #tpu.memory_space<vmem>>, vector<1x512xf32>
    %add3A_46 = vector.broadcast %get3A_45 : vector<1x512xf32> to vector<128x512xf32>
    %add3A_47 = arith.addf %dot_general3A_42, %add3A_46 : vector<128x512xf32>
    %mul3A = arith.mulf %add3A_37, %reduce_max3A_27 : vector<128x512xf32>
    %add3A_48 = arith.addf %mul3A, %add3A_47 : vector<128x512xf32>
    %mul3A_49 = arith.constant 128 : i32
    %mul3A_50 = arith.muli %arg1, %mul3A_49 : i32
    %iota3A = tpu.iota {dimensions = array<i32: 0>} : vector<128x1xi32>
    %add3A_51 = vector.broadcast %mul3A_50 : i32 to vector<128x1xi32>
    %add3A_52 = arith.addi %add3A_51, %iota3A : vector<128x1xi32>
    %lt3A = arith.constant 1000 : i32
    %lt3A_53 = vector.broadcast %lt3A : i32 to vector<128x1xi32>
    %lt3A_54 = arith.cmpi slt, %add3A_52, %lt3A_53 : vector<128x1xi32>
    %jit3A = arith.constant 0.000000e+00 : f32
    %broadcast_in_dim3A_55 = vector.shape_cast %lt3A_54 : vector<128x1xi1> to vector<128x1xi1>
    %broadcast_in_dim3A_56 = vector.broadcast %broadcast_in_dim3A_55 : vector<128x1xi1> to vector<128x512xi1>
    %broadcast_in_dim3A_57 = vector.broadcast %jit3A : f32 to vector<128x512xf32>
    %select_n3A = arith.select %broadcast_in_dim3A_56, %add3A_48, %broadcast_in_dim3A_57 : vector<128x512xi1>, vector<128x512xf32>
    %swap3A = arith.constant 0 : index
    %swap3A_58 = arith.constant 0 : index
    %swap3A_59 = vector.load %arg10[%swap3A, %swap3A_58] : memref<128x512xf32, #tpu.memory_space<vmem>>, vector<128x512xf32>
    tpu.vector_store %arg10[%swap3A, %swap3A_58], %select_n3A {strides = array<i32>} : memref<128x512xf32, #tpu.memory_space<vmem>>, vector<128x512xf32>,
    return
  }
  func.func @transform_0(%arg0: i32, %arg1: i32) -> (i32, i32) {
    %mul3A = arith.constant 8 : i32
    %mul3A_0 = arith.muli %arg0, %mul3A : i32
    %add3A = arith.addi %mul3A_0, %arg1 : i32
    %c0_i32 = arith.constant 0 : i32
    %c0_i32_1 = arith.constant 0 : i32
    return %add3A, %c0_i32 : i32, i32
  }
  func.func @transform_1(%arg0: i32, %arg1: i32) -> (i32, i32, i32) {
    %mul3A = arith.constant 8 : i32
    %mul3A_0 = arith.muli %arg0, %mul3A : i32
    %add3A = arith.addi %mul3A_0, %arg1 : i32
    %c0_i32 = arith.constant 0 : i32
    %c0_i32_1 = arith.constant 0 : i32
    %c0_i32_2 = arith.constant 0 : i32
    return %c0_i32, %add3A, %c0_i32_1 : i32, i32, i32
  }
  func.func @transform_2(%arg0: i32, %arg1: i32) -> (i32, i32) {
    %c0_i32 = arith.constant 0 : i32
    %c0_i32_0 = arith.constant 0 : i32
    %c0_i32_1 = arith.constant 0 : i32
    return %c0_i32, %c0_i32_0 : i32, i32
  }
  func.func @transform_3(%arg0: i32, %arg1: i32) -> (i32, i32) {
    %c0_i32 = arith.constant 0 : i32
    %c0_i32_0 = arith.constant 0 : i32
    %c0_i32_1 = arith.constant 0 : i32
    return %c0_i32, %c0_i32_0 : i32, i32
  }
  func.func @transform_4(%arg0: i32, %arg1: i32) -> (i32, i32) {
    %c0_i32 = arith.constant 0 : i32
    %c0_i32_0 = arith.constant 0 : i32
    %c0_i32_1 = arith.constant 0 : i32
    return %c0_i32, %c0_i32_0 : i32, i32
  }
  func.func @transform_5(%arg0: i32, %arg1: i32) -> (i32, i32) {
    %c0_i32 = arith.constant 0 : i32
    %c0_i32_0 = arith.constant 0 : i32
    %c0_i32_1 = arith.constant 0 : i32
    return %c0_i32, %c0_i32_0 : i32, i32
  }
  func.func @transform_6(%arg0: i32, %arg1: i32) -> (i32, i32) {
    %c0_i32 = arith.constant 0 : i32
    %c0_i32_0 = arith.constant 0 : i32
    %c0_i32_1 = arith.constant 0 : i32
    return %c0_i32, %c0_i32_0 : i32, i32
  }
  func.func @transform_7(%arg0: i32, %arg1: i32) -> (i32, i32) {
    %c0_i32 = arith.constant 0 : i32
    %c0_i32_0 = arith.constant 0 : i32
    %c0_i32_1 = arith.constant 0 : i32
    return %c0_i32, %c0_i32_0 : i32, i32
  }
  func.func @transform_8(%arg0: i32, %arg1: i32) -> (i32, i32) {
    %mul3A = arith.constant 8 : i32
    %mul3A_0 = arith.muli %arg0, %mul3A : i32
    %add3A = arith.addi %mul3A_0, %arg1 : i32
    %c0_i32 = arith.constant 0 : i32
    %c0_i32_1 = arith.constant 0 : i32
    return %add3A, %c0_i32 : i32, i32
  }
}

module attributes {stable_mosaic.version = 14 : i64} {
  func.func @_head_body(%arg0: memref<10240x64xf32, #tpu.memory_space<vmem>>, %arg1: memref<10240x128xf32, #tpu.memory_space<vmem>>, %arg2: memref<10240x256xf32, #tpu.memory_space<vmem>>, %arg3: memref<10240x512xf32, #tpu.memory_space<vmem>>, %arg4: memref<960x512xf32, #tpu.memory_space<vmem>>, %arg5: memref<1x512xf32, #tpu.memory_space<vmem>>, %arg6: memref<512x256xf32, #tpu.memory_space<vmem>>, %arg7: memref<1x256xf32, #tpu.memory_space<vmem>>, %arg8: memref<256x128xf32, #tpu.memory_space<vmem>>, %arg9: memref<1x128xf32, #tpu.memory_space<vmem>>, %arg10: memref<16x128xf32, #tpu.memory_space<vmem>>) attributes {dimension_semantics = [], scalar_prefetch = 0 : i64, scratch_operands = 0 : i64, tpu.core_type = #tpu.core_type<tc>} {
    %iota3A = tpu.iota {dimensions = array<i32: 1>} : vector<16x10240xi32>
    %iota3A_0 = tpu.iota {dimensions = array<i32: 0>} : vector<16x10240xi32>
    %jit3A = arith.constant 1024 : i32
    %div3A = vector.broadcast %jit3A : i32 to vector<16x10240xi32>
    %div3A_1 = arith.divsi %iota3A, %div3A : vector<16x10240xi32>
    %sign3A = arith.constant 0 : i32
    %sign3A_2 = vector.broadcast %sign3A : i32 to vector<16x10240xi32>
    %sign3A_3 = arith.cmpi sgt, %iota3A, %sign3A_2 : vector<16x10240xi32>
    %sign3A_4 = arith.extui %sign3A_3 : vector<16x10240xi1> to vector<16x10240xi32>
    %sign3A_5 = arith.constant 0 : i32
    %sign3A_6 = vector.broadcast %sign3A_5 : i32 to vector<16x10240xi32>
    %sign3A_7 = arith.cmpi slt, %iota3A, %sign3A_6 : vector<16x10240xi32>
    %sign3A_8 = arith.extui %sign3A_7 : vector<16x10240xi1> to vector<16x10240xi32>
    %sign3A_9 = arith.subi %sign3A_4, %sign3A_8 : vector<16x10240xi32>
    %sign3A_10 = arith.constant 0 : i32
    %sign3A_11 = arith.cmpi sgt, %jit3A, %sign3A_10 : i32
    %sign3A_12 = arith.extui %sign3A_11 : i1 to i32
    %sign3A_13 = arith.constant 0 : i32
    %sign3A_14 = arith.cmpi slt, %jit3A, %sign3A_13 : i32
    %sign3A_15 = arith.extui %sign3A_14 : i1 to i32
    %sign3A_16 = arith.subi %sign3A_12, %sign3A_15 : i32
    %ne3A = vector.broadcast %sign3A_16 : i32 to vector<16x10240xi32>
    %ne3A_17 = arith.cmpi ne, %sign3A_9, %ne3A : vector<16x10240xi32>
    %rem3A = vector.broadcast %jit3A : i32 to vector<16x10240xi32>
    %rem3A_18 = arith.remsi %iota3A, %rem3A : vector<16x10240xi32>
    %ne3A_19 = arith.constant 0 : i32
    %ne3A_20 = vector.broadcast %ne3A_19 : i32 to vector<16x10240xi32>
    %ne3A_21 = arith.cmpi ne, %rem3A_18, %ne3A_20 : vector<16x10240xi32>
    %and3A = arith.andi %ne3A_17, %ne3A_21 : vector<16x10240xi1>
    %sub3A = arith.constant 1 : i32
    %sub3A_22 = vector.broadcast %sub3A : i32 to vector<16x10240xi32>
    %sub3A_23 = arith.subi %div3A_1, %sub3A_22 : vector<16x10240xi32>
    %select_n3A = arith.select %and3A, %sub3A_23, %div3A_1 : vector<16x10240xi1>, vector<16x10240xi32>
    %eq3A = arith.cmpi eq, %select_n3A, %iota3A_0 : vector<16x10240xi32>
    %jit3A_24 = arith.constant 1024 : i32
    %eq3A_25 = arith.constant 0 : i32
    %eq3A_26 = arith.cmpi eq, %jit3A_24, %eq3A_25 : i32
    %jit3A_27 = arith.constant 1 : i32
    %select_n3A_28 = arith.select %eq3A_26, %jit3A_27, %jit3A_24 : i32
    %rem3A_29 = vector.broadcast %select_n3A_28 : i32 to vector<16x10240xi32>
    %rem3A_30 = arith.remsi %iota3A, %rem3A_29 : vector<16x10240xi32>
    %ne3A_31 = arith.constant 0 : i32
    %ne3A_32 = vector.broadcast %ne3A_31 : i32 to vector<16x10240xi32>
    %ne3A_33 = arith.cmpi ne, %rem3A_30, %ne3A_32 : vector<16x10240xi32>
    %lt3A = arith.constant 0 : i32
    %lt3A_34 = vector.broadcast %lt3A : i32 to vector<16x10240xi32>
    %lt3A_35 = arith.cmpi slt, %rem3A_30, %lt3A_34 : vector<16x10240xi32>
    %lt3A_36 = arith.constant 0 : i32
    %lt3A_37 = arith.cmpi slt, %select_n3A_28, %lt3A_36 : i32
    %ne3A_38 = vector.broadcast %lt3A_37 : i1 to vector<16x10240xi1>
    %ne3A_39 = vector.broadcast %ne3A_38 : vector<16x10240xi1> to vector<16x10240xi1>
    %ne3A_40 = arith.xori %lt3A_35, %ne3A_39 : vector<16x10240xi1>
    %and3A_41 = arith.andi %ne3A_40, %ne3A_33 : vector<16x10240xi1>
    %add3A = vector.broadcast %select_n3A_28 : i32 to vector<16x10240xi32>
    %add3A_42 = arith.addi %rem3A_30, %add3A : vector<16x10240xi32>
    %select_n3A_43 = arith.select %and3A_41, %add3A_42, %rem3A_30 : vector<16x10240xi1>, vector<16x10240xi32>
    %lt3A_44 = arith.constant 1000 : i32
    %lt3A_45 = vector.broadcast %lt3A_44 : i32 to vector<16x10240xi32>
    %lt3A_46 = arith.cmpi slt, %select_n3A_43, %lt3A_45 : vector<16x10240xi32>
    %and3A_47 = arith.andi %eq3A, %lt3A_46 : vector<16x10240xi1>
    %jit3A_48 = arith.constant 1.000000e-03 : f32
    %jit3A_49 = arith.constant 0.000000e+00 : f32
    %broadcast_in_dim3A = vector.broadcast %jit3A_48 : f32 to vector<16x10240xf32>
    %broadcast_in_dim3A_50 = vector.broadcast %jit3A_49 : f32 to vector<16x10240xf32>
    %select_n3A_51 = arith.select %and3A_47, %broadcast_in_dim3A, %broadcast_in_dim3A_50 : vector<16x10240xi1>, vector<16x10240xf32>
    %get3A = arith.constant 0 : index
    %get3A_52 = arith.constant 0 : index
    %get3A_53 = vector.load %arg0[%get3A, %get3A_52] : memref<10240x64xf32, #tpu.memory_space<vmem>>, vector<10240x64xf32>
    %dot_general3A = arith.constant dense<0.000000e+00> : vector<16x64xf32>
    %dot_general3A_54 = tpu.matmul %select_n3A_51, %get3A_53, %dot_general3A {dimension_numbers = #tpu.dot_dimension_numbers<[1], [0], [0], [1], [0, 0, 1, 1], [], []>, transpose_lhs_hint = false} : vector<16x10240xf32>, vector<10240x64xf32>, vector<16x64xf32> -> vector<16x64xf32>
    %get3A_55 = arith.constant 0 : index
    %get3A_56 = arith.constant 0 : index
    %get3A_57 = vector.load %arg1[%get3A_55, %get3A_56] : memref<10240x128xf32, #tpu.memory_space<vmem>>, vector<10240x128xf32>
    %dot_general3A_58 = arith.constant dense<0.000000e+00> : vector<16x128xf32>
    %dot_general3A_59 = tpu.matmul %select_n3A_51, %get3A_57, %dot_general3A_58 {dimension_numbers = #tpu.dot_dimension_numbers<[1], [0], [0], [1], [0, 0, 1, 1], [], []>, transpose_lhs_hint = false} : vector<16x10240xf32>, vector<10240x128xf32>, vector<16x128xf32> -> vector<16x128xf32>
    %get3A_60 = arith.constant 0 : index
    %get3A_61 = arith.constant 0 : index
    %get3A_62 = vector.load %arg2[%get3A_60, %get3A_61] : memref<10240x256xf32, #tpu.memory_space<vmem>>, vector<10240x256xf32>
    %dot_general3A_63 = arith.constant dense<0.000000e+00> : vector<16x256xf32>
    %dot_general3A_64 = tpu.matmul %select_n3A_51, %get3A_62, %dot_general3A_63 {dimension_numbers = #tpu.dot_dimension_numbers<[1], [0], [0], [1], [0, 0, 1, 1], [], []>, transpose_lhs_hint = false} : vector<16x10240xf32>, vector<10240x256xf32>, vector<16x256xf32> -> vector<16x256xf32>
    %get3A_65 = arith.constant 0 : index
    %get3A_66 = arith.constant 0 : index
    %get3A_67 = vector.load %arg3[%get3A_65, %get3A_66] : memref<10240x512xf32, #tpu.memory_space<vmem>>, vector<10240x512xf32>
    %dot_general3A_68 = arith.constant dense<0.000000e+00> : vector<16x512xf32>
    %dot_general3A_69 = tpu.matmul %select_n3A_51, %get3A_67, %dot_general3A_68 {dimension_numbers = #tpu.dot_dimension_numbers<[1], [0], [0], [1], [0, 0, 1, 1], [], []>, transpose_lhs_hint = false} : vector<16x10240xf32>, vector<10240x512xf32>, vector<16x512xf32> -> vector<16x512xf32>
    %concatenate3A = tpu.concatenate %dot_general3A_54, %dot_general3A_59, %dot_general3A_64, %dot_general3A_69 in 1 : vector<16x64xf32>, vector<16x128xf32>, vector<16x256xf32>, vector<16x512xf32> -> vector<16x960xf32>
    %get3A_70 = arith.constant 0 : index
    %get3A_71 = arith.constant 0 : index
    %get3A_72 = vector.load %arg4[%get3A_70, %get3A_71] : memref<960x512xf32, #tpu.memory_space<vmem>>, vector<960x512xf32>
    %dot_general3A_73 = arith.constant dense<0.000000e+00> : vector<16x512xf32>
    %dot_general3A_74 = tpu.matmul %concatenate3A, %get3A_72, %dot_general3A_73 {dimension_numbers = #tpu.dot_dimension_numbers<[1], [0], [0], [1], [0, 0, 1, 1], [], []>, transpose_lhs_hint = false} : vector<16x960xf32>, vector<960x512xf32>, vector<16x512xf32> -> vector<16x512xf32>
    %get3A_75 = arith.constant 0 : index
    %get3A_76 = arith.constant 0 : index
    %get3A_77 = vector.load %arg5[%get3A_75, %get3A_76] : memref<1x512xf32, #tpu.memory_space<vmem>>, vector<1x512xf32>
    %add3A_78 = vector.broadcast %get3A_77 : vector<1x512xf32> to vector<16x512xf32>
    %add3A_79 = arith.addf %dot_general3A_74, %add3A_78 : vector<16x512xf32>
    %max3A = arith.constant 0.000000e+00 : f32
    %max3A_80 = vector.broadcast %max3A : f32 to vector<16x512xf32>
    %max3A_81 = arith.maximumf %add3A_79, %max3A_80 : vector<16x512xf32>
    %get3A_82 = arith.constant 0 : index
    %get3A_83 = arith.constant 0 : index
    %get3A_84 = vector.load %arg6[%get3A_82, %get3A_83] : memref<512x256xf32, #tpu.memory_space<vmem>>, vector<512x256xf32>
    %dot_general3A_85 = arith.constant dense<0.000000e+00> : vector<16x256xf32>
    %dot_general3A_86 = tpu.matmul %max3A_81, %get3A_84, %dot_general3A_85 {dimension_numbers = #tpu.dot_dimension_numbers<[1], [0], [0], [1], [0, 0, 1, 1], [], []>, transpose_lhs_hint = false} : vector<16x512xf32>, vector<512x256xf32>, vector<16x256xf32> -> vector<16x256xf32>
    %get3A_87 = arith.constant 0 : index
    %get3A_88 = arith.constant 0 : index
    %get3A_89 = vector.load %arg7[%get3A_87, %get3A_88] : memref<1x256xf32, #tpu.memory_space<vmem>>, vector<1x256xf32>
    %add3A_90 = vector.broadcast %get3A_89 : vector<1x256xf32> to vector<16x256xf32>
    %add3A_91 = arith.addf %dot_general3A_86, %add3A_90 : vector<16x256xf32>
    %max3A_92 = arith.constant 0.000000e+00 : f32
    %max3A_93 = vector.broadcast %max3A_92 : f32 to vector<16x256xf32>
    %max3A_94 = arith.maximumf %add3A_91, %max3A_93 : vector<16x256xf32>
    %get3A_95 = arith.constant 0 : index
    %get3A_96 = arith.constant 0 : index
    %get3A_97 = vector.load %arg8[%get3A_95, %get3A_96] : memref<256x128xf32, #tpu.memory_space<vmem>>, vector<256x128xf32>
    %dot_general3A_98 = arith.constant dense<0.000000e+00> : vector<16x128xf32>
    %dot_general3A_99 = tpu.matmul %max3A_94, %get3A_97, %dot_general3A_98 {dimension_numbers = #tpu.dot_dimension_numbers<[1], [0], [0], [1], [0, 0, 1, 1], [], []>, transpose_lhs_hint = false} : vector<16x256xf32>, vector<256x128xf32>, vector<16x128xf32> -> vector<16x128xf32>
    %get3A_100 = arith.constant 0 : index
    %get3A_101 = arith.constant 0 : index
    %get3A_102 = vector.load %arg9[%get3A_100, %get3A_101] : memref<1x128xf32, #tpu.memory_space<vmem>>, vector<1x128xf32>
    %add3A_103 = vector.broadcast %get3A_102 : vector<1x128xf32> to vector<16x128xf32>
    %add3A_104 = arith.addf %dot_general3A_99, %add3A_103 : vector<16x128xf32>
    %swap3A = arith.constant 0 : index
    %swap3A_105 = arith.constant 0 : index
    %swap3A_106 = vector.load %arg10[%swap3A, %swap3A_105] : memref<16x128xf32, #tpu.memory_space<vmem>>, vector<16x128xf32>
    tpu.vector_store %arg10[%swap3A, %swap3A_105], %add3A_104 {strides = array<i32>} : memref<16x128xf32, #tpu.memory_space<vmem>>, vector<16x128xf32>,
    return
  }
}

</mosaic_0001>

<sc_bundles>
// kernel: kernel.15.cloned.1.call-start
scs
__scs_entry_jumppad:
0x0: {  	(pc) =	sbr.rel $0x88, $3  }
0x1: {  	(tag) =	ssettag $0x0;
	lr =	simm.s32 $0x1  }
0x2: {  	[smem:$0x3F65] =	sst lr;
	_ =	strace $0xD0000000  }
0x3: {  	_ = 	snop  }
0x4: {  	_ = 	snop  }
0x5: {  	_ = 	snop  }
0x6: {  	_ = 	snop  }
0x7: {  	_ = 	snop  }
__scs_overlays_trampoline_lowered:
0x8: {  	[smem:$0x3F74] =	sst s0  }
0x9: {  	[smem:$0x3F75] =	sst s1  }
0xa: {  	[smem:$0x3F76] =	sst s2  }
0xb: {  	[smem:$0x3F77] =	sst s3  }
0xc: {  	[smem:$0x3F78] =	sst s4  }
0xd: {  	[smem:$0x3F79] =	sst s5  }
0xe: {  	[smem:$0x3F7A] =	sst s6  }
0xf: {  	[smem:$0x3F7B] =	sst s7  }
0x10: {  	[smem:$0x3F7C] =	sst s8  }
0x11: {  	[smem:$0x3F7D] =	sst s9;
	s0 =	simm.s32 @!p0 $0x0  }
0x12: {  	s1 =	sld [smem:$0x3F63];
	s0 =	simm.s32 @p0 $0x1  }
0x13: {  	[smem:$0x3F7E] =	sst s0;
	s0 =	simm.s32 @!p1 $0x0  }
0x14: {  	s2 =	sld [smem:$0x3F62];
	s0 =	simm.s32 @p1 $0x1  }
0x15: {  	[smem:$0x3F7F] =	sst s0;
	s0 =	simm.s32 @!p2 $0x0  }
0x16: {  	s3 =	sld [smem:$0x3FDB];
	s0 =	simm.s32 @p2 $0x1  }
0x17: {  	s4 =	simm.s32 $0x1BF5;
	[smem:$0x3F81] =	sst s0  }
0x18: {  	s0 =	sld [smem:$0x3F64];
	_ =	swait.ge [sflag:s4], $0x0  }
0x19: {  	s7 =	sld [smem:$0x3F65]  }
0x1a: {  	s8 =	sadd.s32 $0xFFFFE003, lr  }
0x1b: {  	s9 =	sadd.s32 $0xFFFFFEF7, lr;
	s5 =	simm.s32 $0xFFFFFFFF;
	p2 =	slt.u32 s8, $0xFFFFF086  }
0x1c: {  	p1 =	slt.u32 s9, $0xF7A;
	s5 =	simm.s32 @!p2 $0x0  }
0x1d: {  	s5 =	simm.s32 @p1 $0x1;
	p0 =	seq.s32 s7, s2  }
0x1e: {  	s7 =	smul.u32 @!p0 $0xF7A, s2;
	p2 =	seq.s32 @!p0 s5, $0x0  }
0x1f: {  	s9 =	smul.u32 $0xF7A, s1;
	s8 =	simm.s32 @!p0 $0x1BF5;
	p2 =	por !p2, p0  }
0x20: {  	[sflag:s8] =	ssyncset.s32 @!p0 $0xFFFFF086;
	s6 =	sadd.s32 @!p0 s3, s7;
	s7 =	simm.s32 @!p0 $0x108  }
0x21: {  	s3 =	sadd.s32 s3, s9;
	s6 =	sadd.s32 @!p0 $0x88, s6;
	s7 =	simm.s32 @p2 $0x1082  }
0x22: {  	[simem:s7], [sflag:s8] =	dma.local @!p0 [hbm:s6], $0xF7A  }
0x23: {  	s9 =	sor.u32 $0xD0000000, s2;
	s6 =	simm.s32 $0x108;
	_ =	swait.ge @!p0 [sflag:s8], $0x0  }
0x24: {  	s3 =	sadd.s32 $0x88, s3;
	s6 =	simm.s32 @!p1 $0x1082;
	[sflag:s4] =	ssyncset.s32 $0xFFFFF086  }
0x25: {  	[simem:s6], [sflag:s4] =	dma.local [hbm:s3], $0xF7A  }
0x26: {  	[smem:$0x3F65] =	sst s1;
	(tag) =	ssettag s2;
	_ =	strace s9  }
0x27: {  	s1 =	sld [smem:$0x3F75]  }
0x28: {  	s2 =	sld [smem:$0x3F76]  }
0x29: {  	s4 =	sld [smem:$0x3F78]  }
0x2a: {  	p0 =	seq.s32 s5, $0x0;
	s5 =	sld [smem:$0x3F79]  }
0x2b: {  	s6 =	sld [smem:$0x3F7A]  }
0x2c: {  	s7 =	sld [smem:$0x3F7B]  }
0x2d: {  	s3 =	simm.s32 $0x108;
	s8 =	sld [smem:$0x3F7C]  }
0x2e: {  	s3 =	simm.s32 @!p0 $0x1082;
	s9 =	sld [smem:$0x3F7D]  }
0x2f: {  	lr =	sadd.s32 s0, s3;
	s0 =	sld [smem:$0x3F74]  }
0x30: {  	s3 =	sld [smem:$0x3F77]  }
0x31: {  	[smem:$0x3F80] =	sst s10  }
0x32: {  	s10 =	sld [smem:$0x3F7E];
	_ =	sdelay $0x3  }
0x33: {  	p0 =	seq.s32 s10, $0x1;
	s10 =	sld [smem:$0x3F80];
	_ =	sdelay $0x3  }
0x34: {  	[smem:$0x3F80] =	sst s10  }
0x35: {  	s10 =	sld [smem:$0x3F7F];
	_ =	sdelay $0x3  }
0x36: {  	p1 =	seq.s32 s10, $0x1;
	s10 =	sld [smem:$0x3F80];
	_ =	sdelay $0x3  }
0x37: {  	[smem:$0x3F80] =	sst s10  }
0x38: {  	s10 =	sld [smem:$0x3F81]  }
0x39: {  	_ = 	snop;
	(pc) =	sbr.ind lr, $3  }
0x3a: {  	_ = 	snop  }
0x3b: {  	_ = 	snop  }
0x3c: {  	p2 =	seq.s32 s10, $0x1;
	s10 =	sld [smem:$0x3F80]  }
0x3d: {  	_ =	shalt  }
0x3e: {  	_ =	shalt  }
0x3f: {  	_ =	shalt  }
0x40: {  	_ =	shalt  }
0x41: {  	_ =	shalt  }
0x42: {  	_ =	shalt  }
0x43: {  	_ =	shalt  }
0x44: {  	_ =	shalt  }
0x45: {  	_ =	shalt  }
0x46: {  	_ =	shalt  }
0x47: {  	_ =	shalt  }
0x48: {  	_ =	shalt  }
0x49: {  	_ =	shalt  }
0x4a: {  	_ =	shalt  }
0x4b: {  	_ =	shalt  }
0x4c: {  	_ =	shalt  }
0x4d: {  	_ =	shalt  }
0x4e: {  	_ =	shalt  }
0x4f: {  	_ =	shalt  }
0x50: {  	_ =	shalt  }
0x51: {  	_ =	shalt  }
0x52: {  	_ =	shalt  }
0x53: {  	_ =	shalt  }
0x54: {  	_ =	shalt  }
0x55: {  	_ =	shalt  }
0x56: {  	_ =	shalt  }
0x57: {  	_ =	shalt  }
0x58: {  	_ =	shalt  }
0x59: {  	_ =	shalt  }
0x5a: {  	_ =	shalt  }
0x5b: {  	_ =	shalt  }
0x5c: {  	_ =	shalt  }
0x5d: {  	_ =	shalt  }
0x5e: {  	_ =	shalt  }
0x5f: {  	_ =	shalt  }
0x60: {  	_ =	shalt  }
0x61: {  	_ =	shalt  }
0x62: {  	_ =	shalt  }
0x63: {  	_ =	shalt  }
0x64: {  	_ =	shalt  }
0x65: {  	_ =	shalt  }
0x66: {  	_ =	shalt  }
0x67: {  	_ =	shalt  }
0x68: {  	_ =	shalt  }
0x69: {  	_ =	shalt  }
0x6a: {  	_ =	shalt  }
0x6b: {  	_ =	shalt  }
0x6c: {  	_ =	shalt  }
0x6d: {  	_ =	shalt  }
0x6e: {  	_ =	shalt  }
0x6f: {  	_ =	shalt  }
0x70: {  	_ =	shalt  }
0x71: {  	_ =	shalt  }
0x72: {  	_ =	shalt  }
0x73: {  	_ =	shalt  }
0x74: {  	_ =	shalt  }
0x75: {  	_ =	shalt  }
0x76: {  	_ =	shalt  }
0x77: {  	_ =	shalt  }
0x78: {  	_ =	shalt  }
0x79: {  	_ =	shalt  }
0x7a: {  	_ =	shalt  }
0x7b: {  	_ =	shalt  }
0x7c: {  	_ =	shalt  }
0x7d: {  	_ =	shalt  }
0x7e: {  	_ =	shalt  }
0x7f: {  	_ =	shalt  }
0x80: {  	_ =	shalt  }
0x81: {  	_ =	shalt  }
0x82: {  	_ =	shalt  }
0x83: {  	_ =	shalt  }
0x84: {  	_ =	shalt  }
0x85: {  	_ =	shalt  }
0x86: {  	_ =	shalt  }
0x87: {  	_ =	shalt  }
.Lfunc_end0:
.L_simem_size_0:
called_computation_lowered:
.L_overlay_start_0:
0x88: {  	s2 =	sld [smem:$0x3FD9]  }
0x89: {  	s3 =	sld [smem:$0x3FFE];
	_ =	sdelay $0x1  }
0x8a: {  	s1 =	srdreg.scid  }
0x8b: {  	s0 =	sand.u32 $0x1, s1  }
0x8c: {  	s16 =	sshll.u32 s0, $0xA;
	s2 =	sadd.s32 s3, s2  }
0x8d: {  	s2 =	sadd.s32 s2, s16  }
0x8e: {  	[smem:$0x3F8C] =	sst s2  }
0x8f: {  	_ = 	snop  }
0x90: {  	(tm) =	ssettm $0x1  }
0x91: {  	s17 =	sld [smem:$0x3FFB];
	_ =	sdelay $0x3  }
0x92: {  	_ =	strace s17  }
0x93: {  	s2 =	sld [smem:$0x3FFC];
	_ =	sdelay $0x3  }
0x94: {  	_ =	strace s2  }
0x95: {  	s2 =	sld [smem:$0x3FFD];
	_ =	sdelay $0x3  }
0x96: {  	_ =	strace s2  }
0x97: {  	_ =	strace $0x8FFFFFFF  }
0x98: {  	s18 =	sld [smem:$0x3FDB];
	_ =	sdelay $0x1  }
0x99: {  	s19 =	simm.s32 $_scs_section_size  }
0x9a: {  	s4 =	simm.s32 $_size__tile_overlayer_lowered;
	s5 =	simm.s32 $_tile_overlayer_lowered  }
0x9b: {  	s22 =	simm.s32 $0x1BFF;
	s21 =	sshll.u32 s5, $0x1;
	s2 =	sadd.s32 s19, s18  }
0x9c: {  	s6 =	simm.s32 $0x0;
	s20 =	sshll.u32 s4, $0x1;
	s4 =	sadd.s32 s21, s2  }
0x9d: {  	[timem:s6], [sflag:s22] =	dma.local [hbm:s4], s20  }
0x9e: {  	_ =	swait.ge [sflag:s22], s20  }
0x9f: {  	s3 =	ssub.s32 $0x0, s20;
	[sflag:s22] =	ssyncset.done $0x0  }
0xa0: {  	[sflag:s22] =	ssyncadd.s32 s3;
	_ =	sdelay $0x1  }
0xa1: {  	s23 =	simm.s32 $0x1B8B  }
0xa2: {  	_ =	swait.ge [sflag:s23], $0x1  }
0xa3: {  	[sflag:s23] =	ssyncset.done $0x0  }
0xa4: {  	s25 =	simm.s32 $0x1B8E;
	s24 =	sld [smem:$0x3FFE];
	[sflag:s23] =	ssyncadd.s32 $0xFFFFFFFF  }
0xa5: {  	s26 =	simm.s32 $execute0_lowered;
	[smem:$0x3FD2] =	sst s25  }
0xa6: {  	s4 =	sshll.u32 s26, $0x1;
	_ =	strace $0x80000046;
	[dreg:$0x1] =	wrdreg $0xFFFFFFFF  }
0xa7: {  	s28 =	simm.s32 $_size_execute0_lowered;
	s2 =	sadd.s32 s2, s4;
	[dreg:$0x0] =	wrdreg $0x0  }
0xa8: {  	s4 =	sshll.u32 s28, $0x1;
	[dreg:$0x2] =	wrdreg s2  }
0xa9: {  	[dreg:$0x3] =	wrdreg s4  }
0xaa: {  	[dreg:$0x4] =	wrdreg $0xC0  }
0xab: {  	_ =	task [dreg:s6], $0x5FFFF  }
0xac: {  	[dreg:$0x1] =	wrdreg $0xFFFFFFFF  }
0xad: {  	[dreg:$0x0] =	wrdreg $0x60  }
0xae: {  	[dreg:$0x2] =	wrdreg s24  }
0xaf: {  	[dreg:$0x3] =	wrdreg $0x9  }
0xb0: {  	_ =	task.clear_ibuf [dreg:s6], $0x4FFFF;
	_ =	strace $0x90000046  }
0xb1: {  	s29 =	simm.s32 $0x9;
	_ =	strace $0x80000048  }
0xb2: {  	_ =	swait.ge [sflag:s29], $0x1  }
0xb3: {  	[sflag:s29] =	ssyncadd.s32 $0xFFFFFFFF  }
0xb4: {  	_ =	strace $0x90000048  }
0xb5: {  	_ =	sfence  }
0xb6: {  	s30 =	sld [smem:$0x0];
	_ =	sdelay $0x2  }
0xb7: {  	s31 =	sshll.u32 s1, $0xD;
	s1 =	sshrl.u32 s1, $0x2  }
0xb8: {  	s3 =	sand.u32 $0x4000, s31;
	s1 =	sadd.s32 s1, s30  }
0xb9: {  	s0 =	sor.u32 s3, s0;
	s1 =	sshll.u32 s1, $0x11  }
0xba: {  	s0 =	sor.u32 s1, s0  }
0xbb: {  	s0 =	sadd.s32 $0x8F2B, s0  }
0xbc: {  	[sflag:s0] =	ssyncadd.remote.s32 $0x1  }
0xbd: {  	_ =	sfence.sel $0xFFFF  }
0xbe: {  	[dreg:$0x0] =	wrdreg $0xFFFFFFFF;
	(pc) =	sbr.abs _section_cstart, $3  }
0xbf: {  	[dreg:$0x1] =	wrdreg $0xFFFFFFFF  }
0xc0: {  	_ =	task.clear_ibuf [dreg:s6], $0x2FFFF;
	_ =	strace $0x9FFFFFFF  }
0xc1: {  	(tm) =	ssettm $0x7FFFFFFF  }
tec
execute0_lowered:
.L_overlay_start_1:
0x0: {  	(tag) =	ssettag $0x1  }
0x1: {  	s1 =	srdreg.scid;
	s0 =	stileid.u32  }
0x2: {  	s5 =	rddreg [dreg:$0x0];
	s2 =	simm.s32 $0x0;
	s13 =	simm.s32 $0x5900  }
0x3: {  	s14 =	simm.s32 $0x1;
	s15 =	simm.s32 $0x4;
	s16 =	simm.s32 $0x2  }
0x4: {  	s17 =	simm.s32 $0x1880;
	s18 =	simm.s32 $0x0;
	s4 =	sand.u32 $0x1, s1  }
0x5: {  	s24 =	sshll.u32 s0, $0x1;
	s1 =	rddreg [dreg:$0x1];
	s9 =	smul.u32 $0x190000, s0  }
0x6: {  	[smem:$0x7FF] =	sst s2;
	s3 =	sor.u32 s4, s24;
	s11 =	smul.u32 $0xC8000, s4  }
0x7: {  	s12 =	sadd.s32 $0x3A400, s5;
	s8 =	ssub.s32 $0x2, s4;
	s6 =	smul.u32 $0x320, s3  }
0x8: {  	_ =	strace $0x80000047;
	s7 =	smul.u32 $0xC8000, s3;
	s10 =	sshrl.u32 s8, $0x1  }
0x9: {  	s3 =	sadd.s32 $0xC000, s5;
	s26 =	ssub.s32 s8, s10;
	s29 =	sadd.s32 s11, s9  }
0xa: {  	s10 =	simm.s32 $0x3;
	s11 =	simm.s32 $0x1900;
	s25 =	sadd.s32 s6, s5  }
0xb: {  	s28 =	sshrl.u32 s7, $0x3;
	s5 =	smax.u32 s26, $0x1;
	s9 =	sor.u32 $0x4000, s29  }
0xc: {  	s31 =	sshrl.u32 s29, $0x3;
	s4 =	sadd.s32 $0x34000, s25;
	s30 =	sadd.s32 s12, s28  }
0xd: {  	s9 =	sshrl.u32 s9, $0x3;
	s8 =	sadd.s32 s31, s12;
	s6 =	sadd.s32 $0x18000, s30  }
0xe: {  	s7 =	sadd.s32 $0x18800, s30;
	s9 =	sadd.s32 s9, s12;
	s12 =	simm.s32 $0x80  }
.LBB2_1:
0xf: {  	[tilespmem:s2], [sflag:$0x3] =	stream.linear.gather [hbm4b:s4+s2], $0x1900, $0x38;
	[tilespmem:$0x9900] =	vst v63  }
0x10: {  	_ =	swait.ge [sflag:s10], $0x1900  }
0x11: {  	[sflag:s10] =	ssyncset.done $0x0  }
0x12: {  	[sflag:s10] =	ssyncadd.s32 $0xFFFFE700  }
0x13: {  	[tilespmem:s11], [sflag:$0x1] =	stream.indirect.gather [hbm4b:s3+s12], $0x80, s2, s12, $0xb8;
	[tilespmem:$0x9900] =	vst v63  }
0x14: {  	_ = 	snop  }
0x15: {  	[tilespmem:s13], [sflag:$0x2] =	stream.indirect.gather [hbm4b:s3+s12], $0x80, s12, s12, $0xb8;
	[tilespmem:$0x9900] =	vst v63  }
0x16: {  	_ =	swait.ge [sflag:s14], $0x4000  }
0x17: {  	[sflag:s14] =	ssyncset.done $0x0  }
0x18: {  	s19 =	sadd.s32 $0x0, s8;
	[sflag:s14] =	ssyncadd.s32 $0xFFFFC000  }
0x19: {  	[hbm4b:s19+s2] =	stream.linear.scatter [tilespmem:s11], [sflag:$0x4], $0x4000, $0x38;
	[tilespmem:$0x9900] =	vst v63  }
0x1a: {  	_ =	swait.ge [sflag:s15], $0x4000  }
0x1b: {  	[sflag:s15] =	ssyncset.done $0x0  }
0x1c: {  	s30 =	simm.s32 $0x100;
	[sflag:s15] =	ssyncadd.s32 $0xFFFFC000  }
0x1d: {  	[tilespmem:s11], [sflag:$0x1] =	stream.indirect.gather [hbm4b:s3+s12], $0x80, s30, s12, $0xb8;
	[tilespmem:$0x9900] =	vst v63  }
0x1e: {  	_ =	swait.ge [sflag:s16], $0x4000  }
0x1f: {  	[sflag:s16] =	ssyncset.done $0x0  }
0x20: {  	s31 =	sadd.s32 $0x0, s9;
	[sflag:s16] =	ssyncadd.s32 $0xFFFFC000  }
0x21: {  	[hbm4b:s31+s2] =	stream.linear.scatter [tilespmem:s13], [sflag:$0x4], $0x4000, $0x38;
	[tilespmem:$0x9900] =	vst v63  }
0x22: {  	_ =	swait.ge [sflag:s15], $0x4000  }
0x23: {  	s20 =	simm.s32 $0x80;
	s19 =	simm.s32 $0x1000;
	[sflag:s15] =	ssyncset.done $0x0  }
.LBB2_2:
0x24: {  	p0 =	sne.s32 s19, $0x17000;
	[sflag:s15] =	ssyncadd.s32 $0xFFFFC000;
	s20 =	sadd.s32 $0x100, s20  }
0x25: {  	[tilespmem:s13], [sflag:$0x2] =	stream.indirect.gather [hbm4b:s3+s12], $0x80, s20, s12, $0xb8;
	[tilespmem:$0x9900] =	vst v63  }
0x26: {  	s21 =	smov.u32 s19;
	s19 =	sadd.s32 $0x1000, s19;
	_ =	swait.ge [sflag:s14], $0x4000  }
0x27: {  	[sflag:s14] =	ssyncset.done $0x0  }
0x28: {  	s22 =	sadd.s32 s21, s8;
	[sflag:s14] =	ssyncadd.s32 $0xFFFFC000  }
0x29: {  	[hbm4b:s22+s2] =	stream.linear.scatter [tilespmem:s11], [sflag:$0x4], $0x4000, $0x38;
	[tilespmem:$0x9900] =	vst v63  }
0x2a: {  	_ =	swait.ge [sflag:s15], $0x4000  }
0x2b: {  	[sflag:s15] =	ssyncset.done $0x0  }
0x2c: {  	s22 =	sadd.s32 $0x80, s20;
	[sflag:s15] =	ssyncadd.s32 $0xFFFFC000  }
0x2d: {  	[tilespmem:s11], [sflag:$0x1] =	stream.indirect.gather [hbm4b:s3+s12], $0x80, s22, s12, $0xb8;
	[tilespmem:$0x9900] =	vst v63  }
0x2e: {  	_ =	swait.ge [sflag:s16], $0x4000  }
.Ltmp0:
0x2f: {  	[sflag:s16] =	ssyncset.done $0x0;
	(pc) =	sbr.rel @p0 .LBB2_2-.Ltmp0, $4  }
0x30: {  	s21 =	sadd.s32 s21, s9;
	[sflag:s16] =	ssyncadd.s32 $0xFFFFC000  }
0x31: {  	[hbm4b:s21+s2] =	stream.linear.scatter [tilespmem:s13], [sflag:$0x4], $0x4000, $0x38;
	[tilespmem:$0x9900] =	vst v63  }
0x32: {  	_ =	swait.ge [sflag:s15], $0x4000  }
0x33: {  	[sflag:s15] =	ssyncset.done $0x0  }
0x34: {  	[sflag:s15] =	ssyncadd.s32 $0xFFFFC000  }
0x35: {  	[tilespmem:s13], [sflag:$0x2] =	stream.indirect.gather [hbm4b:s3+s12], $0x80, s17, s12, $0xb8;
	[tilespmem:$0x9900] =	vst v63  }
0x36: {  	_ =	swait.ge [sflag:s14], $0x4000  }
0x37: {  	[sflag:s14] =	ssyncset.done $0x0  }
0x38: {  	[sflag:s14] =	ssyncadd.s32 $0xFFFFC000  }
0x39: {  	[hbm4b:s6+s2] =	stream.linear.scatter [tilespmem:s11], [sflag:$0x4], $0x4000, $0x38;
	[tilespmem:$0x9900] =	vst v63  }
0x3a: {  	_ =	swait.ge [sflag:s15], $0x4000  }
0x3b: {  	[sflag:s15] =	ssyncset.done $0x0  }
0x3c: {  	[sflag:s15] =	ssyncadd.s32 $0xFFFFC000  }
0x3d: {  	s18 =	sadd.s32 $0x1, s18;
	_ =	swait.ge [sflag:s16], $0x4000  }
0x3e: {  	p0 =	sne.s32 s18, s5;
	[sflag:s16] =	ssyncset.done $0x0  }
.Ltmp1:
0x3f: {  	[sflag:s16] =	ssyncadd.s32 $0xFFFFC000;
	(pc) =	sbr.rel @p0 .LBB2_1-.Ltmp1, $4  }
0x40: {  	[hbm4b:s7+s2] =	stream.linear.scatter [tilespmem:s13], [sflag:$0x4], $0x4000, $0x38;
	[tilespmem:$0x9900] =	vst v63  }
0x41: {  	_ =	swait.ge [sflag:s15], $0x4000  }
0x42: {  	[sflag:s15] =	ssyncset.done $0x0  }
0x43: {  	[sflag:s15] =	ssyncadd.s32 $0xFFFFC000  }
0x44: {  	_ =	sfence.sel $0x180000  }
0x45: {  	[bflag:$0x0] =	sbarrier.arrive $0xFFFF  }
0x46: {  	p0 =	sne.s32 s0, $0x0;
	_ =	strace $0x90000047  }
0x47: {  	s0 =	sadd.s32 @!p0 $0x100000, s1;
	[bflag:$0x2] =	sbarrier.arrive $0xFFFF  }
0x48: {  	[sflag:s0] =	ssyncadd.tile.s32 @!p0 $0x1;
	_ =	shalt  }
.Lfunc_end2:
_tile_overlayer_lowered:
.L_overlay_start_2:
0x49: {  	(tag) =	ssettag $0x2  }
0x4a: {  	s0 =	rddreg [dreg:$0x0];
	s2 =	stileid.u32  }
0x4b: {  	s1 =	rddreg [dreg:$0x1];
	p0 =	sne.s32 s2, $0x0  }
0x4c: {  	s3 =	rddreg [dreg:$0x2];
	[bflag:$0x3] =	sbarrier.arrive $0xFFFF;
	s2 =	simm.s32 @!p0 $0x1C04  }
0x4d: {  	[timem:s3], [sflag:s2] =	dma.local @!p0 [hbm:s0], s1  }
0x4e: {  	s0 =	simm.s32 @!p0 $0x4  }
0x4f: {  	_ =	swait.ge @!p0 [sflag:s0], s1  }
0x50: {  	s1 =	ssub.s32 @!p0 $0x0, s1;
	[sflag:s0] =	ssyncset.done @!p0 $0x0  }
0x51: {  	[sflag:s0] =	ssyncadd.s32 @!p0 s1  }
0x52: {  	[bflag:$0x3] =	sbarrier.arrive $0xFFFF  }
0x53: {  	_ =	shalt  }

// kernel: kernel.18.cloned.1.call-start
scs
__scs_entry_jumppad:
0x0: {  	(pc) =	sbr.rel $0x88, $3  }
0x1: {  	(tag) =	ssettag $0x0;
	lr =	simm.s32 $0x1  }
0x2: {  	[smem:$0x3F65] =	sst lr;
	_ =	strace $0xD0000000  }
0x3: {  	_ = 	snop  }
0x4: {  	_ = 	snop  }
0x5: {  	_ = 	snop  }
0x6: {  	_ = 	snop  }
0x7: {  	_ = 	snop  }
__scs_overlays_trampoline_lowered:
0x8: {  	[smem:$0x3F74] =	sst s0  }
0x9: {  	[smem:$0x3F75] =	sst s1  }
0xa: {  	[smem:$0x3F76] =	sst s2  }
0xb: {  	[smem:$0x3F77] =	sst s3  }
0xc: {  	[smem:$0x3F78] =	sst s4  }
0xd: {  	[smem:$0x3F79] =	sst s5  }
0xe: {  	[smem:$0x3F7A] =	sst s6  }
0xf: {  	[smem:$0x3F7B] =	sst s7  }
0x10: {  	[smem:$0x3F7C] =	sst s8  }
0x11: {  	[smem:$0x3F7D] =	sst s9;
	s0 =	simm.s32 @!p0 $0x0  }
0x12: {  	s1 =	sld [smem:$0x3F63];
	s0 =	simm.s32 @p0 $0x1  }
0x13: {  	[smem:$0x3F7E] =	sst s0;
	s0 =	simm.s32 @!p1 $0x0  }
0x14: {  	s2 =	sld [smem:$0x3F62];
	s0 =	simm.s32 @p1 $0x1  }
0x15: {  	[smem:$0x3F7F] =	sst s0;
	s0 =	simm.s32 @!p2 $0x0  }
0x16: {  	s3 =	sld [smem:$0x3FDB];
	s0 =	simm.s32 @p2 $0x1  }
0x17: {  	s4 =	simm.s32 $0x1BF5;
	[smem:$0x3F81] =	sst s0  }
0x18: {  	s0 =	sld [smem:$0x3F64];
	_ =	swait.ge [sflag:s4], $0x0  }
0x19: {  	s7 =	sld [smem:$0x3F65]  }
0x1a: {  	s8 =	sadd.s32 $0xFFFFE003, lr  }
0x1b: {  	s9 =	sadd.s32 $0xFFFFFEF7, lr;
	s5 =	simm.s32 $0xFFFFFFFF;
	p2 =	slt.u32 s8, $0xFFFFF086  }
0x1c: {  	p1 =	slt.u32 s9, $0xF7A;
	s5 =	simm.s32 @!p2 $0x0  }
0x1d: {  	s5 =	simm.s32 @p1 $0x1;
	p0 =	seq.s32 s7, s2  }
0x1e: {  	s7 =	smul.u32 @!p0 $0xF7A, s2;
	p2 =	seq.s32 @!p0 s5, $0x0  }
0x1f: {  	s9 =	smul.u32 $0xF7A, s1;
	s8 =	simm.s32 @!p0 $0x1BF5;
	p2 =	por !p2, p0  }
0x20: {  	[sflag:s8] =	ssyncset.s32 @!p0 $0xFFFFF086;
	s6 =	sadd.s32 @!p0 s3, s7;
	s7 =	simm.s32 @!p0 $0x108  }
0x21: {  	s3 =	sadd.s32 s3, s9;
	s6 =	sadd.s32 @!p0 $0x88, s6;
	s7 =	simm.s32 @p2 $0x1082  }
0x22: {  	[simem:s7], [sflag:s8] =	dma.local @!p0 [hbm:s6], $0xF7A  }
0x23: {  	s9 =	sor.u32 $0xD0000000, s2;
	s6 =	simm.s32 $0x108;
	_ =	swait.ge @!p0 [sflag:s8], $0x0  }
0x24: {  	s3 =	sadd.s32 $0x88, s3;
	s6 =	simm.s32 @!p1 $0x1082;
	[sflag:s4] =	ssyncset.s32 $0xFFFFF086  }
0x25: {  	[simem:s6], [sflag:s4] =	dma.local [hbm:s3], $0xF7A  }
0x26: {  	[smem:$0x3F65] =	sst s1;
	(tag) =	ssettag s2;
	_ =	strace s9  }
0x27: {  	s1 =	sld [smem:$0x3F75]  }
0x28: {  	s2 =	sld [smem:$0x3F76]  }
0x29: {  	s4 =	sld [smem:$0x3F78]  }
0x2a: {  	p0 =	seq.s32 s5, $0x0;
	s5 =	sld [smem:$0x3F79]  }
0x2b: {  	s6 =	sld [smem:$0x3F7A]  }
0x2c: {  	s7 =	sld [smem:$0x3F7B]  }
0x2d: {  	s3 =	simm.s32 $0x108;
	s8 =	sld [smem:$0x3F7C]  }
0x2e: {  	s3 =	simm.s32 @!p0 $0x1082;
	s9 =	sld [smem:$0x3F7D]  }
0x2f: {  	lr =	sadd.s32 s0, s3;
	s0 =	sld [smem:$0x3F74]  }
0x30: {  	s3 =	sld [smem:$0x3F77]  }
0x31: {  	[smem:$0x3F80] =	sst s10  }
0x32: {  	s10 =	sld [smem:$0x3F7E];
	_ =	sdelay $0x3  }
0x33: {  	p0 =	seq.s32 s10, $0x1;
	s10 =	sld [smem:$0x3F80];
	_ =	sdelay $0x3  }
0x34: {  	[smem:$0x3F80] =	sst s10  }
0x35: {  	s10 =	sld [smem:$0x3F7F];
	_ =	sdelay $0x3  }
0x36: {  	p1 =	seq.s32 s10, $0x1;
	s10 =	sld [smem:$0x3F80];
	_ =	sdelay $0x3  }
0x37: {  	[smem:$0x3F80] =	sst s10  }
0x38: {  	s10 =	sld [smem:$0x3F81]  }
0x39: {  	_ = 	snop;
	(pc) =	sbr.ind lr, $3  }
0x3a: {  	_ = 	snop  }
0x3b: {  	_ = 	snop  }
0x3c: {  	p2 =	seq.s32 s10, $0x1;
	s10 =	sld [smem:$0x3F80]  }
0x3d: {  	_ =	shalt  }
0x3e: {  	_ =	shalt  }
0x3f: {  	_ =	shalt  }
0x40: {  	_ =	shalt  }
0x41: {  	_ =	shalt  }
0x42: {  	_ =	shalt  }
0x43: {  	_ =	shalt  }
0x44: {  	_ =	shalt  }
0x45: {  	_ =	shalt  }
0x46: {  	_ =	shalt  }
0x47: {  	_ =	shalt  }
0x48: {  	_ =	shalt  }
0x49: {  	_ =	shalt  }
0x4a: {  	_ =	shalt  }
0x4b: {  	_ =	shalt  }
0x4c: {  	_ =	shalt  }
0x4d: {  	_ =	shalt  }
0x4e: {  	_ =	shalt  }
0x4f: {  	_ =	shalt  }
0x50: {  	_ =	shalt  }
0x51: {  	_ =	shalt  }
0x52: {  	_ =	shalt  }
0x53: {  	_ =	shalt  }
0x54: {  	_ =	shalt  }
0x55: {  	_ =	shalt  }
0x56: {  	_ =	shalt  }
0x57: {  	_ =	shalt  }
0x58: {  	_ =	shalt  }
0x59: {  	_ =	shalt  }
0x5a: {  	_ =	shalt  }
0x5b: {  	_ =	shalt  }
0x5c: {  	_ =	shalt  }
0x5d: {  	_ =	shalt  }
0x5e: {  	_ =	shalt  }
0x5f: {  	_ =	shalt  }
0x60: {  	_ =	shalt  }
0x61: {  	_ =	shalt  }
0x62: {  	_ =	shalt  }
0x63: {  	_ =	shalt  }
0x64: {  	_ =	shalt  }
0x65: {  	_ =	shalt  }
0x66: {  	_ =	shalt  }
0x67: {  	_ =	shalt  }
0x68: {  	_ =	shalt  }
0x69: {  	_ =	shalt  }
0x6a: {  	_ =	shalt  }
0x6b: {  	_ =	shalt  }
0x6c: {  	_ =	shalt  }
0x6d: {  	_ =	shalt  }
0x6e: {  	_ =	shalt  }
0x6f: {  	_ =	shalt  }
0x70: {  	_ =	shalt  }
0x71: {  	_ =	shalt  }
0x72: {  	_ =	shalt  }
0x73: {  	_ =	shalt  }
0x74: {  	_ =	shalt  }
0x75: {  	_ =	shalt  }
0x76: {  	_ =	shalt  }
0x77: {  	_ =	shalt  }
0x78: {  	_ =	shalt  }
0x79: {  	_ =	shalt  }
0x7a: {  	_ =	shalt  }
0x7b: {  	_ =	shalt  }
0x7c: {  	_ =	shalt  }
0x7d: {  	_ =	shalt  }
0x7e: {  	_ =	shalt  }
0x7f: {  	_ =	shalt  }
0x80: {  	_ =	shalt  }
0x81: {  	_ =	shalt  }
0x82: {  	_ =	shalt  }
0x83: {  	_ =	shalt  }
0x84: {  	_ =	shalt  }
0x85: {  	_ =	shalt  }
0x86: {  	_ =	shalt  }
0x87: {  	_ =	shalt  }
.Lfunc_end0:
.L_simem_size_0:
called_computation.1_lowered:
.L_overlay_start_0:
0x88: {  	s2 =	sld [smem:$0x3FD9]  }
0x89: {  	s3 =	sld [smem:$0x3FFE];
	_ =	sdelay $0x1  }
0x8a: {  	s1 =	srdreg.scid  }
0x8b: {  	s0 =	sand.u32 $0x1, s1  }
0x8c: {  	s16 =	sshll.u32 s0, $0xA;
	s2 =	sadd.s32 s3, s2  }
0x8d: {  	s2 =	sadd.s32 s2, s16  }
0x8e: {  	[smem:$0x3F8C] =	sst s2  }
0x8f: {  	_ = 	snop  }
0x90: {  	(tm) =	ssettm $0x1  }
0x91: {  	s17 =	sld [smem:$0x3FFB];
	_ =	sdelay $0x3  }
0x92: {  	_ =	strace s17  }
0x93: {  	s2 =	sld [smem:$0x3FFC];
	_ =	sdelay $0x3  }
0x94: {  	_ =	strace s2  }
0x95: {  	s2 =	sld [smem:$0x3FFD];
	_ =	sdelay $0x3  }
0x96: {  	_ =	strace s2  }
0x97: {  	_ =	strace $0x8FFFFFFF  }
0x98: {  	s18 =	sld [smem:$0x3FDB];
	_ =	sdelay $0x1  }
0x99: {  	s19 =	simm.s32 $_scs_section_size  }
0x9a: {  	s4 =	simm.s32 $_size__tile_overlayer_lowered;
	s5 =	simm.s32 $_tile_overlayer_lowered  }
0x9b: {  	s22 =	simm.s32 $0x1BFF;
	s21 =	sshll.u32 s5, $0x1;
	s2 =	sadd.s32 s19, s18  }
0x9c: {  	s6 =	simm.s32 $0x0;
	s20 =	sshll.u32 s4, $0x1;
	s4 =	sadd.s32 s21, s2  }
0x9d: {  	[timem:s6], [sflag:s22] =	dma.local [hbm:s4], s20  }
0x9e: {  	_ =	swait.ge [sflag:s22], s20  }
0x9f: {  	s3 =	ssub.s32 $0x0, s20;
	[sflag:s22] =	ssyncset.done $0x0  }
0xa0: {  	[sflag:s22] =	ssyncadd.s32 s3;
	_ =	sdelay $0x1  }
0xa1: {  	s23 =	simm.s32 $0x1B8B  }
0xa2: {  	_ =	swait.ge [sflag:s23], $0x1  }
0xa3: {  	[sflag:s23] =	ssyncset.done $0x0  }
0xa4: {  	s25 =	simm.s32 $0x1B8E;
	s24 =	sld [smem:$0x3FFE];
	[sflag:s23] =	ssyncadd.s32 $0xFFFFFFFF  }
0xa5: {  	s26 =	simm.s32 $execute0_lowered;
	[smem:$0x3FD2] =	sst s25  }
0xa6: {  	s4 =	sshll.u32 s26, $0x1;
	_ =	strace $0x80000049;
	[dreg:$0x1] =	wrdreg $0xFFFFFFFF  }
0xa7: {  	s28 =	simm.s32 $_size_execute0_lowered;
	s2 =	sadd.s32 s2, s4;
	[dreg:$0x0] =	wrdreg $0x0  }
0xa8: {  	s4 =	sshll.u32 s28, $0x1;
	[dreg:$0x2] =	wrdreg s2  }
0xa9: {  	[dreg:$0x3] =	wrdreg s4  }
0xaa: {  	[dreg:$0x4] =	wrdreg $0xC0  }
0xab: {  	_ =	task [dreg:s6], $0x5FFFF  }
0xac: {  	[dreg:$0x1] =	wrdreg $0xFFFFFFFF  }
0xad: {  	[dreg:$0x0] =	wrdreg $0x60  }
0xae: {  	[dreg:$0x2] =	wrdreg s24  }
0xaf: {  	[dreg:$0x3] =	wrdreg $0x9  }
0xb0: {  	_ =	task.clear_ibuf [dreg:s6], $0x4FFFF;
	_ =	strace $0x90000049  }
0xb1: {  	s29 =	simm.s32 $0x9;
	_ =	strace $0x8000004B  }
0xb2: {  	_ =	swait.ge [sflag:s29], $0x1  }
0xb3: {  	[sflag:s29] =	ssyncadd.s32 $0xFFFFFFFF  }
0xb4: {  	_ =	strace $0x9000004B  }
0xb5: {  	_ =	sfence  }
0xb6: {  	s30 =	sld [smem:$0x0];
	_ =	sdelay $0x2  }
0xb7: {  	s31 =	sshll.u32 s1, $0xD;
	s1 =	sshrl.u32 s1, $0x2  }
0xb8: {  	s3 =	sand.u32 $0x4000, s31;
	s1 =	sadd.s32 s1, s30  }
0xb9: {  	s0 =	sor.u32 s3, s0;
	s1 =	sshll.u32 s1, $0x11  }
0xba: {  	s0 =	sor.u32 s1, s0  }
0xbb: {  	s0 =	sadd.s32 $0x8F2B, s0  }
0xbc: {  	[sflag:s0] =	ssyncadd.remote.s32 $0x1  }
0xbd: {  	_ =	sfence.sel $0xFFFF  }
0xbe: {  	[dreg:$0x0] =	wrdreg $0xFFFFFFFF;
	(pc) =	sbr.abs _section_cstart, $3  }
0xbf: {  	[dreg:$0x1] =	wrdreg $0xFFFFFFFF  }
0xc0: {  	_ =	task.clear_ibuf [dreg:s6], $0x2FFFF;
	_ =	strace $0x9FFFFFFF  }
0xc1: {  	(tm) =	ssettm $0x7FFFFFFF  }
tec
execute0_lowered:
.L_overlay_start_1:
0x0: {  	(tag) =	ssettag $0x1  }
0x1: {  	s1 =	srdreg.scid;
	s0 =	stileid.u32  }
0x2: {  	s5 =	rddreg [dreg:$0x0];
	s2 =	simm.s32 $0x0;
	s13 =	simm.s32 $0x5900  }
0x3: {  	s14 =	simm.s32 $0x1;
	s15 =	simm.s32 $0x4;
	s16 =	simm.s32 $0x2  }
0x4: {  	s17 =	simm.s32 $0x1880;
	s18 =	simm.s32 $0x0;
	s4 =	sand.u32 $0x1, s1  }
0x5: {  	s24 =	sshll.u32 s0, $0x1;
	s1 =	rddreg [dreg:$0x1];
	s9 =	smul.u32 $0x190000, s0  }
0x6: {  	[smem:$0x7FF] =	sst s2;
	s3 =	sor.u32 s4, s24;
	s11 =	smul.u32 $0xC8000, s4  }
0x7: {  	s12 =	sadd.s32 $0x62400, s5;
	s8 =	ssub.s32 $0x2, s4;
	s6 =	smul.u32 $0x320, s3  }
0x8: {  	_ =	strace $0x8000004A;
	s7 =	smul.u32 $0xC8000, s3;
	s10 =	sshrl.u32 s8, $0x1  }
0x9: {  	s3 =	sadd.s32 $0x34000, s5;
	s26 =	ssub.s32 s8, s10;
	s29 =	sadd.s32 s11, s9  }
0xa: {  	s10 =	simm.s32 $0x3;
	s11 =	simm.s32 $0x1900;
	s25 =	sadd.s32 s6, s5  }
0xb: {  	s28 =	sshrl.u32 s7, $0x3;
	s5 =	smax.u32 s26, $0x1;
	s9 =	sor.u32 $0x4000, s29  }
0xc: {  	s31 =	sshrl.u32 s29, $0x3;
	s4 =	sadd.s32 $0x5C000, s25;
	s30 =	sadd.s32 s12, s28  }
0xd: {  	s9 =	sshrl.u32 s9, $0x3;
	s8 =	sadd.s32 s31, s12;
	s6 =	sadd.s32 $0x18000, s30  }
0xe: {  	s7 =	sadd.s32 $0x18800, s30;
	s9 =	sadd.s32 s9, s12;
	s12 =	simm.s32 $0x80  }
.LBB2_1:
0xf: {  	[tilespmem:s2], [sflag:$0x3] =	stream.linear.gather [hbm4b:s4+s2], $0x1900, $0x38;
	[tilespmem:$0x9900] =	vst v63  }
0x10: {  	_ =	swait.ge [sflag:s10], $0x1900  }
0x11: {  	[sflag:s10] =	ssyncset.done $0x0  }
0x12: {  	[sflag:s10] =	ssyncadd.s32 $0xFFFFE700  }
0x13: {  	[tilespmem:s11], [sflag:$0x1] =	stream.indirect.gather [hbm4b:s3+s12], $0x80, s2, s12, $0xb8;
	[tilespmem:$0x9900] =	vst v63  }
0x14: {  	_ = 	snop  }
0x15: {  	[tilespmem:s13], [sflag:$0x2] =	stream.indirect.gather [hbm4b:s3+s12], $0x80, s12, s12, $0xb8;
	[tilespmem:$0x9900] =	vst v63  }
0x16: {  	_ =	swait.ge [sflag:s14], $0x4000  }
0x17: {  	[sflag:s14] =	ssyncset.done $0x0  }
0x18: {  	s19 =	sadd.s32 $0x0, s8;
	[sflag:s14] =	ssyncadd.s32 $0xFFFFC000  }
0x19: {  	[hbm4b:s19+s2] =	stream.linear.scatter [tilespmem:s11], [sflag:$0x4], $0x4000, $0x38;
	[tilespmem:$0x9900] =	vst v63  }
0x1a: {  	_ =	swait.ge [sflag:s15], $0x4000  }
0x1b: {  	[sflag:s15] =	ssyncset.done $0x0  }
0x1c: {  	s30 =	simm.s32 $0x100;
	[sflag:s15] =	ssyncadd.s32 $0xFFFFC000  }
0x1d: {  	[tilespmem:s11], [sflag:$0x1] =	stream.indirect.gather [hbm4b:s3+s12], $0x80, s30, s12, $0xb8;
	[tilespmem:$0x9900] =	vst v63  }
0x1e: {  	_ =	swait.ge [sflag:s16], $0x4000  }
0x1f: {  	[sflag:s16] =	ssyncset.done $0x0  }
0x20: {  	s31 =	sadd.s32 $0x0, s9;
	[sflag:s16] =	ssyncadd.s32 $0xFFFFC000  }
0x21: {  	[hbm4b:s31+s2] =	stream.linear.scatter [tilespmem:s13], [sflag:$0x4], $0x4000, $0x38;
	[tilespmem:$0x9900] =	vst v63  }
0x22: {  	_ =	swait.ge [sflag:s15], $0x4000  }
0x23: {  	s20 =	simm.s32 $0x80;
	s19 =	simm.s32 $0x1000;
	[sflag:s15] =	ssyncset.done $0x0  }
.LBB2_2:
0x24: {  	p0 =	sne.s32 s19, $0x17000;
	[sflag:s15] =	ssyncadd.s32 $0xFFFFC000;
	s20 =	sadd.s32 $0x100, s20  }
0x25: {  	[tilespmem:s13], [sflag:$0x2] =	stream.indirect.gather [hbm4b:s3+s12], $0x80, s20, s12, $0xb8;
	[tilespmem:$0x9900] =	vst v63  }
0x26: {  	s21 =	smov.u32 s19;
	s19 =	sadd.s32 $0x1000, s19;
	_ =	swait.ge [sflag:s14], $0x4000  }
0x27: {  	[sflag:s14] =	ssyncset.done $0x0  }
0x28: {  	s22 =	sadd.s32 s21, s8;
	[sflag:s14] =	ssyncadd.s32 $0xFFFFC000  }
0x29: {  	[hbm4b:s22+s2] =	stream.linear.scatter [tilespmem:s11], [sflag:$0x4], $0x4000, $0x38;
	[tilespmem:$0x9900] =	vst v63  }
0x2a: {  	_ =	swait.ge [sflag:s15], $0x4000  }
0x2b: {  	[sflag:s15] =	ssyncset.done $0x0  }
0x2c: {  	s22 =	sadd.s32 $0x80, s20;
	[sflag:s15] =	ssyncadd.s32 $0xFFFFC000  }
0x2d: {  	[tilespmem:s11], [sflag:$0x1] =	stream.indirect.gather [hbm4b:s3+s12], $0x80, s22, s12, $0xb8;
	[tilespmem:$0x9900] =	vst v63  }
0x2e: {  	_ =	swait.ge [sflag:s16], $0x4000  }
.Ltmp0:
0x2f: {  	[sflag:s16] =	ssyncset.done $0x0;
	(pc) =	sbr.rel @p0 .LBB2_2-.Ltmp0, $4  }
0x30: {  	s21 =	sadd.s32 s21, s9;
	[sflag:s16] =	ssyncadd.s32 $0xFFFFC000  }
0x31: {  	[hbm4b:s21+s2] =	stream.linear.scatter [tilespmem:s13], [sflag:$0x4], $0x4000, $0x38;
	[tilespmem:$0x9900] =	vst v63  }
0x32: {  	_ =	swait.ge [sflag:s15], $0x4000  }
0x33: {  	[sflag:s15] =	ssyncset.done $0x0  }
0x34: {  	[sflag:s15] =	ssyncadd.s32 $0xFFFFC000  }
0x35: {  	[tilespmem:s13], [sflag:$0x2] =	stream.indirect.gather [hbm4b:s3+s12], $0x80, s17, s12, $0xb8;
	[tilespmem:$0x9900] =	vst v63  }
0x36: {  	_ =	swait.ge [sflag:s14], $0x4000  }
0x37: {  	[sflag:s14] =	ssyncset.done $0x0  }
0x38: {  	[sflag:s14] =	ssyncadd.s32 $0xFFFFC000  }
0x39: {  	[hbm4b:s6+s2] =	stream.linear.scatter [tilespmem:s11], [sflag:$0x4], $0x4000, $0x38;
	[tilespmem:$0x9900] =	vst v63  }
0x3a: {  	_ =	swait.ge [sflag:s15], $0x4000  }
0x3b: {  	[sflag:s15] =	ssyncset.done $0x0  }
0x3c: {  	[sflag:s15] =	ssyncadd.s32 $0xFFFFC000  }
0x3d: {  	s18 =	sadd.s32 $0x1, s18;
	_ =	swait.ge [sflag:s16], $0x4000  }
0x3e: {  	p0 =	sne.s32 s18, s5;
	[sflag:s16] =	ssyncset.done $0x0  }
.Ltmp1:
0x3f: {  	[sflag:s16] =	ssyncadd.s32 $0xFFFFC000;
	(pc) =	sbr.rel @p0 .LBB2_1-.Ltmp1, $4  }
0x40: {  	[hbm4b:s7+s2] =	stream.linear.scatter [tilespmem:s13], [sflag:$0x4], $0x4000, $0x38;
	[tilespmem:$0x9900] =	vst v63  }
0x41: {  	_ =	swait.ge [sflag:s15], $0x4000  }
0x42: {  	[sflag:s15] =	ssyncset.done $0x0  }
0x43: {  	[sflag:s15] =	ssyncadd.s32 $0xFFFFC000  }
0x44: {  	_ =	sfence.sel $0x180000  }
0x45: {  	[bflag:$0x0] =	sbarrier.arrive $0xFFFF  }
0x46: {  	p0 =	sne.s32 s0, $0x0;
	_ =	strace $0x9000004A  }
0x47: {  	s0 =	sadd.s32 @!p0 $0x100000, s1;
	[bflag:$0x2] =	sbarrier.arrive $0xFFFF  }
0x48: {  	[sflag:s0] =	ssyncadd.tile.s32 @!p0 $0x1;
	_ =	shalt  }
.Lfunc_end2:
_tile_overlayer_lowered:
.L_overlay_start_2:
0x49: {  	(tag) =	ssettag $0x2  }
0x4a: {  	s0 =	rddreg [dreg:$0x0];
	s2 =	stileid.u32  }
0x4b: {  	s1 =	rddreg [dreg:$0x1];
	p0 =	sne.s32 s2, $0x0  }
0x4c: {  	s3 =	rddreg [dreg:$0x2];
	[bflag:$0x3] =	sbarrier.arrive $0xFFFF;
	s2 =	simm.s32 @!p0 $0x1C04  }
0x4d: {  	[timem:s3], [sflag:s2] =	dma.local @!p0 [hbm:s0], s1  }
0x4e: {  	s0 =	simm.s32 @!p0 $0x4  }
0x4f: {  	_ =	swait.ge @!p0 [sflag:s0], s1  }
0x50: {  	s1 =	ssub.s32 @!p0 $0x0, s1;
	[sflag:s0] =	ssyncset.done @!p0 $0x0  }
0x51: {  	[sflag:s0] =	ssyncadd.s32 @!p0 s1  }
0x52: {  	[bflag:$0x3] =	sbarrier.arrive $0xFFFF  }
0x53: {  	_ =	shalt  }

// kernel: kernel.21.cloned.1.call-start
scs
__scs_entry_jumppad:
0x0: {  	(pc) =	sbr.rel $0x88, $3  }
0x1: {  	(tag) =	ssettag $0x0;
	lr =	simm.s32 $0x1  }
0x2: {  	[smem:$0x3F65] =	sst lr;
	_ =	strace $0xD0000000  }
0x3: {  	_ = 	snop  }
0x4: {  	_ = 	snop  }
0x5: {  	_ = 	snop  }
0x6: {  	_ = 	snop  }
0x7: {  	_ = 	snop  }
__scs_overlays_trampoline_lowered:
0x8: {  	[smem:$0x3F74] =	sst s0  }
0x9: {  	[smem:$0x3F75] =	sst s1  }
0xa: {  	[smem:$0x3F76] =	sst s2  }
0xb: {  	[smem:$0x3F77] =	sst s3  }
0xc: {  	[smem:$0x3F78] =	sst s4  }
0xd: {  	[smem:$0x3F79] =	sst s5  }
0xe: {  	[smem:$0x3F7A] =	sst s6  }
0xf: {  	[smem:$0x3F7B] =	sst s7  }
0x10: {  	[smem:$0x3F7C] =	sst s8  }
0x11: {  	[smem:$0x3F7D] =	sst s9;
	s0 =	simm.s32 @!p0 $0x0  }
0x12: {  	s1 =	sld [smem:$0x3F63];
	s0 =	simm.s32 @p0 $0x1  }
0x13: {  	[smem:$0x3F7E] =	sst s0;
	s0 =	simm.s32 @!p1 $0x0  }
0x14: {  	s2 =	sld [smem:$0x3F62];
	s0 =	simm.s32 @p1 $0x1  }
0x15: {  	[smem:$0x3F7F] =	sst s0;
	s0 =	simm.s32 @!p2 $0x0  }
0x16: {  	s3 =	sld [smem:$0x3FDB];
	s0 =	simm.s32 @p2 $0x1  }
0x17: {  	s4 =	simm.s32 $0x1BF5;
	[smem:$0x3F81] =	sst s0  }
0x18: {  	s0 =	sld [smem:$0x3F64];
	_ =	swait.ge [sflag:s4], $0x0  }
0x19: {  	s7 =	sld [smem:$0x3F65]  }
0x1a: {  	s8 =	sadd.s32 $0xFFFFE003, lr  }
0x1b: {  	s9 =	sadd.s32 $0xFFFFFEF7, lr;
	s5 =	simm.s32 $0xFFFFFFFF;
	p2 =	slt.u32 s8, $0xFFFFF086  }
0x1c: {  	p1 =	slt.u32 s9, $0xF7A;
	s5 =	simm.s32 @!p2 $0x0  }
0x1d: {  	s5 =	simm.s32 @p1 $0x1;
	p0 =	seq.s32 s7, s2  }
0x1e: {  	s7 =	smul.u32 @!p0 $0xF7A, s2;
	p2 =	seq.s32 @!p0 s5, $0x0  }
0x1f: {  	s9 =	smul.u32 $0xF7A, s1;
	s8 =	simm.s32 @!p0 $0x1BF5;
	p2 =	por !p2, p0  }
0x20: {  	[sflag:s8] =	ssyncset.s32 @!p0 $0xFFFFF086;
	s6 =	sadd.s32 @!p0 s3, s7;
	s7 =	simm.s32 @!p0 $0x108  }
0x21: {  	s3 =	sadd.s32 s3, s9;
	s6 =	sadd.s32 @!p0 $0x88, s6;
	s7 =	simm.s32 @p2 $0x1082  }
0x22: {  	[simem:s7], [sflag:s8] =	dma.local @!p0 [hbm:s6], $0xF7A  }
0x23: {  	s9 =	sor.u32 $0xD0000000, s2;
	s6 =	simm.s32 $0x108;
	_ =	swait.ge @!p0 [sflag:s8], $0x0  }
0x24: {  	s3 =	sadd.s32 $0x88, s3;
	s6 =	simm.s32 @!p1 $0x1082;
	[sflag:s4] =	ssyncset.s32 $0xFFFFF086  }
0x25: {  	[simem:s6], [sflag:s4] =	dma.local [hbm:s3], $0xF7A  }
0x26: {  	[smem:$0x3F65] =	sst s1;
	(tag) =	ssettag s2;
	_ =	strace s9  }
0x27: {  	s1 =	sld [smem:$0x3F75]  }
0x28: {  	s2 =	sld [smem:$0x3F76]  }
0x29: {  	s4 =	sld [smem:$0x3F78]  }
0x2a: {  	p0 =	seq.s32 s5, $0x0;
	s5 =	sld [smem:$0x3F79]  }
0x2b: {  	s6 =	sld [smem:$0x3F7A]  }
0x2c: {  	s7 =	sld [smem:$0x3F7B]  }
0x2d: {  	s3 =	simm.s32 $0x108;
	s8 =	sld [smem:$0x3F7C]  }
0x2e: {  	s3 =	simm.s32 @!p0 $0x1082;
	s9 =	sld [smem:$0x3F7D]  }
0x2f: {  	lr =	sadd.s32 s0, s3;
	s0 =	sld [smem:$0x3F74]  }
0x30: {  	s3 =	sld [smem:$0x3F77]  }
0x31: {  	[smem:$0x3F80] =	sst s10  }
0x32: {  	s10 =	sld [smem:$0x3F7E];
	_ =	sdelay $0x3  }
0x33: {  	p0 =	seq.s32 s10, $0x1;
	s10 =	sld [smem:$0x3F80];
	_ =	sdelay $0x3  }
0x34: {  	[smem:$0x3F80] =	sst s10  }
0x35: {  	s10 =	sld [smem:$0x3F7F];
	_ =	sdelay $0x3  }
0x36: {  	p1 =	seq.s32 s10, $0x1;
	s10 =	sld [smem:$0x3F80];
	_ =	sdelay $0x3  }
0x37: {  	[smem:$0x3F80] =	sst s10  }
0x38: {  	s10 =	sld [smem:$0x3F81]  }
0x39: {  	_ = 	snop;
	(pc) =	sbr.ind lr, $3  }
0x3a: {  	_ = 	snop  }
0x3b: {  	_ = 	snop  }
0x3c: {  	p2 =	seq.s32 s10, $0x1;
	s10 =	sld [smem:$0x3F80]  }
0x3d: {  	_ =	shalt  }
0x3e: {  	_ =	shalt  }
0x3f: {  	_ =	shalt  }
0x40: {  	_ =	shalt  }
0x41: {  	_ =	shalt  }
0x42: {  	_ =	shalt  }
0x43: {  	_ =	shalt  }
0x44: {  	_ =	shalt  }
0x45: {  	_ =	shalt  }
0x46: {  	_ =	shalt  }
0x47: {  	_ =	shalt  }
0x48: {  	_ =	shalt  }
0x49: {  	_ =	shalt  }
0x4a: {  	_ =	shalt  }
0x4b: {  	_ =	shalt  }
0x4c: {  	_ =	shalt  }
0x4d: {  	_ =	shalt  }
0x4e: {  	_ =	shalt  }
0x4f: {  	_ =	shalt  }
0x50: {  	_ =	shalt  }
0x51: {  	_ =	shalt  }
0x52: {  	_ =	shalt  }
0x53: {  	_ =	shalt  }
0x54: {  	_ =	shalt  }
0x55: {  	_ =	shalt  }
0x56: {  	_ =	shalt  }
0x57: {  	_ =	shalt  }
0x58: {  	_ =	shalt  }
0x59: {  	_ =	shalt  }
0x5a: {  	_ =	shalt  }
0x5b: {  	_ =	shalt  }
0x5c: {  	_ =	shalt  }
0x5d: {  	_ =	shalt  }
0x5e: {  	_ =	shalt  }
0x5f: {  	_ =	shalt  }
0x60: {  	_ =	shalt  }
0x61: {  	_ =	shalt  }
0x62: {  	_ =	shalt  }
0x63: {  	_ =	shalt  }
0x64: {  	_ =	shalt  }
0x65: {  	_ =	shalt  }
0x66: {  	_ =	shalt  }
0x67: {  	_ =	shalt  }
0x68: {  	_ =	shalt  }
0x69: {  	_ =	shalt  }
0x6a: {  	_ =	shalt  }
0x6b: {  	_ =	shalt  }
0x6c: {  	_ =	shalt  }
0x6d: {  	_ =	shalt  }
0x6e: {  	_ =	shalt  }
0x6f: {  	_ =	shalt  }
0x70: {  	_ =	shalt  }
0x71: {  	_ =	shalt  }
0x72: {  	_ =	shalt  }
0x73: {  	_ =	shalt  }
0x74: {  	_ =	shalt  }
0x75: {  	_ =	shalt  }
0x76: {  	_ =	shalt  }
0x77: {  	_ =	shalt  }
0x78: {  	_ =	shalt  }
0x79: {  	_ =	shalt  }
0x7a: {  	_ =	shalt  }
0x7b: {  	_ =	shalt  }
0x7c: {  	_ =	shalt  }
0x7d: {  	_ =	shalt  }
0x7e: {  	_ =	shalt  }
0x7f: {  	_ =	shalt  }
0x80: {  	_ =	shalt  }
0x81: {  	_ =	shalt  }
0x82: {  	_ =	shalt  }
0x83: {  	_ =	shalt  }
0x84: {  	_ =	shalt  }
0x85: {  	_ =	shalt  }
0x86: {  	_ =	shalt  }
0x87: {  	_ =	shalt  }
.Lfunc_end0:
.L_simem_size_0:
called_computation.2_lowered:
.L_overlay_start_0:
0x88: {  	s2 =	sld [smem:$0x3FD9]  }
0x89: {  	s3 =	sld [smem:$0x3FFE];
	_ =	sdelay $0x1  }
0x8a: {  	s1 =	srdreg.scid  }
0x8b: {  	s0 =	sand.u32 $0x1, s1  }
0x8c: {  	s16 =	sshll.u32 s0, $0xA;
	s2 =	sadd.s32 s3, s2  }
0x8d: {  	s2 =	sadd.s32 s2, s16  }
0x8e: {  	[smem:$0x3F8C] =	sst s2  }
0x8f: {  	_ = 	snop  }
0x90: {  	(tm) =	ssettm $0x1  }
0x91: {  	s17 =	sld [smem:$0x3FFB];
	_ =	sdelay $0x3  }
0x92: {  	_ =	strace s17  }
0x93: {  	s2 =	sld [smem:$0x3FFC];
	_ =	sdelay $0x3  }
0x94: {  	_ =	strace s2  }
0x95: {  	s2 =	sld [smem:$0x3FFD];
	_ =	sdelay $0x3  }
0x96: {  	_ =	strace s2  }
0x97: {  	_ =	strace $0x8FFFFFFF  }
0x98: {  	s18 =	sld [smem:$0x3FDB];
	_ =	sdelay $0x1  }
0x99: {  	s19 =	simm.s32 $_scs_section_size  }
0x9a: {  	s4 =	simm.s32 $_size__tile_overlayer_lowered;
	s5 =	simm.s32 $_tile_overlayer_lowered  }
0x9b: {  	s22 =	simm.s32 $0x1BFF;
	s21 =	sshll.u32 s5, $0x1;
	s2 =	sadd.s32 s19, s18  }
0x9c: {  	s6 =	simm.s32 $0x0;
	s20 =	sshll.u32 s4, $0x1;
	s4 =	sadd.s32 s21, s2  }
0x9d: {  	[timem:s6], [sflag:s22] =	dma.local [hbm:s4], s20  }
0x9e: {  	_ =	swait.ge [sflag:s22], s20  }
0x9f: {  	s3 =	ssub.s32 $0x0, s20;
	[sflag:s22] =	ssyncset.done $0x0  }
0xa0: {  	[sflag:s22] =	ssyncadd.s32 s3;
	_ =	sdelay $0x1  }
0xa1: {  	s23 =	simm.s32 $0x1B8B  }
0xa2: {  	_ =	swait.ge [sflag:s23], $0x1  }
0xa3: {  	[sflag:s23] =	ssyncset.done $0x0  }
0xa4: {  	s25 =	simm.s32 $0x1B8E;
	s24 =	sld [smem:$0x3FFE];
	[sflag:s23] =	ssyncadd.s32 $0xFFFFFFFF  }
0xa5: {  	s26 =	simm.s32 $execute0_lowered;
	[smem:$0x3FD2] =	sst s25  }
0xa6: {  	s4 =	sshll.u32 s26, $0x1;
	_ =	strace $0x8000004C;
	[dreg:$0x1] =	wrdreg $0xFFFFFFFF  }
0xa7: {  	s28 =	simm.s32 $_size_execute0_lowered;
	s2 =	sadd.s32 s2, s4;
	[dreg:$0x0] =	wrdreg $0x0  }
0xa8: {  	s4 =	sshll.u32 s28, $0x1;
	[dreg:$0x2] =	wrdreg s2  }
0xa9: {  	[dreg:$0x3] =	wrdreg s4  }
0xaa: {  	[dreg:$0x4] =	wrdreg $0xC0  }
0xab: {  	_ =	task [dreg:s6], $0x5FFFF  }
0xac: {  	[dreg:$0x1] =	wrdreg $0xFFFFFFFF  }
0xad: {  	[dreg:$0x0] =	wrdreg $0x60  }
0xae: {  	[dreg:$0x2] =	wrdreg s24  }
0xaf: {  	[dreg:$0x3] =	wrdreg $0x9  }
0xb0: {  	_ =	task.clear_ibuf [dreg:s6], $0x4FFFF;
	_ =	strace $0x9000004C  }
0xb1: {  	s29 =	simm.s32 $0x9;
	_ =	strace $0x8000004E  }
0xb2: {  	_ =	swait.ge [sflag:s29], $0x1  }
0xb3: {  	[sflag:s29] =	ssyncadd.s32 $0xFFFFFFFF  }
0xb4: {  	_ =	strace $0x9000004E  }
0xb5: {  	_ =	sfence  }
0xb6: {  	s30 =	sld [smem:$0x0];
	_ =	sdelay $0x2  }
0xb7: {  	s31 =	sshll.u32 s1, $0xD;
	s1 =	sshrl.u32 s1, $0x2  }
0xb8: {  	s3 =	sand.u32 $0x4000, s31;
	s1 =	sadd.s32 s1, s30  }
0xb9: {  	s0 =	sor.u32 s3, s0;
	s1 =	sshll.u32 s1, $0x11  }
0xba: {  	s0 =	sor.u32 s1, s0  }
0xbb: {  	s0 =	sadd.s32 $0x8F2B, s0  }
0xbc: {  	[sflag:s0] =	ssyncadd.remote.s32 $0x1  }
0xbd: {  	_ =	sfence.sel $0xFFFF  }
0xbe: {  	[dreg:$0x0] =	wrdreg $0xFFFFFFFF;
	(pc) =	sbr.abs _section_cstart, $3  }
0xbf: {  	[dreg:$0x1] =	wrdreg $0xFFFFFFFF  }
0xc0: {  	_ =	task.clear_ibuf [dreg:s6], $0x2FFFF;
	_ =	strace $0x9FFFFFFF  }
0xc1: {  	(tm) =	ssettm $0x7FFFFFFF  }
tec
execute0_lowered:
.L_overlay_start_1:
0x0: {  	(tag) =	ssettag $0x1  }
0x1: {  	s1 =	srdreg.scid;
	s0 =	stileid.u32  }
0x2: {  	s5 =	rddreg [dreg:$0x0];
	s2 =	simm.s32 $0x0;
	s13 =	simm.s32 $0x5900  }
0x3: {  	s14 =	simm.s32 $0x1;
	s15 =	simm.s32 $0x4;
	s16 =	simm.s32 $0x2  }
0x4: {  	s17 =	simm.s32 $0x1880;
	s18 =	simm.s32 $0x0;
	s4 =	sand.u32 $0x1, s1  }
0x5: {  	s24 =	sshll.u32 s0, $0x1;
	s1 =	rddreg [dreg:$0x1];
	s9 =	smul.u32 $0x190000, s0  }
0x6: {  	[smem:$0x7FF] =	sst s2;
	s3 =	sor.u32 s4, s24;
	s11 =	smul.u32 $0xC8000, s4  }
0x7: {  	s12 =	sadd.s32 $0xDA400, s5;
	s8 =	ssub.s32 $0x2, s4;
	s6 =	smul.u32 $0x320, s3  }
0x8: {  	_ =	strace $0x8000004D;
	s7 =	smul.u32 $0xC8000, s3;
	s10 =	sshrl.u32 s8, $0x1  }
0x9: {  	s3 =	sadd.s32 $0x5C000, s5;
	s26 =	ssub.s32 s8, s10;
	s29 =	sadd.s32 s11, s9  }
0xa: {  	s10 =	simm.s32 $0x3;
	s11 =	simm.s32 $0x1900;
	s25 =	sadd.s32 s6, s5  }
0xb: {  	s28 =	sshrl.u32 s7, $0x3;
	s5 =	smax.u32 s26, $0x1;
	s9 =	sor.u32 $0x4000, s29  }
0xc: {  	s31 =	sshrl.u32 s29, $0x3;
	s4 =	sadd.s32 $0xD4000, s25;
	s30 =	sadd.s32 s12, s28  }
0xd: {  	s9 =	sshrl.u32 s9, $0x3;
	s8 =	sadd.s32 s31, s12;
	s6 =	sadd.s32 $0x18000, s30  }
0xe: {  	s7 =	sadd.s32 $0x18800, s30;
	s9 =	sadd.s32 s9, s12;
	s12 =	simm.s32 $0x80  }
.LBB2_1:
0xf: {  	[tilespmem:s2], [sflag:$0x3] =	stream.linear.gather [hbm4b:s4+s2], $0x1900, $0x38;
	[tilespmem:$0x9900] =	vst v63  }
0x10: {  	_ =	swait.ge [sflag:s10], $0x1900  }
0x11: {  	[sflag:s10] =	ssyncset.done $0x0  }
0x12: {  	[sflag:s10] =	ssyncadd.s32 $0xFFFFE700  }
0x13: {  	[tilespmem:s11], [sflag:$0x1] =	stream.indirect.gather [hbm4b:s3+s12], $0x80, s2, s12, $0xb8;
	[tilespmem:$0x9900] =	vst v63  }
0x14: {  	_ = 	snop  }
0x15: {  	[tilespmem:s13], [sflag:$0x2] =	stream.indirect.gather [hbm4b:s3+s12], $0x80, s12, s12, $0xb8;
	[tilespmem:$0x9900] =	vst v63  }
0x16: {  	_ =	swait.ge [sflag:s14], $0x4000  }
0x17: {  	[sflag:s14] =	ssyncset.done $0x0  }
0x18: {  	s19 =	sadd.s32 $0x0, s8;
	[sflag:s14] =	ssyncadd.s32 $0xFFFFC000  }
0x19: {  	[hbm4b:s19+s2] =	stream.linear.scatter [tilespmem:s11], [sflag:$0x4], $0x4000, $0x38;
	[tilespmem:$0x9900] =	vst v63  }
0x1a: {  	_ =	swait.ge [sflag:s15], $0x4000  }
0x1b: {  	[sflag:s15] =	ssyncset.done $0x0  }
0x1c: {  	s30 =	simm.s32 $0x100;
	[sflag:s15] =	ssyncadd.s32 $0xFFFFC000  }
0x1d: {  	[tilespmem:s11], [sflag:$0x1] =	stream.indirect.gather [hbm4b:s3+s12], $0x80, s30, s12, $0xb8;
	[tilespmem:$0x9900] =	vst v63  }
0x1e: {  	_ =	swait.ge [sflag:s16], $0x4000  }
0x1f: {  	[sflag:s16] =	ssyncset.done $0x0  }
0x20: {  	s31 =	sadd.s32 $0x0, s9;
	[sflag:s16] =	ssyncadd.s32 $0xFFFFC000  }
0x21: {  	[hbm4b:s31+s2] =	stream.linear.scatter [tilespmem:s13], [sflag:$0x4], $0x4000, $0x38;
	[tilespmem:$0x9900] =	vst v63  }
0x22: {  	_ =	swait.ge [sflag:s15], $0x4000  }
0x23: {  	s20 =	simm.s32 $0x80;
	s19 =	simm.s32 $0x1000;
	[sflag:s15] =	ssyncset.done $0x0  }
.LBB2_2:
0x24: {  	p0 =	sne.s32 s19, $0x17000;
	[sflag:s15] =	ssyncadd.s32 $0xFFFFC000;
	s20 =	sadd.s32 $0x100, s20  }
0x25: {  	[tilespmem:s13], [sflag:$0x2] =	stream.indirect.gather [hbm4b:s3+s12], $0x80, s20, s12, $0xb8;
	[tilespmem:$0x9900] =	vst v63  }
0x26: {  	s21 =	smov.u32 s19;
	s19 =	sadd.s32 $0x1000, s19;
	_ =	swait.ge [sflag:s14], $0x4000  }
0x27: {  	[sflag:s14] =	ssyncset.done $0x0  }
0x28: {  	s22 =	sadd.s32 s21, s8;
	[sflag:s14] =	ssyncadd.s32 $0xFFFFC000  }
0x29: {  	[hbm4b:s22+s2] =	stream.linear.scatter [tilespmem:s11], [sflag:$0x4], $0x4000, $0x38;
	[tilespmem:$0x9900] =	vst v63  }
0x2a: {  	_ =	swait.ge [sflag:s15], $0x4000  }
0x2b: {  	[sflag:s15] =	ssyncset.done $0x0  }
0x2c: {  	s22 =	sadd.s32 $0x80, s20;
	[sflag:s15] =	ssyncadd.s32 $0xFFFFC000  }
0x2d: {  	[tilespmem:s11], [sflag:$0x1] =	stream.indirect.gather [hbm4b:s3+s12], $0x80, s22, s12, $0xb8;
	[tilespmem:$0x9900] =	vst v63  }
0x2e: {  	_ =	swait.ge [sflag:s16], $0x4000  }
.Ltmp0:
0x2f: {  	[sflag:s16] =	ssyncset.done $0x0;
	(pc) =	sbr.rel @p0 .LBB2_2-.Ltmp0, $4  }
0x30: {  	s21 =	sadd.s32 s21, s9;
	[sflag:s16] =	ssyncadd.s32 $0xFFFFC000  }
0x31: {  	[hbm4b:s21+s2] =	stream.linear.scatter [tilespmem:s13], [sflag:$0x4], $0x4000, $0x38;
	[tilespmem:$0x9900] =	vst v63  }
0x32: {  	_ =	swait.ge [sflag:s15], $0x4000  }
0x33: {  	[sflag:s15] =	ssyncset.done $0x0  }
0x34: {  	[sflag:s15] =	ssyncadd.s32 $0xFFFFC000  }
0x35: {  	[tilespmem:s13], [sflag:$0x2] =	stream.indirect.gather [hbm4b:s3+s12], $0x80, s17, s12, $0xb8;
	[tilespmem:$0x9900] =	vst v63  }
0x36: {  	_ =	swait.ge [sflag:s14], $0x4000  }
0x37: {  	[sflag:s14] =	ssyncset.done $0x0  }
0x38: {  	[sflag:s14] =	ssyncadd.s32 $0xFFFFC000  }
0x39: {  	[hbm4b:s6+s2] =	stream.linear.scatter [tilespmem:s11], [sflag:$0x4], $0x4000, $0x38;
	[tilespmem:$0x9900] =	vst v63  }
0x3a: {  	_ =	swait.ge [sflag:s15], $0x4000  }
0x3b: {  	[sflag:s15] =	ssyncset.done $0x0  }
0x3c: {  	[sflag:s15] =	ssyncadd.s32 $0xFFFFC000  }
0x3d: {  	s18 =	sadd.s32 $0x1, s18;
	_ =	swait.ge [sflag:s16], $0x4000  }
0x3e: {  	p0 =	sne.s32 s18, s5;
	[sflag:s16] =	ssyncset.done $0x0  }
.Ltmp1:
0x3f: {  	[sflag:s16] =	ssyncadd.s32 $0xFFFFC000;
	(pc) =	sbr.rel @p0 .LBB2_1-.Ltmp1, $4  }
0x40: {  	[hbm4b:s7+s2] =	stream.linear.scatter [tilespmem:s13], [sflag:$0x4], $0x4000, $0x38;
	[tilespmem:$0x9900] =	vst v63  }
0x41: {  	_ =	swait.ge [sflag:s15], $0x4000  }
0x42: {  	[sflag:s15] =	ssyncset.done $0x0  }
0x43: {  	[sflag:s15] =	ssyncadd.s32 $0xFFFFC000  }
0x44: {  	_ =	sfence.sel $0x180000  }
0x45: {  	[bflag:$0x0] =	sbarrier.arrive $0xFFFF  }
0x46: {  	p0 =	sne.s32 s0, $0x0;
	_ =	strace $0x9000004D  }
0x47: {  	s0 =	sadd.s32 @!p0 $0x100000, s1;
	[bflag:$0x2] =	sbarrier.arrive $0xFFFF  }
0x48: {  	[sflag:s0] =	ssyncadd.tile.s32 @!p0 $0x1;
	_ =	shalt  }
.Lfunc_end2:
_tile_overlayer_lowered:
.L_overlay_start_2:
0x49: {  	(tag) =	ssettag $0x2  }
0x4a: {  	s0 =	rddreg [dreg:$0x0];
	s2 =	stileid.u32  }
0x4b: {  	s1 =	rddreg [dreg:$0x1];
	p0 =	sne.s32 s2, $0x0  }
0x4c: {  	s3 =	rddreg [dreg:$0x2];
	[bflag:$0x3] =	sbarrier.arrive $0xFFFF;
	s2 =	simm.s32 @!p0 $0x1C04  }
0x4d: {  	[timem:s3], [sflag:s2] =	dma.local @!p0 [hbm:s0], s1  }
0x4e: {  	s0 =	simm.s32 @!p0 $0x4  }
0x4f: {  	_ =	swait.ge @!p0 [sflag:s0], s1  }
0x50: {  	s1 =	ssub.s32 @!p0 $0x0, s1;
	[sflag:s0] =	ssyncset.done @!p0 $0x0  }
0x51: {  	[sflag:s0] =	ssyncadd.s32 @!p0 s1  }
0x52: {  	[bflag:$0x3] =	sbarrier.arrive $0xFFFF  }
0x53: {  	_ =	shalt  }

// kernel: kernel.24.cloned.1.call-start
scs
__scs_entry_jumppad:
0x0: {  	(pc) =	sbr.rel $0x88, $3  }
0x1: {  	(tag) =	ssettag $0x0;
	lr =	simm.s32 $0x1  }
0x2: {  	[smem:$0x3F65] =	sst lr;
	_ =	strace $0xD0000000  }
0x3: {  	_ = 	snop  }
0x4: {  	_ = 	snop  }
0x5: {  	_ = 	snop  }
0x6: {  	_ = 	snop  }
0x7: {  	_ = 	snop  }
__scs_overlays_trampoline_lowered:
0x8: {  	[smem:$0x3F74] =	sst s0  }
0x9: {  	[smem:$0x3F75] =	sst s1  }
0xa: {  	[smem:$0x3F76] =	sst s2  }
0xb: {  	[smem:$0x3F77] =	sst s3  }
0xc: {  	[smem:$0x3F78] =	sst s4  }
0xd: {  	[smem:$0x3F79] =	sst s5  }
0xe: {  	[smem:$0x3F7A] =	sst s6  }
0xf: {  	[smem:$0x3F7B] =	sst s7  }
0x10: {  	[smem:$0x3F7C] =	sst s8  }
0x11: {  	[smem:$0x3F7D] =	sst s9;
	s0 =	simm.s32 @!p0 $0x0  }
0x12: {  	s1 =	sld [smem:$0x3F63];
	s0 =	simm.s32 @p0 $0x1  }
0x13: {  	[smem:$0x3F7E] =	sst s0;
	s0 =	simm.s32 @!p1 $0x0  }
0x14: {  	s2 =	sld [smem:$0x3F62];
	s0 =	simm.s32 @p1 $0x1  }
0x15: {  	[smem:$0x3F7F] =	sst s0;
	s0 =	simm.s32 @!p2 $0x0  }
0x16: {  	s3 =	sld [smem:$0x3FDB];
	s0 =	simm.s32 @p2 $0x1  }
0x17: {  	s4 =	simm.s32 $0x1BF5;
	[smem:$0x3F81] =	sst s0  }
0x18: {  	s0 =	sld [smem:$0x3F64];
	_ =	swait.ge [sflag:s4], $0x0  }
0x19: {  	s7 =	sld [smem:$0x3F65]  }
0x1a: {  	s8 =	sadd.s32 $0xFFFFE003, lr  }
0x1b: {  	s9 =	sadd.s32 $0xFFFFFEF7, lr;
	s5 =	simm.s32 $0xFFFFFFFF;
	p2 =	slt.u32 s8, $0xFFFFF086  }
0x1c: {  	p1 =	slt.u32 s9, $0xF7A;
	s5 =	simm.s32 @!p2 $0x0  }
0x1d: {  	s5 =	simm.s32 @p1 $0x1;
	p0 =	seq.s32 s7, s2  }
0x1e: {  	s7 =	smul.u32 @!p0 $0xF7A, s2;
	p2 =	seq.s32 @!p0 s5, $0x0  }
0x1f: {  	s9 =	smul.u32 $0xF7A, s1;
	s8 =	simm.s32 @!p0 $0x1BF5;
	p2 =	por !p2, p0  }
0x20: {  	[sflag:s8] =	ssyncset.s32 @!p0 $0xFFFFF086;
	s6 =	sadd.s32 @!p0 s3, s7;
	s7 =	simm.s32 @!p0 $0x108  }
0x21: {  	s3 =	sadd.s32 s3, s9;
	s6 =	sadd.s32 @!p0 $0x88, s6;
	s7 =	simm.s32 @p2 $0x1082  }
0x22: {  	[simem:s7], [sflag:s8] =	dma.local @!p0 [hbm:s6], $0xF7A  }
0x23: {  	s9 =	sor.u32 $0xD0000000, s2;
	s6 =	simm.s32 $0x108;
	_ =	swait.ge @!p0 [sflag:s8], $0x0  }
0x24: {  	s3 =	sadd.s32 $0x88, s3;
	s6 =	simm.s32 @!p1 $0x1082;
	[sflag:s4] =	ssyncset.s32 $0xFFFFF086  }
0x25: {  	[simem:s6], [sflag:s4] =	dma.local [hbm:s3], $0xF7A  }
0x26: {  	[smem:$0x3F65] =	sst s1;
	(tag) =	ssettag s2;
	_ =	strace s9  }
0x27: {  	s1 =	sld [smem:$0x3F75]  }
0x28: {  	s2 =	sld [smem:$0x3F76]  }
0x29: {  	s4 =	sld [smem:$0x3F78]  }
0x2a: {  	p0 =	seq.s32 s5, $0x0;
	s5 =	sld [smem:$0x3F79]  }
0x2b: {  	s6 =	sld [smem:$0x3F7A]  }
0x2c: {  	s7 =	sld [smem:$0x3F7B]  }
0x2d: {  	s3 =	simm.s32 $0x108;
	s8 =	sld [smem:$0x3F7C]  }
0x2e: {  	s3 =	simm.s32 @!p0 $0x1082;
	s9 =	sld [smem:$0x3F7D]  }
0x2f: {  	lr =	sadd.s32 s0, s3;
	s0 =	sld [smem:$0x3F74]  }
0x30: {  	s3 =	sld [smem:$0x3F77]  }
0x31: {  	[smem:$0x3F80] =	sst s10  }
0x32: {  	s10 =	sld [smem:$0x3F7E];
	_ =	sdelay $0x3  }
0x33: {  	p0 =	seq.s32 s10, $0x1;
	s10 =	sld [smem:$0x3F80];
	_ =	sdelay $0x3  }
0x34: {  	[smem:$0x3F80] =	sst s10  }
0x35: {  	s10 =	sld [smem:$0x3F7F];
	_ =	sdelay $0x3  }
0x36: {  	p1 =	seq.s32 s10, $0x1;
	s10 =	sld [smem:$0x3F80];
	_ =	sdelay $0x3  }
0x37: {  	[smem:$0x3F80] =	sst s10  }
0x38: {  	s10 =	sld [smem:$0x3F81]  }
0x39: {  	_ = 	snop;
	(pc) =	sbr.ind lr, $3  }
0x3a: {  	_ = 	snop  }
0x3b: {  	_ = 	snop  }
0x3c: {  	p2 =	seq.s32 s10, $0x1;
	s10 =	sld [smem:$0x3F80]  }
0x3d: {  	_ =	shalt  }
0x3e: {  	_ =	shalt  }
0x3f: {  	_ =	shalt  }
0x40: {  	_ =	shalt  }
0x41: {  	_ =	shalt  }
0x42: {  	_ =	shalt  }
0x43: {  	_ =	shalt  }
0x44: {  	_ =	shalt  }
0x45: {  	_ =	shalt  }
0x46: {  	_ =	shalt  }
0x47: {  	_ =	shalt  }
0x48: {  	_ =	shalt  }
0x49: {  	_ =	shalt  }
0x4a: {  	_ =	shalt  }
0x4b: {  	_ =	shalt  }
0x4c: {  	_ =	shalt  }
0x4d: {  	_ =	shalt  }
0x4e: {  	_ =	shalt  }
0x4f: {  	_ =	shalt  }
0x50: {  	_ =	shalt  }
0x51: {  	_ =	shalt  }
0x52: {  	_ =	shalt  }
0x53: {  	_ =	shalt  }
0x54: {  	_ =	shalt  }
0x55: {  	_ =	shalt  }
0x56: {  	_ =	shalt  }
0x57: {  	_ =	shalt  }
0x58: {  	_ =	shalt  }
0x59: {  	_ =	shalt  }
0x5a: {  	_ =	shalt  }
0x5b: {  	_ =	shalt  }
0x5c: {  	_ =	shalt  }
0x5d: {  	_ =	shalt  }
0x5e: {  	_ =	shalt  }
0x5f: {  	_ =	shalt  }
0x60: {  	_ =	shalt  }
0x61: {  	_ =	shalt  }
0x62: {  	_ =	shalt  }
0x63: {  	_ =	shalt  }
0x64: {  	_ =	shalt  }
0x65: {  	_ =	shalt  }
0x66: {  	_ =	shalt  }
0x67: {  	_ =	shalt  }
0x68: {  	_ =	shalt  }
0x69: {  	_ =	shalt  }
0x6a: {  	_ =	shalt  }
0x6b: {  	_ =	shalt  }
0x6c: {  	_ =	shalt  }
0x6d: {  	_ =	shalt  }
0x6e: {  	_ =	shalt  }
0x6f: {  	_ =	shalt  }
0x70: {  	_ =	shalt  }
0x71: {  	_ =	shalt  }
0x72: {  	_ =	shalt  }
0x73: {  	_ =	shalt  }
0x74: {  	_ =	shalt  }
0x75: {  	_ =	shalt  }
0x76: {  	_ =	shalt  }
0x77: {  	_ =	shalt  }
0x78: {  	_ =	shalt  }
0x79: {  	_ =	shalt  }
0x7a: {  	_ =	shalt  }
0x7b: {  	_ =	shalt  }
0x7c: {  	_ =	shalt  }
0x7d: {  	_ =	shalt  }
0x7e: {  	_ =	shalt  }
0x7f: {  	_ =	shalt  }
0x80: {  	_ =	shalt  }
0x81: {  	_ =	shalt  }
0x82: {  	_ =	shalt  }
0x83: {  	_ =	shalt  }
0x84: {  	_ =	shalt  }
0x85: {  	_ =	shalt  }
0x86: {  	_ =	shalt  }
0x87: {  	_ =	shalt  }
.Lfunc_end0:
.L_simem_size_0:
called_computation.3_lowered:
.L_overlay_start_0:
0x88: {  	s2 =	sld [smem:$0x3FD9]  }
0x89: {  	s3 =	sld [smem:$0x3FFE];
	_ =	sdelay $0x1  }
0x8a: {  	s1 =	srdreg.scid  }
0x8b: {  	s0 =	sand.u32 $0x1, s1  }
0x8c: {  	s16 =	sshll.u32 s0, $0xA;
	s2 =	sadd.s32 s3, s2  }
0x8d: {  	s2 =	sadd.s32 s2, s16  }
0x8e: {  	[smem:$0x3F8C] =	sst s2  }
0x8f: {  	_ = 	snop  }
0x90: {  	(tm) =	ssettm $0x1  }
0x91: {  	s17 =	sld [smem:$0x3FFB];
	_ =	sdelay $0x3  }
0x92: {  	_ =	strace s17  }
0x93: {  	s2 =	sld [smem:$0x3FFC];
	_ =	sdelay $0x3  }
0x94: {  	_ =	strace s2  }
0x95: {  	s2 =	sld [smem:$0x3FFD];
	_ =	sdelay $0x3  }
0x96: {  	_ =	strace s2  }
0x97: {  	_ =	strace $0x8FFFFFFF  }
0x98: {  	s18 =	sld [smem:$0x3FDB];
	_ =	sdelay $0x1  }
0x99: {  	s19 =	simm.s32 $_scs_section_size  }
0x9a: {  	s4 =	simm.s32 $_size__tile_overlayer_lowered;
	s5 =	simm.s32 $_tile_overlayer_lowered  }
0x9b: {  	s22 =	simm.s32 $0x1BFF;
	s21 =	sshll.u32 s5, $0x1;
	s2 =	sadd.s32 s19, s18  }
0x9c: {  	s6 =	simm.s32 $0x0;
	s20 =	sshll.u32 s4, $0x1;
	s4 =	sadd.s32 s21, s2  }
0x9d: {  	[timem:s6], [sflag:s22] =	dma.local [hbm:s4], s20  }
0x9e: {  	_ =	swait.ge [sflag:s22], s20  }
0x9f: {  	s3 =	ssub.s32 $0x0, s20;
	[sflag:s22] =	ssyncset.done $0x0  }
0xa0: {  	[sflag:s22] =	ssyncadd.s32 s3;
	_ =	sdelay $0x1  }
0xa1: {  	s23 =	simm.s32 $0x1B8B  }
0xa2: {  	_ =	swait.ge [sflag:s23], $0x1  }
0xa3: {  	[sflag:s23] =	ssyncset.done $0x0  }
0xa4: {  	s25 =	simm.s32 $0x1B8E;
	s24 =	sld [smem:$0x3FFE];
	[sflag:s23] =	ssyncadd.s32 $0xFFFFFFFF  }
0xa5: {  	s26 =	simm.s32 $execute0_lowered;
	[smem:$0x3FD2] =	sst s25  }
0xa6: {  	s4 =	sshll.u32 s26, $0x1;
	_ =	strace $0x8000004F;
	[dreg:$0x1] =	wrdreg $0xFFFFFFFF  }
0xa7: {  	s28 =	simm.s32 $_size_execute0_lowered;
	s2 =	sadd.s32 s2, s4;
	[dreg:$0x0] =	wrdreg $0x0  }
0xa8: {  	s4 =	sshll.u32 s28, $0x1;
	[dreg:$0x2] =	wrdreg s2  }
0xa9: {  	[dreg:$0x3] =	wrdreg s4  }
0xaa: {  	[dreg:$0x4] =	wrdreg $0xC0  }
0xab: {  	_ =	task [dreg:s6], $0x5FFFF  }
0xac: {  	[dreg:$0x1] =	wrdreg $0xFFFFFFFF  }
0xad: {  	[dreg:$0x0] =	wrdreg $0x60  }
0xae: {  	[dreg:$0x2] =	wrdreg s24  }
0xaf: {  	[dreg:$0x3] =	wrdreg $0x9  }
0xb0: {  	_ =	task.clear_ibuf [dreg:s6], $0x4FFFF;
	_ =	strace $0x9000004F  }
0xb1: {  	s29 =	simm.s32 $0x9;
	_ =	strace $0x80000051  }
0xb2: {  	_ =	swait.ge [sflag:s29], $0x1  }
0xb3: {  	[sflag:s29] =	ssyncadd.s32 $0xFFFFFFFF  }
0xb4: {  	_ =	strace $0x90000051  }
0xb5: {  	_ =	sfence  }
0xb6: {  	s30 =	sld [smem:$0x0];
	_ =	sdelay $0x2  }
0xb7: {  	s31 =	sshll.u32 s1, $0xD;
	s1 =	sshrl.u32 s1, $0x2  }
0xb8: {  	s3 =	sand.u32 $0x4000, s31;
	s1 =	sadd.s32 s1, s30  }
0xb9: {  	s0 =	sor.u32 s3, s0;
	s1 =	sshll.u32 s1, $0x11  }
0xba: {  	s0 =	sor.u32 s1, s0  }
0xbb: {  	s0 =	sadd.s32 $0x8F2B, s0  }
0xbc: {  	[sflag:s0] =	ssyncadd.remote.s32 $0x1  }
0xbd: {  	_ =	sfence.sel $0xFFFF  }
0xbe: {  	[dreg:$0x0] =	wrdreg $0xFFFFFFFF;
	(pc) =	sbr.abs _section_cstart, $3  }
0xbf: {  	[dreg:$0x1] =	wrdreg $0xFFFFFFFF  }
0xc0: {  	_ =	task.clear_ibuf [dreg:s6], $0x2FFFF;
	_ =	strace $0x9FFFFFFF  }
0xc1: {  	(tm) =	ssettm $0x7FFFFFFF  }
tec
execute0_lowered:
.L_overlay_start_1:
0x0: {  	(tag) =	ssettag $0x1  }
0x1: {  	s0 =	srdreg.scid  }
0x2: {  	s3 =	stileid.u32;
	s4 =	rddreg [dreg:$0x0]  }
0x3: {  	s2 =	simm.s32 $0x0;
	s9 =	simm.s32 $0x1900;
	s21 =	simm.s32 $0x7900  }
0x4: {  	s22 =	simm.s32 $0x8100;
	s23 =	simm.s32 $0x8900;
	s28 =	simm.s32 $0xA900  }
0x5: {  	s29 =	simm.s32 $0xB100;
	s30 =	simm.s32 $0xB900;
	s31 =	simm.s32 $0xC100  }
0x6: {  	s8 =	simm.s32 $0xE900;
	s10 =	simm.s32 $0xF100;
	s11 =	simm.s32 $0xF900  }
0x7: {  	s12 =	simm.s32 $0x10100;
	s13 =	simm.s32 $0x10900;
	s14 =	simm.s32 $0x11100  }
0x8: {  	s15 =	simm.s32 $0x1;
	s16 =	simm.s32 $0x4;
	s17 =	simm.s32 $0x2  }
0x9: {  	s0 =	sand.u32 $0x1, s0;
	s1 =	sshll.u32 s3, $0x1;
	s5 =	smul.u32 $0x320000, s3  }
0xa: {  	s19 =	simm.s32 $0x0;
	s1 =	sor.u32 s0, s1;
	s6 =	smul.u32 $0x190000, s0  }
0xb: {  	[smem:$0x7FF] =	sst s2;
	s0 =	ssub.s32 $0x2, s0;
	s1 =	smul.u32 $0x320, s1  }
0xc: {  	s3 =	sadd.s32 $0x14C000, s4;
	_ =	strace $0x80000050;
	s7 =	sshrl.u32 s0, $0x1  }
0xd: {  	s5 =	sadd.s32 s6, s5;
	s0 =	ssub.s32 s0, s7;
	s1 =	sadd.s32 s1, s4  }
0xe: {  	s4 =	sadd.s32 $0x1A2400, s4;
	s24 =	sor.u32 $0x8000, s5;
	s0 =	smax.u32 s0, $0x1  }
.Ltmp0:
0xf: {  	s26 =	sshrl.u32 s5, $0x3;
	s5 =	simm.s32 $0xE100;
	(pc) =	sbr.rel .LBB2_1-.Ltmp0, $4  }
0x10: {  	s1 =	sadd.s32 $0x19C000, s1;
	[dreg:$0x3] =	wrdreg s0;
	s25 =	sshrl.u32 s24, $0x3  }
0x11: {  	v2 =	vlaneseq.u32;
	s7 =	sadd.s32 s26, s4;
	s24 =	simm.s32 $0x9100;
	s26 =	simm.s32 $0xA100  }
0x12: {  	vm0 =	vmmov $0xffff;
	v1 =	vshrl.u32 v2, $0x3;
	s0 =	simm.s32 $0xD100;
	[dreg:$0x2] =	wrdreg s1;
	s6 =	sadd.s32 s25, s4  }
0x13: {  	v0 =	vand.u32 $0x7, v2;
	v2 =	vor.u32 $0x8, v2;
	v1 =	vmul.u32 $0x8, v1;
	s25 =	simm.s32 $0x9900;
	s1 =	simm.s32 $0xC900;
	s4 =	simm.s32 $0xD900  }
.LBB2_5:
0x14: {  	s19 =	rddreg [dreg:$0x4]  }
0x15: {  	s18 =	rddreg [dreg:$0x3];
	s19 =	sadd.s32 $0x1, s19  }
0x16: {  	p0 =	sne.s32 s19, s18  }
.Ltmp1:
0x17: {  	_ = 	snop;
	(pc) =	sbr.rel @!p0 .LBB2_6-.Ltmp1, $1  }
0x18: {  	_ =	sdelay $0x3  }
.LBB2_1:
0x19: {  	[dreg:$0x4] =	wrdreg s19  }
0x1a: {  	s18 =	rddreg [dreg:$0x2];
	s19 =	simm.s32 $0x3  }
0x1b: {  	[tilespmem:s2], [sflag:$0x3] =	stream.linear.gather [hbm4b:s18+s2], $0x1900, $0x38;
	[tilespmem:$0x11900] =	vst v63  }
0x1c: {  	_ =	swait.ge [sflag:s19], $0x1900  }
0x1d: {  	[sflag:s19] =	ssyncset.done $0x0  }
0x1e: {  	[sflag:s19] =	ssyncadd.s32 $0xFFFFE700  }
0x1f: {  	v3 =	vld [tilespmem:$0x0];
	_ =	sdelay $0x4  }
0x20: {  	v4 =	vshll.u32 v3, $0x1  }
0x21: {  	v3 =	vand.u32 $0x7, v3;
	v4 =	vand.u32 $0xFFFFFFF0, v4  }
0x22: {  	v3 =	vor.u32 v3, v4  }
0x23: {  	v4 =	vperm.xlane v3, v0;
	_ =	sdelay $0x1  }
0x24: {  	v3 =	vperm.xlane v3, v2;
	v4 =	vadd.s32 v1, v4;
	_ =	sdelay $0x1  }
0x25: {  	v3 =	vadd.s32 v1, v3;
	_ =	sdelay $0x2  }
0x26: {  	[tilespmem:s9], [sflag:$0x1] =	stream.indirect_vreg.gather [hbm4b:s3+s2], $0x80, v4, vm0, $0xb8;
	[tilespmem:$0x11900] =	vst v63  }
0x27: {  	s20 =	simm.s32 $0x2100  }
0x28: {  	[tilespmem:s20], [sflag:$0x1] =	stream.indirect_vreg.gather [hbm4b:s3+s2], $0x80, v3, vm0, $0xb8;
	[tilespmem:$0x11900] =	vst v63  }
0x29: {  	v3 =	vld [tilespmem:$0x10];
	_ =	sdelay $0x4  }
0x2a: {  	v57 =	vshll.u32 v3, $0x1  }
0x2b: {  	v3 =	vand.u32 $0x7, v3;
	v4 =	vand.u32 $0xFFFFFFF0, v57  }
0x2c: {  	v3 =	vor.u32 v3, v4  }
0x2d: {  	v4 =	vperm.xlane v3, v0;
	_ =	sdelay $0x1  }
0x2e: {  	v3 =	vperm.xlane v3, v2;
	v4 =	vadd.s32 v1, v4;
	_ =	sdelay $0x1  }
0x2f: {  	v3 =	vadd.s32 v1, v3;
	_ =	sdelay $0x1  }
0x30: {  	s19 =	simm.s32 $0x2900  }
0x31: {  	[tilespmem:s19], [sflag:$0x1] =	stream.indirect_vreg.gather [hbm4b:s3+s2], $0x80, v4, vm0, $0xb8;
	[tilespmem:$0x11900] =	vst v63  }
0x32: {  	s20 =	simm.s32 $0x3100  }
0x33: {  	[tilespmem:s20], [sflag:$0x1] =	stream.indirect_vreg.gather [hbm4b:s3+s2], $0x80, v3, vm0, $0xb8;
	[tilespmem:$0x11900] =	vst v63  }
0x34: {  	v3 =	vld [tilespmem:$0x20];
	_ =	sdelay $0x4  }
0x35: {  	v58 =	vshll.u32 v3, $0x1  }
0x36: {  	v3 =	vand.u32 $0x7, v3;
	v4 =	vand.u32 $0xFFFFFFF0, v58  }
0x37: {  	v3 =	vor.u32 v3, v4  }
0x38: {  	v4 =	vperm.xlane v3, v0;
	_ =	sdelay $0x1  }
0x39: {  	v3 =	vperm.xlane v3, v2;
	v4 =	vadd.s32 v1, v4;
	_ =	sdelay $0x1  }
0x3a: {  	v3 =	vadd.s32 v1, v3;
	_ =	sdelay $0x1  }
0x3b: {  	s19 =	simm.s32 $0x3900  }
0x3c: {  	[tilespmem:s19], [sflag:$0x1] =	stream.indirect_vreg.gather [hbm4b:s3+s2], $0x80, v4, vm0, $0xb8;
	[tilespmem:$0x11900] =	vst v63  }
0x3d: {  	s20 =	simm.s32 $0x4100  }
0x3e: {  	[tilespmem:s20], [sflag:$0x1] =	stream.indirect_vreg.gather [hbm4b:s3+s2], $0x80, v3, vm0, $0xb8;
	[tilespmem:$0x11900] =	vst v63  }
0x3f: {  	v3 =	vld [tilespmem:$0x30];
	_ =	sdelay $0x4  }
0x40: {  	v59 =	vshll.u32 v3, $0x1  }
0x41: {  	v3 =	vand.u32 $0x7, v3;
	v4 =	vand.u32 $0xFFFFFFF0, v59  }
0x42: {  	v3 =	vor.u32 v3, v4  }
0x43: {  	v4 =	vperm.xlane v3, v0;
	_ =	sdelay $0x1  }
0x44: {  	v3 =	vperm.xlane v3, v2;
	v4 =	vadd.s32 v1, v4;
	_ =	sdelay $0x1  }
0x45: {  	v3 =	vadd.s32 v1, v3;
	_ =	sdelay $0x1  }
0x46: {  	s19 =	simm.s32 $0x4900  }
0x47: {  	[tilespmem:s19], [sflag:$0x1] =	stream.indirect_vreg.gather [hbm4b:s3+s2], $0x80, v4, vm0, $0xb8;
	[tilespmem:$0x11900] =	vst v63  }
0x48: {  	s20 =	simm.s32 $0x5100  }
0x49: {  	[tilespmem:s20], [sflag:$0x1] =	stream.indirect_vreg.gather [hbm4b:s3+s2], $0x80, v3, vm0, $0xb8;
	[tilespmem:$0x11900] =	vst v63  }
0x4a: {  	v3 =	vld [tilespmem:$0x40];
	_ =	sdelay $0x4  }
0x4b: {  	v60 =	vshll.u32 v3, $0x1  }
0x4c: {  	v3 =	vand.u32 $0x7, v3;
	v4 =	vand.u32 $0xFFFFFFF0, v60  }
0x4d: {  	v3 =	vor.u32 v3, v4  }
0x4e: {  	v4 =	vperm.xlane v3, v0;
	_ =	sdelay $0x1  }
0x4f: {  	v3 =	vperm.xlane v3, v2;
	v4 =	vadd.s32 v1, v4;
	_ =	sdelay $0x1  }
0x50: {  	v3 =	vadd.s32 v1, v3;
	_ =	sdelay $0x1  }
0x51: {  	s19 =	simm.s32 $0x5900  }
0x52: {  	[tilespmem:s19], [sflag:$0x1] =	stream.indirect_vreg.gather [hbm4b:s3+s2], $0x80, v4, vm0, $0xb8;
	[tilespmem:$0x11900] =	vst v63  }
0x53: {  	s20 =	simm.s32 $0x6100  }
0x54: {  	[tilespmem:s20], [sflag:$0x1] =	stream.indirect_vreg.gather [hbm4b:s3+s2], $0x80, v3, vm0, $0xb8;
	[tilespmem:$0x11900] =	vst v63  }
0x55: {  	v3 =	vld [tilespmem:$0x50];
	_ =	sdelay $0x4  }
0x56: {  	v61 =	vshll.u32 v3, $0x1  }
0x57: {  	v3 =	vand.u32 $0x7, v3;
	v4 =	vand.u32 $0xFFFFFFF0, v61  }
0x58: {  	v3 =	vor.u32 v3, v4  }
0x59: {  	v4 =	vperm.xlane v3, v0;
	_ =	sdelay $0x1  }
0x5a: {  	v3 =	vperm.xlane v3, v2;
	v4 =	vadd.s32 v1, v4;
	_ =	sdelay $0x1  }
0x5b: {  	v3 =	vadd.s32 v1, v3;
	_ =	sdelay $0x1  }
0x5c: {  	s19 =	simm.s32 $0x6900  }
0x5d: {  	[tilespmem:s19], [sflag:$0x1] =	stream.indirect_vreg.gather [hbm4b:s3+s2], $0x80, v4, vm0, $0xb8;
	[tilespmem:$0x11900] =	vst v63  }
0x5e: {  	s20 =	simm.s32 $0x7100  }
0x5f: {  	[tilespmem:s20], [sflag:$0x1] =	stream.indirect_vreg.gather [hbm4b:s3+s2], $0x80, v3, vm0, $0xb8;
	[tilespmem:$0x11900] =	vst v63  }
0x60: {  	v3 =	vld [tilespmem:$0x60];
	_ =	sdelay $0x4  }
0x61: {  	v62 =	vshll.u32 v3, $0x1  }
0x62: {  	v3 =	vand.u32 $0x7, v3;
	v4 =	vand.u32 $0xFFFFFFF0, v62  }
0x63: {  	v3 =	vor.u32 v3, v4  }
0x64: {  	v4 =	vperm.xlane v3, v0;
	_ =	sdelay $0x1  }
0x65: {  	v3 =	vperm.xlane v3, v2;
	v4 =	vadd.s32 v1, v4;
	_ =	sdelay $0x1  }
0x66: {  	v3 =	vadd.s32 v1, v3;
	_ =	sdelay $0x2  }
0x67: {  	[tilespmem:s21], [sflag:$0x1] =	stream.indirect_vreg.gather [hbm4b:s3+s2], $0x80, v4, vm0, $0xb8;
	[tilespmem:$0x11900] =	vst v63  }
0x68: {  	_ = 	snop  }
0x69: {  	[tilespmem:s22], [sflag:$0x1] =	stream.indirect_vreg.gather [hbm4b:s3+s2], $0x80, v3, vm0, $0xb8;
	[tilespmem:$0x11900] =	vst v63  }
0x6a: {  	v3 =	vld [tilespmem:$0x70];
	_ =	sdelay $0x4  }
0x6b: {  	v63 =	vshll.u32 v3, $0x1  }
0x6c: {  	v3 =	vand.u32 $0x7, v3;
	v4 =	vand.u32 $0xFFFFFFF0, v63  }
0x6d: {  	v3 =	vor.u32 v3, v4  }
0x6e: {  	v4 =	vperm.xlane v3, v0;
	_ =	sdelay $0x1  }
0x6f: {  	v3 =	vperm.xlane v3, v2;
	v4 =	vadd.s32 v1, v4;
	_ =	sdelay $0x1  }
0x70: {  	v3 =	vadd.s32 v1, v3  }
.Ltmp2:
0x71: {  	_ = 	snop;
	(pc) =	sbr.rel .LBB2_2-.Ltmp2, $4  }
0x72: {  	_ = 	snop  }
0x73: {  	[tilespmem:s23], [sflag:$0x1] =	stream.indirect_vreg.gather [hbm4b:s3+s2], $0x80, v4, vm0, $0xb8;
	[tilespmem:$0x11900] =	vst v63  }
0x74: {  	s18 =	simm.s32 $0xC0;
	s19 =	simm.s32 $0x0  }
0x75: {  	[tilespmem:s24], [sflag:$0x1] =	stream.indirect_vreg.gather [hbm4b:s3+s2], $0x80, v3, vm0, $0xb8;
	[tilespmem:$0x11900] =	vst v63  }
.LBB2_4:
0x76: {  	_ =	swait.ge [sflag:s17], $0x8000;
	s20 =	sadd.s32 s19, s6;
	s19 =	sadd.s32 $0x2000, s19  }
0x77: {  	[sflag:s17] =	ssyncset.done $0x0;
	p0 =	sne.s32 s19, $0x32000  }
.Ltmp3:
0x78: {  	[sflag:s17] =	ssyncadd.s32 $0xFFFF8000;
	(pc) =	sbr.rel @!p0 .LBB2_5-.Ltmp3, $4  }
0x79: {  	[hbm4b:s20+s2] =	stream.linear.scatter [tilespmem:s25], [sflag:$0x4], $0x8000, $0x38;
	[tilespmem:$0x11900] =	vst v63  }
0x7a: {  	_ =	swait.ge [sflag:s16], $0x8000  }
0x7b: {  	[sflag:s16] =	ssyncset.done $0x0  }
0x7c: {  	s18 =	sadd.s32 $0x100, s18;
	[sflag:s16] =	ssyncadd.s32 $0xFFFF8000  }
.LBB2_2:
0x7d: {  	v3 =	vld [tilespmem:s18+$0xFFFFFFC0];
	_ =	sdelay $0x4  }
0x7e: {  	v4 =	vshll.u32 v3, $0x1  }
0x7f: {  	v3 =	vand.u32 $0x7, v3;
	v4 =	vand.u32 $0xFFFFFFF0, v4  }
0x80: {  	v3 =	vor.u32 v3, v4  }
0x81: {  	v4 =	vperm.xlane v3, v0;
	_ =	sdelay $0x1  }
0x82: {  	v3 =	vperm.xlane v3, v2;
	v4 =	vadd.s32 v1, v4;
	_ =	sdelay $0x1  }
0x83: {  	v3 =	vadd.s32 v1, v3;
	_ =	sdelay $0x2  }
0x84: {  	[tilespmem:s25], [sflag:$0x2] =	stream.indirect_vreg.gather [hbm4b:s3+s2], $0x80, v4, vm0, $0xb8;
	[tilespmem:$0x11900] =	vst v63  }
0x85: {  	_ = 	snop  }
0x86: {  	[tilespmem:s26], [sflag:$0x2] =	stream.indirect_vreg.gather [hbm4b:s3+s2], $0x80, v3, vm0, $0xb8;
	[tilespmem:$0x11900] =	vst v63  }
0x87: {  	v3 =	vld [tilespmem:s18+$0xFFFFFFD0];
	_ =	sdelay $0x4  }
0x88: {  	v57 =	vshll.u32 v3, $0x1  }
0x89: {  	v3 =	vand.u32 $0x7, v3;
	v4 =	vand.u32 $0xFFFFFFF0, v57  }
0x8a: {  	v3 =	vor.u32 v3, v4  }
0x8b: {  	v4 =	vperm.xlane v3, v0;
	_ =	sdelay $0x1  }
0x8c: {  	v3 =	vperm.xlane v3, v2;
	v4 =	vadd.s32 v1, v4;
	_ =	sdelay $0x1  }
0x8d: {  	v3 =	vadd.s32 v1, v3;
	_ =	sdelay $0x2  }
0x8e: {  	[tilespmem:s28], [sflag:$0x2] =	stream.indirect_vreg.gather [hbm4b:s3+s2], $0x80, v4, vm0, $0xb8;
	[tilespmem:$0x11900] =	vst v63  }
0x8f: {  	_ = 	snop  }
0x90: {  	[tilespmem:s29], [sflag:$0x2] =	stream.indirect_vreg.gather [hbm4b:s3+s2], $0x80, v3, vm0, $0xb8;
	[tilespmem:$0x11900] =	vst v63  }
0x91: {  	v3 =	vld [tilespmem:s18+$0xFFFFFFE0];
	_ =	sdelay $0x4  }
0x92: {  	v58 =	vshll.u32 v3, $0x1  }
0x93: {  	v3 =	vand.u32 $0x7, v3;
	v4 =	vand.u32 $0xFFFFFFF0, v58  }
0x94: {  	v3 =	vor.u32 v3, v4  }
0x95: {  	v4 =	vperm.xlane v3, v0;
	_ =	sdelay $0x1  }
0x96: {  	v3 =	vperm.xlane v3, v2;
	v4 =	vadd.s32 v1, v4;
	_ =	sdelay $0x1  }
0x97: {  	v3 =	vadd.s32 v1, v3;
	_ =	sdelay $0x2  }
0x98: {  	[tilespmem:s30], [sflag:$0x2] =	stream.indirect_vreg.gather [hbm4b:s3+s2], $0x80, v4, vm0, $0xb8;
	[tilespmem:$0x11900] =	vst v63  }
0x99: {  	_ = 	snop  }
0x9a: {  	[tilespmem:s31], [sflag:$0x2] =	stream.indirect_vreg.gather [hbm4b:s3+s2], $0x80, v3, vm0, $0xb8;
	[tilespmem:$0x11900] =	vst v63  }
0x9b: {  	v3 =	vld [tilespmem:s18+$0xFFFFFFF0];
	_ =	sdelay $0x4  }
0x9c: {  	v59 =	vshll.u32 v3, $0x1  }
0x9d: {  	v3 =	vand.u32 $0x7, v3;
	v4 =	vand.u32 $0xFFFFFFF0, v59  }
0x9e: {  	v3 =	vor.u32 v3, v4  }
0x9f: {  	v4 =	vperm.xlane v3, v0;
	_ =	sdelay $0x1  }
0xa0: {  	v3 =	vperm.xlane v3, v2;
	v4 =	vadd.s32 v1, v4;
	_ =	sdelay $0x1  }
0xa1: {  	v3 =	vadd.s32 v1, v3;
	_ =	sdelay $0x2  }
0xa2: {  	[tilespmem:s1], [sflag:$0x2] =	stream.indirect_vreg.gather [hbm4b:s3+s2], $0x80, v4, vm0, $0xb8;
	[tilespmem:$0x11900] =	vst v63  }
0xa3: {  	_ = 	snop  }
0xa4: {  	[tilespmem:s0], [sflag:$0x2] =	stream.indirect_vreg.gather [hbm4b:s3+s2], $0x80, v3, vm0, $0xb8;
	[tilespmem:$0x11900] =	vst v63  }
0xa5: {  	v3 =	vld [tilespmem:s18+$0x0];
	_ =	sdelay $0x4  }
0xa6: {  	v60 =	vshll.u32 v3, $0x1  }
0xa7: {  	v3 =	vand.u32 $0x7, v3;
	v4 =	vand.u32 $0xFFFFFFF0, v60  }
0xa8: {  	v3 =	vor.u32 v3, v4  }
0xa9: {  	v4 =	vperm.xlane v3, v0;
	_ =	sdelay $0x1  }
0xaa: {  	v3 =	vperm.xlane v3, v2;
	v4 =	vadd.s32 v1, v4;
	_ =	sdelay $0x1  }
0xab: {  	v3 =	vadd.s32 v1, v3;
	_ =	sdelay $0x2  }
0xac: {  	[tilespmem:s4], [sflag:$0x2] =	stream.indirect_vreg.gather [hbm4b:s3+s2], $0x80, v4, vm0, $0xb8;
	[tilespmem:$0x11900] =	vst v63  }
0xad: {  	_ = 	snop  }
0xae: {  	[tilespmem:s5], [sflag:$0x2] =	stream.indirect_vreg.gather [hbm4b:s3+s2], $0x80, v3, vm0, $0xb8;
	[tilespmem:$0x11900] =	vst v63  }
0xaf: {  	v3 =	vld [tilespmem:s18+$0x10];
	_ =	sdelay $0x4  }
0xb0: {  	v61 =	vshll.u32 v3, $0x1  }
0xb1: {  	v3 =	vand.u32 $0x7, v3;
	v4 =	vand.u32 $0xFFFFFFF0, v61  }
0xb2: {  	v3 =	vor.u32 v3, v4  }
0xb3: {  	v4 =	vperm.xlane v3, v0;
	_ =	sdelay $0x1  }
0xb4: {  	v3 =	vperm.xlane v3, v2;
	v4 =	vadd.s32 v1, v4;
	_ =	sdelay $0x1  }
0xb5: {  	v3 =	vadd.s32 v1, v3;
	_ =	sdelay $0x2  }
0xb6: {  	[tilespmem:s8], [sflag:$0x2] =	stream.indirect_vreg.gather [hbm4b:s3+s2], $0x80, v4, vm0, $0xb8;
	[tilespmem:$0x11900] =	vst v63  }
0xb7: {  	_ = 	snop  }
0xb8: {  	[tilespmem:s10], [sflag:$0x2] =	stream.indirect_vreg.gather [hbm4b:s3+s2], $0x80, v3, vm0, $0xb8;
	[tilespmem:$0x11900] =	vst v63  }
0xb9: {  	v3 =	vld [tilespmem:s18+$0x20];
	_ =	sdelay $0x4  }
0xba: {  	v62 =	vshll.u32 v3, $0x1  }
0xbb: {  	v3 =	vand.u32 $0x7, v3;
	v4 =	vand.u32 $0xFFFFFFF0, v62  }
0xbc: {  	v3 =	vor.u32 v3, v4  }
0xbd: {  	v4 =	vperm.xlane v3, v0;
	_ =	sdelay $0x1  }
0xbe: {  	v3 =	vperm.xlane v3, v2;
	v4 =	vadd.s32 v1, v4;
	_ =	sdelay $0x1  }
0xbf: {  	v3 =	vadd.s32 v1, v3;
	_ =	sdelay $0x2  }
0xc0: {  	[tilespmem:s11], [sflag:$0x2] =	stream.indirect_vreg.gather [hbm4b:s3+s2], $0x80, v4, vm0, $0xb8;
	[tilespmem:$0x11900] =	vst v63  }
0xc1: {  	_ = 	snop  }
0xc2: {  	[tilespmem:s12], [sflag:$0x2] =	stream.indirect_vreg.gather [hbm4b:s3+s2], $0x80, v3, vm0, $0xb8;
	[tilespmem:$0x11900] =	vst v63  }
0xc3: {  	v3 =	vld [tilespmem:s18+$0x30];
	_ =	sdelay $0x4  }
0xc4: {  	v63 =	vshll.u32 v3, $0x1  }
0xc5: {  	v3 =	vand.u32 $0x7, v3;
	v4 =	vand.u32 $0xFFFFFFF0, v63  }
0xc6: {  	v3 =	vor.u32 v3, v4  }
0xc7: {  	v4 =	vperm.xlane v3, v0;
	_ =	sdelay $0x1  }
0xc8: {  	v3 =	vperm.xlane v3, v2;
	v4 =	vadd.s32 v1, v4;
	_ =	sdelay $0x1  }
0xc9: {  	v3 =	vadd.s32 v1, v3;
	_ =	sdelay $0x2  }
0xca: {  	[tilespmem:s13], [sflag:$0x2] =	stream.indirect_vreg.gather [hbm4b:s3+s2], $0x80, v4, vm0, $0xb8;
	[tilespmem:$0x11900] =	vst v63  }
0xcb: {  	_ = 	snop  }
0xcc: {  	[tilespmem:s14], [sflag:$0x2] =	stream.indirect_vreg.gather [hbm4b:s3+s2], $0x80, v3, vm0, $0xb8;
	[tilespmem:$0x11900] =	vst v63  }
0xcd: {  	_ =	swait.ge [sflag:s15], $0x8000  }
0xce: {  	p0 =	seq.s32 s19, $0x30000;
	[sflag:s15] =	ssyncset.done $0x0  }
.Ltmp4:
0xcf: {  	s20 =	sadd.s32 s19, s7;
	[sflag:s15] =	ssyncadd.s32 $0xFFFF8000;
	(pc) =	sbr.rel @p0 .LBB2_4-.Ltmp4, $4  }
0xd0: {  	[hbm4b:s20+s2] =	stream.linear.scatter [tilespmem:s9], [sflag:$0x4], $0x8000, $0x38;
	[tilespmem:$0x11900] =	vst v63  }
0xd1: {  	_ =	swait.ge [sflag:s16], $0x8000  }
0xd2: {  	[sflag:s16] =	ssyncset.done $0x0  }
0xd3: {  	[sflag:s16] =	ssyncadd.s32 $0xFFFF8000  }
0xd4: {  	v3 =	vld [tilespmem:s18+$0x40];
	_ =	sdelay $0x4  }
0xd5: {  	v4 =	vshll.u32 v3, $0x1  }
0xd6: {  	v3 =	vand.u32 $0x7, v3;
	v4 =	vand.u32 $0xFFFFFFF0, v4  }
0xd7: {  	v3 =	vor.u32 v3, v4  }
0xd8: {  	v4 =	vperm.xlane v3, v0;
	_ =	sdelay $0x1  }
0xd9: {  	v3 =	vperm.xlane v3, v2;
	v4 =	vadd.s32 v1, v4;
	_ =	sdelay $0x1  }
0xda: {  	v3 =	vadd.s32 v1, v3;
	_ =	sdelay $0x2  }
0xdb: {  	[tilespmem:s9], [sflag:$0x1] =	stream.indirect_vreg.gather [hbm4b:s3+s2], $0x80, v4, vm0, $0xb8;
	[tilespmem:$0x11900] =	vst v63  }
0xdc: {  	s20 =	simm.s32 $0x2100  }
0xdd: {  	[tilespmem:s20], [sflag:$0x1] =	stream.indirect_vreg.gather [hbm4b:s3+s2], $0x80, v3, vm0, $0xb8;
	[tilespmem:$0x11900] =	vst v63  }
0xde: {  	v3 =	vld [tilespmem:s18+$0x50];
	_ =	sdelay $0x4  }
0xdf: {  	v57 =	vshll.u32 v3, $0x1  }
0xe0: {  	v3 =	vand.u32 $0x7, v3;
	v4 =	vand.u32 $0xFFFFFFF0, v57  }
0xe1: {  	v3 =	vor.u32 v3, v4  }
0xe2: {  	v4 =	vperm.xlane v3, v0;
	_ =	sdelay $0x1  }
0xe3: {  	v3 =	vperm.xlane v3, v2;
	v4 =	vadd.s32 v1, v4;
	_ =	sdelay $0x1  }
0xe4: {  	v3 =	vadd.s32 v1, v3;
	_ =	sdelay $0x1  }
0xe5: {  	s20 =	simm.s32 $0x2900  }
0xe6: {  	[tilespmem:s20], [sflag:$0x1] =	stream.indirect_vreg.gather [hbm4b:s3+s2], $0x80, v4, vm0, $0xb8;
	[tilespmem:$0x11900] =	vst v63  }
0xe7: {  	s20 =	simm.s32 $0x3100  }
0xe8: {  	[tilespmem:s20], [sflag:$0x1] =	stream.indirect_vreg.gather [hbm4b:s3+s2], $0x80, v3, vm0, $0xb8;
	[tilespmem:$0x11900] =	vst v63  }
0xe9: {  	v3 =	vld [tilespmem:s18+$0x60];
	_ =	sdelay $0x4  }
0xea: {  	v58 =	vshll.u32 v3, $0x1  }
0xeb: {  	v3 =	vand.u32 $0x7, v3;
	v4 =	vand.u32 $0xFFFFFFF0, v58  }
0xec: {  	v3 =	vor.u32 v3, v4  }
0xed: {  	v4 =	vperm.xlane v3, v0;
	_ =	sdelay $0x1  }
0xee: {  	v3 =	vperm.xlane v3, v2;
	v4 =	vadd.s32 v1, v4;
	_ =	sdelay $0x1  }
0xef: {  	v3 =	vadd.s32 v1, v3;
	_ =	sdelay $0x1  }
0xf0: {  	s20 =	simm.s32 $0x3900  }
0xf1: {  	[tilespmem:s20], [sflag:$0x1] =	stream.indirect_vreg.gather [hbm4b:s3+s2], $0x80, v4, vm0, $0xb8;
	[tilespmem:$0x11900] =	vst v63  }
0xf2: {  	s20 =	simm.s32 $0x4100  }
0xf3: {  	[tilespmem:s20], [sflag:$0x1] =	stream.indirect_vreg.gather [hbm4b:s3+s2], $0x80, v3, vm0, $0xb8;
	[tilespmem:$0x11900] =	vst v63  }
0xf4: {  	v3 =	vld [tilespmem:s18+$0x70];
	_ =	sdelay $0x4  }
0xf5: {  	v59 =	vshll.u32 v3, $0x1  }
0xf6: {  	v3 =	vand.u32 $0x7, v3;
	v4 =	vand.u32 $0xFFFFFFF0, v59  }
0xf7: {  	v3 =	vor.u32 v3, v4  }
0xf8: {  	v4 =	vperm.xlane v3, v0;
	_ =	sdelay $0x1  }
0xf9: {  	v3 =	vperm.xlane v3, v2;
	v4 =	vadd.s32 v1, v4;
	_ =	sdelay $0x1  }
0xfa: {  	v3 =	vadd.s32 v1, v3;
	_ =	sdelay $0x1  }
0xfb: {  	s20 =	simm.s32 $0x4900  }
0xfc: {  	[tilespmem:s20], [sflag:$0x1] =	stream.indirect_vreg.gather [hbm4b:s3+s2], $0x80, v4, vm0, $0xb8;
	[tilespmem:$0x11900] =	vst v63  }
0xfd: {  	s20 =	simm.s32 $0x5100  }
0xfe: {  	[tilespmem:s20], [sflag:$0x1] =	stream.indirect_vreg.gather [hbm4b:s3+s2], $0x80, v3, vm0, $0xb8;
	[tilespmem:$0x11900] =	vst v63  }
0xff: {  	v3 =	vld [tilespmem:s18+$0x80];
	_ =	sdelay $0x4  }
0x100: {  	v60 =	vshll.u32 v3, $0x1  }
0x101: {  	v3 =	vand.u32 $0x7, v3;
	v4 =	vand.u32 $0xFFFFFFF0, v60  }
0x102: {  	v3 =	vor.u32 v3, v4  }
0x103: {  	v4 =	vperm.xlane v3, v0;
	_ =	sdelay $0x1  }
0x104: {  	v3 =	vperm.xlane v3, v2;
	v4 =	vadd.s32 v1, v4;
	_ =	sdelay $0x1  }
0x105: {  	v3 =	vadd.s32 v1, v3;
	_ =	sdelay $0x1  }
0x106: {  	s20 =	simm.s32 $0x5900  }
0x107: {  	[tilespmem:s20], [sflag:$0x1] =	stream.indirect_vreg.gather [hbm4b:s3+s2], $0x80, v4, vm0, $0xb8;
	[tilespmem:$0x11900] =	vst v63  }
0x108: {  	s20 =	simm.s32 $0x6100  }
0x109: {  	[tilespmem:s20], [sflag:$0x1] =	stream.indirect_vreg.gather [hbm4b:s3+s2], $0x80, v3, vm0, $0xb8;
	[tilespmem:$0x11900] =	vst v63  }
0x10a: {  	v3 =	vld [tilespmem:s18+$0x90];
	_ =	sdelay $0x4  }
0x10b: {  	v61 =	vshll.u32 v3, $0x1  }
0x10c: {  	v3 =	vand.u32 $0x7, v3;
	v4 =	vand.u32 $0xFFFFFFF0, v61  }
0x10d: {  	v3 =	vor.u32 v3, v4  }
0x10e: {  	v4 =	vperm.xlane v3, v0;
	_ =	sdelay $0x1  }
0x10f: {  	v3 =	vperm.xlane v3, v2;
	v4 =	vadd.s32 v1, v4;
	_ =	sdelay $0x1  }
0x110: {  	v3 =	vadd.s32 v1, v3;
	_ =	sdelay $0x1  }
0x111: {  	s20 =	simm.s32 $0x6900  }
0x112: {  	[tilespmem:s20], [sflag:$0x1] =	stream.indirect_vreg.gather [hbm4b:s3+s2], $0x80, v4, vm0, $0xb8;
	[tilespmem:$0x11900] =	vst v63  }
0x113: {  	s20 =	simm.s32 $0x7100  }
0x114: {  	[tilespmem:s20], [sflag:$0x1] =	stream.indirect_vreg.gather [hbm4b:s3+s2], $0x80, v3, vm0, $0xb8;
	[tilespmem:$0x11900] =	vst v63  }
0x115: {  	v3 =	vld [tilespmem:s18+$0xA0];
	_ =	sdelay $0x4  }
0x116: {  	v62 =	vshll.u32 v3, $0x1  }
0x117: {  	v3 =	vand.u32 $0x7, v3;
	v4 =	vand.u32 $0xFFFFFFF0, v62  }
0x118: {  	v3 =	vor.u32 v3, v4  }
0x119: {  	v4 =	vperm.xlane v3, v0;
	_ =	sdelay $0x1  }
0x11a: {  	v3 =	vperm.xlane v3, v2;
	v4 =	vadd.s32 v1, v4;
	_ =	sdelay $0x1  }
0x11b: {  	v3 =	vadd.s32 v1, v3;
	_ =	sdelay $0x2  }
0x11c: {  	[tilespmem:s21], [sflag:$0x1] =	stream.indirect_vreg.gather [hbm4b:s3+s2], $0x80, v4, vm0, $0xb8;
	[tilespmem:$0x11900] =	vst v63  }
0x11d: {  	_ = 	snop  }
0x11e: {  	[tilespmem:s22], [sflag:$0x1] =	stream.indirect_vreg.gather [hbm4b:s3+s2], $0x80, v3, vm0, $0xb8;
	[tilespmem:$0x11900] =	vst v63  }
0x11f: {  	v3 =	vld [tilespmem:s18+$0xB0];
	_ =	sdelay $0x4  }
0x120: {  	v63 =	vshll.u32 v3, $0x1  }
0x121: {  	v3 =	vand.u32 $0x7, v3;
	v4 =	vand.u32 $0xFFFFFFF0, v63  }
0x122: {  	v3 =	vor.u32 v3, v4  }
0x123: {  	v4 =	vperm.xlane v3, v0;
	_ =	sdelay $0x1  }
0x124: {  	v3 =	vperm.xlane v3, v2;
	v4 =	vadd.s32 v1, v4;
	_ =	sdelay $0x1  }
0x125: {  	v3 =	vadd.s32 v1, v3  }
.Ltmp5:
0x126: {  	_ = 	snop;
	(pc) =	sbr.rel .LBB2_4-.Ltmp5, $4  }
0x127: {  	_ = 	snop  }
0x128: {  	[tilespmem:s23], [sflag:$0x1] =	stream.indirect_vreg.gather [hbm4b:s3+s2], $0x80, v4, vm0, $0xb8;
	[tilespmem:$0x11900] =	vst v63  }
0x129: {  	_ = 	snop  }
0x12a: {  	[tilespmem:s24], [sflag:$0x1] =	stream.indirect_vreg.gather [hbm4b:s3+s2], $0x80, v3, vm0, $0xb8;
	[tilespmem:$0x11900] =	vst v63  }
.LBB2_6:
0x12b: {  	_ =	sfence.sel $0x180000  }
0x12c: {  	[bflag:$0x0] =	sbarrier.arrive $0xFFFF  }
0x12d: {  	_ =	strace $0x90000050  }
0x12e: {  	s0 =	stileid.u32;
	[bflag:$0x2] =	sbarrier.arrive $0xFFFF  }
0x12f: {  	p0 =	sne.s32 s0, $0x0;
	s0 =	rddreg [dreg:$0x1]  }
0x130: {  	s0 =	sadd.s32 @!p0 $0x100000, s0  }
0x131: {  	[sflag:s0] =	ssyncadd.tile.s32 @!p0 $0x1;
	_ =	shalt  }
.Lfunc_end2:
_tile_overlayer_lowered:
.L_overlay_start_2:
0x132: {  	(tag) =	ssettag $0x2  }
0x133: {  	s0 =	rddreg [dreg:$0x0];
	s2 =	stileid.u32  }
0x134: {  	s1 =	rddreg [dreg:$0x1];
	p0 =	sne.s32 s2, $0x0  }
0x135: {  	s3 =	rddreg [dreg:$0x2];
	[bflag:$0x3] =	sbarrier.arrive $0xFFFF;
	s2 =	simm.s32 @!p0 $0x1C04  }
0x136: {  	[timem:s3], [sflag:s2] =	dma.local @!p0 [hbm:s0], s1  }
0x137: {  	s0 =	simm.s32 @!p0 $0x4  }
0x138: {  	_ =	swait.ge @!p0 [sflag:s0], s1  }
0x139: {  	s1 =	ssub.s32 @!p0 $0x0, s1;
	[sflag:s0] =	ssyncset.done @!p0 $0x0  }
0x13a: {  	[sflag:s0] =	ssyncadd.s32 @!p0 s1  }
0x13b: {  	[bflag:$0x3] =	sbarrier.arrive $0xFFFF  }
0x13c: {  	_ =	shalt  }

</sc_bundles>
